<compile_context>
chip_gen: v7x
topology: tpu7x:2x2x1
jax: 0.10.2.dev20260603
libtpu: 0.0.44.dev20260713+nightly
codegen_flags: <defaults>
</compile_context>

<pallas_src>
import functools

import jax
import jax.numpy as jnp
from jax import lax
from jax.experimental import pallas as pl
from jax.experimental.pallas import tpu as pltpu
from jax.experimental.pallas import tpu_sc as plsc

NC = 2
NS = 16
L = 16
NW = NC * NS


def _sc_call(pts_T, gi_w, si_w, wpack, qpack, wbf_t):
    B = pts_T.shape[0]
    C = 3
    N = pts_T.shape[1] // C
    PW = si_w.shape[1]
    S = gi_w.shape[1] // PW
    WPB = NW // B
    NBLK = PW // L
    NWV = wpack.shape[0] // L

    mesh = plsc.VectorSubcoreMesh(
        core_axis_name="c", subcore_axis_name="s",
        num_cores=NC, num_subcores=NS)

    @functools.partial(
        pl.kernel,
        out_type=jax.ShapeDtypeStruct((NW, C * PW), jnp.float32),
        mesh=mesh,
        scratch_types=[
            pltpu.VMEM((C * N,), jnp.float32),
            pltpu.VMEM((S * PW,), jnp.int32),
            pltpu.VMEM((PW,), jnp.int32),
            pltpu.VMEM((wpack.shape[0],), jnp.float32),
            pltpu.VMEM((B * L,), jnp.float32),
            pltpu.VMEM((C * PW,), jnp.float32),
            pltpu.VMEM(((S // 2) * 8 * L,), jnp.int32),
            pltpu.VMEM(((S // 2) * 8 * L,), jnp.int32),
            pltpu.VMEM((192 * L,), jnp.int32),
        ],
        compiler_params=pltpu.CompilerParams(needs_layout_passes=False),
    )
    def k(pts_hbm, gi_hbm, si_hbm, wpack_hbm, qpack_hbm, wbf_hbm, out_hbm,
          pts_v, gi_v, si_v, wpack_v, qpack_v, out_v, h1_v, h2_v, wbf_v):
        wid = lax.axis_index("s") * NC + lax.axis_index("c")
        b = wid // WPB
        pltpu.sync_copy(pts_hbm.at[b], pts_v)
        pltpu.sync_copy(gi_hbm.at[wid], gi_v)
        pltpu.sync_copy(si_hbm.at[wid], si_v)
        pltpu.sync_copy(wpack_hbm, wpack_v)
        pltpu.sync_copy(qpack_hbm, qpack_v)
        pltpu.sync_copy(wbf_hbm, wbf_v)

        def wbf(kk):
            return plsc.bitcast(wbf_v[pl.ds(kk * L, L)], jnp.bfloat16)

        wvec = [wpack_v[pl.ds(i * L, L)] for i in range(NWV)]

        def wsc(k):
            return wvec[k // L][k % L]

        w1 = [[wsc(i * 8 + j) for j in range(8)] for i in range(3)]
        w2 = [[wsc(24 + i * 8 + j) for j in range(8)] for i in range(8)]
        w3 = [[wsc(88 + i * 16 + j) for j in range(16)] for i in range(8)]
        w4 = [[wsc(216 + i * 3 + j) for j in range(3)] for i in range(16)]
        qrow = qpack_v[pl.ds(pl.multiple_of(b * L, L), L)]
        qa = [qrow[i] for i in range(4)]
        qb = [qrow[4 + i] for i in range(4)]
        tt = [qrow[8 + i] for i in range(3)]

        off_n = jnp.full((L,), N, jnp.int32)

        def coords(idx):
            idx_y = idx + off_n
            idx_z = idx_y + off_n
            x = plsc.load_gather(pts_v, [idx])
            y = plsc.load_gather(pts_v, [idx_y])
            z = plsc.load_gather(pts_v, [idx_z])
            return x, y, z

        zero_f = jnp.zeros((L,), jnp.float32)
        zero_b = jnp.zeros((2 * L,), jnp.bfloat16)

        def blk_body(blk, carry):
            pblk = pl.multiple_of(blk * L, L)
            cidx = si_v[pl.ds(pblk, L)]
            cx, cy, cz = coords(cidx)

            def a_body(sp, c2):
                s4 = sp * 4
                rel = []
                for u in range(4):
                    ni = gi_v[pl.ds(
                        pl.multiple_of((s4 + u) * PW, L) + pblk, L)]
                    gx, gy, gz = coords(ni)
                    rel.append((gx - cx, gy - cy, gz - cz))
                soff = pl.multiple_of(sp * (16 * L), 16 * L)
                for j in range(8):
                    wx, wy, wz = w1[0][j], w1[1][j], w1[2][j]
                    h = [jnp.maximum(rel[u][0] * wx + rel[u][1] * wy
                                     + rel[u][2] * wz, 0.0)
                         for u in range(4)]
                    h1_v[pl.ds(soff + j * L, L)] = plsc.bitcast(plsc.pack(
                        h[0], h[1], format=plsc.PackFormat.INTERLEAVED),
                        jnp.int32)
                    h1_v[pl.ds(soff + (8 + j) * L, L)] = plsc.bitcast(
                        plsc.pack(h[2], h[3],
                                  format=plsc.PackFormat.INTERLEAVED),
                        jnp.int32)
                return c2
            lax.fori_loop(0, S // 4, a_body, 0)

            for half in range(2):
                cols = [[wbf(i * 8 + half * 4 + j) for i in range(8)]
                        for j in range(4)]

                def b_body(p2, c2, cols=cols, half=half):
                    poff = pl.multiple_of(p2 * (8 * L), 8 * L)
                    h1 = [plsc.bitcast(h1_v[pl.ds(poff + i * L, L)],
                                       jnp.bfloat16) for i in range(8)]
                    for j in range(4):
                        v = h1[0] * cols[j][0]
                        for i in range(1, 8):
                            v = v + h1[i] * cols[j][i]
                        h2_v[pl.ds(poff + (half * 4 + j) * L, L)] = (
                            plsc.bitcast(jnp.maximum(v, zero_b), jnp.int32))
                    return c2
                lax.fori_loop(0, S // 2, b_body, 0)

            fx, fy, fz = zero_f, zero_f, zero_f
            for q in range(4):
                cols = [[wbf(64 + i * 16 + q * 4 + j) for i in range(8)]
                        for j in range(4)]

                def c_body(p2, acc4, cols=cols):
                    poff = pl.multiple_of(p2 * (8 * L), 8 * L)
                    h2 = [plsc.bitcast(h2_v[pl.ds(poff + i * L, L)],
                                       jnp.bfloat16) for i in range(8)]
                    out4 = []
                    for j in range(4):
                        v = h2[0] * cols[j][0]
                        for i in range(1, 8):
                            v = v + h2[i] * cols[j][i]
                        out4.append(jnp.maximum(acc4[j], v))
                    return tuple(out4)
                acc4 = lax.fori_loop(0, S // 2, c_body,
                                     (zero_b, zero_b, zero_b, zero_b))
                for j in range(4):
                    c = q * 4 + j
                    fa, fb = plsc.unpack(
                        acc4[j], format=plsc.PackFormat.INTERLEAVED,
                        preferred_element_type=jnp.float32)
                    feat = jnp.maximum(fa, fb)
                    fx = fx + feat * w4[c][0]
                    fy = fy + feat * w4[c][1]
                    fz = fz + feat * w4[c][2]

            r0 = -(qa[1] * cx + qa[2] * cy + qa[3] * cz)
            r1 = qa[0] * cx - qa[2] * cz - qa[3] * cy
            r2 = qa[0] * cy - qa[1] * cz - qa[3] * cx
            r3 = qa[0] * cz - qa[1] * cy - qa[2] * cx
            wx = r0 * qb[1] - r1 * qb[0] - r2 * qb[3] - r3 * qb[2]
            wy = r0 * qb[2] - r1 * qb[3] - r2 * qb[0] - r3 * qb[1]
            wz = r0 * qb[3] - r1 * qb[2] - r2 * qb[1] - r3 * qb[0]

            out_v[pl.ds(pblk, L)] = wx + tt[0] + fx
            out_v[pl.ds(pblk + PW, L)] = wy + tt[1] + fy
            out_v[pl.ds(pblk + 2 * PW, L)] = wz + tt[2] + fz
            return carry

        lax.fori_loop(0, NBLK, blk_body, 0)
        pltpu.sync_copy(out_v, out_hbm.at[wid])

    return k(pts_T, gi_w, si_w, wpack, qpack, wbf_t)


def kernel(points, q, t, sample_idx, group_idx, W1, W2, W3, W4):
    B, N, _ = points.shape
    P = sample_idx.shape[1]
    S = group_idx.shape[2]
    WPB = NW // B
    PW = P // WPB

    qf = jnp.reshape(q, (B, 4)).astype(jnp.float32)
    qn = qf / (jnp.sqrt(jnp.sum(qf * qf, axis=-1, keepdims=True) + 1e-10)
               + 1e-10)
    q2 = jnp.sum(qn * qn, axis=-1, keepdims=True) + 1e-10
    qinv = jnp.concatenate([qn[:, 0:1], -qn[:, 1:4]], axis=-1) / q2

    pts_T = jnp.transpose(points.astype(jnp.float32),
                          (0, 2, 1)).reshape(B, 3 * N)
    gi_w = (jnp.transpose(group_idx.astype(jnp.int32), (0, 2, 1))
            .reshape(B, S, WPB, PW)
            .transpose(0, 2, 1, 3)
            .reshape(NW, S * PW))
    si_w = sample_idx.astype(jnp.int32).reshape(NW, PW)

    wpack = jnp.concatenate([
        W1.astype(jnp.float32).ravel(), W2.astype(jnp.float32).ravel(),
        W3.astype(jnp.float32).ravel(), W4.astype(jnp.float32).ravel(),
        jnp.zeros((8,), jnp.float32)])
    qpack = jnp.concatenate([
        qn, qinv, t.astype(jnp.float32),
        jnp.zeros((B, L - 11), jnp.float32)], axis=1).ravel()
    wbf_t = jax.lax.bitcast_convert_type(
        jnp.broadcast_to(
            jnp.concatenate([W2.astype(jnp.bfloat16).ravel(),
                             W3.astype(jnp.bfloat16).ravel()])[:, None, None],
            (192, L, 2)),
        jnp.int32).ravel()

    out = _sc_call(pts_T, gi_w, si_w, wpack, qpack, wbf_t)
    return (out.reshape(B, WPB, 3, PW)
            .transpose(0, 1, 3, 2)
            .reshape(B, P, 3))

# --- scband reference (transcript-rebuilt; emitter-appended) ---
"""Pipeline reference for scband-pose-sence-flow-module-1726576853121 (READ-ONLY COPY).

The authoritative reference and input builder live on the scoring server;
editing this copy changes nothing except your own understanding.
"""

import jax, jax.numpy as jnp
import numpy as np


def q2qnorm(input_q):
    return input_q / (jnp.sqrt(jnp.sum(input_q * input_q, axis=-1, keepdims=True) + 1e-10) + 1e-10)


def inv_q(q):
    # q: [B, 1, 4] -> [B, 4]
    q = jnp.squeeze(q, axis=1)
    q_2 = jnp.sum(q * q, axis=-1, keepdims=True) + 1e-10
    q0 = q[:, 0:1]
    q_ijk = -q[:, 1:4]
    q_ = jnp.concatenate([q0, q_ijk], axis=-1)
    return q_ / q_2


def mul_q_point(q_a, q_b, batch_size):
    # q_a: [B, 4] (quaternion), q_b: [B, N, 4] (point quaternions) -- faithful to torch code incl. its sign pattern
    q_a = jnp.reshape(q_a, (batch_size, 1, 4))
    index = [1, 0, 3, 2]
    outs = []
    for i in range(4):
        r = (q_a[:, :, 0] * q_b[:, :, i]
             - q_a[:, :, 1] * q_b[:, :, index[i]]
             - q_a[:, :, 2] * q_b[:, :, 3 - index[i]]
             - q_a[:, :, 3] * q_b[:, :, 3 - i])
        outs.append(jnp.reshape(r, (batch_size, -1, 1)))
    return jnp.concatenate(outs, axis=-1)


def mul_point_q(q_a, q_b, batch_size):
    # q_a: [B, N, 4], q_b: [B, 4]
    q_b = jnp.reshape(q_b, (batch_size, 1, 4))
    index = [1, 0, 3, 2]
    outs = []
    for i in range(4):
        r = (q_a[:, :, 0] * q_b[:, :, i]
             - q_a[:, :, 1] * q_b[:, :, index[i]]
             - q_a[:, :, 2] * q_b[:, :, 3 - index[i]]
             - q_a[:, :, 3] * q_b[:, :, 3 - i])
        outs.append(jnp.reshape(r, (batch_size, -1, 1)))
    return jnp.concatenate(outs, axis=-1)


def setup_inputs(seed: int = 0) -> dict:
    key = jax.random.key(seed)
    k1, k2, k3, k4, k5, k6, k7, k8, k9 = jax.random.split(key, 9)
    B, N, P, S = 8, 8192, 2048, 32
    points = jax.random.normal(k1, (B, N, 3), dtype=jnp.float32)
    q = jax.random.normal(k2, (B, 1, 4), dtype=jnp.float32)
    t = jax.random.normal(k3, (B, 3), dtype=jnp.float32) * 0.1
    sample_idx = jax.random.randint(k4, (B, P), 0, N)
    group_idx = jax.random.randint(k5, (B, P, S), 0, N)
    # PointNetSaModule layer0 mlp=[8,8,16] weights + flow head
    W1 = jax.random.normal(k6, (3, 8), dtype=jnp.float32) * 0.3
    W2 = jax.random.normal(k7, (8, 8), dtype=jnp.float32) * 0.3
    W3 = jax.random.normal(k8, (8, 16), dtype=jnp.float32) * 0.3
    W4 = jax.random.normal(k9, (16, 3), dtype=jnp.float32) * 0.3
    return {"points": points, "q": q, "t": t, "sample_idx": sample_idx,
            "group_idx": group_idx, "W1": W1, "W2": W2, "W3": W3, "W4": W4}


def _sa_layer(points, sample_idx, group_idx, W1, W2, W3):
    # PointNet++ set-abstraction: gather centers, gather neighbor groups, center-relative MLP, max-pool
    centers = jax.vmap(lambda p, i: p[i])(points, sample_idx)          # [B, P, 3]
    grouped = jax.vmap(lambda p, i: p[i])(points, group_idx)           # [B, P, S, 3]
    rel = grouped - centers[:, :, None, :]
    h = jax.nn.relu(rel @ W1)
    h = jax.nn.relu(h @ W2)
    h = jax.nn.relu(h @ W3)
    feats = jnp.max(h, axis=2)                                         # [B, P, 16]
    return centers, feats


def reference(points, q, t, sample_idx, group_idx, W1, W2, W3, W4):
    B = points.shape[0]
    # set-abstraction features at sampled points
    centers, feats = _sa_layer(points, sample_idx, group_idx, W1, W2, W3)
    # quaternion pose warping (faithful to inv_q / mul_q_point / mul_point_q / q2qnorm)
    qn = q2qnorm(jnp.reshape(q, (B, 4)))
    q_inv = inv_q(qn[:, None, :])
    p4 = jnp.concatenate([jnp.zeros((B, points.shape[1], 1), points.dtype), points], axis=-1)
    r = mul_q_point(qn, p4, B)
    warped = mul_point_q(r, q_inv, B)[:, :, 1:4] + t[:, None, :]
    # gather warped coords at sampled centers and add predicted residual flow
    warped_centers = jax.vmap(lambda p, i: p[i])(warped, sample_idx)   # [B, P, 3]
    flow = feats @ W4
    return warped_centers + flow

if __name__ == "__main__":
    import jax
    _d = setup_inputs()
    print(jax.jit(kernel)(*tuple(_d.values())))

</pallas_src>

<mosaic_0001>
#map = affine_map<(d0, d1) -> (0, 0)>
#map1 = affine_map<(d0, d1) -> (0)>
module attributes {stable_mosaic.version = 14 : i64} {
  func.func @k(%arg0: i32, %arg1: i32, %arg2: memref<8x24576xf32, #tpu.memory_space<hbm>>, %arg3: memref<32x16384xi32, #tpu.memory_space<hbm>>, %arg4: memref<32x512xi32, #tpu.memory_space<hbm>>, %arg5: memref<272xf32, #tpu.memory_space<hbm>>, %arg6: memref<128xf32, #tpu.memory_space<hbm>>, %arg7: memref<3072xi32, #tpu.memory_space<hbm>>, %arg8: memref<32x1536xf32, #tpu.memory_space<hbm>>, %arg9: memref<24576xf32, #tpu.memory_space<vmem>>, %arg10: memref<16384xi32, #tpu.memory_space<vmem>>, %arg11: memref<512xi32, #tpu.memory_space<vmem>>, %arg12: memref<272xf32, #tpu.memory_space<vmem>>, %arg13: memref<128xf32, #tpu.memory_space<vmem>>, %arg14: memref<1536xf32, #tpu.memory_space<vmem>>, %arg15: memref<2048xi32, #tpu.memory_space<vmem>>, %arg16: memref<2048xi32, #tpu.memory_space<vmem>>, %arg17: memref<3072xi32, #tpu.memory_space<vmem>>) attributes {dimension_semantics = [#tpu.dimension_semantics<core_parallel>, #tpu.dimension_semantics<subcore_parallel>], iteration_bounds = array<i64: 2, 16>, scalar_prefetch = 0 : i64, scratch_operands = 9 : i64, tpu.core_type = #tpu.core_type<sc_vector_subcore>, window_params = [{transform_indices = #map}, {transform_indices = #map}, {transform_indices = #map}, {transform_indices = #map1}, {transform_indices = #map1}, {transform_indices = #map1}, {transform_indices = #map}]} {
    %mul3A = arith.constant 2 : i32
    %mul3A_0 = arith.muli %arg1, %mul3A : i32
    %add3A = arith.addi %mul3A_0, %arg0 : i32
    %jit3A = arith.constant 4 : i32
    %div3A = arith.divsi %add3A, %jit3A : i32
    %sign3A = arith.constant 0 : i32
    %sign3A_1 = arith.cmpi sgt, %add3A, %sign3A : i32
    %sign3A_2 = arith.extui %sign3A_1 : i1 to i32
    %sign3A_3 = arith.constant 0 : i32
    %sign3A_4 = arith.cmpi slt, %add3A, %sign3A_3 : i32
    %sign3A_5 = arith.extui %sign3A_4 : i1 to i32
    %sign3A_6 = arith.subi %sign3A_2, %sign3A_5 : i32
    %sign3A_7 = arith.constant 0 : i32
    %sign3A_8 = arith.cmpi sgt, %jit3A, %sign3A_7 : i32
    %sign3A_9 = arith.extui %sign3A_8 : i1 to i32
    %sign3A_10 = arith.constant 0 : i32
    %sign3A_11 = arith.cmpi slt, %jit3A, %sign3A_10 : i32
    %sign3A_12 = arith.extui %sign3A_11 : i1 to i32
    %sign3A_13 = arith.subi %sign3A_9, %sign3A_12 : i32
    %ne3A = arith.cmpi ne, %sign3A_6, %sign3A_13 : i32
    %rem3A = arith.remsi %add3A, %jit3A : i32
    %ne3A_14 = arith.constant 0 : i32
    %ne3A_15 = arith.cmpi ne, %rem3A, %ne3A_14 : i32
    %and3A = arith.andi %ne3A, %ne3A_15 : i1
    %sub3A = arith.constant 1 : i32
    %sub3A_16 = arith.subi %div3A, %sub3A : i32
    %select_n3A = arith.select %and3A, %sub3A_16, %div3A : i32
    "tpu.region"() ({
      %run_scoped3A = tpu.sem_alloc : memref<!tpu.dma_semaphore, #tpu.memory_space<semaphore_mem>>
      %dma_start3A = arith.constant 0 : i32
      %dma_start3A_612 = tpu.memref_slice %arg2[%select_n3A, %dma_start3A] : memref<8x24576xf32, #tpu.memory_space<hbm>> -> memref<1x24576xf32, #tpu.memory_space<hbm>>
      %dma_start3A_613 = tpu.memref_squeeze %dma_start3A_612 : memref<1x24576xf32, #tpu.memory_space<hbm>> -> memref<24576xf32, #tpu.memory_space<hbm>>
      %dma_start3A_614 = arith.constant 0 : i32
      %dma_start3A_615 = tpu.memref_slice %arg2[%select_n3A, %dma_start3A_614] : memref<8x24576xf32, #tpu.memory_space<hbm>> -> memref<1x24576xf32, #tpu.memory_space<hbm>>
      %dma_start3A_616 = tpu.memref_squeeze %dma_start3A_615 : memref<1x24576xf32, #tpu.memory_space<hbm>> -> memref<24576xf32, #tpu.memory_space<hbm>>
      tpu.enqueue_dma source(%dma_start3A_616 : memref<24576xf32, #tpu.memory_space<hbm>>) target(%arg9 : memref<24576xf32, #tpu.memory_space<vmem>>) target_semaphore(%run_scoped3A : memref<!tpu.dma_semaphore, #tpu.memory_space<semaphore_mem>>)
      %dma_wait3A = arith.constant 0 : i32
      %dma_wait3A_617 = tpu.memref_slice %arg2[%select_n3A, %dma_wait3A] : memref<8x24576xf32, #tpu.memory_space<hbm>> -> memref<1x24576xf32, #tpu.memory_space<hbm>>
      %dma_wait3A_618 = tpu.memref_squeeze %dma_wait3A_617 : memref<1x24576xf32, #tpu.memory_space<hbm>> -> memref<24576xf32, #tpu.memory_space<hbm>>
      %dma_wait3A_619 = arith.constant 0 : i32
      %dma_wait3A_620 = tpu.memref_slice %arg2[%select_n3A, %dma_wait3A_619] : memref<8x24576xf32, #tpu.memory_space<hbm>> -> memref<1x24576xf32, #tpu.memory_space<hbm>>
      %dma_wait3A_621 = tpu.memref_squeeze %dma_wait3A_620 : memref<1x24576xf32, #tpu.memory_space<hbm>> -> memref<24576xf32, #tpu.memory_space<hbm>>
      tpu.wait_dma2 semaphore(%run_scoped3A : memref<!tpu.dma_semaphore, #tpu.memory_space<semaphore_mem>>) src(%dma_wait3A_621 : memref<24576xf32, #tpu.memory_space<hbm>>) dst(%arg9 : memref<24576xf32, #tpu.memory_space<vmem>>)
      tpu.yield
    }) : () -> ()
    "tpu.region"() ({
      %run_scoped3A = tpu.sem_alloc : memref<!tpu.dma_semaphore, #tpu.memory_space<semaphore_mem>>
      %dma_start3A = arith.constant 0 : i32
      %dma_start3A_612 = tpu.memref_slice %arg3[%add3A, %dma_start3A] : memref<32x16384xi32, #tpu.memory_space<hbm>> -> memref<1x16384xi32, #tpu.memory_space<hbm>>
      %dma_start3A_613 = tpu.memref_squeeze %dma_start3A_612 : memref<1x16384xi32, #tpu.memory_space<hbm>> -> memref<16384xi32, #tpu.memory_space<hbm>>
      %dma_start3A_614 = arith.constant 0 : i32
      %dma_start3A_615 = tpu.memref_slice %arg3[%add3A, %dma_start3A_614] : memref<32x16384xi32, #tpu.memory_space<hbm>> -> memref<1x16384xi32, #tpu.memory_space<hbm>>
      %dma_start3A_616 = tpu.memref_squeeze %dma_start3A_615 : memref<1x16384xi32, #tpu.memory_space<hbm>> -> memref<16384xi32, #tpu.memory_space<hbm>>
      tpu.enqueue_dma source(%dma_start3A_616 : memref<16384xi32, #tpu.memory_space<hbm>>) target(%arg10 : memref<16384xi32, #tpu.memory_space<vmem>>) target_semaphore(%run_scoped3A : memref<!tpu.dma_semaphore, #tpu.memory_space<semaphore_mem>>)
      %dma_wait3A = arith.constant 0 : i32
      %dma_wait3A_617 = tpu.memref_slice %arg3[%add3A, %dma_wait3A] : memref<32x16384xi32, #tpu.memory_space<hbm>> -> memref<1x16384xi32, #tpu.memory_space<hbm>>
      %dma_wait3A_618 = tpu.memref_squeeze %dma_wait3A_617 : memref<1x16384xi32, #tpu.memory_space<hbm>> -> memref<16384xi32, #tpu.memory_space<hbm>>
      %dma_wait3A_619 = arith.constant 0 : i32
      %dma_wait3A_620 = tpu.memref_slice %arg3[%add3A, %dma_wait3A_619] : memref<32x16384xi32, #tpu.memory_space<hbm>> -> memref<1x16384xi32, #tpu.memory_space<hbm>>
      %dma_wait3A_621 = tpu.memref_squeeze %dma_wait3A_620 : memref<1x16384xi32, #tpu.memory_space<hbm>> -> memref<16384xi32, #tpu.memory_space<hbm>>
      tpu.wait_dma2 semaphore(%run_scoped3A : memref<!tpu.dma_semaphore, #tpu.memory_space<semaphore_mem>>) src(%dma_wait3A_621 : memref<16384xi32, #tpu.memory_space<hbm>>) dst(%arg10 : memref<16384xi32, #tpu.memory_space<vmem>>)
      tpu.yield
    }) : () -> ()
    "tpu.region"() ({
      %run_scoped3A = tpu.sem_alloc : memref<!tpu.dma_semaphore, #tpu.memory_space<semaphore_mem>>
      %dma_start3A = arith.constant 0 : i32
      %dma_start3A_612 = tpu.memref_slice %arg4[%add3A, %dma_start3A] : memref<32x512xi32, #tpu.memory_space<hbm>> -> memref<1x512xi32, #tpu.memory_space<hbm>>
      %dma_start3A_613 = tpu.memref_squeeze %dma_start3A_612 : memref<1x512xi32, #tpu.memory_space<hbm>> -> memref<512xi32, #tpu.memory_space<hbm>>
      %dma_start3A_614 = arith.constant 0 : i32
      %dma_start3A_615 = tpu.memref_slice %arg4[%add3A, %dma_start3A_614] : memref<32x512xi32, #tpu.memory_space<hbm>> -> memref<1x512xi32, #tpu.memory_space<hbm>>
      %dma_start3A_616 = tpu.memref_squeeze %dma_start3A_615 : memref<1x512xi32, #tpu.memory_space<hbm>> -> memref<512xi32, #tpu.memory_space<hbm>>
      tpu.enqueue_dma source(%dma_start3A_616 : memref<512xi32, #tpu.memory_space<hbm>>) target(%arg11 : memref<512xi32, #tpu.memory_space<vmem>>) target_semaphore(%run_scoped3A : memref<!tpu.dma_semaphore, #tpu.memory_space<semaphore_mem>>)
      %dma_wait3A = arith.constant 0 : i32
      %dma_wait3A_617 = tpu.memref_slice %arg4[%add3A, %dma_wait3A] : memref<32x512xi32, #tpu.memory_space<hbm>> -> memref<1x512xi32, #tpu.memory_space<hbm>>
      %dma_wait3A_618 = tpu.memref_squeeze %dma_wait3A_617 : memref<1x512xi32, #tpu.memory_space<hbm>> -> memref<512xi32, #tpu.memory_space<hbm>>
      %dma_wait3A_619 = arith.constant 0 : i32
      %dma_wait3A_620 = tpu.memref_slice %arg4[%add3A, %dma_wait3A_619] : memref<32x512xi32, #tpu.memory_space<hbm>> -> memref<1x512xi32, #tpu.memory_space<hbm>>
      %dma_wait3A_621 = tpu.memref_squeeze %dma_wait3A_620 : memref<1x512xi32, #tpu.memory_space<hbm>> -> memref<512xi32, #tpu.memory_space<hbm>>
      tpu.wait_dma2 semaphore(%run_scoped3A : memref<!tpu.dma_semaphore, #tpu.memory_space<semaphore_mem>>) src(%dma_wait3A_621 : memref<512xi32, #tpu.memory_space<hbm>>) dst(%arg11 : memref<512xi32, #tpu.memory_space<vmem>>)
      tpu.yield
    }) : () -> ()
    "tpu.region"() ({
      %run_scoped3A = tpu.sem_alloc : memref<!tpu.dma_semaphore, #tpu.memory_space<semaphore_mem>>
      tpu.enqueue_dma source(%arg5 : memref<272xf32, #tpu.memory_space<hbm>>) target(%arg12 : memref<272xf32, #tpu.memory_space<vmem>>) target_semaphore(%run_scoped3A : memref<!tpu.dma_semaphore, #tpu.memory_space<semaphore_mem>>)
      tpu.wait_dma2 semaphore(%run_scoped3A : memref<!tpu.dma_semaphore, #tpu.memory_space<semaphore_mem>>) src(%arg5 : memref<272xf32, #tpu.memory_space<hbm>>) dst(%arg12 : memref<272xf32, #tpu.memory_space<vmem>>)
      tpu.yield
    }) : () -> ()
    "tpu.region"() ({
      %run_scoped3A = tpu.sem_alloc : memref<!tpu.dma_semaphore, #tpu.memory_space<semaphore_mem>>
      tpu.enqueue_dma source(%arg6 : memref<128xf32, #tpu.memory_space<hbm>>) target(%arg13 : memref<128xf32, #tpu.memory_space<vmem>>) target_semaphore(%run_scoped3A : memref<!tpu.dma_semaphore, #tpu.memory_space<semaphore_mem>>)
      tpu.wait_dma2 semaphore(%run_scoped3A : memref<!tpu.dma_semaphore, #tpu.memory_space<semaphore_mem>>) src(%arg6 : memref<128xf32, #tpu.memory_space<hbm>>) dst(%arg13 : memref<128xf32, #tpu.memory_space<vmem>>)
      tpu.yield
    }) : () -> ()
    "tpu.region"() ({
      %run_scoped3A = tpu.sem_alloc : memref<!tpu.dma_semaphore, #tpu.memory_space<semaphore_mem>>
      tpu.enqueue_dma source(%arg7 : memref<3072xi32, #tpu.memory_space<hbm>>) target(%arg17 : memref<3072xi32, #tpu.memory_space<vmem>>) target_semaphore(%run_scoped3A : memref<!tpu.dma_semaphore, #tpu.memory_space<semaphore_mem>>)
      tpu.wait_dma2 semaphore(%run_scoped3A : memref<!tpu.dma_semaphore, #tpu.memory_space<semaphore_mem>>) src(%arg7 : memref<3072xi32, #tpu.memory_space<hbm>>) dst(%arg17 : memref<3072xi32, #tpu.memory_space<vmem>>)
      tpu.yield
    }) : () -> ()
    %get3A = arith.constant 0 : index
    %get3A_17 = tpu.vector_load %arg12[%get3A] {strides = array<i32>} : memref<272xf32, #tpu.memory_space<vmem>>, vector<16xf32>,
    %get3A_18 = arith.constant 16 : index
    %get3A_19 = tpu.vector_load %arg12[%get3A_18] {strides = array<i32>} : memref<272xf32, #tpu.memory_space<vmem>>, vector<16xf32>,
    %get3A_20 = arith.constant 32 : index
    %get3A_21 = tpu.vector_load %arg12[%get3A_20] {strides = array<i32>} : memref<272xf32, #tpu.memory_space<vmem>>, vector<16xf32>,
    %get3A_22 = arith.constant 48 : index
    %get3A_23 = tpu.vector_load %arg12[%get3A_22] {strides = array<i32>} : memref<272xf32, #tpu.memory_space<vmem>>, vector<16xf32>,
    %get3A_24 = arith.constant 64 : index
    %get3A_25 = tpu.vector_load %arg12[%get3A_24] {strides = array<i32>} : memref<272xf32, #tpu.memory_space<vmem>>, vector<16xf32>,
    %get3A_26 = arith.constant 80 : index
    %get3A_27 = tpu.vector_load %arg12[%get3A_26] {strides = array<i32>} : memref<272xf32, #tpu.memory_space<vmem>>, vector<16xf32>,
    %get3A_28 = arith.constant 96 : index
    %get3A_29 = tpu.vector_load %arg12[%get3A_28] {strides = array<i32>} : memref<272xf32, #tpu.memory_space<vmem>>, vector<16xf32>,
    %get3A_30 = arith.constant 112 : index
    %get3A_31 = tpu.vector_load %arg12[%get3A_30] {strides = array<i32>} : memref<272xf32, #tpu.memory_space<vmem>>, vector<16xf32>,
    %get3A_32 = arith.constant 128 : index
    %get3A_33 = tpu.vector_load %arg12[%get3A_32] {strides = array<i32>} : memref<272xf32, #tpu.memory_space<vmem>>, vector<16xf32>,
    %get3A_34 = arith.constant 144 : index
    %get3A_35 = tpu.vector_load %arg12[%get3A_34] {strides = array<i32>} : memref<272xf32, #tpu.memory_space<vmem>>, vector<16xf32>,
    %get3A_36 = arith.constant 160 : index
    %get3A_37 = tpu.vector_load %arg12[%get3A_36] {strides = array<i32>} : memref<272xf32, #tpu.memory_space<vmem>>, vector<16xf32>,
    %get3A_38 = arith.constant 176 : index
    %get3A_39 = tpu.vector_load %arg12[%get3A_38] {strides = array<i32>} : memref<272xf32, #tpu.memory_space<vmem>>, vector<16xf32>,
    %get3A_40 = arith.constant 192 : index
    %get3A_41 = tpu.vector_load %arg12[%get3A_40] {strides = array<i32>} : memref<272xf32, #tpu.memory_space<vmem>>, vector<16xf32>,
    %get3A_42 = arith.constant 208 : index
    %get3A_43 = tpu.vector_load %arg12[%get3A_42] {strides = array<i32>} : memref<272xf32, #tpu.memory_space<vmem>>, vector<16xf32>,
    %get3A_44 = arith.constant 224 : index
    %get3A_45 = tpu.vector_load %arg12[%get3A_44] {strides = array<i32>} : memref<272xf32, #tpu.memory_space<vmem>>, vector<16xf32>,
    %get3A_46 = arith.constant 240 : index
    %get3A_47 = tpu.vector_load %arg12[%get3A_46] {strides = array<i32>} : memref<272xf32, #tpu.memory_space<vmem>>, vector<16xf32>,
    %get3A_48 = arith.constant 256 : index
    %get3A_49 = tpu.vector_load %arg12[%get3A_48] {strides = array<i32>} : memref<272xf32, #tpu.memory_space<vmem>>, vector<16xf32>,
    %slice3A = vector.extract_strided_slice %get3A_17 {offsets = [0], sizes = [1], strides = [1]} : vector<16xf32> to vector<1xf32>
    %squeeze3A = vector.extract %slice3A[0] : f32 from vector<1xf32>
    %slice3A_50 = vector.extract_strided_slice %get3A_17 {offsets = [1], sizes = [1], strides = [1]} : vector<16xf32> to vector<1xf32>
    %squeeze3A_51 = vector.extract %slice3A_50[0] : f32 from vector<1xf32>
    %slice3A_52 = vector.extract_strided_slice %get3A_17 {offsets = [2], sizes = [1], strides = [1]} : vector<16xf32> to vector<1xf32>
    %squeeze3A_53 = vector.extract %slice3A_52[0] : f32 from vector<1xf32>
    %slice3A_54 = vector.extract_strided_slice %get3A_17 {offsets = [3], sizes = [1], strides = [1]} : vector<16xf32> to vector<1xf32>
    %squeeze3A_55 = vector.extract %slice3A_54[0] : f32 from vector<1xf32>
    %slice3A_56 = vector.extract_strided_slice %get3A_17 {offsets = [4], sizes = [1], strides = [1]} : vector<16xf32> to vector<1xf32>
    %squeeze3A_57 = vector.extract %slice3A_56[0] : f32 from vector<1xf32>
    %slice3A_58 = vector.extract_strided_slice %get3A_17 {offsets = [5], sizes = [1], strides = [1]} : vector<16xf32> to vector<1xf32>
    %squeeze3A_59 = vector.extract %slice3A_58[0] : f32 from vector<1xf32>
    %slice3A_60 = vector.extract_strided_slice %get3A_17 {offsets = [6], sizes = [1], strides = [1]} : vector<16xf32> to vector<1xf32>
    %squeeze3A_61 = vector.extract %slice3A_60[0] : f32 from vector<1xf32>
    %slice3A_62 = vector.extract_strided_slice %get3A_17 {offsets = [7], sizes = [1], strides = [1]} : vector<16xf32> to vector<1xf32>
    %squeeze3A_63 = vector.extract %slice3A_62[0] : f32 from vector<1xf32>
    %slice3A_64 = vector.extract_strided_slice %get3A_17 {offsets = [8], sizes = [1], strides = [1]} : vector<16xf32> to vector<1xf32>
    %squeeze3A_65 = vector.extract %slice3A_64[0] : f32 from vector<1xf32>
    %slice3A_66 = vector.extract_strided_slice %get3A_17 {offsets = [9], sizes = [1], strides = [1]} : vector<16xf32> to vector<1xf32>
    %squeeze3A_67 = vector.extract %slice3A_66[0] : f32 from vector<1xf32>
    %slice3A_68 = vector.extract_strided_slice %get3A_17 {offsets = [10], sizes = [1], strides = [1]} : vector<16xf32> to vector<1xf32>
    %squeeze3A_69 = vector.extract %slice3A_68[0] : f32 from vector<1xf32>
    %slice3A_70 = vector.extract_strided_slice %get3A_17 {offsets = [11], sizes = [1], strides = [1]} : vector<16xf32> to vector<1xf32>
    %squeeze3A_71 = vector.extract %slice3A_70[0] : f32 from vector<1xf32>
    %slice3A_72 = vector.extract_strided_slice %get3A_17 {offsets = [12], sizes = [1], strides = [1]} : vector<16xf32> to vector<1xf32>
    %squeeze3A_73 = vector.extract %slice3A_72[0] : f32 from vector<1xf32>
    %slice3A_74 = vector.extract_strided_slice %get3A_17 {offsets = [13], sizes = [1], strides = [1]} : vector<16xf32> to vector<1xf32>
    %squeeze3A_75 = vector.extract %slice3A_74[0] : f32 from vector<1xf32>
    %slice3A_76 = vector.extract_strided_slice %get3A_17 {offsets = [14], sizes = [1], strides = [1]} : vector<16xf32> to vector<1xf32>
    %squeeze3A_77 = vector.extract %slice3A_76[0] : f32 from vector<1xf32>
    %slice3A_78 = vector.extract_strided_slice %get3A_17 {offsets = [15], sizes = [1], strides = [1]} : vector<16xf32> to vector<1xf32>
    %squeeze3A_79 = vector.extract %slice3A_78[0] : f32 from vector<1xf32>
    %slice3A_80 = vector.extract_strided_slice %get3A_19 {offsets = [0], sizes = [1], strides = [1]} : vector<16xf32> to vector<1xf32>
    %squeeze3A_81 = vector.extract %slice3A_80[0] : f32 from vector<1xf32>
    %slice3A_82 = vector.extract_strided_slice %get3A_19 {offsets = [1], sizes = [1], strides = [1]} : vector<16xf32> to vector<1xf32>
    %squeeze3A_83 = vector.extract %slice3A_82[0] : f32 from vector<1xf32>
    %slice3A_84 = vector.extract_strided_slice %get3A_19 {offsets = [2], sizes = [1], strides = [1]} : vector<16xf32> to vector<1xf32>
    %squeeze3A_85 = vector.extract %slice3A_84[0] : f32 from vector<1xf32>
    %slice3A_86 = vector.extract_strided_slice %get3A_19 {offsets = [3], sizes = [1], strides = [1]} : vector<16xf32> to vector<1xf32>
    %squeeze3A_87 = vector.extract %slice3A_86[0] : f32 from vector<1xf32>
    %slice3A_88 = vector.extract_strided_slice %get3A_19 {offsets = [4], sizes = [1], strides = [1]} : vector<16xf32> to vector<1xf32>
    %squeeze3A_89 = vector.extract %slice3A_88[0] : f32 from vector<1xf32>
    %slice3A_90 = vector.extract_strided_slice %get3A_19 {offsets = [5], sizes = [1], strides = [1]} : vector<16xf32> to vector<1xf32>
    %squeeze3A_91 = vector.extract %slice3A_90[0] : f32 from vector<1xf32>
    %slice3A_92 = vector.extract_strided_slice %get3A_19 {offsets = [6], sizes = [1], strides = [1]} : vector<16xf32> to vector<1xf32>
    %squeeze3A_93 = vector.extract %slice3A_92[0] : f32 from vector<1xf32>
    %slice3A_94 = vector.extract_strided_slice %get3A_19 {offsets = [7], sizes = [1], strides = [1]} : vector<16xf32> to vector<1xf32>
    %squeeze3A_95 = vector.extract %slice3A_94[0] : f32 from vector<1xf32>
    %slice3A_96 = vector.extract_strided_slice %get3A_19 {offsets = [8], sizes = [1], strides = [1]} : vector<16xf32> to vector<1xf32>
    %squeeze3A_97 = vector.extract %slice3A_96[0] : f32 from vector<1xf32>
    %slice3A_98 = vector.extract_strided_slice %get3A_19 {offsets = [9], sizes = [1], strides = [1]} : vector<16xf32> to vector<1xf32>
    %squeeze3A_99 = vector.extract %slice3A_98[0] : f32 from vector<1xf32>
    %slice3A_100 = vector.extract_strided_slice %get3A_19 {offsets = [10], sizes = [1], strides = [1]} : vector<16xf32> to vector<1xf32>
    %squeeze3A_101 = vector.extract %slice3A_100[0] : f32 from vector<1xf32>
    %slice3A_102 = vector.extract_strided_slice %get3A_19 {offsets = [11], sizes = [1], strides = [1]} : vector<16xf32> to vector<1xf32>
    %squeeze3A_103 = vector.extract %slice3A_102[0] : f32 from vector<1xf32>
    %slice3A_104 = vector.extract_strided_slice %get3A_19 {offsets = [12], sizes = [1], strides = [1]} : vector<16xf32> to vector<1xf32>
    %squeeze3A_105 = vector.extract %slice3A_104[0] : f32 from vector<1xf32>
    %slice3A_106 = vector.extract_strided_slice %get3A_19 {offsets = [13], sizes = [1], strides = [1]} : vector<16xf32> to vector<1xf32>
    %squeeze3A_107 = vector.extract %slice3A_106[0] : f32 from vector<1xf32>
    %slice3A_108 = vector.extract_strided_slice %get3A_19 {offsets = [14], sizes = [1], strides = [1]} : vector<16xf32> to vector<1xf32>
    %squeeze3A_109 = vector.extract %slice3A_108[0] : f32 from vector<1xf32>
    %slice3A_110 = vector.extract_strided_slice %get3A_19 {offsets = [15], sizes = [1], strides = [1]} : vector<16xf32> to vector<1xf32>
    %squeeze3A_111 = vector.extract %slice3A_110[0] : f32 from vector<1xf32>
    %slice3A_112 = vector.extract_strided_slice %get3A_21 {offsets = [0], sizes = [1], strides = [1]} : vector<16xf32> to vector<1xf32>
    %squeeze3A_113 = vector.extract %slice3A_112[0] : f32 from vector<1xf32>
    %slice3A_114 = vector.extract_strided_slice %get3A_21 {offsets = [1], sizes = [1], strides = [1]} : vector<16xf32> to vector<1xf32>
    %squeeze3A_115 = vector.extract %slice3A_114[0] : f32 from vector<1xf32>
    %slice3A_116 = vector.extract_strided_slice %get3A_21 {offsets = [2], sizes = [1], strides = [1]} : vector<16xf32> to vector<1xf32>
    %squeeze3A_117 = vector.extract %slice3A_116[0] : f32 from vector<1xf32>
    %slice3A_118 = vector.extract_strided_slice %get3A_21 {offsets = [3], sizes = [1], strides = [1]} : vector<16xf32> to vector<1xf32>
    %squeeze3A_119 = vector.extract %slice3A_118[0] : f32 from vector<1xf32>
    %slice3A_120 = vector.extract_strided_slice %get3A_21 {offsets = [4], sizes = [1], strides = [1]} : vector<16xf32> to vector<1xf32>
    %squeeze3A_121 = vector.extract %slice3A_120[0] : f32 from vector<1xf32>
    %slice3A_122 = vector.extract_strided_slice %get3A_21 {offsets = [5], sizes = [1], strides = [1]} : vector<16xf32> to vector<1xf32>
    %squeeze3A_123 = vector.extract %slice3A_122[0] : f32 from vector<1xf32>
    %slice3A_124 = vector.extract_strided_slice %get3A_21 {offsets = [6], sizes = [1], strides = [1]} : vector<16xf32> to vector<1xf32>
    %squeeze3A_125 = vector.extract %slice3A_124[0] : f32 from vector<1xf32>
    %slice3A_126 = vector.extract_strided_slice %get3A_21 {offsets = [7], sizes = [1], strides = [1]} : vector<16xf32> to vector<1xf32>
    %squeeze3A_127 = vector.extract %slice3A_126[0] : f32 from vector<1xf32>
    %slice3A_128 = vector.extract_strided_slice %get3A_21 {offsets = [8], sizes = [1], strides = [1]} : vector<16xf32> to vector<1xf32>
    %squeeze3A_129 = vector.extract %slice3A_128[0] : f32 from vector<1xf32>
    %slice3A_130 = vector.extract_strided_slice %get3A_21 {offsets = [9], sizes = [1], strides = [1]} : vector<16xf32> to vector<1xf32>
    %squeeze3A_131 = vector.extract %slice3A_130[0] : f32 from vector<1xf32>
    %slice3A_132 = vector.extract_strided_slice %get3A_21 {offsets = [10], sizes = [1], strides = [1]} : vector<16xf32> to vector<1xf32>
    %squeeze3A_133 = vector.extract %slice3A_132[0] : f32 from vector<1xf32>
    %slice3A_134 = vector.extract_strided_slice %get3A_21 {offsets = [11], sizes = [1], strides = [1]} : vector<16xf32> to vector<1xf32>
    %squeeze3A_135 = vector.extract %slice3A_134[0] : f32 from vector<1xf32>
    %slice3A_136 = vector.extract_strided_slice %get3A_21 {offsets = [12], sizes = [1], strides = [1]} : vector<16xf32> to vector<1xf32>
    %squeeze3A_137 = vector.extract %slice3A_136[0] : f32 from vector<1xf32>
    %slice3A_138 = vector.extract_strided_slice %get3A_21 {offsets = [13], sizes = [1], strides = [1]} : vector<16xf32> to vector<1xf32>
    %squeeze3A_139 = vector.extract %slice3A_138[0] : f32 from vector<1xf32>
    %slice3A_140 = vector.extract_strided_slice %get3A_21 {offsets = [14], sizes = [1], strides = [1]} : vector<16xf32> to vector<1xf32>
    %squeeze3A_141 = vector.extract %slice3A_140[0] : f32 from vector<1xf32>
    %slice3A_142 = vector.extract_strided_slice %get3A_21 {offsets = [15], sizes = [1], strides = [1]} : vector<16xf32> to vector<1xf32>
    %squeeze3A_143 = vector.extract %slice3A_142[0] : f32 from vector<1xf32>
    %slice3A_144 = vector.extract_strided_slice %get3A_23 {offsets = [0], sizes = [1], strides = [1]} : vector<16xf32> to vector<1xf32>
    %squeeze3A_145 = vector.extract %slice3A_144[0] : f32 from vector<1xf32>
    %slice3A_146 = vector.extract_strided_slice %get3A_23 {offsets = [1], sizes = [1], strides = [1]} : vector<16xf32> to vector<1xf32>
    %squeeze3A_147 = vector.extract %slice3A_146[0] : f32 from vector<1xf32>
    %slice3A_148 = vector.extract_strided_slice %get3A_23 {offsets = [2], sizes = [1], strides = [1]} : vector<16xf32> to vector<1xf32>
    %squeeze3A_149 = vector.extract %slice3A_148[0] : f32 from vector<1xf32>
    %slice3A_150 = vector.extract_strided_slice %get3A_23 {offsets = [3], sizes = [1], strides = [1]} : vector<16xf32> to vector<1xf32>
    %squeeze3A_151 = vector.extract %slice3A_150[0] : f32 from vector<1xf32>
    %slice3A_152 = vector.extract_strided_slice %get3A_23 {offsets = [4], sizes = [1], strides = [1]} : vector<16xf32> to vector<1xf32>
    %squeeze3A_153 = vector.extract %slice3A_152[0] : f32 from vector<1xf32>
    %slice3A_154 = vector.extract_strided_slice %get3A_23 {offsets = [5], sizes = [1], strides = [1]} : vector<16xf32> to vector<1xf32>
    %squeeze3A_155 = vector.extract %slice3A_154[0] : f32 from vector<1xf32>
    %slice3A_156 = vector.extract_strided_slice %get3A_23 {offsets = [6], sizes = [1], strides = [1]} : vector<16xf32> to vector<1xf32>
    %squeeze3A_157 = vector.extract %slice3A_156[0] : f32 from vector<1xf32>
    %slice3A_158 = vector.extract_strided_slice %get3A_23 {offsets = [7], sizes = [1], strides = [1]} : vector<16xf32> to vector<1xf32>
    %squeeze3A_159 = vector.extract %slice3A_158[0] : f32 from vector<1xf32>
    %slice3A_160 = vector.extract_strided_slice %get3A_23 {offsets = [8], sizes = [1], strides = [1]} : vector<16xf32> to vector<1xf32>
    %squeeze3A_161 = vector.extract %slice3A_160[0] : f32 from vector<1xf32>
    %slice3A_162 = vector.extract_strided_slice %get3A_23 {offsets = [9], sizes = [1], strides = [1]} : vector<16xf32> to vector<1xf32>
    %squeeze3A_163 = vector.extract %slice3A_162[0] : f32 from vector<1xf32>
    %slice3A_164 = vector.extract_strided_slice %get3A_23 {offsets = [10], sizes = [1], strides = [1]} : vector<16xf32> to vector<1xf32>
    %squeeze3A_165 = vector.extract %slice3A_164[0] : f32 from vector<1xf32>
    %slice3A_166 = vector.extract_strided_slice %get3A_23 {offsets = [11], sizes = [1], strides = [1]} : vector<16xf32> to vector<1xf32>
    %squeeze3A_167 = vector.extract %slice3A_166[0] : f32 from vector<1xf32>
    %slice3A_168 = vector.extract_strided_slice %get3A_23 {offsets = [12], sizes = [1], strides = [1]} : vector<16xf32> to vector<1xf32>
    %squeeze3A_169 = vector.extract %slice3A_168[0] : f32 from vector<1xf32>
    %slice3A_170 = vector.extract_strided_slice %get3A_23 {offsets = [13], sizes = [1], strides = [1]} : vector<16xf32> to vector<1xf32>
    %squeeze3A_171 = vector.extract %slice3A_170[0] : f32 from vector<1xf32>
    %slice3A_172 = vector.extract_strided_slice %get3A_23 {offsets = [14], sizes = [1], strides = [1]} : vector<16xf32> to vector<1xf32>
    %squeeze3A_173 = vector.extract %slice3A_172[0] : f32 from vector<1xf32>
    %slice3A_174 = vector.extract_strided_slice %get3A_23 {offsets = [15], sizes = [1], strides = [1]} : vector<16xf32> to vector<1xf32>
    %squeeze3A_175 = vector.extract %slice3A_174[0] : f32 from vector<1xf32>
    %slice3A_176 = vector.extract_strided_slice %get3A_25 {offsets = [0], sizes = [1], strides = [1]} : vector<16xf32> to vector<1xf32>
    %squeeze3A_177 = vector.extract %slice3A_176[0] : f32 from vector<1xf32>
    %slice3A_178 = vector.extract_strided_slice %get3A_25 {offsets = [1], sizes = [1], strides = [1]} : vector<16xf32> to vector<1xf32>
    %squeeze3A_179 = vector.extract %slice3A_178[0] : f32 from vector<1xf32>
    %slice3A_180 = vector.extract_strided_slice %get3A_25 {offsets = [2], sizes = [1], strides = [1]} : vector<16xf32> to vector<1xf32>
    %squeeze3A_181 = vector.extract %slice3A_180[0] : f32 from vector<1xf32>
    %slice3A_182 = vector.extract_strided_slice %get3A_25 {offsets = [3], sizes = [1], strides = [1]} : vector<16xf32> to vector<1xf32>
    %squeeze3A_183 = vector.extract %slice3A_182[0] : f32 from vector<1xf32>
    %slice3A_184 = vector.extract_strided_slice %get3A_25 {offsets = [4], sizes = [1], strides = [1]} : vector<16xf32> to vector<1xf32>
    %squeeze3A_185 = vector.extract %slice3A_184[0] : f32 from vector<1xf32>
    %slice3A_186 = vector.extract_strided_slice %get3A_25 {offsets = [5], sizes = [1], strides = [1]} : vector<16xf32> to vector<1xf32>
    %squeeze3A_187 = vector.extract %slice3A_186[0] : f32 from vector<1xf32>
    %slice3A_188 = vector.extract_strided_slice %get3A_25 {offsets = [6], sizes = [1], strides = [1]} : vector<16xf32> to vector<1xf32>
    %squeeze3A_189 = vector.extract %slice3A_188[0] : f32 from vector<1xf32>
    %slice3A_190 = vector.extract_strided_slice %get3A_25 {offsets = [7], sizes = [1], strides = [1]} : vector<16xf32> to vector<1xf32>
    %squeeze3A_191 = vector.extract %slice3A_190[0] : f32 from vector<1xf32>
    %slice3A_192 = vector.extract_strided_slice %get3A_25 {offsets = [8], sizes = [1], strides = [1]} : vector<16xf32> to vector<1xf32>
    %squeeze3A_193 = vector.extract %slice3A_192[0] : f32 from vector<1xf32>
    %slice3A_194 = vector.extract_strided_slice %get3A_25 {offsets = [9], sizes = [1], strides = [1]} : vector<16xf32> to vector<1xf32>
    %squeeze3A_195 = vector.extract %slice3A_194[0] : f32 from vector<1xf32>
    %slice3A_196 = vector.extract_strided_slice %get3A_25 {offsets = [10], sizes = [1], strides = [1]} : vector<16xf32> to vector<1xf32>
    %squeeze3A_197 = vector.extract %slice3A_196[0] : f32 from vector<1xf32>
    %slice3A_198 = vector.extract_strided_slice %get3A_25 {offsets = [11], sizes = [1], strides = [1]} : vector<16xf32> to vector<1xf32>
    %squeeze3A_199 = vector.extract %slice3A_198[0] : f32 from vector<1xf32>
    %slice3A_200 = vector.extract_strided_slice %get3A_25 {offsets = [12], sizes = [1], strides = [1]} : vector<16xf32> to vector<1xf32>
    %squeeze3A_201 = vector.extract %slice3A_200[0] : f32 from vector<1xf32>
    %slice3A_202 = vector.extract_strided_slice %get3A_25 {offsets = [13], sizes = [1], strides = [1]} : vector<16xf32> to vector<1xf32>
    %squeeze3A_203 = vector.extract %slice3A_202[0] : f32 from vector<1xf32>
    %slice3A_204 = vector.extract_strided_slice %get3A_25 {offsets = [14], sizes = [1], strides = [1]} : vector<16xf32> to vector<1xf32>
    %squeeze3A_205 = vector.extract %slice3A_204[0] : f32 from vector<1xf32>
    %slice3A_206 = vector.extract_strided_slice %get3A_25 {offsets = [15], sizes = [1], strides = [1]} : vector<16xf32> to vector<1xf32>
    %squeeze3A_207 = vector.extract %slice3A_206[0] : f32 from vector<1xf32>
    %slice3A_208 = vector.extract_strided_slice %get3A_27 {offsets = [0], sizes = [1], strides = [1]} : vector<16xf32> to vector<1xf32>
    %squeeze3A_209 = vector.extract %slice3A_208[0] : f32 from vector<1xf32>
    %slice3A_210 = vector.extract_strided_slice %get3A_27 {offsets = [1], sizes = [1], strides = [1]} : vector<16xf32> to vector<1xf32>
    %squeeze3A_211 = vector.extract %slice3A_210[0] : f32 from vector<1xf32>
    %slice3A_212 = vector.extract_strided_slice %get3A_27 {offsets = [2], sizes = [1], strides = [1]} : vector<16xf32> to vector<1xf32>
    %squeeze3A_213 = vector.extract %slice3A_212[0] : f32 from vector<1xf32>
    %slice3A_214 = vector.extract_strided_slice %get3A_27 {offsets = [3], sizes = [1], strides = [1]} : vector<16xf32> to vector<1xf32>
    %squeeze3A_215 = vector.extract %slice3A_214[0] : f32 from vector<1xf32>
    %slice3A_216 = vector.extract_strided_slice %get3A_27 {offsets = [4], sizes = [1], strides = [1]} : vector<16xf32> to vector<1xf32>
    %squeeze3A_217 = vector.extract %slice3A_216[0] : f32 from vector<1xf32>
    %slice3A_218 = vector.extract_strided_slice %get3A_27 {offsets = [5], sizes = [1], strides = [1]} : vector<16xf32> to vector<1xf32>
    %squeeze3A_219 = vector.extract %slice3A_218[0] : f32 from vector<1xf32>
    %slice3A_220 = vector.extract_strided_slice %get3A_27 {offsets = [6], sizes = [1], strides = [1]} : vector<16xf32> to vector<1xf32>
    %squeeze3A_221 = vector.extract %slice3A_220[0] : f32 from vector<1xf32>
    %slice3A_222 = vector.extract_strided_slice %get3A_27 {offsets = [7], sizes = [1], strides = [1]} : vector<16xf32> to vector<1xf32>
    %squeeze3A_223 = vector.extract %slice3A_222[0] : f32 from vector<1xf32>
    %slice3A_224 = vector.extract_strided_slice %get3A_27 {offsets = [8], sizes = [1], strides = [1]} : vector<16xf32> to vector<1xf32>
    %squeeze3A_225 = vector.extract %slice3A_224[0] : f32 from vector<1xf32>
    %slice3A_226 = vector.extract_strided_slice %get3A_27 {offsets = [9], sizes = [1], strides = [1]} : vector<16xf32> to vector<1xf32>
    %squeeze3A_227 = vector.extract %slice3A_226[0] : f32 from vector<1xf32>
    %slice3A_228 = vector.extract_strided_slice %get3A_27 {offsets = [10], sizes = [1], strides = [1]} : vector<16xf32> to vector<1xf32>
    %squeeze3A_229 = vector.extract %slice3A_228[0] : f32 from vector<1xf32>
    %slice3A_230 = vector.extract_strided_slice %get3A_27 {offsets = [11], sizes = [1], strides = [1]} : vector<16xf32> to vector<1xf32>
    %squeeze3A_231 = vector.extract %slice3A_230[0] : f32 from vector<1xf32>
    %slice3A_232 = vector.extract_strided_slice %get3A_27 {offsets = [12], sizes = [1], strides = [1]} : vector<16xf32> to vector<1xf32>
    %squeeze3A_233 = vector.extract %slice3A_232[0] : f32 from vector<1xf32>
    %slice3A_234 = vector.extract_strided_slice %get3A_27 {offsets = [13], sizes = [1], strides = [1]} : vector<16xf32> to vector<1xf32>
    %squeeze3A_235 = vector.extract %slice3A_234[0] : f32 from vector<1xf32>
    %slice3A_236 = vector.extract_strided_slice %get3A_27 {offsets = [14], sizes = [1], strides = [1]} : vector<16xf32> to vector<1xf32>
    %squeeze3A_237 = vector.extract %slice3A_236[0] : f32 from vector<1xf32>
    %slice3A_238 = vector.extract_strided_slice %get3A_27 {offsets = [15], sizes = [1], strides = [1]} : vector<16xf32> to vector<1xf32>
    %squeeze3A_239 = vector.extract %slice3A_238[0] : f32 from vector<1xf32>
    %slice3A_240 = vector.extract_strided_slice %get3A_29 {offsets = [0], sizes = [1], strides = [1]} : vector<16xf32> to vector<1xf32>
    %squeeze3A_241 = vector.extract %slice3A_240[0] : f32 from vector<1xf32>
    %slice3A_242 = vector.extract_strided_slice %get3A_29 {offsets = [1], sizes = [1], strides = [1]} : vector<16xf32> to vector<1xf32>
    %squeeze3A_243 = vector.extract %slice3A_242[0] : f32 from vector<1xf32>
    %slice3A_244 = vector.extract_strided_slice %get3A_29 {offsets = [2], sizes = [1], strides = [1]} : vector<16xf32> to vector<1xf32>
    %squeeze3A_245 = vector.extract %slice3A_244[0] : f32 from vector<1xf32>
    %slice3A_246 = vector.extract_strided_slice %get3A_29 {offsets = [3], sizes = [1], strides = [1]} : vector<16xf32> to vector<1xf32>
    %squeeze3A_247 = vector.extract %slice3A_246[0] : f32 from vector<1xf32>
    %slice3A_248 = vector.extract_strided_slice %get3A_29 {offsets = [4], sizes = [1], strides = [1]} : vector<16xf32> to vector<1xf32>
    %squeeze3A_249 = vector.extract %slice3A_248[0] : f32 from vector<1xf32>
    %slice3A_250 = vector.extract_strided_slice %get3A_29 {offsets = [5], sizes = [1], strides = [1]} : vector<16xf32> to vector<1xf32>
    %squeeze3A_251 = vector.extract %slice3A_250[0] : f32 from vector<1xf32>
    %slice3A_252 = vector.extract_strided_slice %get3A_29 {offsets = [6], sizes = [1], strides = [1]} : vector<16xf32> to vector<1xf32>
    %squeeze3A_253 = vector.extract %slice3A_252[0] : f32 from vector<1xf32>
    %slice3A_254 = vector.extract_strided_slice %get3A_29 {offsets = [7], sizes = [1], strides = [1]} : vector<16xf32> to vector<1xf32>
    %squeeze3A_255 = vector.extract %slice3A_254[0] : f32 from vector<1xf32>
    %slice3A_256 = vector.extract_strided_slice %get3A_29 {offsets = [8], sizes = [1], strides = [1]} : vector<16xf32> to vector<1xf32>
    %squeeze3A_257 = vector.extract %slice3A_256[0] : f32 from vector<1xf32>
    %slice3A_258 = vector.extract_strided_slice %get3A_29 {offsets = [9], sizes = [1], strides = [1]} : vector<16xf32> to vector<1xf32>
    %squeeze3A_259 = vector.extract %slice3A_258[0] : f32 from vector<1xf32>
    %slice3A_260 = vector.extract_strided_slice %get3A_29 {offsets = [10], sizes = [1], strides = [1]} : vector<16xf32> to vector<1xf32>
    %squeeze3A_261 = vector.extract %slice3A_260[0] : f32 from vector<1xf32>
    %slice3A_262 = vector.extract_strided_slice %get3A_29 {offsets = [11], sizes = [1], strides = [1]} : vector<16xf32> to vector<1xf32>
    %squeeze3A_263 = vector.extract %slice3A_262[0] : f32 from vector<1xf32>
    %slice3A_264 = vector.extract_strided_slice %get3A_29 {offsets = [12], sizes = [1], strides = [1]} : vector<16xf32> to vector<1xf32>
    %squeeze3A_265 = vector.extract %slice3A_264[0] : f32 from vector<1xf32>
    %slice3A_266 = vector.extract_strided_slice %get3A_29 {offsets = [13], sizes = [1], strides = [1]} : vector<16xf32> to vector<1xf32>
    %squeeze3A_267 = vector.extract %slice3A_266[0] : f32 from vector<1xf32>
    %slice3A_268 = vector.extract_strided_slice %get3A_29 {offsets = [14], sizes = [1], strides = [1]} : vector<16xf32> to vector<1xf32>
    %squeeze3A_269 = vector.extract %slice3A_268[0] : f32 from vector<1xf32>
    %slice3A_270 = vector.extract_strided_slice %get3A_29 {offsets = [15], sizes = [1], strides = [1]} : vector<16xf32> to vector<1xf32>
    %squeeze3A_271 = vector.extract %slice3A_270[0] : f32 from vector<1xf32>
    %slice3A_272 = vector.extract_strided_slice %get3A_31 {offsets = [0], sizes = [1], strides = [1]} : vector<16xf32> to vector<1xf32>
    %squeeze3A_273 = vector.extract %slice3A_272[0] : f32 from vector<1xf32>
    %slice3A_274 = vector.extract_strided_slice %get3A_31 {offsets = [1], sizes = [1], strides = [1]} : vector<16xf32> to vector<1xf32>
    %squeeze3A_275 = vector.extract %slice3A_274[0] : f32 from vector<1xf32>
    %slice3A_276 = vector.extract_strided_slice %get3A_31 {offsets = [2], sizes = [1], strides = [1]} : vector<16xf32> to vector<1xf32>
    %squeeze3A_277 = vector.extract %slice3A_276[0] : f32 from vector<1xf32>
    %slice3A_278 = vector.extract_strided_slice %get3A_31 {offsets = [3], sizes = [1], strides = [1]} : vector<16xf32> to vector<1xf32>
    %squeeze3A_279 = vector.extract %slice3A_278[0] : f32 from vector<1xf32>
    %slice3A_280 = vector.extract_strided_slice %get3A_31 {offsets = [4], sizes = [1], strides = [1]} : vector<16xf32> to vector<1xf32>
    %squeeze3A_281 = vector.extract %slice3A_280[0] : f32 from vector<1xf32>
    %slice3A_282 = vector.extract_strided_slice %get3A_31 {offsets = [5], sizes = [1], strides = [1]} : vector<16xf32> to vector<1xf32>
    %squeeze3A_283 = vector.extract %slice3A_282[0] : f32 from vector<1xf32>
    %slice3A_284 = vector.extract_strided_slice %get3A_31 {offsets = [6], sizes = [1], strides = [1]} : vector<16xf32> to vector<1xf32>
    %squeeze3A_285 = vector.extract %slice3A_284[0] : f32 from vector<1xf32>
    %slice3A_286 = vector.extract_strided_slice %get3A_31 {offsets = [7], sizes = [1], strides = [1]} : vector<16xf32> to vector<1xf32>
    %squeeze3A_287 = vector.extract %slice3A_286[0] : f32 from vector<1xf32>
    %slice3A_288 = vector.extract_strided_slice %get3A_31 {offsets = [8], sizes = [1], strides = [1]} : vector<16xf32> to vector<1xf32>
    %squeeze3A_289 = vector.extract %slice3A_288[0] : f32 from vector<1xf32>
    %slice3A_290 = vector.extract_strided_slice %get3A_31 {offsets = [9], sizes = [1], strides = [1]} : vector<16xf32> to vector<1xf32>
    %squeeze3A_291 = vector.extract %slice3A_290[0] : f32 from vector<1xf32>
    %slice3A_292 = vector.extract_strided_slice %get3A_31 {offsets = [10], sizes = [1], strides = [1]} : vector<16xf32> to vector<1xf32>
    %squeeze3A_293 = vector.extract %slice3A_292[0] : f32 from vector<1xf32>
    %slice3A_294 = vector.extract_strided_slice %get3A_31 {offsets = [11], sizes = [1], strides = [1]} : vector<16xf32> to vector<1xf32>
    %squeeze3A_295 = vector.extract %slice3A_294[0] : f32 from vector<1xf32>
    %slice3A_296 = vector.extract_strided_slice %get3A_31 {offsets = [12], sizes = [1], strides = [1]} : vector<16xf32> to vector<1xf32>
    %squeeze3A_297 = vector.extract %slice3A_296[0] : f32 from vector<1xf32>
    %slice3A_298 = vector.extract_strided_slice %get3A_31 {offsets = [13], sizes = [1], strides = [1]} : vector<16xf32> to vector<1xf32>
    %squeeze3A_299 = vector.extract %slice3A_298[0] : f32 from vector<1xf32>
    %slice3A_300 = vector.extract_strided_slice %get3A_31 {offsets = [14], sizes = [1], strides = [1]} : vector<16xf32> to vector<1xf32>
    %squeeze3A_301 = vector.extract %slice3A_300[0] : f32 from vector<1xf32>
    %slice3A_302 = vector.extract_strided_slice %get3A_31 {offsets = [15], sizes = [1], strides = [1]} : vector<16xf32> to vector<1xf32>
    %squeeze3A_303 = vector.extract %slice3A_302[0] : f32 from vector<1xf32>
    %slice3A_304 = vector.extract_strided_slice %get3A_33 {offsets = [0], sizes = [1], strides = [1]} : vector<16xf32> to vector<1xf32>
    %squeeze3A_305 = vector.extract %slice3A_304[0] : f32 from vector<1xf32>
    %slice3A_306 = vector.extract_strided_slice %get3A_33 {offsets = [1], sizes = [1], strides = [1]} : vector<16xf32> to vector<1xf32>
    %squeeze3A_307 = vector.extract %slice3A_306[0] : f32 from vector<1xf32>
    %slice3A_308 = vector.extract_strided_slice %get3A_33 {offsets = [2], sizes = [1], strides = [1]} : vector<16xf32> to vector<1xf32>
    %squeeze3A_309 = vector.extract %slice3A_308[0] : f32 from vector<1xf32>
    %slice3A_310 = vector.extract_strided_slice %get3A_33 {offsets = [3], sizes = [1], strides = [1]} : vector<16xf32> to vector<1xf32>
    %squeeze3A_311 = vector.extract %slice3A_310[0] : f32 from vector<1xf32>
    %slice3A_312 = vector.extract_strided_slice %get3A_33 {offsets = [4], sizes = [1], strides = [1]} : vector<16xf32> to vector<1xf32>
    %squeeze3A_313 = vector.extract %slice3A_312[0] : f32 from vector<1xf32>
    %slice3A_314 = vector.extract_strided_slice %get3A_33 {offsets = [5], sizes = [1], strides = [1]} : vector<16xf32> to vector<1xf32>
    %squeeze3A_315 = vector.extract %slice3A_314[0] : f32 from vector<1xf32>
    %slice3A_316 = vector.extract_strided_slice %get3A_33 {offsets = [6], sizes = [1], strides = [1]} : vector<16xf32> to vector<1xf32>
    %squeeze3A_317 = vector.extract %slice3A_316[0] : f32 from vector<1xf32>
    %slice3A_318 = vector.extract_strided_slice %get3A_33 {offsets = [7], sizes = [1], strides = [1]} : vector<16xf32> to vector<1xf32>
    %squeeze3A_319 = vector.extract %slice3A_318[0] : f32 from vector<1xf32>
    %slice3A_320 = vector.extract_strided_slice %get3A_33 {offsets = [8], sizes = [1], strides = [1]} : vector<16xf32> to vector<1xf32>
    %squeeze3A_321 = vector.extract %slice3A_320[0] : f32 from vector<1xf32>
    %slice3A_322 = vector.extract_strided_slice %get3A_33 {offsets = [9], sizes = [1], strides = [1]} : vector<16xf32> to vector<1xf32>
    %squeeze3A_323 = vector.extract %slice3A_322[0] : f32 from vector<1xf32>
    %slice3A_324 = vector.extract_strided_slice %get3A_33 {offsets = [10], sizes = [1], strides = [1]} : vector<16xf32> to vector<1xf32>
    %squeeze3A_325 = vector.extract %slice3A_324[0] : f32 from vector<1xf32>
    %slice3A_326 = vector.extract_strided_slice %get3A_33 {offsets = [11], sizes = [1], strides = [1]} : vector<16xf32> to vector<1xf32>
    %squeeze3A_327 = vector.extract %slice3A_326[0] : f32 from vector<1xf32>
    %slice3A_328 = vector.extract_strided_slice %get3A_33 {offsets = [12], sizes = [1], strides = [1]} : vector<16xf32> to vector<1xf32>
    %squeeze3A_329 = vector.extract %slice3A_328[0] : f32 from vector<1xf32>
    %slice3A_330 = vector.extract_strided_slice %get3A_33 {offsets = [13], sizes = [1], strides = [1]} : vector<16xf32> to vector<1xf32>
    %squeeze3A_331 = vector.extract %slice3A_330[0] : f32 from vector<1xf32>
    %slice3A_332 = vector.extract_strided_slice %get3A_33 {offsets = [14], sizes = [1], strides = [1]} : vector<16xf32> to vector<1xf32>
    %squeeze3A_333 = vector.extract %slice3A_332[0] : f32 from vector<1xf32>
    %slice3A_334 = vector.extract_strided_slice %get3A_33 {offsets = [15], sizes = [1], strides = [1]} : vector<16xf32> to vector<1xf32>
    %squeeze3A_335 = vector.extract %slice3A_334[0] : f32 from vector<1xf32>
    %slice3A_336 = vector.extract_strided_slice %get3A_35 {offsets = [0], sizes = [1], strides = [1]} : vector<16xf32> to vector<1xf32>
    %squeeze3A_337 = vector.extract %slice3A_336[0] : f32 from vector<1xf32>
    %slice3A_338 = vector.extract_strided_slice %get3A_35 {offsets = [1], sizes = [1], strides = [1]} : vector<16xf32> to vector<1xf32>
    %squeeze3A_339 = vector.extract %slice3A_338[0] : f32 from vector<1xf32>
    %slice3A_340 = vector.extract_strided_slice %get3A_35 {offsets = [2], sizes = [1], strides = [1]} : vector<16xf32> to vector<1xf32>
    %squeeze3A_341 = vector.extract %slice3A_340[0] : f32 from vector<1xf32>
    %slice3A_342 = vector.extract_strided_slice %get3A_35 {offsets = [3], sizes = [1], strides = [1]} : vector<16xf32> to vector<1xf32>
    %squeeze3A_343 = vector.extract %slice3A_342[0] : f32 from vector<1xf32>
    %slice3A_344 = vector.extract_strided_slice %get3A_35 {offsets = [4], sizes = [1], strides = [1]} : vector<16xf32> to vector<1xf32>
    %squeeze3A_345 = vector.extract %slice3A_344[0] : f32 from vector<1xf32>
    %slice3A_346 = vector.extract_strided_slice %get3A_35 {offsets = [5], sizes = [1], strides = [1]} : vector<16xf32> to vector<1xf32>
    %squeeze3A_347 = vector.extract %slice3A_346[0] : f32 from vector<1xf32>
    %slice3A_348 = vector.extract_strided_slice %get3A_35 {offsets = [6], sizes = [1], strides = [1]} : vector<16xf32> to vector<1xf32>
    %squeeze3A_349 = vector.extract %slice3A_348[0] : f32 from vector<1xf32>
    %slice3A_350 = vector.extract_strided_slice %get3A_35 {offsets = [7], sizes = [1], strides = [1]} : vector<16xf32> to vector<1xf32>
    %squeeze3A_351 = vector.extract %slice3A_350[0] : f32 from vector<1xf32>
    %slice3A_352 = vector.extract_strided_slice %get3A_35 {offsets = [8], sizes = [1], strides = [1]} : vector<16xf32> to vector<1xf32>
    %squeeze3A_353 = vector.extract %slice3A_352[0] : f32 from vector<1xf32>
    %slice3A_354 = vector.extract_strided_slice %get3A_35 {offsets = [9], sizes = [1], strides = [1]} : vector<16xf32> to vector<1xf32>
    %squeeze3A_355 = vector.extract %slice3A_354[0] : f32 from vector<1xf32>
    %slice3A_356 = vector.extract_strided_slice %get3A_35 {offsets = [10], sizes = [1], strides = [1]} : vector<16xf32> to vector<1xf32>
    %squeeze3A_357 = vector.extract %slice3A_356[0] : f32 from vector<1xf32>
    %slice3A_358 = vector.extract_strided_slice %get3A_35 {offsets = [11], sizes = [1], strides = [1]} : vector<16xf32> to vector<1xf32>
    %squeeze3A_359 = vector.extract %slice3A_358[0] : f32 from vector<1xf32>
    %slice3A_360 = vector.extract_strided_slice %get3A_35 {offsets = [12], sizes = [1], strides = [1]} : vector<16xf32> to vector<1xf32>
    %squeeze3A_361 = vector.extract %slice3A_360[0] : f32 from vector<1xf32>
    %slice3A_362 = vector.extract_strided_slice %get3A_35 {offsets = [13], sizes = [1], strides = [1]} : vector<16xf32> to vector<1xf32>
    %squeeze3A_363 = vector.extract %slice3A_362[0] : f32 from vector<1xf32>
    %slice3A_364 = vector.extract_strided_slice %get3A_35 {offsets = [14], sizes = [1], strides = [1]} : vector<16xf32> to vector<1xf32>
    %squeeze3A_365 = vector.extract %slice3A_364[0] : f32 from vector<1xf32>
    %slice3A_366 = vector.extract_strided_slice %get3A_35 {offsets = [15], sizes = [1], strides = [1]} : vector<16xf32> to vector<1xf32>
    %squeeze3A_367 = vector.extract %slice3A_366[0] : f32 from vector<1xf32>
    %slice3A_368 = vector.extract_strided_slice %get3A_37 {offsets = [0], sizes = [1], strides = [1]} : vector<16xf32> to vector<1xf32>
    %squeeze3A_369 = vector.extract %slice3A_368[0] : f32 from vector<1xf32>
    %slice3A_370 = vector.extract_strided_slice %get3A_37 {offsets = [1], sizes = [1], strides = [1]} : vector<16xf32> to vector<1xf32>
    %squeeze3A_371 = vector.extract %slice3A_370[0] : f32 from vector<1xf32>
    %slice3A_372 = vector.extract_strided_slice %get3A_37 {offsets = [2], sizes = [1], strides = [1]} : vector<16xf32> to vector<1xf32>
    %squeeze3A_373 = vector.extract %slice3A_372[0] : f32 from vector<1xf32>
    %slice3A_374 = vector.extract_strided_slice %get3A_37 {offsets = [3], sizes = [1], strides = [1]} : vector<16xf32> to vector<1xf32>
    %squeeze3A_375 = vector.extract %slice3A_374[0] : f32 from vector<1xf32>
    %slice3A_376 = vector.extract_strided_slice %get3A_37 {offsets = [4], sizes = [1], strides = [1]} : vector<16xf32> to vector<1xf32>
    %squeeze3A_377 = vector.extract %slice3A_376[0] : f32 from vector<1xf32>
    %slice3A_378 = vector.extract_strided_slice %get3A_37 {offsets = [5], sizes = [1], strides = [1]} : vector<16xf32> to vector<1xf32>
    %squeeze3A_379 = vector.extract %slice3A_378[0] : f32 from vector<1xf32>
    %slice3A_380 = vector.extract_strided_slice %get3A_37 {offsets = [6], sizes = [1], strides = [1]} : vector<16xf32> to vector<1xf32>
    %squeeze3A_381 = vector.extract %slice3A_380[0] : f32 from vector<1xf32>
    %slice3A_382 = vector.extract_strided_slice %get3A_37 {offsets = [7], sizes = [1], strides = [1]} : vector<16xf32> to vector<1xf32>
    %squeeze3A_383 = vector.extract %slice3A_382[0] : f32 from vector<1xf32>
    %slice3A_384 = vector.extract_strided_slice %get3A_37 {offsets = [8], sizes = [1], strides = [1]} : vector<16xf32> to vector<1xf32>
    %squeeze3A_385 = vector.extract %slice3A_384[0] : f32 from vector<1xf32>
    %slice3A_386 = vector.extract_strided_slice %get3A_37 {offsets = [9], sizes = [1], strides = [1]} : vector<16xf32> to vector<1xf32>
    %squeeze3A_387 = vector.extract %slice3A_386[0] : f32 from vector<1xf32>
    %slice3A_388 = vector.extract_strided_slice %get3A_37 {offsets = [10], sizes = [1], strides = [1]} : vector<16xf32> to vector<1xf32>
    %squeeze3A_389 = vector.extract %slice3A_388[0] : f32 from vector<1xf32>
    %slice3A_390 = vector.extract_strided_slice %get3A_37 {offsets = [11], sizes = [1], strides = [1]} : vector<16xf32> to vector<1xf32>
    %squeeze3A_391 = vector.extract %slice3A_390[0] : f32 from vector<1xf32>
    %slice3A_392 = vector.extract_strided_slice %get3A_37 {offsets = [12], sizes = [1], strides = [1]} : vector<16xf32> to vector<1xf32>
    %squeeze3A_393 = vector.extract %slice3A_392[0] : f32 from vector<1xf32>
    %slice3A_394 = vector.extract_strided_slice %get3A_37 {offsets = [13], sizes = [1], strides = [1]} : vector<16xf32> to vector<1xf32>
    %squeeze3A_395 = vector.extract %slice3A_394[0] : f32 from vector<1xf32>
    %slice3A_396 = vector.extract_strided_slice %get3A_37 {offsets = [14], sizes = [1], strides = [1]} : vector<16xf32> to vector<1xf32>
    %squeeze3A_397 = vector.extract %slice3A_396[0] : f32 from vector<1xf32>
    %slice3A_398 = vector.extract_strided_slice %get3A_37 {offsets = [15], sizes = [1], strides = [1]} : vector<16xf32> to vector<1xf32>
    %squeeze3A_399 = vector.extract %slice3A_398[0] : f32 from vector<1xf32>
    %slice3A_400 = vector.extract_strided_slice %get3A_39 {offsets = [0], sizes = [1], strides = [1]} : vector<16xf32> to vector<1xf32>
    %squeeze3A_401 = vector.extract %slice3A_400[0] : f32 from vector<1xf32>
    %slice3A_402 = vector.extract_strided_slice %get3A_39 {offsets = [1], sizes = [1], strides = [1]} : vector<16xf32> to vector<1xf32>
    %squeeze3A_403 = vector.extract %slice3A_402[0] : f32 from vector<1xf32>
    %slice3A_404 = vector.extract_strided_slice %get3A_39 {offsets = [2], sizes = [1], strides = [1]} : vector<16xf32> to vector<1xf32>
    %squeeze3A_405 = vector.extract %slice3A_404[0] : f32 from vector<1xf32>
    %slice3A_406 = vector.extract_strided_slice %get3A_39 {offsets = [3], sizes = [1], strides = [1]} : vector<16xf32> to vector<1xf32>
    %squeeze3A_407 = vector.extract %slice3A_406[0] : f32 from vector<1xf32>
    %slice3A_408 = vector.extract_strided_slice %get3A_39 {offsets = [4], sizes = [1], strides = [1]} : vector<16xf32> to vector<1xf32>
    %squeeze3A_409 = vector.extract %slice3A_408[0] : f32 from vector<1xf32>
    %slice3A_410 = vector.extract_strided_slice %get3A_39 {offsets = [5], sizes = [1], strides = [1]} : vector<16xf32> to vector<1xf32>
    %squeeze3A_411 = vector.extract %slice3A_410[0] : f32 from vector<1xf32>
    %slice3A_412 = vector.extract_strided_slice %get3A_39 {offsets = [6], sizes = [1], strides = [1]} : vector<16xf32> to vector<1xf32>
    %squeeze3A_413 = vector.extract %slice3A_412[0] : f32 from vector<1xf32>
    %slice3A_414 = vector.extract_strided_slice %get3A_39 {offsets = [7], sizes = [1], strides = [1]} : vector<16xf32> to vector<1xf32>
    %squeeze3A_415 = vector.extract %slice3A_414[0] : f32 from vector<1xf32>
    %slice3A_416 = vector.extract_strided_slice %get3A_39 {offsets = [8], sizes = [1], strides = [1]} : vector<16xf32> to vector<1xf32>
    %squeeze3A_417 = vector.extract %slice3A_416[0] : f32 from vector<1xf32>
    %slice3A_418 = vector.extract_strided_slice %get3A_39 {offsets = [9], sizes = [1], strides = [1]} : vector<16xf32> to vector<1xf32>
    %squeeze3A_419 = vector.extract %slice3A_418[0] : f32 from vector<1xf32>
    %slice3A_420 = vector.extract_strided_slice %get3A_39 {offsets = [10], sizes = [1], strides = [1]} : vector<16xf32> to vector<1xf32>
    %squeeze3A_421 = vector.extract %slice3A_420[0] : f32 from vector<1xf32>
    %slice3A_422 = vector.extract_strided_slice %get3A_39 {offsets = [11], sizes = [1], strides = [1]} : vector<16xf32> to vector<1xf32>
    %squeeze3A_423 = vector.extract %slice3A_422[0] : f32 from vector<1xf32>
    %slice3A_424 = vector.extract_strided_slice %get3A_39 {offsets = [12], sizes = [1], strides = [1]} : vector<16xf32> to vector<1xf32>
    %squeeze3A_425 = vector.extract %slice3A_424[0] : f32 from vector<1xf32>
    %slice3A_426 = vector.extract_strided_slice %get3A_39 {offsets = [13], sizes = [1], strides = [1]} : vector<16xf32> to vector<1xf32>
    %squeeze3A_427 = vector.extract %slice3A_426[0] : f32 from vector<1xf32>
    %slice3A_428 = vector.extract_strided_slice %get3A_39 {offsets = [14], sizes = [1], strides = [1]} : vector<16xf32> to vector<1xf32>
    %squeeze3A_429 = vector.extract %slice3A_428[0] : f32 from vector<1xf32>
    %slice3A_430 = vector.extract_strided_slice %get3A_39 {offsets = [15], sizes = [1], strides = [1]} : vector<16xf32> to vector<1xf32>
    %squeeze3A_431 = vector.extract %slice3A_430[0] : f32 from vector<1xf32>
    %slice3A_432 = vector.extract_strided_slice %get3A_41 {offsets = [0], sizes = [1], strides = [1]} : vector<16xf32> to vector<1xf32>
    %squeeze3A_433 = vector.extract %slice3A_432[0] : f32 from vector<1xf32>
    %slice3A_434 = vector.extract_strided_slice %get3A_41 {offsets = [1], sizes = [1], strides = [1]} : vector<16xf32> to vector<1xf32>
    %squeeze3A_435 = vector.extract %slice3A_434[0] : f32 from vector<1xf32>
    %slice3A_436 = vector.extract_strided_slice %get3A_41 {offsets = [2], sizes = [1], strides = [1]} : vector<16xf32> to vector<1xf32>
    %squeeze3A_437 = vector.extract %slice3A_436[0] : f32 from vector<1xf32>
    %slice3A_438 = vector.extract_strided_slice %get3A_41 {offsets = [3], sizes = [1], strides = [1]} : vector<16xf32> to vector<1xf32>
    %squeeze3A_439 = vector.extract %slice3A_438[0] : f32 from vector<1xf32>
    %slice3A_440 = vector.extract_strided_slice %get3A_41 {offsets = [4], sizes = [1], strides = [1]} : vector<16xf32> to vector<1xf32>
    %squeeze3A_441 = vector.extract %slice3A_440[0] : f32 from vector<1xf32>
    %slice3A_442 = vector.extract_strided_slice %get3A_41 {offsets = [5], sizes = [1], strides = [1]} : vector<16xf32> to vector<1xf32>
    %squeeze3A_443 = vector.extract %slice3A_442[0] : f32 from vector<1xf32>
    %slice3A_444 = vector.extract_strided_slice %get3A_41 {offsets = [6], sizes = [1], strides = [1]} : vector<16xf32> to vector<1xf32>
    %squeeze3A_445 = vector.extract %slice3A_444[0] : f32 from vector<1xf32>
    %slice3A_446 = vector.extract_strided_slice %get3A_41 {offsets = [7], sizes = [1], strides = [1]} : vector<16xf32> to vector<1xf32>
    %squeeze3A_447 = vector.extract %slice3A_446[0] : f32 from vector<1xf32>
    %slice3A_448 = vector.extract_strided_slice %get3A_41 {offsets = [8], sizes = [1], strides = [1]} : vector<16xf32> to vector<1xf32>
    %squeeze3A_449 = vector.extract %slice3A_448[0] : f32 from vector<1xf32>
    %slice3A_450 = vector.extract_strided_slice %get3A_41 {offsets = [9], sizes = [1], strides = [1]} : vector<16xf32> to vector<1xf32>
    %squeeze3A_451 = vector.extract %slice3A_450[0] : f32 from vector<1xf32>
    %slice3A_452 = vector.extract_strided_slice %get3A_41 {offsets = [10], sizes = [1], strides = [1]} : vector<16xf32> to vector<1xf32>
    %squeeze3A_453 = vector.extract %slice3A_452[0] : f32 from vector<1xf32>
    %slice3A_454 = vector.extract_strided_slice %get3A_41 {offsets = [11], sizes = [1], strides = [1]} : vector<16xf32> to vector<1xf32>
    %squeeze3A_455 = vector.extract %slice3A_454[0] : f32 from vector<1xf32>
    %slice3A_456 = vector.extract_strided_slice %get3A_41 {offsets = [12], sizes = [1], strides = [1]} : vector<16xf32> to vector<1xf32>
    %squeeze3A_457 = vector.extract %slice3A_456[0] : f32 from vector<1xf32>
    %slice3A_458 = vector.extract_strided_slice %get3A_41 {offsets = [13], sizes = [1], strides = [1]} : vector<16xf32> to vector<1xf32>
    %squeeze3A_459 = vector.extract %slice3A_458[0] : f32 from vector<1xf32>
    %slice3A_460 = vector.extract_strided_slice %get3A_41 {offsets = [14], sizes = [1], strides = [1]} : vector<16xf32> to vector<1xf32>
    %squeeze3A_461 = vector.extract %slice3A_460[0] : f32 from vector<1xf32>
    %slice3A_462 = vector.extract_strided_slice %get3A_41 {offsets = [15], sizes = [1], strides = [1]} : vector<16xf32> to vector<1xf32>
    %squeeze3A_463 = vector.extract %slice3A_462[0] : f32 from vector<1xf32>
    %slice3A_464 = vector.extract_strided_slice %get3A_43 {offsets = [0], sizes = [1], strides = [1]} : vector<16xf32> to vector<1xf32>
    %squeeze3A_465 = vector.extract %slice3A_464[0] : f32 from vector<1xf32>
    %slice3A_466 = vector.extract_strided_slice %get3A_43 {offsets = [1], sizes = [1], strides = [1]} : vector<16xf32> to vector<1xf32>
    %squeeze3A_467 = vector.extract %slice3A_466[0] : f32 from vector<1xf32>
    %slice3A_468 = vector.extract_strided_slice %get3A_43 {offsets = [2], sizes = [1], strides = [1]} : vector<16xf32> to vector<1xf32>
    %squeeze3A_469 = vector.extract %slice3A_468[0] : f32 from vector<1xf32>
    %slice3A_470 = vector.extract_strided_slice %get3A_43 {offsets = [3], sizes = [1], strides = [1]} : vector<16xf32> to vector<1xf32>
    %squeeze3A_471 = vector.extract %slice3A_470[0] : f32 from vector<1xf32>
    %slice3A_472 = vector.extract_strided_slice %get3A_43 {offsets = [4], sizes = [1], strides = [1]} : vector<16xf32> to vector<1xf32>
    %squeeze3A_473 = vector.extract %slice3A_472[0] : f32 from vector<1xf32>
    %slice3A_474 = vector.extract_strided_slice %get3A_43 {offsets = [5], sizes = [1], strides = [1]} : vector<16xf32> to vector<1xf32>
    %squeeze3A_475 = vector.extract %slice3A_474[0] : f32 from vector<1xf32>
    %slice3A_476 = vector.extract_strided_slice %get3A_43 {offsets = [6], sizes = [1], strides = [1]} : vector<16xf32> to vector<1xf32>
    %squeeze3A_477 = vector.extract %slice3A_476[0] : f32 from vector<1xf32>
    %slice3A_478 = vector.extract_strided_slice %get3A_43 {offsets = [7], sizes = [1], strides = [1]} : vector<16xf32> to vector<1xf32>
    %squeeze3A_479 = vector.extract %slice3A_478[0] : f32 from vector<1xf32>
    %slice3A_480 = vector.extract_strided_slice %get3A_43 {offsets = [8], sizes = [1], strides = [1]} : vector<16xf32> to vector<1xf32>
    %squeeze3A_481 = vector.extract %slice3A_480[0] : f32 from vector<1xf32>
    %slice3A_482 = vector.extract_strided_slice %get3A_43 {offsets = [9], sizes = [1], strides = [1]} : vector<16xf32> to vector<1xf32>
    %squeeze3A_483 = vector.extract %slice3A_482[0] : f32 from vector<1xf32>
    %slice3A_484 = vector.extract_strided_slice %get3A_43 {offsets = [10], sizes = [1], strides = [1]} : vector<16xf32> to vector<1xf32>
    %squeeze3A_485 = vector.extract %slice3A_484[0] : f32 from vector<1xf32>
    %slice3A_486 = vector.extract_strided_slice %get3A_43 {offsets = [11], sizes = [1], strides = [1]} : vector<16xf32> to vector<1xf32>
    %squeeze3A_487 = vector.extract %slice3A_486[0] : f32 from vector<1xf32>
    %slice3A_488 = vector.extract_strided_slice %get3A_43 {offsets = [12], sizes = [1], strides = [1]} : vector<16xf32> to vector<1xf32>
    %squeeze3A_489 = vector.extract %slice3A_488[0] : f32 from vector<1xf32>
    %slice3A_490 = vector.extract_strided_slice %get3A_43 {offsets = [13], sizes = [1], strides = [1]} : vector<16xf32> to vector<1xf32>
    %squeeze3A_491 = vector.extract %slice3A_490[0] : f32 from vector<1xf32>
    %slice3A_492 = vector.extract_strided_slice %get3A_43 {offsets = [14], sizes = [1], strides = [1]} : vector<16xf32> to vector<1xf32>
    %squeeze3A_493 = vector.extract %slice3A_492[0] : f32 from vector<1xf32>
    %slice3A_494 = vector.extract_strided_slice %get3A_43 {offsets = [15], sizes = [1], strides = [1]} : vector<16xf32> to vector<1xf32>
    %squeeze3A_495 = vector.extract %slice3A_494[0] : f32 from vector<1xf32>
    %slice3A_496 = vector.extract_strided_slice %get3A_45 {offsets = [0], sizes = [1], strides = [1]} : vector<16xf32> to vector<1xf32>
    %squeeze3A_497 = vector.extract %slice3A_496[0] : f32 from vector<1xf32>
    %slice3A_498 = vector.extract_strided_slice %get3A_45 {offsets = [1], sizes = [1], strides = [1]} : vector<16xf32> to vector<1xf32>
    %squeeze3A_499 = vector.extract %slice3A_498[0] : f32 from vector<1xf32>
    %slice3A_500 = vector.extract_strided_slice %get3A_45 {offsets = [2], sizes = [1], strides = [1]} : vector<16xf32> to vector<1xf32>
    %squeeze3A_501 = vector.extract %slice3A_500[0] : f32 from vector<1xf32>
    %slice3A_502 = vector.extract_strided_slice %get3A_45 {offsets = [3], sizes = [1], strides = [1]} : vector<16xf32> to vector<1xf32>
    %squeeze3A_503 = vector.extract %slice3A_502[0] : f32 from vector<1xf32>
    %slice3A_504 = vector.extract_strided_slice %get3A_45 {offsets = [4], sizes = [1], strides = [1]} : vector<16xf32> to vector<1xf32>
    %squeeze3A_505 = vector.extract %slice3A_504[0] : f32 from vector<1xf32>
    %slice3A_506 = vector.extract_strided_slice %get3A_45 {offsets = [5], sizes = [1], strides = [1]} : vector<16xf32> to vector<1xf32>
    %squeeze3A_507 = vector.extract %slice3A_506[0] : f32 from vector<1xf32>
    %slice3A_508 = vector.extract_strided_slice %get3A_45 {offsets = [6], sizes = [1], strides = [1]} : vector<16xf32> to vector<1xf32>
    %squeeze3A_509 = vector.extract %slice3A_508[0] : f32 from vector<1xf32>
    %slice3A_510 = vector.extract_strided_slice %get3A_45 {offsets = [7], sizes = [1], strides = [1]} : vector<16xf32> to vector<1xf32>
    %squeeze3A_511 = vector.extract %slice3A_510[0] : f32 from vector<1xf32>
    %slice3A_512 = vector.extract_strided_slice %get3A_45 {offsets = [8], sizes = [1], strides = [1]} : vector<16xf32> to vector<1xf32>
    %squeeze3A_513 = vector.extract %slice3A_512[0] : f32 from vector<1xf32>
    %slice3A_514 = vector.extract_strided_slice %get3A_45 {offsets = [9], sizes = [1], strides = [1]} : vector<16xf32> to vector<1xf32>
    %squeeze3A_515 = vector.extract %slice3A_514[0] : f32 from vector<1xf32>
    %slice3A_516 = vector.extract_strided_slice %get3A_45 {offsets = [10], sizes = [1], strides = [1]} : vector<16xf32> to vector<1xf32>
    %squeeze3A_517 = vector.extract %slice3A_516[0] : f32 from vector<1xf32>
    %slice3A_518 = vector.extract_strided_slice %get3A_45 {offsets = [11], sizes = [1], strides = [1]} : vector<16xf32> to vector<1xf32>
    %squeeze3A_519 = vector.extract %slice3A_518[0] : f32 from vector<1xf32>
    %slice3A_520 = vector.extract_strided_slice %get3A_45 {offsets = [12], sizes = [1], strides = [1]} : vector<16xf32> to vector<1xf32>
    %squeeze3A_521 = vector.extract %slice3A_520[0] : f32 from vector<1xf32>
    %slice3A_522 = vector.extract_strided_slice %get3A_45 {offsets = [13], sizes = [1], strides = [1]} : vector<16xf32> to vector<1xf32>
    %squeeze3A_523 = vector.extract %slice3A_522[0] : f32 from vector<1xf32>
    %slice3A_524 = vector.extract_strided_slice %get3A_45 {offsets = [14], sizes = [1], strides = [1]} : vector<16xf32> to vector<1xf32>
    %squeeze3A_525 = vector.extract %slice3A_524[0] : f32 from vector<1xf32>
    %slice3A_526 = vector.extract_strided_slice %get3A_45 {offsets = [15], sizes = [1], strides = [1]} : vector<16xf32> to vector<1xf32>
    %squeeze3A_527 = vector.extract %slice3A_526[0] : f32 from vector<1xf32>
    %slice3A_528 = vector.extract_strided_slice %get3A_47 {offsets = [0], sizes = [1], strides = [1]} : vector<16xf32> to vector<1xf32>
    %squeeze3A_529 = vector.extract %slice3A_528[0] : f32 from vector<1xf32>
    %slice3A_530 = vector.extract_strided_slice %get3A_47 {offsets = [1], sizes = [1], strides = [1]} : vector<16xf32> to vector<1xf32>
    %squeeze3A_531 = vector.extract %slice3A_530[0] : f32 from vector<1xf32>
    %slice3A_532 = vector.extract_strided_slice %get3A_47 {offsets = [2], sizes = [1], strides = [1]} : vector<16xf32> to vector<1xf32>
    %squeeze3A_533 = vector.extract %slice3A_532[0] : f32 from vector<1xf32>
    %slice3A_534 = vector.extract_strided_slice %get3A_47 {offsets = [3], sizes = [1], strides = [1]} : vector<16xf32> to vector<1xf32>
    %squeeze3A_535 = vector.extract %slice3A_534[0] : f32 from vector<1xf32>
    %slice3A_536 = vector.extract_strided_slice %get3A_47 {offsets = [4], sizes = [1], strides = [1]} : vector<16xf32> to vector<1xf32>
    %squeeze3A_537 = vector.extract %slice3A_536[0] : f32 from vector<1xf32>
    %slice3A_538 = vector.extract_strided_slice %get3A_47 {offsets = [5], sizes = [1], strides = [1]} : vector<16xf32> to vector<1xf32>
    %squeeze3A_539 = vector.extract %slice3A_538[0] : f32 from vector<1xf32>
    %slice3A_540 = vector.extract_strided_slice %get3A_47 {offsets = [6], sizes = [1], strides = [1]} : vector<16xf32> to vector<1xf32>
    %squeeze3A_541 = vector.extract %slice3A_540[0] : f32 from vector<1xf32>
    %slice3A_542 = vector.extract_strided_slice %get3A_47 {offsets = [7], sizes = [1], strides = [1]} : vector<16xf32> to vector<1xf32>
    %squeeze3A_543 = vector.extract %slice3A_542[0] : f32 from vector<1xf32>
    %slice3A_544 = vector.extract_strided_slice %get3A_47 {offsets = [8], sizes = [1], strides = [1]} : vector<16xf32> to vector<1xf32>
    %squeeze3A_545 = vector.extract %slice3A_544[0] : f32 from vector<1xf32>
    %slice3A_546 = vector.extract_strided_slice %get3A_47 {offsets = [9], sizes = [1], strides = [1]} : vector<16xf32> to vector<1xf32>
    %squeeze3A_547 = vector.extract %slice3A_546[0] : f32 from vector<1xf32>
    %slice3A_548 = vector.extract_strided_slice %get3A_47 {offsets = [10], sizes = [1], strides = [1]} : vector<16xf32> to vector<1xf32>
    %squeeze3A_549 = vector.extract %slice3A_548[0] : f32 from vector<1xf32>
    %slice3A_550 = vector.extract_strided_slice %get3A_47 {offsets = [11], sizes = [1], strides = [1]} : vector<16xf32> to vector<1xf32>
    %squeeze3A_551 = vector.extract %slice3A_550[0] : f32 from vector<1xf32>
    %slice3A_552 = vector.extract_strided_slice %get3A_47 {offsets = [12], sizes = [1], strides = [1]} : vector<16xf32> to vector<1xf32>
    %squeeze3A_553 = vector.extract %slice3A_552[0] : f32 from vector<1xf32>
    %slice3A_554 = vector.extract_strided_slice %get3A_47 {offsets = [13], sizes = [1], strides = [1]} : vector<16xf32> to vector<1xf32>
    %squeeze3A_555 = vector.extract %slice3A_554[0] : f32 from vector<1xf32>
    %slice3A_556 = vector.extract_strided_slice %get3A_47 {offsets = [14], sizes = [1], strides = [1]} : vector<16xf32> to vector<1xf32>
    %squeeze3A_557 = vector.extract %slice3A_556[0] : f32 from vector<1xf32>
    %slice3A_558 = vector.extract_strided_slice %get3A_47 {offsets = [15], sizes = [1], strides = [1]} : vector<16xf32> to vector<1xf32>
    %squeeze3A_559 = vector.extract %slice3A_558[0] : f32 from vector<1xf32>
    %slice3A_560 = vector.extract_strided_slice %get3A_49 {offsets = [0], sizes = [1], strides = [1]} : vector<16xf32> to vector<1xf32>
    %squeeze3A_561 = vector.extract %slice3A_560[0] : f32 from vector<1xf32>
    %slice3A_562 = vector.extract_strided_slice %get3A_49 {offsets = [1], sizes = [1], strides = [1]} : vector<16xf32> to vector<1xf32>
    %squeeze3A_563 = vector.extract %slice3A_562[0] : f32 from vector<1xf32>
    %slice3A_564 = vector.extract_strided_slice %get3A_49 {offsets = [2], sizes = [1], strides = [1]} : vector<16xf32> to vector<1xf32>
    %squeeze3A_565 = vector.extract %slice3A_564[0] : f32 from vector<1xf32>
    %slice3A_566 = vector.extract_strided_slice %get3A_49 {offsets = [3], sizes = [1], strides = [1]} : vector<16xf32> to vector<1xf32>
    %squeeze3A_567 = vector.extract %slice3A_566[0] : f32 from vector<1xf32>
    %slice3A_568 = vector.extract_strided_slice %get3A_49 {offsets = [4], sizes = [1], strides = [1]} : vector<16xf32> to vector<1xf32>
    %squeeze3A_569 = vector.extract %slice3A_568[0] : f32 from vector<1xf32>
    %slice3A_570 = vector.extract_strided_slice %get3A_49 {offsets = [5], sizes = [1], strides = [1]} : vector<16xf32> to vector<1xf32>
    %squeeze3A_571 = vector.extract %slice3A_570[0] : f32 from vector<1xf32>
    %slice3A_572 = vector.extract_strided_slice %get3A_49 {offsets = [6], sizes = [1], strides = [1]} : vector<16xf32> to vector<1xf32>
    %squeeze3A_573 = vector.extract %slice3A_572[0] : f32 from vector<1xf32>
    %slice3A_574 = vector.extract_strided_slice %get3A_49 {offsets = [7], sizes = [1], strides = [1]} : vector<16xf32> to vector<1xf32>
    %squeeze3A_575 = vector.extract %slice3A_574[0] : f32 from vector<1xf32>
    %mul3A_576 = arith.constant 16 : i32
    %mul3A_577 = arith.muli %select_n3A, %mul3A_576 : i32
    %multiple_of3A = tpu.assume_multiple %mul3A_577, 16 : i32
    %get3A_578 = arith.index_cast %multiple_of3A : i32 to index
    %get3A_579 = tpu.vector_load %arg13[%get3A_578] {strides = array<i32>} : memref<128xf32, #tpu.memory_space<vmem>>, vector<16xf32>,
    %slice3A_580 = vector.extract_strided_slice %get3A_579 {offsets = [0], sizes = [1], strides = [1]} : vector<16xf32> to vector<1xf32>
    %squeeze3A_581 = vector.extract %slice3A_580[0] : f32 from vector<1xf32>
    %slice3A_582 = vector.extract_strided_slice %get3A_579 {offsets = [1], sizes = [1], strides = [1]} : vector<16xf32> to vector<1xf32>
    %squeeze3A_583 = vector.extract %slice3A_582[0] : f32 from vector<1xf32>
    %slice3A_584 = vector.extract_strided_slice %get3A_579 {offsets = [2], sizes = [1], strides = [1]} : vector<16xf32> to vector<1xf32>
    %squeeze3A_585 = vector.extract %slice3A_584[0] : f32 from vector<1xf32>
    %slice3A_586 = vector.extract_strided_slice %get3A_579 {offsets = [3], sizes = [1], strides = [1]} : vector<16xf32> to vector<1xf32>
    %squeeze3A_587 = vector.extract %slice3A_586[0] : f32 from vector<1xf32>
    %slice3A_588 = vector.extract_strided_slice %get3A_579 {offsets = [4], sizes = [1], strides = [1]} : vector<16xf32> to vector<1xf32>
    %squeeze3A_589 = vector.extract %slice3A_588[0] : f32 from vector<1xf32>
    %slice3A_590 = vector.extract_strided_slice %get3A_579 {offsets = [5], sizes = [1], strides = [1]} : vector<16xf32> to vector<1xf32>
    %squeeze3A_591 = vector.extract %slice3A_590[0] : f32 from vector<1xf32>
    %slice3A_592 = vector.extract_strided_slice %get3A_579 {offsets = [6], sizes = [1], strides = [1]} : vector<16xf32> to vector<1xf32>
    %squeeze3A_593 = vector.extract %slice3A_592[0] : f32 from vector<1xf32>
    %slice3A_594 = vector.extract_strided_slice %get3A_579 {offsets = [7], sizes = [1], strides = [1]} : vector<16xf32> to vector<1xf32>
    %squeeze3A_595 = vector.extract %slice3A_594[0] : f32 from vector<1xf32>
    %slice3A_596 = vector.extract_strided_slice %get3A_579 {offsets = [8], sizes = [1], strides = [1]} : vector<16xf32> to vector<1xf32>
    %squeeze3A_597 = vector.extract %slice3A_596[0] : f32 from vector<1xf32>
    %slice3A_598 = vector.extract_strided_slice %get3A_579 {offsets = [9], sizes = [1], strides = [1]} : vector<16xf32> to vector<1xf32>
    %squeeze3A_599 = vector.extract %slice3A_598[0] : f32 from vector<1xf32>
    %slice3A_600 = vector.extract_strided_slice %get3A_579 {offsets = [10], sizes = [1], strides = [1]} : vector<16xf32> to vector<1xf32>
    %squeeze3A_601 = vector.extract %slice3A_600[0] : f32 from vector<1xf32>
    %broadcast_in_dim3A = arith.constant 8192 : i32
    %broadcast_in_dim3A_602 = vector.broadcast %broadcast_in_dim3A : i32 to vector<16xi32>
    %broadcast_in_dim3A_603 = arith.constant 0.000000e+00 : f32
    %broadcast_in_dim3A_604 = vector.broadcast %broadcast_in_dim3A_603 : f32 to vector<16xf32>
    %broadcast_in_dim3A_605 = arith.constant 0.000000e+00 : bf16
    %broadcast_in_dim3A_606 = vector.broadcast %broadcast_in_dim3A_605 : bf16 to vector<32xbf16>
    %scan3A = arith.constant 0 : i32
    %scan3A_607 = arith.constant 0 : i32
    %scan3A_608 = arith.constant 32 : i32
    %scan3A_609 = arith.addi %scan3A_607, %scan3A_608 : i32
    %scan3A_610 = arith.constant 1 : i32
    scf.for %scan3A_612 = %scan3A_607 to %scan3A_609 step %scan3A_610  : i32 {
      %mul3A_613 = arith.constant 16 : i32
      %mul3A_614 = arith.muli %scan3A_612, %mul3A_613 : i32
      %multiple_of3A_615 = tpu.assume_multiple %mul3A_614, 16 : i32
      %get3A_616 = arith.index_cast %multiple_of3A_615 : i32 to index
      %get3A_617 = tpu.vector_load %arg11[%get3A_616] {strides = array<i32>} : memref<512xi32, #tpu.memory_space<vmem>>, vector<16xi32>,
      %add3A_618 = arith.addi %get3A_617, %broadcast_in_dim3A_602 : vector<16xi32>
      %add3A_619 = arith.addi %add3A_618, %broadcast_in_dim3A_602 : vector<16xi32>
      %gather3A = tpu.vector_load_idx %arg9[%get3A_617] : memref<24576xf32, #tpu.memory_space<vmem>>[vector<16xi32>], vector<16xf32>,
      %gather3A_620 = tpu.vector_load_idx %arg9[%add3A_618] : memref<24576xf32, #tpu.memory_space<vmem>>[vector<16xi32>], vector<16xf32>,
      %gather3A_621 = tpu.vector_load_idx %arg9[%add3A_619] : memref<24576xf32, #tpu.memory_space<vmem>>[vector<16xi32>], vector<16xf32>,
      %scan3A_622 = arith.constant 0 : i32
      %scan3A_623 = arith.constant 0 : i32
      %scan3A_624 = arith.constant 8 : i32
      %scan3A_625 = arith.addi %scan3A_623, %scan3A_624 : i32
      %scan3A_626 = arith.constant 1 : i32
      scf.for %scan3A_1514 = %scan3A_623 to %scan3A_625 step %scan3A_626  : i32 {
        %mul3A_1515 = arith.constant 4 : i32
        %mul3A_1516 = arith.muli %scan3A_1514, %mul3A_1515 : i32
        %add3A_1517 = arith.constant 0 : i32
        %add3A_1518 = arith.addi %mul3A_1516, %add3A_1517 : i32
        %mul3A_1519 = arith.constant 512 : i32
        %mul3A_1520 = arith.muli %add3A_1518, %mul3A_1519 : i32
        %multiple_of3A_1521 = tpu.assume_multiple %mul3A_1520, 16 : i32
        %add3A_1522 = arith.addi %multiple_of3A_1521, %multiple_of3A_615 : i32
        %get3A_1523 = arith.index_cast %add3A_1522 : i32 to index
        %get3A_1524 = tpu.vector_load %arg10[%get3A_1523] {strides = array<i32>} : memref<16384xi32, #tpu.memory_space<vmem>>, vector<16xi32>,
        %add3A_1525 = arith.addi %get3A_1524, %broadcast_in_dim3A_602 : vector<16xi32>
        %add3A_1526 = arith.addi %add3A_1525, %broadcast_in_dim3A_602 : vector<16xi32>
        %gather3A_1527 = tpu.vector_load_idx %arg9[%get3A_1524] : memref<24576xf32, #tpu.memory_space<vmem>>[vector<16xi32>], vector<16xf32>,
        %gather3A_1528 = tpu.vector_load_idx %arg9[%add3A_1525] : memref<24576xf32, #tpu.memory_space<vmem>>[vector<16xi32>], vector<16xf32>,
        %gather3A_1529 = tpu.vector_load_idx %arg9[%add3A_1526] : memref<24576xf32, #tpu.memory_space<vmem>>[vector<16xi32>], vector<16xf32>,
        %sub3A_1530 = arith.subf %gather3A_1527, %gather3A : vector<16xf32>
        %sub3A_1531 = arith.subf %gather3A_1528, %gather3A_620 : vector<16xf32>
        %sub3A_1532 = arith.subf %gather3A_1529, %gather3A_621 : vector<16xf32>
        %add3A_1533 = arith.constant 1 : i32
        %add3A_1534 = arith.addi %mul3A_1516, %add3A_1533 : i32
        %mul3A_1535 = arith.constant 512 : i32
        %mul3A_1536 = arith.muli %add3A_1534, %mul3A_1535 : i32
        %multiple_of3A_1537 = tpu.assume_multiple %mul3A_1536, 16 : i32
        %add3A_1538 = arith.addi %multiple_of3A_1537, %multiple_of3A_615 : i32
        %get3A_1539 = arith.index_cast %add3A_1538 : i32 to index
        %get3A_1540 = tpu.vector_load %arg10[%get3A_1539] {strides = array<i32>} : memref<16384xi32, #tpu.memory_space<vmem>>, vector<16xi32>,
        %add3A_1541 = arith.addi %get3A_1540, %broadcast_in_dim3A_602 : vector<16xi32>
        %add3A_1542 = arith.addi %add3A_1541, %broadcast_in_dim3A_602 : vector<16xi32>
        %gather3A_1543 = tpu.vector_load_idx %arg9[%get3A_1540] : memref<24576xf32, #tpu.memory_space<vmem>>[vector<16xi32>], vector<16xf32>,
        %gather3A_1544 = tpu.vector_load_idx %arg9[%add3A_1541] : memref<24576xf32, #tpu.memory_space<vmem>>[vector<16xi32>], vector<16xf32>,
        %gather3A_1545 = tpu.vector_load_idx %arg9[%add3A_1542] : memref<24576xf32, #tpu.memory_space<vmem>>[vector<16xi32>], vector<16xf32>,
        %sub3A_1546 = arith.subf %gather3A_1543, %gather3A : vector<16xf32>
        %sub3A_1547 = arith.subf %gather3A_1544, %gather3A_620 : vector<16xf32>
        %sub3A_1548 = arith.subf %gather3A_1545, %gather3A_621 : vector<16xf32>
        %add3A_1549 = arith.constant 2 : i32
        %add3A_1550 = arith.addi %mul3A_1516, %add3A_1549 : i32
        %mul3A_1551 = arith.constant 512 : i32
        %mul3A_1552 = arith.muli %add3A_1550, %mul3A_1551 : i32
        %multiple_of3A_1553 = tpu.assume_multiple %mul3A_1552, 16 : i32
        %add3A_1554 = arith.addi %multiple_of3A_1553, %multiple_of3A_615 : i32
        %get3A_1555 = arith.index_cast %add3A_1554 : i32 to index
        %get3A_1556 = tpu.vector_load %arg10[%get3A_1555] {strides = array<i32>} : memref<16384xi32, #tpu.memory_space<vmem>>, vector<16xi32>,
        %add3A_1557 = arith.addi %get3A_1556, %broadcast_in_dim3A_602 : vector<16xi32>
        %add3A_1558 = arith.addi %add3A_1557, %broadcast_in_dim3A_602 : vector<16xi32>
        %gather3A_1559 = tpu.vector_load_idx %arg9[%get3A_1556] : memref<24576xf32, #tpu.memory_space<vmem>>[vector<16xi32>], vector<16xf32>,
        %gather3A_1560 = tpu.vector_load_idx %arg9[%add3A_1557] : memref<24576xf32, #tpu.memory_space<vmem>>[vector<16xi32>], vector<16xf32>,
        %gather3A_1561 = tpu.vector_load_idx %arg9[%add3A_1558] : memref<24576xf32, #tpu.memory_space<vmem>>[vector<16xi32>], vector<16xf32>,
        %sub3A_1562 = arith.subf %gather3A_1559, %gather3A : vector<16xf32>
        %sub3A_1563 = arith.subf %gather3A_1560, %gather3A_620 : vector<16xf32>
        %sub3A_1564 = arith.subf %gather3A_1561, %gather3A_621 : vector<16xf32>
        %add3A_1565 = arith.constant 3 : i32
        %add3A_1566 = arith.addi %mul3A_1516, %add3A_1565 : i32
        %mul3A_1567 = arith.constant 512 : i32
        %mul3A_1568 = arith.muli %add3A_1566, %mul3A_1567 : i32
        %multiple_of3A_1569 = tpu.assume_multiple %mul3A_1568, 16 : i32
        %add3A_1570 = arith.addi %multiple_of3A_1569, %multiple_of3A_615 : i32
        %get3A_1571 = arith.index_cast %add3A_1570 : i32 to index
        %get3A_1572 = tpu.vector_load %arg10[%get3A_1571] {strides = array<i32>} : memref<16384xi32, #tpu.memory_space<vmem>>, vector<16xi32>,
        %add3A_1573 = arith.addi %get3A_1572, %broadcast_in_dim3A_602 : vector<16xi32>
        %add3A_1574 = arith.addi %add3A_1573, %broadcast_in_dim3A_602 : vector<16xi32>
        %gather3A_1575 = tpu.vector_load_idx %arg9[%get3A_1572] : memref<24576xf32, #tpu.memory_space<vmem>>[vector<16xi32>], vector<16xf32>,
        %gather3A_1576 = tpu.vector_load_idx %arg9[%add3A_1573] : memref<24576xf32, #tpu.memory_space<vmem>>[vector<16xi32>], vector<16xf32>,
        %gather3A_1577 = tpu.vector_load_idx %arg9[%add3A_1574] : memref<24576xf32, #tpu.memory_space<vmem>>[vector<16xi32>], vector<16xf32>,
        %sub3A_1578 = arith.subf %gather3A_1575, %gather3A : vector<16xf32>
        %sub3A_1579 = arith.subf %gather3A_1576, %gather3A_620 : vector<16xf32>
        %sub3A_1580 = arith.subf %gather3A_1577, %gather3A_621 : vector<16xf32>
        %mul3A_1581 = arith.constant 256 : i32
        %mul3A_1582 = arith.muli %scan3A_1514, %mul3A_1581 : i32
        %multiple_of3A_1583 = tpu.assume_multiple %mul3A_1582, 256 : i32
        %mul3A_1584 = vector.broadcast %squeeze3A : f32 to vector<16xf32>
        %mul3A_1585 = arith.mulf %sub3A_1530, %mul3A_1584 : vector<16xf32>
        %mul3A_1586 = vector.broadcast %squeeze3A_65 : f32 to vector<16xf32>
        %mul3A_1587 = arith.mulf %sub3A_1531, %mul3A_1586 : vector<16xf32>
        %add3A_1588 = arith.addf %mul3A_1585, %mul3A_1587 : vector<16xf32>
        %mul3A_1589 = vector.broadcast %squeeze3A_81 : f32 to vector<16xf32>
        %mul3A_1590 = arith.mulf %sub3A_1532, %mul3A_1589 : vector<16xf32>
        %add3A_1591 = arith.addf %add3A_1588, %mul3A_1590 : vector<16xf32>
        %max3A_1592 = arith.constant 0.000000e+00 : f32
        %max3A_1593 = vector.broadcast %max3A_1592 : f32 to vector<16xf32>
        %max3A_1594 = arith.maximumf %add3A_1591, %max3A_1593 : vector<16xf32>
        %mul3A_1595 = vector.broadcast %squeeze3A : f32 to vector<16xf32>
        %mul3A_1596 = arith.mulf %sub3A_1546, %mul3A_1595 : vector<16xf32>
        %mul3A_1597 = vector.broadcast %squeeze3A_65 : f32 to vector<16xf32>
        %mul3A_1598 = arith.mulf %sub3A_1547, %mul3A_1597 : vector<16xf32>
        %add3A_1599 = arith.addf %mul3A_1596, %mul3A_1598 : vector<16xf32>
        %mul3A_1600 = vector.broadcast %squeeze3A_81 : f32 to vector<16xf32>
        %mul3A_1601 = arith.mulf %sub3A_1548, %mul3A_1600 : vector<16xf32>
        %add3A_1602 = arith.addf %add3A_1599, %mul3A_1601 : vector<16xf32>
        %max3A_1603 = arith.constant 0.000000e+00 : f32
        %max3A_1604 = vector.broadcast %max3A_1603 : f32 to vector<16xf32>
        %max3A_1605 = arith.maximumf %add3A_1602, %max3A_1604 : vector<16xf32>
        %mul3A_1606 = vector.broadcast %squeeze3A : f32 to vector<16xf32>
        %mul3A_1607 = arith.mulf %sub3A_1562, %mul3A_1606 : vector<16xf32>
        %mul3A_1608 = vector.broadcast %squeeze3A_65 : f32 to vector<16xf32>
        %mul3A_1609 = arith.mulf %sub3A_1563, %mul3A_1608 : vector<16xf32>
        %add3A_1610 = arith.addf %mul3A_1607, %mul3A_1609 : vector<16xf32>
        %mul3A_1611 = vector.broadcast %squeeze3A_81 : f32 to vector<16xf32>
        %mul3A_1612 = arith.mulf %sub3A_1564, %mul3A_1611 : vector<16xf32>
        %add3A_1613 = arith.addf %add3A_1610, %mul3A_1612 : vector<16xf32>
        %max3A_1614 = arith.constant 0.000000e+00 : f32
        %max3A_1615 = vector.broadcast %max3A_1614 : f32 to vector<16xf32>
        %max3A_1616 = arith.maximumf %add3A_1613, %max3A_1615 : vector<16xf32>
        %mul3A_1617 = vector.broadcast %squeeze3A : f32 to vector<16xf32>
        %mul3A_1618 = arith.mulf %sub3A_1578, %mul3A_1617 : vector<16xf32>
        %mul3A_1619 = vector.broadcast %squeeze3A_65 : f32 to vector<16xf32>
        %mul3A_1620 = arith.mulf %sub3A_1579, %mul3A_1619 : vector<16xf32>
        %add3A_1621 = arith.addf %mul3A_1618, %mul3A_1620 : vector<16xf32>
        %mul3A_1622 = vector.broadcast %squeeze3A_81 : f32 to vector<16xf32>
        %mul3A_1623 = arith.mulf %sub3A_1580, %mul3A_1622 : vector<16xf32>
        %add3A_1624 = arith.addf %add3A_1621, %mul3A_1623 : vector<16xf32>
        %max3A_1625 = arith.constant 0.000000e+00 : f32
        %max3A_1626 = vector.broadcast %max3A_1625 : f32 to vector<16xf32>
        %max3A_1627 = arith.maximumf %add3A_1624, %max3A_1626 : vector<16xf32>
        %pack3A = tpu.pack_subelements %max3A_1594, %max3A_1605 {pack_format = #tpu.pack_format<interleaved>, positions = array<i32: 0, 1>} : vector<16xf32>, vector<16xf32> -> vector<32xbf16>
        %bitcast3A_1628 = vector.bitcast %pack3A : vector<32xbf16> to vector<16xi32>
        %add3A_1629 = arith.constant 0 : i32
        %add3A_1630 = arith.addi %multiple_of3A_1583, %add3A_1629 : i32
        %swap3A_1631 = arith.index_cast %add3A_1630 : i32 to index
        %swap3A_1632 = tpu.vector_load %arg15[%swap3A_1631] {strides = array<i32>} : memref<2048xi32, #tpu.memory_space<vmem>>, vector<16xi32>,
        tpu.vector_store %arg15[%swap3A_1631], %bitcast3A_1628 {strides = array<i32>} : memref<2048xi32, #tpu.memory_space<vmem>>, vector<16xi32>,
        %pack3A_1633 = tpu.pack_subelements %max3A_1616, %max3A_1627 {pack_format = #tpu.pack_format<interleaved>, positions = array<i32: 0, 1>} : vector<16xf32>, vector<16xf32> -> vector<32xbf16>
        %bitcast3A_1634 = vector.bitcast %pack3A_1633 : vector<32xbf16> to vector<16xi32>
        %add3A_1635 = arith.constant 128 : i32
        %add3A_1636 = arith.addi %multiple_of3A_1583, %add3A_1635 : i32
        %swap3A_1637 = arith.index_cast %add3A_1636 : i32 to index
        %swap3A_1638 = tpu.vector_load %arg15[%swap3A_1637] {strides = array<i32>} : memref<2048xi32, #tpu.memory_space<vmem>>, vector<16xi32>,
        tpu.vector_store %arg15[%swap3A_1637], %bitcast3A_1634 {strides = array<i32>} : memref<2048xi32, #tpu.memory_space<vmem>>, vector<16xi32>,
        %mul3A_1639 = vector.broadcast %squeeze3A_51 : f32 to vector<16xf32>
        %mul3A_1640 = arith.mulf %sub3A_1530, %mul3A_1639 : vector<16xf32>
        %mul3A_1641 = vector.broadcast %squeeze3A_67 : f32 to vector<16xf32>
        %mul3A_1642 = arith.mulf %sub3A_1531, %mul3A_1641 : vector<16xf32>
        %add3A_1643 = arith.addf %mul3A_1640, %mul3A_1642 : vector<16xf32>
        %mul3A_1644 = vector.broadcast %squeeze3A_83 : f32 to vector<16xf32>
        %mul3A_1645 = arith.mulf %sub3A_1532, %mul3A_1644 : vector<16xf32>
        %add3A_1646 = arith.addf %add3A_1643, %mul3A_1645 : vector<16xf32>
        %max3A_1647 = arith.constant 0.000000e+00 : f32
        %max3A_1648 = vector.broadcast %max3A_1647 : f32 to vector<16xf32>
        %max3A_1649 = arith.maximumf %add3A_1646, %max3A_1648 : vector<16xf32>
        %mul3A_1650 = vector.broadcast %squeeze3A_51 : f32 to vector<16xf32>
        %mul3A_1651 = arith.mulf %sub3A_1546, %mul3A_1650 : vector<16xf32>
        %mul3A_1652 = vector.broadcast %squeeze3A_67 : f32 to vector<16xf32>
        %mul3A_1653 = arith.mulf %sub3A_1547, %mul3A_1652 : vector<16xf32>
        %add3A_1654 = arith.addf %mul3A_1651, %mul3A_1653 : vector<16xf32>
        %mul3A_1655 = vector.broadcast %squeeze3A_83 : f32 to vector<16xf32>
        %mul3A_1656 = arith.mulf %sub3A_1548, %mul3A_1655 : vector<16xf32>
        %add3A_1657 = arith.addf %add3A_1654, %mul3A_1656 : vector<16xf32>
        %max3A_1658 = arith.constant 0.000000e+00 : f32
        %max3A_1659 = vector.broadcast %max3A_1658 : f32 to vector<16xf32>
        %max3A_1660 = arith.maximumf %add3A_1657, %max3A_1659 : vector<16xf32>
        %mul3A_1661 = vector.broadcast %squeeze3A_51 : f32 to vector<16xf32>
        %mul3A_1662 = arith.mulf %sub3A_1562, %mul3A_1661 : vector<16xf32>
        %mul3A_1663 = vector.broadcast %squeeze3A_67 : f32 to vector<16xf32>
        %mul3A_1664 = arith.mulf %sub3A_1563, %mul3A_1663 : vector<16xf32>
        %add3A_1665 = arith.addf %mul3A_1662, %mul3A_1664 : vector<16xf32>
        %mul3A_1666 = vector.broadcast %squeeze3A_83 : f32 to vector<16xf32>
        %mul3A_1667 = arith.mulf %sub3A_1564, %mul3A_1666 : vector<16xf32>
        %add3A_1668 = arith.addf %add3A_1665, %mul3A_1667 : vector<16xf32>
        %max3A_1669 = arith.constant 0.000000e+00 : f32
        %max3A_1670 = vector.broadcast %max3A_1669 : f32 to vector<16xf32>
        %max3A_1671 = arith.maximumf %add3A_1668, %max3A_1670 : vector<16xf32>
        %mul3A_1672 = vector.broadcast %squeeze3A_51 : f32 to vector<16xf32>
        %mul3A_1673 = arith.mulf %sub3A_1578, %mul3A_1672 : vector<16xf32>
        %mul3A_1674 = vector.broadcast %squeeze3A_67 : f32 to vector<16xf32>
        %mul3A_1675 = arith.mulf %sub3A_1579, %mul3A_1674 : vector<16xf32>
        %add3A_1676 = arith.addf %mul3A_1673, %mul3A_1675 : vector<16xf32>
        %mul3A_1677 = vector.broadcast %squeeze3A_83 : f32 to vector<16xf32>
        %mul3A_1678 = arith.mulf %sub3A_1580, %mul3A_1677 : vector<16xf32>
        %add3A_1679 = arith.addf %add3A_1676, %mul3A_1678 : vector<16xf32>
        %max3A_1680 = arith.constant 0.000000e+00 : f32
        %max3A_1681 = vector.broadcast %max3A_1680 : f32 to vector<16xf32>
        %max3A_1682 = arith.maximumf %add3A_1679, %max3A_1681 : vector<16xf32>
        %pack3A_1683 = tpu.pack_subelements %max3A_1649, %max3A_1660 {pack_format = #tpu.pack_format<interleaved>, positions = array<i32: 0, 1>} : vector<16xf32>, vector<16xf32> -> vector<32xbf16>
        %bitcast3A_1684 = vector.bitcast %pack3A_1683 : vector<32xbf16> to vector<16xi32>
        %add3A_1685 = arith.constant 16 : i32
        %add3A_1686 = arith.addi %multiple_of3A_1583, %add3A_1685 : i32
        %swap3A_1687 = arith.index_cast %add3A_1686 : i32 to index
        %swap3A_1688 = tpu.vector_load %arg15[%swap3A_1687] {strides = array<i32>} : memref<2048xi32, #tpu.memory_space<vmem>>, vector<16xi32>,
        tpu.vector_store %arg15[%swap3A_1687], %bitcast3A_1684 {strides = array<i32>} : memref<2048xi32, #tpu.memory_space<vmem>>, vector<16xi32>,
        %pack3A_1689 = tpu.pack_subelements %max3A_1671, %max3A_1682 {pack_format = #tpu.pack_format<interleaved>, positions = array<i32: 0, 1>} : vector<16xf32>, vector<16xf32> -> vector<32xbf16>
        %bitcast3A_1690 = vector.bitcast %pack3A_1689 : vector<32xbf16> to vector<16xi32>
        %add3A_1691 = arith.constant 144 : i32
        %add3A_1692 = arith.addi %multiple_of3A_1583, %add3A_1691 : i32
        %swap3A_1693 = arith.index_cast %add3A_1692 : i32 to index
        %swap3A_1694 = tpu.vector_load %arg15[%swap3A_1693] {strides = array<i32>} : memref<2048xi32, #tpu.memory_space<vmem>>, vector<16xi32>,
        tpu.vector_store %arg15[%swap3A_1693], %bitcast3A_1690 {strides = array<i32>} : memref<2048xi32, #tpu.memory_space<vmem>>, vector<16xi32>,
        %mul3A_1695 = vector.broadcast %squeeze3A_53 : f32 to vector<16xf32>
        %mul3A_1696 = arith.mulf %sub3A_1530, %mul3A_1695 : vector<16xf32>
        %mul3A_1697 = vector.broadcast %squeeze3A_69 : f32 to vector<16xf32>
        %mul3A_1698 = arith.mulf %sub3A_1531, %mul3A_1697 : vector<16xf32>
        %add3A_1699 = arith.addf %mul3A_1696, %mul3A_1698 : vector<16xf32>
        %mul3A_1700 = vector.broadcast %squeeze3A_85 : f32 to vector<16xf32>
        %mul3A_1701 = arith.mulf %sub3A_1532, %mul3A_1700 : vector<16xf32>
        %add3A_1702 = arith.addf %add3A_1699, %mul3A_1701 : vector<16xf32>
        %max3A_1703 = arith.constant 0.000000e+00 : f32
        %max3A_1704 = vector.broadcast %max3A_1703 : f32 to vector<16xf32>
        %max3A_1705 = arith.maximumf %add3A_1702, %max3A_1704 : vector<16xf32>
        %mul3A_1706 = vector.broadcast %squeeze3A_53 : f32 to vector<16xf32>
        %mul3A_1707 = arith.mulf %sub3A_1546, %mul3A_1706 : vector<16xf32>
        %mul3A_1708 = vector.broadcast %squeeze3A_69 : f32 to vector<16xf32>
        %mul3A_1709 = arith.mulf %sub3A_1547, %mul3A_1708 : vector<16xf32>
        %add3A_1710 = arith.addf %mul3A_1707, %mul3A_1709 : vector<16xf32>
        %mul3A_1711 = vector.broadcast %squeeze3A_85 : f32 to vector<16xf32>
        %mul3A_1712 = arith.mulf %sub3A_1548, %mul3A_1711 : vector<16xf32>
        %add3A_1713 = arith.addf %add3A_1710, %mul3A_1712 : vector<16xf32>
        %max3A_1714 = arith.constant 0.000000e+00 : f32
        %max3A_1715 = vector.broadcast %max3A_1714 : f32 to vector<16xf32>
        %max3A_1716 = arith.maximumf %add3A_1713, %max3A_1715 : vector<16xf32>
        %mul3A_1717 = vector.broadcast %squeeze3A_53 : f32 to vector<16xf32>
        %mul3A_1718 = arith.mulf %sub3A_1562, %mul3A_1717 : vector<16xf32>
        %mul3A_1719 = vector.broadcast %squeeze3A_69 : f32 to vector<16xf32>
        %mul3A_1720 = arith.mulf %sub3A_1563, %mul3A_1719 : vector<16xf32>
        %add3A_1721 = arith.addf %mul3A_1718, %mul3A_1720 : vector<16xf32>
        %mul3A_1722 = vector.broadcast %squeeze3A_85 : f32 to vector<16xf32>
        %mul3A_1723 = arith.mulf %sub3A_1564, %mul3A_1722 : vector<16xf32>
        %add3A_1724 = arith.addf %add3A_1721, %mul3A_1723 : vector<16xf32>
        %max3A_1725 = arith.constant 0.000000e+00 : f32
        %max3A_1726 = vector.broadcast %max3A_1725 : f32 to vector<16xf32>
        %max3A_1727 = arith.maximumf %add3A_1724, %max3A_1726 : vector<16xf32>
        %mul3A_1728 = vector.broadcast %squeeze3A_53 : f32 to vector<16xf32>
        %mul3A_1729 = arith.mulf %sub3A_1578, %mul3A_1728 : vector<16xf32>
        %mul3A_1730 = vector.broadcast %squeeze3A_69 : f32 to vector<16xf32>
        %mul3A_1731 = arith.mulf %sub3A_1579, %mul3A_1730 : vector<16xf32>
        %add3A_1732 = arith.addf %mul3A_1729, %mul3A_1731 : vector<16xf32>
        %mul3A_1733 = vector.broadcast %squeeze3A_85 : f32 to vector<16xf32>
        %mul3A_1734 = arith.mulf %sub3A_1580, %mul3A_1733 : vector<16xf32>
        %add3A_1735 = arith.addf %add3A_1732, %mul3A_1734 : vector<16xf32>
        %max3A_1736 = arith.constant 0.000000e+00 : f32
        %max3A_1737 = vector.broadcast %max3A_1736 : f32 to vector<16xf32>
        %max3A_1738 = arith.maximumf %add3A_1735, %max3A_1737 : vector<16xf32>
        %pack3A_1739 = tpu.pack_subelements %max3A_1705, %max3A_1716 {pack_format = #tpu.pack_format<interleaved>, positions = array<i32: 0, 1>} : vector<16xf32>, vector<16xf32> -> vector<32xbf16>
        %bitcast3A_1740 = vector.bitcast %pack3A_1739 : vector<32xbf16> to vector<16xi32>
        %add3A_1741 = arith.constant 32 : i32
        %add3A_1742 = arith.addi %multiple_of3A_1583, %add3A_1741 : i32
        %swap3A_1743 = arith.index_cast %add3A_1742 : i32 to index
        %swap3A_1744 = tpu.vector_load %arg15[%swap3A_1743] {strides = array<i32>} : memref<2048xi32, #tpu.memory_space<vmem>>, vector<16xi32>,
        tpu.vector_store %arg15[%swap3A_1743], %bitcast3A_1740 {strides = array<i32>} : memref<2048xi32, #tpu.memory_space<vmem>>, vector<16xi32>,
        %pack3A_1745 = tpu.pack_subelements %max3A_1727, %max3A_1738 {pack_format = #tpu.pack_format<interleaved>, positions = array<i32: 0, 1>} : vector<16xf32>, vector<16xf32> -> vector<32xbf16>
        %bitcast3A_1746 = vector.bitcast %pack3A_1745 : vector<32xbf16> to vector<16xi32>
        %add3A_1747 = arith.constant 160 : i32
        %add3A_1748 = arith.addi %multiple_of3A_1583, %add3A_1747 : i32
        %swap3A_1749 = arith.index_cast %add3A_1748 : i32 to index
        %swap3A_1750 = tpu.vector_load %arg15[%swap3A_1749] {strides = array<i32>} : memref<2048xi32, #tpu.memory_space<vmem>>, vector<16xi32>,
        tpu.vector_store %arg15[%swap3A_1749], %bitcast3A_1746 {strides = array<i32>} : memref<2048xi32, #tpu.memory_space<vmem>>, vector<16xi32>,
        %mul3A_1751 = vector.broadcast %squeeze3A_55 : f32 to vector<16xf32>
        %mul3A_1752 = arith.mulf %sub3A_1530, %mul3A_1751 : vector<16xf32>
        %mul3A_1753 = vector.broadcast %squeeze3A_71 : f32 to vector<16xf32>
        %mul3A_1754 = arith.mulf %sub3A_1531, %mul3A_1753 : vector<16xf32>
        %add3A_1755 = arith.addf %mul3A_1752, %mul3A_1754 : vector<16xf32>
        %mul3A_1756 = vector.broadcast %squeeze3A_87 : f32 to vector<16xf32>
        %mul3A_1757 = arith.mulf %sub3A_1532, %mul3A_1756 : vector<16xf32>
        %add3A_1758 = arith.addf %add3A_1755, %mul3A_1757 : vector<16xf32>
        %max3A_1759 = arith.constant 0.000000e+00 : f32
        %max3A_1760 = vector.broadcast %max3A_1759 : f32 to vector<16xf32>
        %max3A_1761 = arith.maximumf %add3A_1758, %max3A_1760 : vector<16xf32>
        %mul3A_1762 = vector.broadcast %squeeze3A_55 : f32 to vector<16xf32>
        %mul3A_1763 = arith.mulf %sub3A_1546, %mul3A_1762 : vector<16xf32>
        %mul3A_1764 = vector.broadcast %squeeze3A_71 : f32 to vector<16xf32>
        %mul3A_1765 = arith.mulf %sub3A_1547, %mul3A_1764 : vector<16xf32>
        %add3A_1766 = arith.addf %mul3A_1763, %mul3A_1765 : vector<16xf32>
        %mul3A_1767 = vector.broadcast %squeeze3A_87 : f32 to vector<16xf32>
        %mul3A_1768 = arith.mulf %sub3A_1548, %mul3A_1767 : vector<16xf32>
        %add3A_1769 = arith.addf %add3A_1766, %mul3A_1768 : vector<16xf32>
        %max3A_1770 = arith.constant 0.000000e+00 : f32
        %max3A_1771 = vector.broadcast %max3A_1770 : f32 to vector<16xf32>
        %max3A_1772 = arith.maximumf %add3A_1769, %max3A_1771 : vector<16xf32>
        %mul3A_1773 = vector.broadcast %squeeze3A_55 : f32 to vector<16xf32>
        %mul3A_1774 = arith.mulf %sub3A_1562, %mul3A_1773 : vector<16xf32>
        %mul3A_1775 = vector.broadcast %squeeze3A_71 : f32 to vector<16xf32>
        %mul3A_1776 = arith.mulf %sub3A_1563, %mul3A_1775 : vector<16xf32>
        %add3A_1777 = arith.addf %mul3A_1774, %mul3A_1776 : vector<16xf32>
        %mul3A_1778 = vector.broadcast %squeeze3A_87 : f32 to vector<16xf32>
        %mul3A_1779 = arith.mulf %sub3A_1564, %mul3A_1778 : vector<16xf32>
        %add3A_1780 = arith.addf %add3A_1777, %mul3A_1779 : vector<16xf32>
        %max3A_1781 = arith.constant 0.000000e+00 : f32
        %max3A_1782 = vector.broadcast %max3A_1781 : f32 to vector<16xf32>
        %max3A_1783 = arith.maximumf %add3A_1780, %max3A_1782 : vector<16xf32>
        %mul3A_1784 = vector.broadcast %squeeze3A_55 : f32 to vector<16xf32>
        %mul3A_1785 = arith.mulf %sub3A_1578, %mul3A_1784 : vector<16xf32>
        %mul3A_1786 = vector.broadcast %squeeze3A_71 : f32 to vector<16xf32>
        %mul3A_1787 = arith.mulf %sub3A_1579, %mul3A_1786 : vector<16xf32>
        %add3A_1788 = arith.addf %mul3A_1785, %mul3A_1787 : vector<16xf32>
        %mul3A_1789 = vector.broadcast %squeeze3A_87 : f32 to vector<16xf32>
        %mul3A_1790 = arith.mulf %sub3A_1580, %mul3A_1789 : vector<16xf32>
        %add3A_1791 = arith.addf %add3A_1788, %mul3A_1790 : vector<16xf32>
        %max3A_1792 = arith.constant 0.000000e+00 : f32
        %max3A_1793 = vector.broadcast %max3A_1792 : f32 to vector<16xf32>
        %max3A_1794 = arith.maximumf %add3A_1791, %max3A_1793 : vector<16xf32>
        %pack3A_1795 = tpu.pack_subelements %max3A_1761, %max3A_1772 {pack_format = #tpu.pack_format<interleaved>, positions = array<i32: 0, 1>} : vector<16xf32>, vector<16xf32> -> vector<32xbf16>
        %bitcast3A_1796 = vector.bitcast %pack3A_1795 : vector<32xbf16> to vector<16xi32>
        %add3A_1797 = arith.constant 48 : i32
        %add3A_1798 = arith.addi %multiple_of3A_1583, %add3A_1797 : i32
        %swap3A_1799 = arith.index_cast %add3A_1798 : i32 to index
        %swap3A_1800 = tpu.vector_load %arg15[%swap3A_1799] {strides = array<i32>} : memref<2048xi32, #tpu.memory_space<vmem>>, vector<16xi32>,
        tpu.vector_store %arg15[%swap3A_1799], %bitcast3A_1796 {strides = array<i32>} : memref<2048xi32, #tpu.memory_space<vmem>>, vector<16xi32>,
        %pack3A_1801 = tpu.pack_subelements %max3A_1783, %max3A_1794 {pack_format = #tpu.pack_format<interleaved>, positions = array<i32: 0, 1>} : vector<16xf32>, vector<16xf32> -> vector<32xbf16>
        %bitcast3A_1802 = vector.bitcast %pack3A_1801 : vector<32xbf16> to vector<16xi32>
        %add3A_1803 = arith.constant 176 : i32
        %add3A_1804 = arith.addi %multiple_of3A_1583, %add3A_1803 : i32
        %swap3A_1805 = arith.index_cast %add3A_1804 : i32 to index
        %swap3A_1806 = tpu.vector_load %arg15[%swap3A_1805] {strides = array<i32>} : memref<2048xi32, #tpu.memory_space<vmem>>, vector<16xi32>,
        tpu.vector_store %arg15[%swap3A_1805], %bitcast3A_1802 {strides = array<i32>} : memref<2048xi32, #tpu.memory_space<vmem>>, vector<16xi32>,
        %mul3A_1807 = vector.broadcast %squeeze3A_57 : f32 to vector<16xf32>
        %mul3A_1808 = arith.mulf %sub3A_1530, %mul3A_1807 : vector<16xf32>
        %mul3A_1809 = vector.broadcast %squeeze3A_73 : f32 to vector<16xf32>
        %mul3A_1810 = arith.mulf %sub3A_1531, %mul3A_1809 : vector<16xf32>
        %add3A_1811 = arith.addf %mul3A_1808, %mul3A_1810 : vector<16xf32>
        %mul3A_1812 = vector.broadcast %squeeze3A_89 : f32 to vector<16xf32>
        %mul3A_1813 = arith.mulf %sub3A_1532, %mul3A_1812 : vector<16xf32>
        %add3A_1814 = arith.addf %add3A_1811, %mul3A_1813 : vector<16xf32>
        %max3A_1815 = arith.constant 0.000000e+00 : f32
        %max3A_1816 = vector.broadcast %max3A_1815 : f32 to vector<16xf32>
        %max3A_1817 = arith.maximumf %add3A_1814, %max3A_1816 : vector<16xf32>
        %mul3A_1818 = vector.broadcast %squeeze3A_57 : f32 to vector<16xf32>
        %mul3A_1819 = arith.mulf %sub3A_1546, %mul3A_1818 : vector<16xf32>
        %mul3A_1820 = vector.broadcast %squeeze3A_73 : f32 to vector<16xf32>
        %mul3A_1821 = arith.mulf %sub3A_1547, %mul3A_1820 : vector<16xf32>
        %add3A_1822 = arith.addf %mul3A_1819, %mul3A_1821 : vector<16xf32>
        %mul3A_1823 = vector.broadcast %squeeze3A_89 : f32 to vector<16xf32>
        %mul3A_1824 = arith.mulf %sub3A_1548, %mul3A_1823 : vector<16xf32>
        %add3A_1825 = arith.addf %add3A_1822, %mul3A_1824 : vector<16xf32>
        %max3A_1826 = arith.constant 0.000000e+00 : f32
        %max3A_1827 = vector.broadcast %max3A_1826 : f32 to vector<16xf32>
        %max3A_1828 = arith.maximumf %add3A_1825, %max3A_1827 : vector<16xf32>
        %mul3A_1829 = vector.broadcast %squeeze3A_57 : f32 to vector<16xf32>
        %mul3A_1830 = arith.mulf %sub3A_1562, %mul3A_1829 : vector<16xf32>
        %mul3A_1831 = vector.broadcast %squeeze3A_73 : f32 to vector<16xf32>
        %mul3A_1832 = arith.mulf %sub3A_1563, %mul3A_1831 : vector<16xf32>
        %add3A_1833 = arith.addf %mul3A_1830, %mul3A_1832 : vector<16xf32>
        %mul3A_1834 = vector.broadcast %squeeze3A_89 : f32 to vector<16xf32>
        %mul3A_1835 = arith.mulf %sub3A_1564, %mul3A_1834 : vector<16xf32>
        %add3A_1836 = arith.addf %add3A_1833, %mul3A_1835 : vector<16xf32>
        %max3A_1837 = arith.constant 0.000000e+00 : f32
        %max3A_1838 = vector.broadcast %max3A_1837 : f32 to vector<16xf32>
        %max3A_1839 = arith.maximumf %add3A_1836, %max3A_1838 : vector<16xf32>
        %mul3A_1840 = vector.broadcast %squeeze3A_57 : f32 to vector<16xf32>
        %mul3A_1841 = arith.mulf %sub3A_1578, %mul3A_1840 : vector<16xf32>
        %mul3A_1842 = vector.broadcast %squeeze3A_73 : f32 to vector<16xf32>
        %mul3A_1843 = arith.mulf %sub3A_1579, %mul3A_1842 : vector<16xf32>
        %add3A_1844 = arith.addf %mul3A_1841, %mul3A_1843 : vector<16xf32>
        %mul3A_1845 = vector.broadcast %squeeze3A_89 : f32 to vector<16xf32>
        %mul3A_1846 = arith.mulf %sub3A_1580, %mul3A_1845 : vector<16xf32>
        %add3A_1847 = arith.addf %add3A_1844, %mul3A_1846 : vector<16xf32>
        %max3A_1848 = arith.constant 0.000000e+00 : f32
        %max3A_1849 = vector.broadcast %max3A_1848 : f32 to vector<16xf32>
        %max3A_1850 = arith.maximumf %add3A_1847, %max3A_1849 : vector<16xf32>
        %pack3A_1851 = tpu.pack_subelements %max3A_1817, %max3A_1828 {pack_format = #tpu.pack_format<interleaved>, positions = array<i32: 0, 1>} : vector<16xf32>, vector<16xf32> -> vector<32xbf16>
        %bitcast3A_1852 = vector.bitcast %pack3A_1851 : vector<32xbf16> to vector<16xi32>
        %add3A_1853 = arith.constant 64 : i32
        %add3A_1854 = arith.addi %multiple_of3A_1583, %add3A_1853 : i32
        %swap3A_1855 = arith.index_cast %add3A_1854 : i32 to index
        %swap3A_1856 = tpu.vector_load %arg15[%swap3A_1855] {strides = array<i32>} : memref<2048xi32, #tpu.memory_space<vmem>>, vector<16xi32>,
        tpu.vector_store %arg15[%swap3A_1855], %bitcast3A_1852 {strides = array<i32>} : memref<2048xi32, #tpu.memory_space<vmem>>, vector<16xi32>,
        %pack3A_1857 = tpu.pack_subelements %max3A_1839, %max3A_1850 {pack_format = #tpu.pack_format<interleaved>, positions = array<i32: 0, 1>} : vector<16xf32>, vector<16xf32> -> vector<32xbf16>
        %bitcast3A_1858 = vector.bitcast %pack3A_1857 : vector<32xbf16> to vector<16xi32>
        %add3A_1859 = arith.constant 192 : i32
        %add3A_1860 = arith.addi %multiple_of3A_1583, %add3A_1859 : i32
        %swap3A_1861 = arith.index_cast %add3A_1860 : i32 to index
        %swap3A_1862 = tpu.vector_load %arg15[%swap3A_1861] {strides = array<i32>} : memref<2048xi32, #tpu.memory_space<vmem>>, vector<16xi32>,
        tpu.vector_store %arg15[%swap3A_1861], %bitcast3A_1858 {strides = array<i32>} : memref<2048xi32, #tpu.memory_space<vmem>>, vector<16xi32>,
        %mul3A_1863 = vector.broadcast %squeeze3A_59 : f32 to vector<16xf32>
        %mul3A_1864 = arith.mulf %sub3A_1530, %mul3A_1863 : vector<16xf32>
        %mul3A_1865 = vector.broadcast %squeeze3A_75 : f32 to vector<16xf32>
        %mul3A_1866 = arith.mulf %sub3A_1531, %mul3A_1865 : vector<16xf32>
        %add3A_1867 = arith.addf %mul3A_1864, %mul3A_1866 : vector<16xf32>
        %mul3A_1868 = vector.broadcast %squeeze3A_91 : f32 to vector<16xf32>
        %mul3A_1869 = arith.mulf %sub3A_1532, %mul3A_1868 : vector<16xf32>
        %add3A_1870 = arith.addf %add3A_1867, %mul3A_1869 : vector<16xf32>
        %max3A_1871 = arith.constant 0.000000e+00 : f32
        %max3A_1872 = vector.broadcast %max3A_1871 : f32 to vector<16xf32>
        %max3A_1873 = arith.maximumf %add3A_1870, %max3A_1872 : vector<16xf32>
        %mul3A_1874 = vector.broadcast %squeeze3A_59 : f32 to vector<16xf32>
        %mul3A_1875 = arith.mulf %sub3A_1546, %mul3A_1874 : vector<16xf32>
        %mul3A_1876 = vector.broadcast %squeeze3A_75 : f32 to vector<16xf32>
        %mul3A_1877 = arith.mulf %sub3A_1547, %mul3A_1876 : vector<16xf32>
        %add3A_1878 = arith.addf %mul3A_1875, %mul3A_1877 : vector<16xf32>
        %mul3A_1879 = vector.broadcast %squeeze3A_91 : f32 to vector<16xf32>
        %mul3A_1880 = arith.mulf %sub3A_1548, %mul3A_1879 : vector<16xf32>
        %add3A_1881 = arith.addf %add3A_1878, %mul3A_1880 : vector<16xf32>
        %max3A_1882 = arith.constant 0.000000e+00 : f32
        %max3A_1883 = vector.broadcast %max3A_1882 : f32 to vector<16xf32>
        %max3A_1884 = arith.maximumf %add3A_1881, %max3A_1883 : vector<16xf32>
        %mul3A_1885 = vector.broadcast %squeeze3A_59 : f32 to vector<16xf32>
        %mul3A_1886 = arith.mulf %sub3A_1562, %mul3A_1885 : vector<16xf32>
        %mul3A_1887 = vector.broadcast %squeeze3A_75 : f32 to vector<16xf32>
        %mul3A_1888 = arith.mulf %sub3A_1563, %mul3A_1887 : vector<16xf32>
        %add3A_1889 = arith.addf %mul3A_1886, %mul3A_1888 : vector<16xf32>
        %mul3A_1890 = vector.broadcast %squeeze3A_91 : f32 to vector<16xf32>
        %mul3A_1891 = arith.mulf %sub3A_1564, %mul3A_1890 : vector<16xf32>
        %add3A_1892 = arith.addf %add3A_1889, %mul3A_1891 : vector<16xf32>
        %max3A_1893 = arith.constant 0.000000e+00 : f32
        %max3A_1894 = vector.broadcast %max3A_1893 : f32 to vector<16xf32>
        %max3A_1895 = arith.maximumf %add3A_1892, %max3A_1894 : vector<16xf32>
        %mul3A_1896 = vector.broadcast %squeeze3A_59 : f32 to vector<16xf32>
        %mul3A_1897 = arith.mulf %sub3A_1578, %mul3A_1896 : vector<16xf32>
        %mul3A_1898 = vector.broadcast %squeeze3A_75 : f32 to vector<16xf32>
        %mul3A_1899 = arith.mulf %sub3A_1579, %mul3A_1898 : vector<16xf32>
        %add3A_1900 = arith.addf %mul3A_1897, %mul3A_1899 : vector<16xf32>
        %mul3A_1901 = vector.broadcast %squeeze3A_91 : f32 to vector<16xf32>
        %mul3A_1902 = arith.mulf %sub3A_1580, %mul3A_1901 : vector<16xf32>
        %add3A_1903 = arith.addf %add3A_1900, %mul3A_1902 : vector<16xf32>
        %max3A_1904 = arith.constant 0.000000e+00 : f32
        %max3A_1905 = vector.broadcast %max3A_1904 : f32 to vector<16xf32>
        %max3A_1906 = arith.maximumf %add3A_1903, %max3A_1905 : vector<16xf32>
        %pack3A_1907 = tpu.pack_subelements %max3A_1873, %max3A_1884 {pack_format = #tpu.pack_format<interleaved>, positions = array<i32: 0, 1>} : vector<16xf32>, vector<16xf32> -> vector<32xbf16>
        %bitcast3A_1908 = vector.bitcast %pack3A_1907 : vector<32xbf16> to vector<16xi32>
        %add3A_1909 = arith.constant 80 : i32
        %add3A_1910 = arith.addi %multiple_of3A_1583, %add3A_1909 : i32
        %swap3A_1911 = arith.index_cast %add3A_1910 : i32 to index
        %swap3A_1912 = tpu.vector_load %arg15[%swap3A_1911] {strides = array<i32>} : memref<2048xi32, #tpu.memory_space<vmem>>, vector<16xi32>,
        tpu.vector_store %arg15[%swap3A_1911], %bitcast3A_1908 {strides = array<i32>} : memref<2048xi32, #tpu.memory_space<vmem>>, vector<16xi32>,
        %pack3A_1913 = tpu.pack_subelements %max3A_1895, %max3A_1906 {pack_format = #tpu.pack_format<interleaved>, positions = array<i32: 0, 1>} : vector<16xf32>, vector<16xf32> -> vector<32xbf16>
        %bitcast3A_1914 = vector.bitcast %pack3A_1913 : vector<32xbf16> to vector<16xi32>
        %add3A_1915 = arith.constant 208 : i32
        %add3A_1916 = arith.addi %multiple_of3A_1583, %add3A_1915 : i32
        %swap3A_1917 = arith.index_cast %add3A_1916 : i32 to index
        %swap3A_1918 = tpu.vector_load %arg15[%swap3A_1917] {strides = array<i32>} : memref<2048xi32, #tpu.memory_space<vmem>>, vector<16xi32>,
        tpu.vector_store %arg15[%swap3A_1917], %bitcast3A_1914 {strides = array<i32>} : memref<2048xi32, #tpu.memory_space<vmem>>, vector<16xi32>,
        %mul3A_1919 = vector.broadcast %squeeze3A_61 : f32 to vector<16xf32>
        %mul3A_1920 = arith.mulf %sub3A_1530, %mul3A_1919 : vector<16xf32>
        %mul3A_1921 = vector.broadcast %squeeze3A_77 : f32 to vector<16xf32>
        %mul3A_1922 = arith.mulf %sub3A_1531, %mul3A_1921 : vector<16xf32>
        %add3A_1923 = arith.addf %mul3A_1920, %mul3A_1922 : vector<16xf32>
        %mul3A_1924 = vector.broadcast %squeeze3A_93 : f32 to vector<16xf32>
        %mul3A_1925 = arith.mulf %sub3A_1532, %mul3A_1924 : vector<16xf32>
        %add3A_1926 = arith.addf %add3A_1923, %mul3A_1925 : vector<16xf32>
        %max3A_1927 = arith.constant 0.000000e+00 : f32
        %max3A_1928 = vector.broadcast %max3A_1927 : f32 to vector<16xf32>
        %max3A_1929 = arith.maximumf %add3A_1926, %max3A_1928 : vector<16xf32>
        %mul3A_1930 = vector.broadcast %squeeze3A_61 : f32 to vector<16xf32>
        %mul3A_1931 = arith.mulf %sub3A_1546, %mul3A_1930 : vector<16xf32>
        %mul3A_1932 = vector.broadcast %squeeze3A_77 : f32 to vector<16xf32>
        %mul3A_1933 = arith.mulf %sub3A_1547, %mul3A_1932 : vector<16xf32>
        %add3A_1934 = arith.addf %mul3A_1931, %mul3A_1933 : vector<16xf32>
        %mul3A_1935 = vector.broadcast %squeeze3A_93 : f32 to vector<16xf32>
        %mul3A_1936 = arith.mulf %sub3A_1548, %mul3A_1935 : vector<16xf32>
        %add3A_1937 = arith.addf %add3A_1934, %mul3A_1936 : vector<16xf32>
        %max3A_1938 = arith.constant 0.000000e+00 : f32
        %max3A_1939 = vector.broadcast %max3A_1938 : f32 to vector<16xf32>
        %max3A_1940 = arith.maximumf %add3A_1937, %max3A_1939 : vector<16xf32>
        %mul3A_1941 = vector.broadcast %squeeze3A_61 : f32 to vector<16xf32>
        %mul3A_1942 = arith.mulf %sub3A_1562, %mul3A_1941 : vector<16xf32>
        %mul3A_1943 = vector.broadcast %squeeze3A_77 : f32 to vector<16xf32>
        %mul3A_1944 = arith.mulf %sub3A_1563, %mul3A_1943 : vector<16xf32>
        %add3A_1945 = arith.addf %mul3A_1942, %mul3A_1944 : vector<16xf32>
        %mul3A_1946 = vector.broadcast %squeeze3A_93 : f32 to vector<16xf32>
        %mul3A_1947 = arith.mulf %sub3A_1564, %mul3A_1946 : vector<16xf32>
        %add3A_1948 = arith.addf %add3A_1945, %mul3A_1947 : vector<16xf32>
        %max3A_1949 = arith.constant 0.000000e+00 : f32
        %max3A_1950 = vector.broadcast %max3A_1949 : f32 to vector<16xf32>
        %max3A_1951 = arith.maximumf %add3A_1948, %max3A_1950 : vector<16xf32>
        %mul3A_1952 = vector.broadcast %squeeze3A_61 : f32 to vector<16xf32>
        %mul3A_1953 = arith.mulf %sub3A_1578, %mul3A_1952 : vector<16xf32>
        %mul3A_1954 = vector.broadcast %squeeze3A_77 : f32 to vector<16xf32>
        %mul3A_1955 = arith.mulf %sub3A_1579, %mul3A_1954 : vector<16xf32>
        %add3A_1956 = arith.addf %mul3A_1953, %mul3A_1955 : vector<16xf32>
        %mul3A_1957 = vector.broadcast %squeeze3A_93 : f32 to vector<16xf32>
        %mul3A_1958 = arith.mulf %sub3A_1580, %mul3A_1957 : vector<16xf32>
        %add3A_1959 = arith.addf %add3A_1956, %mul3A_1958 : vector<16xf32>
        %max3A_1960 = arith.constant 0.000000e+00 : f32
        %max3A_1961 = vector.broadcast %max3A_1960 : f32 to vector<16xf32>
        %max3A_1962 = arith.maximumf %add3A_1959, %max3A_1961 : vector<16xf32>
        %pack3A_1963 = tpu.pack_subelements %max3A_1929, %max3A_1940 {pack_format = #tpu.pack_format<interleaved>, positions = array<i32: 0, 1>} : vector<16xf32>, vector<16xf32> -> vector<32xbf16>
        %bitcast3A_1964 = vector.bitcast %pack3A_1963 : vector<32xbf16> to vector<16xi32>
        %add3A_1965 = arith.constant 96 : i32
        %add3A_1966 = arith.addi %multiple_of3A_1583, %add3A_1965 : i32
        %swap3A_1967 = arith.index_cast %add3A_1966 : i32 to index
        %swap3A_1968 = tpu.vector_load %arg15[%swap3A_1967] {strides = array<i32>} : memref<2048xi32, #tpu.memory_space<vmem>>, vector<16xi32>,
        tpu.vector_store %arg15[%swap3A_1967], %bitcast3A_1964 {strides = array<i32>} : memref<2048xi32, #tpu.memory_space<vmem>>, vector<16xi32>,
        %pack3A_1969 = tpu.pack_subelements %max3A_1951, %max3A_1962 {pack_format = #tpu.pack_format<interleaved>, positions = array<i32: 0, 1>} : vector<16xf32>, vector<16xf32> -> vector<32xbf16>
        %bitcast3A_1970 = vector.bitcast %pack3A_1969 : vector<32xbf16> to vector<16xi32>
        %add3A_1971 = arith.constant 224 : i32
        %add3A_1972 = arith.addi %multiple_of3A_1583, %add3A_1971 : i32
        %swap3A_1973 = arith.index_cast %add3A_1972 : i32 to index
        %swap3A_1974 = tpu.vector_load %arg15[%swap3A_1973] {strides = array<i32>} : memref<2048xi32, #tpu.memory_space<vmem>>, vector<16xi32>,
        tpu.vector_store %arg15[%swap3A_1973], %bitcast3A_1970 {strides = array<i32>} : memref<2048xi32, #tpu.memory_space<vmem>>, vector<16xi32>,
        %mul3A_1975 = vector.broadcast %squeeze3A_63 : f32 to vector<16xf32>
        %mul3A_1976 = arith.mulf %sub3A_1530, %mul3A_1975 : vector<16xf32>
        %mul3A_1977 = vector.broadcast %squeeze3A_79 : f32 to vector<16xf32>
        %mul3A_1978 = arith.mulf %sub3A_1531, %mul3A_1977 : vector<16xf32>
        %add3A_1979 = arith.addf %mul3A_1976, %mul3A_1978 : vector<16xf32>
        %mul3A_1980 = vector.broadcast %squeeze3A_95 : f32 to vector<16xf32>
        %mul3A_1981 = arith.mulf %sub3A_1532, %mul3A_1980 : vector<16xf32>
        %add3A_1982 = arith.addf %add3A_1979, %mul3A_1981 : vector<16xf32>
        %max3A_1983 = arith.constant 0.000000e+00 : f32
        %max3A_1984 = vector.broadcast %max3A_1983 : f32 to vector<16xf32>
        %max3A_1985 = arith.maximumf %add3A_1982, %max3A_1984 : vector<16xf32>
        %mul3A_1986 = vector.broadcast %squeeze3A_63 : f32 to vector<16xf32>
        %mul3A_1987 = arith.mulf %sub3A_1546, %mul3A_1986 : vector<16xf32>
        %mul3A_1988 = vector.broadcast %squeeze3A_79 : f32 to vector<16xf32>
        %mul3A_1989 = arith.mulf %sub3A_1547, %mul3A_1988 : vector<16xf32>
        %add3A_1990 = arith.addf %mul3A_1987, %mul3A_1989 : vector<16xf32>
        %mul3A_1991 = vector.broadcast %squeeze3A_95 : f32 to vector<16xf32>
        %mul3A_1992 = arith.mulf %sub3A_1548, %mul3A_1991 : vector<16xf32>
        %add3A_1993 = arith.addf %add3A_1990, %mul3A_1992 : vector<16xf32>
        %max3A_1994 = arith.constant 0.000000e+00 : f32
        %max3A_1995 = vector.broadcast %max3A_1994 : f32 to vector<16xf32>
        %max3A_1996 = arith.maximumf %add3A_1993, %max3A_1995 : vector<16xf32>
        %mul3A_1997 = vector.broadcast %squeeze3A_63 : f32 to vector<16xf32>
        %mul3A_1998 = arith.mulf %sub3A_1562, %mul3A_1997 : vector<16xf32>
        %mul3A_1999 = vector.broadcast %squeeze3A_79 : f32 to vector<16xf32>
        %mul3A_2000 = arith.mulf %sub3A_1563, %mul3A_1999 : vector<16xf32>
        %add3A_2001 = arith.addf %mul3A_1998, %mul3A_2000 : vector<16xf32>
        %mul3A_2002 = vector.broadcast %squeeze3A_95 : f32 to vector<16xf32>
        %mul3A_2003 = arith.mulf %sub3A_1564, %mul3A_2002 : vector<16xf32>
        %add3A_2004 = arith.addf %add3A_2001, %mul3A_2003 : vector<16xf32>
        %max3A_2005 = arith.constant 0.000000e+00 : f32
        %max3A_2006 = vector.broadcast %max3A_2005 : f32 to vector<16xf32>
        %max3A_2007 = arith.maximumf %add3A_2004, %max3A_2006 : vector<16xf32>
        %mul3A_2008 = vector.broadcast %squeeze3A_63 : f32 to vector<16xf32>
        %mul3A_2009 = arith.mulf %sub3A_1578, %mul3A_2008 : vector<16xf32>
        %mul3A_2010 = vector.broadcast %squeeze3A_79 : f32 to vector<16xf32>
        %mul3A_2011 = arith.mulf %sub3A_1579, %mul3A_2010 : vector<16xf32>
        %add3A_2012 = arith.addf %mul3A_2009, %mul3A_2011 : vector<16xf32>
        %mul3A_2013 = vector.broadcast %squeeze3A_95 : f32 to vector<16xf32>
        %mul3A_2014 = arith.mulf %sub3A_1580, %mul3A_2013 : vector<16xf32>
        %add3A_2015 = arith.addf %add3A_2012, %mul3A_2014 : vector<16xf32>
        %max3A_2016 = arith.constant 0.000000e+00 : f32
        %max3A_2017 = vector.broadcast %max3A_2016 : f32 to vector<16xf32>
        %max3A_2018 = arith.maximumf %add3A_2015, %max3A_2017 : vector<16xf32>
        %pack3A_2019 = tpu.pack_subelements %max3A_1985, %max3A_1996 {pack_format = #tpu.pack_format<interleaved>, positions = array<i32: 0, 1>} : vector<16xf32>, vector<16xf32> -> vector<32xbf16>
        %bitcast3A_2020 = vector.bitcast %pack3A_2019 : vector<32xbf16> to vector<16xi32>
        %add3A_2021 = arith.constant 112 : i32
        %add3A_2022 = arith.addi %multiple_of3A_1583, %add3A_2021 : i32
        %swap3A_2023 = arith.index_cast %add3A_2022 : i32 to index
        %swap3A_2024 = tpu.vector_load %arg15[%swap3A_2023] {strides = array<i32>} : memref<2048xi32, #tpu.memory_space<vmem>>, vector<16xi32>,
        tpu.vector_store %arg15[%swap3A_2023], %bitcast3A_2020 {strides = array<i32>} : memref<2048xi32, #tpu.memory_space<vmem>>, vector<16xi32>,
        %pack3A_2025 = tpu.pack_subelements %max3A_2007, %max3A_2018 {pack_format = #tpu.pack_format<interleaved>, positions = array<i32: 0, 1>} : vector<16xf32>, vector<16xf32> -> vector<32xbf16>
        %bitcast3A_2026 = vector.bitcast %pack3A_2025 : vector<32xbf16> to vector<16xi32>
        %add3A_2027 = arith.constant 240 : i32
        %add3A_2028 = arith.addi %multiple_of3A_1583, %add3A_2027 : i32
        %swap3A_2029 = arith.index_cast %add3A_2028 : i32 to index
        %swap3A_2030 = tpu.vector_load %arg15[%swap3A_2029] {strides = array<i32>} : memref<2048xi32, #tpu.memory_space<vmem>>, vector<16xi32>,
        tpu.vector_store %arg15[%swap3A_2029], %bitcast3A_2026 {strides = array<i32>} : memref<2048xi32, #tpu.memory_space<vmem>>, vector<16xi32>,
      }
      %scan3A_627 = arith.constant 8 : i32
      %get3A_628 = arith.constant 0 : index
      %get3A_629 = tpu.vector_load %arg17[%get3A_628] {strides = array<i32>} : memref<3072xi32, #tpu.memory_space<vmem>>, vector<16xi32>,
      %bitcast3A = vector.bitcast %get3A_629 : vector<16xi32> to vector<32xbf16>
      %get3A_630 = arith.constant 128 : index
      %get3A_631 = tpu.vector_load %arg17[%get3A_630] {strides = array<i32>} : memref<3072xi32, #tpu.memory_space<vmem>>, vector<16xi32>,
      %bitcast3A_632 = vector.bitcast %get3A_631 : vector<16xi32> to vector<32xbf16>
      %get3A_633 = arith.constant 256 : index
      %get3A_634 = tpu.vector_load %arg17[%get3A_633] {strides = array<i32>} : memref<3072xi32, #tpu.memory_space<vmem>>, vector<16xi32>,
      %bitcast3A_635 = vector.bitcast %get3A_634 : vector<16xi32> to vector<32xbf16>
      %get3A_636 = arith.constant 384 : index
      %get3A_637 = tpu.vector_load %arg17[%get3A_636] {strides = array<i32>} : memref<3072xi32, #tpu.memory_space<vmem>>, vector<16xi32>,
      %bitcast3A_638 = vector.bitcast %get3A_637 : vector<16xi32> to vector<32xbf16>
      %get3A_639 = arith.constant 512 : index
      %get3A_640 = tpu.vector_load %arg17[%get3A_639] {strides = array<i32>} : memref<3072xi32, #tpu.memory_space<vmem>>, vector<16xi32>,
      %bitcast3A_641 = vector.bitcast %get3A_640 : vector<16xi32> to vector<32xbf16>
      %get3A_642 = arith.constant 640 : index
      %get3A_643 = tpu.vector_load %arg17[%get3A_642] {strides = array<i32>} : memref<3072xi32, #tpu.memory_space<vmem>>, vector<16xi32>,
      %bitcast3A_644 = vector.bitcast %get3A_643 : vector<16xi32> to vector<32xbf16>
      %get3A_645 = arith.constant 768 : index
      %get3A_646 = tpu.vector_load %arg17[%get3A_645] {strides = array<i32>} : memref<3072xi32, #tpu.memory_space<vmem>>, vector<16xi32>,
      %bitcast3A_647 = vector.bitcast %get3A_646 : vector<16xi32> to vector<32xbf16>
      %get3A_648 = arith.constant 896 : index
      %get3A_649 = tpu.vector_load %arg17[%get3A_648] {strides = array<i32>} : memref<3072xi32, #tpu.memory_space<vmem>>, vector<16xi32>,
      %bitcast3A_650 = vector.bitcast %get3A_649 : vector<16xi32> to vector<32xbf16>
      %get3A_651 = arith.constant 16 : index
      %get3A_652 = tpu.vector_load %arg17[%get3A_651] {strides = array<i32>} : memref<3072xi32, #tpu.memory_space<vmem>>, vector<16xi32>,
      %bitcast3A_653 = vector.bitcast %get3A_652 : vector<16xi32> to vector<32xbf16>
      %get3A_654 = arith.constant 144 : index
      %get3A_655 = tpu.vector_load %arg17[%get3A_654] {strides = array<i32>} : memref<3072xi32, #tpu.memory_space<vmem>>, vector<16xi32>,
      %bitcast3A_656 = vector.bitcast %get3A_655 : vector<16xi32> to vector<32xbf16>
      %get3A_657 = arith.constant 272 : index
      %get3A_658 = tpu.vector_load %arg17[%get3A_657] {strides = array<i32>} : memref<3072xi32, #tpu.memory_space<vmem>>, vector<16xi32>,
      %bitcast3A_659 = vector.bitcast %get3A_658 : vector<16xi32> to vector<32xbf16>
      %get3A_660 = arith.constant 400 : index
      %get3A_661 = tpu.vector_load %arg17[%get3A_660] {strides = array<i32>} : memref<3072xi32, #tpu.memory_space<vmem>>, vector<16xi32>,
      %bitcast3A_662 = vector.bitcast %get3A_661 : vector<16xi32> to vector<32xbf16>
      %get3A_663 = arith.constant 528 : index
      %get3A_664 = tpu.vector_load %arg17[%get3A_663] {strides = array<i32>} : memref<3072xi32, #tpu.memory_space<vmem>>, vector<16xi32>,
      %bitcast3A_665 = vector.bitcast %get3A_664 : vector<16xi32> to vector<32xbf16>
      %get3A_666 = arith.constant 656 : index
      %get3A_667 = tpu.vector_load %arg17[%get3A_666] {strides = array<i32>} : memref<3072xi32, #tpu.memory_space<vmem>>, vector<16xi32>,
      %bitcast3A_668 = vector.bitcast %get3A_667 : vector<16xi32> to vector<32xbf16>
      %get3A_669 = arith.constant 784 : index
      %get3A_670 = tpu.vector_load %arg17[%get3A_669] {strides = array<i32>} : memref<3072xi32, #tpu.memory_space<vmem>>, vector<16xi32>,
      %bitcast3A_671 = vector.bitcast %get3A_670 : vector<16xi32> to vector<32xbf16>
      %get3A_672 = arith.constant 912 : index
      %get3A_673 = tpu.vector_load %arg17[%get3A_672] {strides = array<i32>} : memref<3072xi32, #tpu.memory_space<vmem>>, vector<16xi32>,
      %bitcast3A_674 = vector.bitcast %get3A_673 : vector<16xi32> to vector<32xbf16>
      %get3A_675 = arith.constant 32 : index
      %get3A_676 = tpu.vector_load %arg17[%get3A_675] {strides = array<i32>} : memref<3072xi32, #tpu.memory_space<vmem>>, vector<16xi32>,
      %bitcast3A_677 = vector.bitcast %get3A_676 : vector<16xi32> to vector<32xbf16>
      %get3A_678 = arith.constant 160 : index
      %get3A_679 = tpu.vector_load %arg17[%get3A_678] {strides = array<i32>} : memref<3072xi32, #tpu.memory_space<vmem>>, vector<16xi32>,
      %bitcast3A_680 = vector.bitcast %get3A_679 : vector<16xi32> to vector<32xbf16>
      %get3A_681 = arith.constant 288 : index
      %get3A_682 = tpu.vector_load %arg17[%get3A_681] {strides = array<i32>} : memref<3072xi32, #tpu.memory_space<vmem>>, vector<16xi32>,
      %bitcast3A_683 = vector.bitcast %get3A_682 : vector<16xi32> to vector<32xbf16>
      %get3A_684 = arith.constant 416 : index
      %get3A_685 = tpu.vector_load %arg17[%get3A_684] {strides = array<i32>} : memref<3072xi32, #tpu.memory_space<vmem>>, vector<16xi32>,
      %bitcast3A_686 = vector.bitcast %get3A_685 : vector<16xi32> to vector<32xbf16>
      %get3A_687 = arith.constant 544 : index
      %get3A_688 = tpu.vector_load %arg17[%get3A_687] {strides = array<i32>} : memref<3072xi32, #tpu.memory_space<vmem>>, vector<16xi32>,
      %bitcast3A_689 = vector.bitcast %get3A_688 : vector<16xi32> to vector<32xbf16>
      %get3A_690 = arith.constant 672 : index
      %get3A_691 = tpu.vector_load %arg17[%get3A_690] {strides = array<i32>} : memref<3072xi32, #tpu.memory_space<vmem>>, vector<16xi32>,
      %bitcast3A_692 = vector.bitcast %get3A_691 : vector<16xi32> to vector<32xbf16>
      %get3A_693 = arith.constant 800 : index
      %get3A_694 = tpu.vector_load %arg17[%get3A_693] {strides = array<i32>} : memref<3072xi32, #tpu.memory_space<vmem>>, vector<16xi32>,
      %bitcast3A_695 = vector.bitcast %get3A_694 : vector<16xi32> to vector<32xbf16>
      %get3A_696 = arith.constant 928 : index
      %get3A_697 = tpu.vector_load %arg17[%get3A_696] {strides = array<i32>} : memref<3072xi32, #tpu.memory_space<vmem>>, vector<16xi32>,
      %bitcast3A_698 = vector.bitcast %get3A_697 : vector<16xi32> to vector<32xbf16>
      %get3A_699 = arith.constant 48 : index
      %get3A_700 = tpu.vector_load %arg17[%get3A_699] {strides = array<i32>} : memref<3072xi32, #tpu.memory_space<vmem>>, vector<16xi32>,
      %bitcast3A_701 = vector.bitcast %get3A_700 : vector<16xi32> to vector<32xbf16>
      %get3A_702 = arith.constant 176 : index
      %get3A_703 = tpu.vector_load %arg17[%get3A_702] {strides = array<i32>} : memref<3072xi32, #tpu.memory_space<vmem>>, vector<16xi32>,
      %bitcast3A_704 = vector.bitcast %get3A_703 : vector<16xi32> to vector<32xbf16>
      %get3A_705 = arith.constant 304 : index
      %get3A_706 = tpu.vector_load %arg17[%get3A_705] {strides = array<i32>} : memref<3072xi32, #tpu.memory_space<vmem>>, vector<16xi32>,
      %bitcast3A_707 = vector.bitcast %get3A_706 : vector<16xi32> to vector<32xbf16>
      %get3A_708 = arith.constant 432 : index
      %get3A_709 = tpu.vector_load %arg17[%get3A_708] {strides = array<i32>} : memref<3072xi32, #tpu.memory_space<vmem>>, vector<16xi32>,
      %bitcast3A_710 = vector.bitcast %get3A_709 : vector<16xi32> to vector<32xbf16>
      %get3A_711 = arith.constant 560 : index
      %get3A_712 = tpu.vector_load %arg17[%get3A_711] {strides = array<i32>} : memref<3072xi32, #tpu.memory_space<vmem>>, vector<16xi32>,
      %bitcast3A_713 = vector.bitcast %get3A_712 : vector<16xi32> to vector<32xbf16>
      %get3A_714 = arith.constant 688 : index
      %get3A_715 = tpu.vector_load %arg17[%get3A_714] {strides = array<i32>} : memref<3072xi32, #tpu.memory_space<vmem>>, vector<16xi32>,
      %bitcast3A_716 = vector.bitcast %get3A_715 : vector<16xi32> to vector<32xbf16>
      %get3A_717 = arith.constant 816 : index
      %get3A_718 = tpu.vector_load %arg17[%get3A_717] {strides = array<i32>} : memref<3072xi32, #tpu.memory_space<vmem>>, vector<16xi32>,
      %bitcast3A_719 = vector.bitcast %get3A_718 : vector<16xi32> to vector<32xbf16>
      %get3A_720 = arith.constant 944 : index
      %get3A_721 = tpu.vector_load %arg17[%get3A_720] {strides = array<i32>} : memref<3072xi32, #tpu.memory_space<vmem>>, vector<16xi32>,
      %bitcast3A_722 = vector.bitcast %get3A_721 : vector<16xi32> to vector<32xbf16>
      %scan3A_723 = arith.constant 0 : i32
      %scan3A_724 = arith.constant 0 : i32
      %scan3A_725 = arith.constant 16 : i32
      %scan3A_726 = arith.addi %scan3A_724, %scan3A_725 : i32
      %scan3A_727 = arith.constant 1 : i32
      scf.for %scan3A_1514 = %scan3A_724 to %scan3A_726 step %scan3A_727  : i32 {
        %mul3A_1515 = arith.constant 128 : i32
        %mul3A_1516 = arith.muli %scan3A_1514, %mul3A_1515 : i32
        %multiple_of3A_1517 = tpu.assume_multiple %mul3A_1516, 128 : i32
        %add3A_1518 = arith.constant 0 : i32
        %add3A_1519 = arith.addi %multiple_of3A_1517, %add3A_1518 : i32
        %get3A_1520 = arith.index_cast %add3A_1519 : i32 to index
        %get3A_1521 = tpu.vector_load %arg15[%get3A_1520] {strides = array<i32>} : memref<2048xi32, #tpu.memory_space<vmem>>, vector<16xi32>,
        %bitcast3A_1522 = vector.bitcast %get3A_1521 : vector<16xi32> to vector<32xbf16>
        %add3A_1523 = arith.constant 16 : i32
        %add3A_1524 = arith.addi %multiple_of3A_1517, %add3A_1523 : i32
        %get3A_1525 = arith.index_cast %add3A_1524 : i32 to index
        %get3A_1526 = tpu.vector_load %arg15[%get3A_1525] {strides = array<i32>} : memref<2048xi32, #tpu.memory_space<vmem>>, vector<16xi32>,
        %bitcast3A_1527 = vector.bitcast %get3A_1526 : vector<16xi32> to vector<32xbf16>
        %add3A_1528 = arith.constant 32 : i32
        %add3A_1529 = arith.addi %multiple_of3A_1517, %add3A_1528 : i32
        %get3A_1530 = arith.index_cast %add3A_1529 : i32 to index
        %get3A_1531 = tpu.vector_load %arg15[%get3A_1530] {strides = array<i32>} : memref<2048xi32, #tpu.memory_space<vmem>>, vector<16xi32>,
        %bitcast3A_1532 = vector.bitcast %get3A_1531 : vector<16xi32> to vector<32xbf16>
        %add3A_1533 = arith.constant 48 : i32
        %add3A_1534 = arith.addi %multiple_of3A_1517, %add3A_1533 : i32
        %get3A_1535 = arith.index_cast %add3A_1534 : i32 to index
        %get3A_1536 = tpu.vector_load %arg15[%get3A_1535] {strides = array<i32>} : memref<2048xi32, #tpu.memory_space<vmem>>, vector<16xi32>,
        %bitcast3A_1537 = vector.bitcast %get3A_1536 : vector<16xi32> to vector<32xbf16>
        %add3A_1538 = arith.constant 64 : i32
        %add3A_1539 = arith.addi %multiple_of3A_1517, %add3A_1538 : i32
        %get3A_1540 = arith.index_cast %add3A_1539 : i32 to index
        %get3A_1541 = tpu.vector_load %arg15[%get3A_1540] {strides = array<i32>} : memref<2048xi32, #tpu.memory_space<vmem>>, vector<16xi32>,
        %bitcast3A_1542 = vector.bitcast %get3A_1541 : vector<16xi32> to vector<32xbf16>
        %add3A_1543 = arith.constant 80 : i32
        %add3A_1544 = arith.addi %multiple_of3A_1517, %add3A_1543 : i32
        %get3A_1545 = arith.index_cast %add3A_1544 : i32 to index
        %get3A_1546 = tpu.vector_load %arg15[%get3A_1545] {strides = array<i32>} : memref<2048xi32, #tpu.memory_space<vmem>>, vector<16xi32>,
        %bitcast3A_1547 = vector.bitcast %get3A_1546 : vector<16xi32> to vector<32xbf16>
        %add3A_1548 = arith.constant 96 : i32
        %add3A_1549 = arith.addi %multiple_of3A_1517, %add3A_1548 : i32
        %get3A_1550 = arith.index_cast %add3A_1549 : i32 to index
        %get3A_1551 = tpu.vector_load %arg15[%get3A_1550] {strides = array<i32>} : memref<2048xi32, #tpu.memory_space<vmem>>, vector<16xi32>,
        %bitcast3A_1552 = vector.bitcast %get3A_1551 : vector<16xi32> to vector<32xbf16>
        %add3A_1553 = arith.constant 112 : i32
        %add3A_1554 = arith.addi %multiple_of3A_1517, %add3A_1553 : i32
        %get3A_1555 = arith.index_cast %add3A_1554 : i32 to index
        %get3A_1556 = tpu.vector_load %arg15[%get3A_1555] {strides = array<i32>} : memref<2048xi32, #tpu.memory_space<vmem>>, vector<16xi32>,
        %bitcast3A_1557 = vector.bitcast %get3A_1556 : vector<16xi32> to vector<32xbf16>
        %mul3A_1558 = arith.mulf %bitcast3A_1522, %bitcast3A : vector<32xbf16>
        %mul3A_1559 = arith.mulf %bitcast3A_1527, %bitcast3A_632 : vector<32xbf16>
        %add3A_1560 = arith.addf %mul3A_1558, %mul3A_1559 : vector<32xbf16>
        %mul3A_1561 = arith.mulf %bitcast3A_1532, %bitcast3A_635 : vector<32xbf16>
        %add3A_1562 = arith.addf %add3A_1560, %mul3A_1561 : vector<32xbf16>
        %mul3A_1563 = arith.mulf %bitcast3A_1537, %bitcast3A_638 : vector<32xbf16>
        %add3A_1564 = arith.addf %add3A_1562, %mul3A_1563 : vector<32xbf16>
        %mul3A_1565 = arith.mulf %bitcast3A_1542, %bitcast3A_641 : vector<32xbf16>
        %add3A_1566 = arith.addf %add3A_1564, %mul3A_1565 : vector<32xbf16>
        %mul3A_1567 = arith.mulf %bitcast3A_1547, %bitcast3A_644 : vector<32xbf16>
        %add3A_1568 = arith.addf %add3A_1566, %mul3A_1567 : vector<32xbf16>
        %mul3A_1569 = arith.mulf %bitcast3A_1552, %bitcast3A_647 : vector<32xbf16>
        %add3A_1570 = arith.addf %add3A_1568, %mul3A_1569 : vector<32xbf16>
        %mul3A_1571 = arith.mulf %bitcast3A_1557, %bitcast3A_650 : vector<32xbf16>
        %add3A_1572 = arith.addf %add3A_1570, %mul3A_1571 : vector<32xbf16>
        %max3A_1573 = arith.maximumf %add3A_1572, %broadcast_in_dim3A_606 : vector<32xbf16>
        %bitcast3A_1574 = vector.bitcast %max3A_1573 : vector<32xbf16> to vector<16xi32>
        %add3A_1575 = arith.constant 0 : i32
        %add3A_1576 = arith.addi %multiple_of3A_1517, %add3A_1575 : i32
        %swap3A_1577 = arith.index_cast %add3A_1576 : i32 to index
        %swap3A_1578 = tpu.vector_load %arg16[%swap3A_1577] {strides = array<i32>} : memref<2048xi32, #tpu.memory_space<vmem>>, vector<16xi32>,
        tpu.vector_store %arg16[%swap3A_1577], %bitcast3A_1574 {strides = array<i32>} : memref<2048xi32, #tpu.memory_space<vmem>>, vector<16xi32>,
        %mul3A_1579 = arith.mulf %bitcast3A_1522, %bitcast3A_653 : vector<32xbf16>
        %mul3A_1580 = arith.mulf %bitcast3A_1527, %bitcast3A_656 : vector<32xbf16>
        %add3A_1581 = arith.addf %mul3A_1579, %mul3A_1580 : vector<32xbf16>
        %mul3A_1582 = arith.mulf %bitcast3A_1532, %bitcast3A_659 : vector<32xbf16>
        %add3A_1583 = arith.addf %add3A_1581, %mul3A_1582 : vector<32xbf16>
        %mul3A_1584 = arith.mulf %bitcast3A_1537, %bitcast3A_662 : vector<32xbf16>
        %add3A_1585 = arith.addf %add3A_1583, %mul3A_1584 : vector<32xbf16>
        %mul3A_1586 = arith.mulf %bitcast3A_1542, %bitcast3A_665 : vector<32xbf16>
        %add3A_1587 = arith.addf %add3A_1585, %mul3A_1586 : vector<32xbf16>
        %mul3A_1588 = arith.mulf %bitcast3A_1547, %bitcast3A_668 : vector<32xbf16>
        %add3A_1589 = arith.addf %add3A_1587, %mul3A_1588 : vector<32xbf16>
        %mul3A_1590 = arith.mulf %bitcast3A_1552, %bitcast3A_671 : vector<32xbf16>
        %add3A_1591 = arith.addf %add3A_1589, %mul3A_1590 : vector<32xbf16>
        %mul3A_1592 = arith.mulf %bitcast3A_1557, %bitcast3A_674 : vector<32xbf16>
        %add3A_1593 = arith.addf %add3A_1591, %mul3A_1592 : vector<32xbf16>
        %max3A_1594 = arith.maximumf %add3A_1593, %broadcast_in_dim3A_606 : vector<32xbf16>
        %bitcast3A_1595 = vector.bitcast %max3A_1594 : vector<32xbf16> to vector<16xi32>
        %add3A_1596 = arith.constant 16 : i32
        %add3A_1597 = arith.addi %multiple_of3A_1517, %add3A_1596 : i32
        %swap3A_1598 = arith.index_cast %add3A_1597 : i32 to index
        %swap3A_1599 = tpu.vector_load %arg16[%swap3A_1598] {strides = array<i32>} : memref<2048xi32, #tpu.memory_space<vmem>>, vector<16xi32>,
        tpu.vector_store %arg16[%swap3A_1598], %bitcast3A_1595 {strides = array<i32>} : memref<2048xi32, #tpu.memory_space<vmem>>, vector<16xi32>,
        %mul3A_1600 = arith.mulf %bitcast3A_1522, %bitcast3A_677 : vector<32xbf16>
        %mul3A_1601 = arith.mulf %bitcast3A_1527, %bitcast3A_680 : vector<32xbf16>
        %add3A_1602 = arith.addf %mul3A_1600, %mul3A_1601 : vector<32xbf16>
        %mul3A_1603 = arith.mulf %bitcast3A_1532, %bitcast3A_683 : vector<32xbf16>
        %add3A_1604 = arith.addf %add3A_1602, %mul3A_1603 : vector<32xbf16>
        %mul3A_1605 = arith.mulf %bitcast3A_1537, %bitcast3A_686 : vector<32xbf16>
        %add3A_1606 = arith.addf %add3A_1604, %mul3A_1605 : vector<32xbf16>
        %mul3A_1607 = arith.mulf %bitcast3A_1542, %bitcast3A_689 : vector<32xbf16>
        %add3A_1608 = arith.addf %add3A_1606, %mul3A_1607 : vector<32xbf16>
        %mul3A_1609 = arith.mulf %bitcast3A_1547, %bitcast3A_692 : vector<32xbf16>
        %add3A_1610 = arith.addf %add3A_1608, %mul3A_1609 : vector<32xbf16>
        %mul3A_1611 = arith.mulf %bitcast3A_1552, %bitcast3A_695 : vector<32xbf16>
        %add3A_1612 = arith.addf %add3A_1610, %mul3A_1611 : vector<32xbf16>
        %mul3A_1613 = arith.mulf %bitcast3A_1557, %bitcast3A_698 : vector<32xbf16>
        %add3A_1614 = arith.addf %add3A_1612, %mul3A_1613 : vector<32xbf16>
        %max3A_1615 = arith.maximumf %add3A_1614, %broadcast_in_dim3A_606 : vector<32xbf16>
        %bitcast3A_1616 = vector.bitcast %max3A_1615 : vector<32xbf16> to vector<16xi32>
        %add3A_1617 = arith.constant 32 : i32
        %add3A_1618 = arith.addi %multiple_of3A_1517, %add3A_1617 : i32
        %swap3A_1619 = arith.index_cast %add3A_1618 : i32 to index
        %swap3A_1620 = tpu.vector_load %arg16[%swap3A_1619] {strides = array<i32>} : memref<2048xi32, #tpu.memory_space<vmem>>, vector<16xi32>,
        tpu.vector_store %arg16[%swap3A_1619], %bitcast3A_1616 {strides = array<i32>} : memref<2048xi32, #tpu.memory_space<vmem>>, vector<16xi32>,
        %mul3A_1621 = arith.mulf %bitcast3A_1522, %bitcast3A_701 : vector<32xbf16>
        %mul3A_1622 = arith.mulf %bitcast3A_1527, %bitcast3A_704 : vector<32xbf16>
        %add3A_1623 = arith.addf %mul3A_1621, %mul3A_1622 : vector<32xbf16>
        %mul3A_1624 = arith.mulf %bitcast3A_1532, %bitcast3A_707 : vector<32xbf16>
        %add3A_1625 = arith.addf %add3A_1623, %mul3A_1624 : vector<32xbf16>
        %mul3A_1626 = arith.mulf %bitcast3A_1537, %bitcast3A_710 : vector<32xbf16>
        %add3A_1627 = arith.addf %add3A_1625, %mul3A_1626 : vector<32xbf16>
        %mul3A_1628 = arith.mulf %bitcast3A_1542, %bitcast3A_713 : vector<32xbf16>
        %add3A_1629 = arith.addf %add3A_1627, %mul3A_1628 : vector<32xbf16>
        %mul3A_1630 = arith.mulf %bitcast3A_1547, %bitcast3A_716 : vector<32xbf16>
        %add3A_1631 = arith.addf %add3A_1629, %mul3A_1630 : vector<32xbf16>
        %mul3A_1632 = arith.mulf %bitcast3A_1552, %bitcast3A_719 : vector<32xbf16>
        %add3A_1633 = arith.addf %add3A_1631, %mul3A_1632 : vector<32xbf16>
        %mul3A_1634 = arith.mulf %bitcast3A_1557, %bitcast3A_722 : vector<32xbf16>
        %add3A_1635 = arith.addf %add3A_1633, %mul3A_1634 : vector<32xbf16>
        %max3A_1636 = arith.maximumf %add3A_1635, %broadcast_in_dim3A_606 : vector<32xbf16>
        %bitcast3A_1637 = vector.bitcast %max3A_1636 : vector<32xbf16> to vector<16xi32>
        %add3A_1638 = arith.constant 48 : i32
        %add3A_1639 = arith.addi %multiple_of3A_1517, %add3A_1638 : i32
        %swap3A_1640 = arith.index_cast %add3A_1639 : i32 to index
        %swap3A_1641 = tpu.vector_load %arg16[%swap3A_1640] {strides = array<i32>} : memref<2048xi32, #tpu.memory_space<vmem>>, vector<16xi32>,
        tpu.vector_store %arg16[%swap3A_1640], %bitcast3A_1637 {strides = array<i32>} : memref<2048xi32, #tpu.memory_space<vmem>>, vector<16xi32>,
      }
      %scan3A_728 = arith.constant 16 : i32
      %get3A_729 = arith.constant 64 : index
      %get3A_730 = tpu.vector_load %arg17[%get3A_729] {strides = array<i32>} : memref<3072xi32, #tpu.memory_space<vmem>>, vector<16xi32>,
      %bitcast3A_731 = vector.bitcast %get3A_730 : vector<16xi32> to vector<32xbf16>
      %get3A_732 = arith.constant 192 : index
      %get3A_733 = tpu.vector_load %arg17[%get3A_732] {strides = array<i32>} : memref<3072xi32, #tpu.memory_space<vmem>>, vector<16xi32>,
      %bitcast3A_734 = vector.bitcast %get3A_733 : vector<16xi32> to vector<32xbf16>
      %get3A_735 = arith.constant 320 : index
      %get3A_736 = tpu.vector_load %arg17[%get3A_735] {strides = array<i32>} : memref<3072xi32, #tpu.memory_space<vmem>>, vector<16xi32>,
      %bitcast3A_737 = vector.bitcast %get3A_736 : vector<16xi32> to vector<32xbf16>
      %get3A_738 = arith.constant 448 : index
      %get3A_739 = tpu.vector_load %arg17[%get3A_738] {strides = array<i32>} : memref<3072xi32, #tpu.memory_space<vmem>>, vector<16xi32>,
      %bitcast3A_740 = vector.bitcast %get3A_739 : vector<16xi32> to vector<32xbf16>
      %get3A_741 = arith.constant 576 : index
      %get3A_742 = tpu.vector_load %arg17[%get3A_741] {strides = array<i32>} : memref<3072xi32, #tpu.memory_space<vmem>>, vector<16xi32>,
      %bitcast3A_743 = vector.bitcast %get3A_742 : vector<16xi32> to vector<32xbf16>
      %get3A_744 = arith.constant 704 : index
      %get3A_745 = tpu.vector_load %arg17[%get3A_744] {strides = array<i32>} : memref<3072xi32, #tpu.memory_space<vmem>>, vector<16xi32>,
      %bitcast3A_746 = vector.bitcast %get3A_745 : vector<16xi32> to vector<32xbf16>
      %get3A_747 = arith.constant 832 : index
      %get3A_748 = tpu.vector_load %arg17[%get3A_747] {strides = array<i32>} : memref<3072xi32, #tpu.memory_space<vmem>>, vector<16xi32>,
      %bitcast3A_749 = vector.bitcast %get3A_748 : vector<16xi32> to vector<32xbf16>
      %get3A_750 = arith.constant 960 : index
      %get3A_751 = tpu.vector_load %arg17[%get3A_750] {strides = array<i32>} : memref<3072xi32, #tpu.memory_space<vmem>>, vector<16xi32>,
      %bitcast3A_752 = vector.bitcast %get3A_751 : vector<16xi32> to vector<32xbf16>
      %get3A_753 = arith.constant 80 : index
      %get3A_754 = tpu.vector_load %arg17[%get3A_753] {strides = array<i32>} : memref<3072xi32, #tpu.memory_space<vmem>>, vector<16xi32>,
      %bitcast3A_755 = vector.bitcast %get3A_754 : vector<16xi32> to vector<32xbf16>
      %get3A_756 = arith.constant 208 : index
      %get3A_757 = tpu.vector_load %arg17[%get3A_756] {strides = array<i32>} : memref<3072xi32, #tpu.memory_space<vmem>>, vector<16xi32>,
      %bitcast3A_758 = vector.bitcast %get3A_757 : vector<16xi32> to vector<32xbf16>
      %get3A_759 = arith.constant 336 : index
      %get3A_760 = tpu.vector_load %arg17[%get3A_759] {strides = array<i32>} : memref<3072xi32, #tpu.memory_space<vmem>>, vector<16xi32>,
      %bitcast3A_761 = vector.bitcast %get3A_760 : vector<16xi32> to vector<32xbf16>
      %get3A_762 = arith.constant 464 : index
      %get3A_763 = tpu.vector_load %arg17[%get3A_762] {strides = array<i32>} : memref<3072xi32, #tpu.memory_space<vmem>>, vector<16xi32>,
      %bitcast3A_764 = vector.bitcast %get3A_763 : vector<16xi32> to vector<32xbf16>
      %get3A_765 = arith.constant 592 : index
      %get3A_766 = tpu.vector_load %arg17[%get3A_765] {strides = array<i32>} : memref<3072xi32, #tpu.memory_space<vmem>>, vector<16xi32>,
      %bitcast3A_767 = vector.bitcast %get3A_766 : vector<16xi32> to vector<32xbf16>
      %get3A_768 = arith.constant 720 : index
      %get3A_769 = tpu.vector_load %arg17[%get3A_768] {strides = array<i32>} : memref<3072xi32, #tpu.memory_space<vmem>>, vector<16xi32>,
      %bitcast3A_770 = vector.bitcast %get3A_769 : vector<16xi32> to vector<32xbf16>
      %get3A_771 = arith.constant 848 : index
      %get3A_772 = tpu.vector_load %arg17[%get3A_771] {strides = array<i32>} : memref<3072xi32, #tpu.memory_space<vmem>>, vector<16xi32>,
      %bitcast3A_773 = vector.bitcast %get3A_772 : vector<16xi32> to vector<32xbf16>
      %get3A_774 = arith.constant 976 : index
      %get3A_775 = tpu.vector_load %arg17[%get3A_774] {strides = array<i32>} : memref<3072xi32, #tpu.memory_space<vmem>>, vector<16xi32>,
      %bitcast3A_776 = vector.bitcast %get3A_775 : vector<16xi32> to vector<32xbf16>
      %get3A_777 = arith.constant 96 : index
      %get3A_778 = tpu.vector_load %arg17[%get3A_777] {strides = array<i32>} : memref<3072xi32, #tpu.memory_space<vmem>>, vector<16xi32>,
      %bitcast3A_779 = vector.bitcast %get3A_778 : vector<16xi32> to vector<32xbf16>
      %get3A_780 = arith.constant 224 : index
      %get3A_781 = tpu.vector_load %arg17[%get3A_780] {strides = array<i32>} : memref<3072xi32, #tpu.memory_space<vmem>>, vector<16xi32>,
      %bitcast3A_782 = vector.bitcast %get3A_781 : vector<16xi32> to vector<32xbf16>
      %get3A_783 = arith.constant 352 : index
      %get3A_784 = tpu.vector_load %arg17[%get3A_783] {strides = array<i32>} : memref<3072xi32, #tpu.memory_space<vmem>>, vector<16xi32>,
      %bitcast3A_785 = vector.bitcast %get3A_784 : vector<16xi32> to vector<32xbf16>
      %get3A_786 = arith.constant 480 : index
      %get3A_787 = tpu.vector_load %arg17[%get3A_786] {strides = array<i32>} : memref<3072xi32, #tpu.memory_space<vmem>>, vector<16xi32>,
      %bitcast3A_788 = vector.bitcast %get3A_787 : vector<16xi32> to vector<32xbf16>
      %get3A_789 = arith.constant 608 : index
      %get3A_790 = tpu.vector_load %arg17[%get3A_789] {strides = array<i32>} : memref<3072xi32, #tpu.memory_space<vmem>>, vector<16xi32>,
      %bitcast3A_791 = vector.bitcast %get3A_790 : vector<16xi32> to vector<32xbf16>
      %get3A_792 = arith.constant 736 : index
      %get3A_793 = tpu.vector_load %arg17[%get3A_792] {strides = array<i32>} : memref<3072xi32, #tpu.memory_space<vmem>>, vector<16xi32>,
      %bitcast3A_794 = vector.bitcast %get3A_793 : vector<16xi32> to vector<32xbf16>
      %get3A_795 = arith.constant 864 : index
      %get3A_796 = tpu.vector_load %arg17[%get3A_795] {strides = array<i32>} : memref<3072xi32, #tpu.memory_space<vmem>>, vector<16xi32>,
      %bitcast3A_797 = vector.bitcast %get3A_796 : vector<16xi32> to vector<32xbf16>
      %get3A_798 = arith.constant 992 : index
      %get3A_799 = tpu.vector_load %arg17[%get3A_798] {strides = array<i32>} : memref<3072xi32, #tpu.memory_space<vmem>>, vector<16xi32>,
      %bitcast3A_800 = vector.bitcast %get3A_799 : vector<16xi32> to vector<32xbf16>
      %get3A_801 = arith.constant 112 : index
      %get3A_802 = tpu.vector_load %arg17[%get3A_801] {strides = array<i32>} : memref<3072xi32, #tpu.memory_space<vmem>>, vector<16xi32>,
      %bitcast3A_803 = vector.bitcast %get3A_802 : vector<16xi32> to vector<32xbf16>
      %get3A_804 = arith.constant 240 : index
      %get3A_805 = tpu.vector_load %arg17[%get3A_804] {strides = array<i32>} : memref<3072xi32, #tpu.memory_space<vmem>>, vector<16xi32>,
      %bitcast3A_806 = vector.bitcast %get3A_805 : vector<16xi32> to vector<32xbf16>
      %get3A_807 = arith.constant 368 : index
      %get3A_808 = tpu.vector_load %arg17[%get3A_807] {strides = array<i32>} : memref<3072xi32, #tpu.memory_space<vmem>>, vector<16xi32>,
      %bitcast3A_809 = vector.bitcast %get3A_808 : vector<16xi32> to vector<32xbf16>
      %get3A_810 = arith.constant 496 : index
      %get3A_811 = tpu.vector_load %arg17[%get3A_810] {strides = array<i32>} : memref<3072xi32, #tpu.memory_space<vmem>>, vector<16xi32>,
      %bitcast3A_812 = vector.bitcast %get3A_811 : vector<16xi32> to vector<32xbf16>
      %get3A_813 = arith.constant 624 : index
      %get3A_814 = tpu.vector_load %arg17[%get3A_813] {strides = array<i32>} : memref<3072xi32, #tpu.memory_space<vmem>>, vector<16xi32>,
      %bitcast3A_815 = vector.bitcast %get3A_814 : vector<16xi32> to vector<32xbf16>
      %get3A_816 = arith.constant 752 : index
      %get3A_817 = tpu.vector_load %arg17[%get3A_816] {strides = array<i32>} : memref<3072xi32, #tpu.memory_space<vmem>>, vector<16xi32>,
      %bitcast3A_818 = vector.bitcast %get3A_817 : vector<16xi32> to vector<32xbf16>
      %get3A_819 = arith.constant 880 : index
      %get3A_820 = tpu.vector_load %arg17[%get3A_819] {strides = array<i32>} : memref<3072xi32, #tpu.memory_space<vmem>>, vector<16xi32>,
      %bitcast3A_821 = vector.bitcast %get3A_820 : vector<16xi32> to vector<32xbf16>
      %get3A_822 = arith.constant 1008 : index
      %get3A_823 = tpu.vector_load %arg17[%get3A_822] {strides = array<i32>} : memref<3072xi32, #tpu.memory_space<vmem>>, vector<16xi32>,
      %bitcast3A_824 = vector.bitcast %get3A_823 : vector<16xi32> to vector<32xbf16>
      %scan3A_825 = arith.constant 0 : i32
      %scan3A_826 = arith.constant 0 : i32
      %scan3A_827 = arith.constant 16 : i32
      %scan3A_828 = arith.addi %scan3A_826, %scan3A_827 : i32
      %scan3A_829 = arith.constant 1 : i32
      scf.for %scan3A_1514 = %scan3A_826 to %scan3A_828 step %scan3A_829  : i32 {
        %mul3A_1515 = arith.constant 128 : i32
        %mul3A_1516 = arith.muli %scan3A_1514, %mul3A_1515 : i32
        %multiple_of3A_1517 = tpu.assume_multiple %mul3A_1516, 128 : i32
        %add3A_1518 = arith.constant 0 : i32
        %add3A_1519 = arith.addi %multiple_of3A_1517, %add3A_1518 : i32
        %get3A_1520 = arith.index_cast %add3A_1519 : i32 to index
        %get3A_1521 = tpu.vector_load %arg15[%get3A_1520] {strides = array<i32>} : memref<2048xi32, #tpu.memory_space<vmem>>, vector<16xi32>,
        %bitcast3A_1522 = vector.bitcast %get3A_1521 : vector<16xi32> to vector<32xbf16>
        %add3A_1523 = arith.constant 16 : i32
        %add3A_1524 = arith.addi %multiple_of3A_1517, %add3A_1523 : i32
        %get3A_1525 = arith.index_cast %add3A_1524 : i32 to index
        %get3A_1526 = tpu.vector_load %arg15[%get3A_1525] {strides = array<i32>} : memref<2048xi32, #tpu.memory_space<vmem>>, vector<16xi32>,
        %bitcast3A_1527 = vector.bitcast %get3A_1526 : vector<16xi32> to vector<32xbf16>
        %add3A_1528 = arith.constant 32 : i32
        %add3A_1529 = arith.addi %multiple_of3A_1517, %add3A_1528 : i32
        %get3A_1530 = arith.index_cast %add3A_1529 : i32 to index
        %get3A_1531 = tpu.vector_load %arg15[%get3A_1530] {strides = array<i32>} : memref<2048xi32, #tpu.memory_space<vmem>>, vector<16xi32>,
        %bitcast3A_1532 = vector.bitcast %get3A_1531 : vector<16xi32> to vector<32xbf16>
        %add3A_1533 = arith.constant 48 : i32
        %add3A_1534 = arith.addi %multiple_of3A_1517, %add3A_1533 : i32
        %get3A_1535 = arith.index_cast %add3A_1534 : i32 to index
        %get3A_1536 = tpu.vector_load %arg15[%get3A_1535] {strides = array<i32>} : memref<2048xi32, #tpu.memory_space<vmem>>, vector<16xi32>,
        %bitcast3A_1537 = vector.bitcast %get3A_1536 : vector<16xi32> to vector<32xbf16>
        %add3A_1538 = arith.constant 64 : i32
        %add3A_1539 = arith.addi %multiple_of3A_1517, %add3A_1538 : i32
        %get3A_1540 = arith.index_cast %add3A_1539 : i32 to index
        %get3A_1541 = tpu.vector_load %arg15[%get3A_1540] {strides = array<i32>} : memref<2048xi32, #tpu.memory_space<vmem>>, vector<16xi32>,
        %bitcast3A_1542 = vector.bitcast %get3A_1541 : vector<16xi32> to vector<32xbf16>
        %add3A_1543 = arith.constant 80 : i32
        %add3A_1544 = arith.addi %multiple_of3A_1517, %add3A_1543 : i32
        %get3A_1545 = arith.index_cast %add3A_1544 : i32 to index
        %get3A_1546 = tpu.vector_load %arg15[%get3A_1545] {strides = array<i32>} : memref<2048xi32, #tpu.memory_space<vmem>>, vector<16xi32>,
        %bitcast3A_1547 = vector.bitcast %get3A_1546 : vector<16xi32> to vector<32xbf16>
        %add3A_1548 = arith.constant 96 : i32
        %add3A_1549 = arith.addi %multiple_of3A_1517, %add3A_1548 : i32
        %get3A_1550 = arith.index_cast %add3A_1549 : i32 to index
        %get3A_1551 = tpu.vector_load %arg15[%get3A_1550] {strides = array<i32>} : memref<2048xi32, #tpu.memory_space<vmem>>, vector<16xi32>,
        %bitcast3A_1552 = vector.bitcast %get3A_1551 : vector<16xi32> to vector<32xbf16>
        %add3A_1553 = arith.constant 112 : i32
        %add3A_1554 = arith.addi %multiple_of3A_1517, %add3A_1553 : i32
        %get3A_1555 = arith.index_cast %add3A_1554 : i32 to index
        %get3A_1556 = tpu.vector_load %arg15[%get3A_1555] {strides = array<i32>} : memref<2048xi32, #tpu.memory_space<vmem>>, vector<16xi32>,
        %bitcast3A_1557 = vector.bitcast %get3A_1556 : vector<16xi32> to vector<32xbf16>
        %mul3A_1558 = arith.mulf %bitcast3A_1522, %bitcast3A_731 : vector<32xbf16>
        %mul3A_1559 = arith.mulf %bitcast3A_1527, %bitcast3A_734 : vector<32xbf16>
        %add3A_1560 = arith.addf %mul3A_1558, %mul3A_1559 : vector<32xbf16>
        %mul3A_1561 = arith.mulf %bitcast3A_1532, %bitcast3A_737 : vector<32xbf16>
        %add3A_1562 = arith.addf %add3A_1560, %mul3A_1561 : vector<32xbf16>
        %mul3A_1563 = arith.mulf %bitcast3A_1537, %bitcast3A_740 : vector<32xbf16>
        %add3A_1564 = arith.addf %add3A_1562, %mul3A_1563 : vector<32xbf16>
        %mul3A_1565 = arith.mulf %bitcast3A_1542, %bitcast3A_743 : vector<32xbf16>
        %add3A_1566 = arith.addf %add3A_1564, %mul3A_1565 : vector<32xbf16>
        %mul3A_1567 = arith.mulf %bitcast3A_1547, %bitcast3A_746 : vector<32xbf16>
        %add3A_1568 = arith.addf %add3A_1566, %mul3A_1567 : vector<32xbf16>
        %mul3A_1569 = arith.mulf %bitcast3A_1552, %bitcast3A_749 : vector<32xbf16>
        %add3A_1570 = arith.addf %add3A_1568, %mul3A_1569 : vector<32xbf16>
        %mul3A_1571 = arith.mulf %bitcast3A_1557, %bitcast3A_752 : vector<32xbf16>
        %add3A_1572 = arith.addf %add3A_1570, %mul3A_1571 : vector<32xbf16>
        %max3A_1573 = arith.maximumf %add3A_1572, %broadcast_in_dim3A_606 : vector<32xbf16>
        %bitcast3A_1574 = vector.bitcast %max3A_1573 : vector<32xbf16> to vector<16xi32>
        %add3A_1575 = arith.constant 64 : i32
        %add3A_1576 = arith.addi %multiple_of3A_1517, %add3A_1575 : i32
        %swap3A_1577 = arith.index_cast %add3A_1576 : i32 to index
        %swap3A_1578 = tpu.vector_load %arg16[%swap3A_1577] {strides = array<i32>} : memref<2048xi32, #tpu.memory_space<vmem>>, vector<16xi32>,
        tpu.vector_store %arg16[%swap3A_1577], %bitcast3A_1574 {strides = array<i32>} : memref<2048xi32, #tpu.memory_space<vmem>>, vector<16xi32>,
        %mul3A_1579 = arith.mulf %bitcast3A_1522, %bitcast3A_755 : vector<32xbf16>
        %mul3A_1580 = arith.mulf %bitcast3A_1527, %bitcast3A_758 : vector<32xbf16>
        %add3A_1581 = arith.addf %mul3A_1579, %mul3A_1580 : vector<32xbf16>
        %mul3A_1582 = arith.mulf %bitcast3A_1532, %bitcast3A_761 : vector<32xbf16>
        %add3A_1583 = arith.addf %add3A_1581, %mul3A_1582 : vector<32xbf16>
        %mul3A_1584 = arith.mulf %bitcast3A_1537, %bitcast3A_764 : vector<32xbf16>
        %add3A_1585 = arith.addf %add3A_1583, %mul3A_1584 : vector<32xbf16>
        %mul3A_1586 = arith.mulf %bitcast3A_1542, %bitcast3A_767 : vector<32xbf16>
        %add3A_1587 = arith.addf %add3A_1585, %mul3A_1586 : vector<32xbf16>
        %mul3A_1588 = arith.mulf %bitcast3A_1547, %bitcast3A_770 : vector<32xbf16>
        %add3A_1589 = arith.addf %add3A_1587, %mul3A_1588 : vector<32xbf16>
        %mul3A_1590 = arith.mulf %bitcast3A_1552, %bitcast3A_773 : vector<32xbf16>
        %add3A_1591 = arith.addf %add3A_1589, %mul3A_1590 : vector<32xbf16>
        %mul3A_1592 = arith.mulf %bitcast3A_1557, %bitcast3A_776 : vector<32xbf16>
        %add3A_1593 = arith.addf %add3A_1591, %mul3A_1592 : vector<32xbf16>
        %max3A_1594 = arith.maximumf %add3A_1593, %broadcast_in_dim3A_606 : vector<32xbf16>
        %bitcast3A_1595 = vector.bitcast %max3A_1594 : vector<32xbf16> to vector<16xi32>
        %add3A_1596 = arith.constant 80 : i32
        %add3A_1597 = arith.addi %multiple_of3A_1517, %add3A_1596 : i32
        %swap3A_1598 = arith.index_cast %add3A_1597 : i32 to index
        %swap3A_1599 = tpu.vector_load %arg16[%swap3A_1598] {strides = array<i32>} : memref<2048xi32, #tpu.memory_space<vmem>>, vector<16xi32>,
        tpu.vector_store %arg16[%swap3A_1598], %bitcast3A_1595 {strides = array<i32>} : memref<2048xi32, #tpu.memory_space<vmem>>, vector<16xi32>,
        %mul3A_1600 = arith.mulf %bitcast3A_1522, %bitcast3A_779 : vector<32xbf16>
        %mul3A_1601 = arith.mulf %bitcast3A_1527, %bitcast3A_782 : vector<32xbf16>
        %add3A_1602 = arith.addf %mul3A_1600, %mul3A_1601 : vector<32xbf16>
        %mul3A_1603 = arith.mulf %bitcast3A_1532, %bitcast3A_785 : vector<32xbf16>
        %add3A_1604 = arith.addf %add3A_1602, %mul3A_1603 : vector<32xbf16>
        %mul3A_1605 = arith.mulf %bitcast3A_1537, %bitcast3A_788 : vector<32xbf16>
        %add3A_1606 = arith.addf %add3A_1604, %mul3A_1605 : vector<32xbf16>
        %mul3A_1607 = arith.mulf %bitcast3A_1542, %bitcast3A_791 : vector<32xbf16>
        %add3A_1608 = arith.addf %add3A_1606, %mul3A_1607 : vector<32xbf16>
        %mul3A_1609 = arith.mulf %bitcast3A_1547, %bitcast3A_794 : vector<32xbf16>
        %add3A_1610 = arith.addf %add3A_1608, %mul3A_1609 : vector<32xbf16>
        %mul3A_1611 = arith.mulf %bitcast3A_1552, %bitcast3A_797 : vector<32xbf16>
        %add3A_1612 = arith.addf %add3A_1610, %mul3A_1611 : vector<32xbf16>
        %mul3A_1613 = arith.mulf %bitcast3A_1557, %bitcast3A_800 : vector<32xbf16>
        %add3A_1614 = arith.addf %add3A_1612, %mul3A_1613 : vector<32xbf16>
        %max3A_1615 = arith.maximumf %add3A_1614, %broadcast_in_dim3A_606 : vector<32xbf16>
        %bitcast3A_1616 = vector.bitcast %max3A_1615 : vector<32xbf16> to vector<16xi32>
        %add3A_1617 = arith.constant 96 : i32
        %add3A_1618 = arith.addi %multiple_of3A_1517, %add3A_1617 : i32
        %swap3A_1619 = arith.index_cast %add3A_1618 : i32 to index
        %swap3A_1620 = tpu.vector_load %arg16[%swap3A_1619] {strides = array<i32>} : memref<2048xi32, #tpu.memory_space<vmem>>, vector<16xi32>,
        tpu.vector_store %arg16[%swap3A_1619], %bitcast3A_1616 {strides = array<i32>} : memref<2048xi32, #tpu.memory_space<vmem>>, vector<16xi32>,
        %mul3A_1621 = arith.mulf %bitcast3A_1522, %bitcast3A_803 : vector<32xbf16>
        %mul3A_1622 = arith.mulf %bitcast3A_1527, %bitcast3A_806 : vector<32xbf16>
        %add3A_1623 = arith.addf %mul3A_1621, %mul3A_1622 : vector<32xbf16>
        %mul3A_1624 = arith.mulf %bitcast3A_1532, %bitcast3A_809 : vector<32xbf16>
        %add3A_1625 = arith.addf %add3A_1623, %mul3A_1624 : vector<32xbf16>
        %mul3A_1626 = arith.mulf %bitcast3A_1537, %bitcast3A_812 : vector<32xbf16>
        %add3A_1627 = arith.addf %add3A_1625, %mul3A_1626 : vector<32xbf16>
        %mul3A_1628 = arith.mulf %bitcast3A_1542, %bitcast3A_815 : vector<32xbf16>
        %add3A_1629 = arith.addf %add3A_1627, %mul3A_1628 : vector<32xbf16>
        %mul3A_1630 = arith.mulf %bitcast3A_1547, %bitcast3A_818 : vector<32xbf16>
        %add3A_1631 = arith.addf %add3A_1629, %mul3A_1630 : vector<32xbf16>
        %mul3A_1632 = arith.mulf %bitcast3A_1552, %bitcast3A_821 : vector<32xbf16>
        %add3A_1633 = arith.addf %add3A_1631, %mul3A_1632 : vector<32xbf16>
        %mul3A_1634 = arith.mulf %bitcast3A_1557, %bitcast3A_824 : vector<32xbf16>
        %add3A_1635 = arith.addf %add3A_1633, %mul3A_1634 : vector<32xbf16>
        %max3A_1636 = arith.maximumf %add3A_1635, %broadcast_in_dim3A_606 : vector<32xbf16>
        %bitcast3A_1637 = vector.bitcast %max3A_1636 : vector<32xbf16> to vector<16xi32>
        %add3A_1638 = arith.constant 112 : i32
        %add3A_1639 = arith.addi %multiple_of3A_1517, %add3A_1638 : i32
        %swap3A_1640 = arith.index_cast %add3A_1639 : i32 to index
        %swap3A_1641 = tpu.vector_load %arg16[%swap3A_1640] {strides = array<i32>} : memref<2048xi32, #tpu.memory_space<vmem>>, vector<16xi32>,
        tpu.vector_store %arg16[%swap3A_1640], %bitcast3A_1637 {strides = array<i32>} : memref<2048xi32, #tpu.memory_space<vmem>>, vector<16xi32>,
      }
      %scan3A_830 = arith.constant 16 : i32
      %get3A_831 = arith.constant 1024 : index
      %get3A_832 = tpu.vector_load %arg17[%get3A_831] {strides = array<i32>} : memref<3072xi32, #tpu.memory_space<vmem>>, vector<16xi32>,
      %bitcast3A_833 = vector.bitcast %get3A_832 : vector<16xi32> to vector<32xbf16>
      %get3A_834 = arith.constant 1280 : index
      %get3A_835 = tpu.vector_load %arg17[%get3A_834] {strides = array<i32>} : memref<3072xi32, #tpu.memory_space<vmem>>, vector<16xi32>,
      %bitcast3A_836 = vector.bitcast %get3A_835 : vector<16xi32> to vector<32xbf16>
      %get3A_837 = arith.constant 1536 : index
      %get3A_838 = tpu.vector_load %arg17[%get3A_837] {strides = array<i32>} : memref<3072xi32, #tpu.memory_space<vmem>>, vector<16xi32>,
      %bitcast3A_839 = vector.bitcast %get3A_838 : vector<16xi32> to vector<32xbf16>
      %get3A_840 = arith.constant 1792 : index
      %get3A_841 = tpu.vector_load %arg17[%get3A_840] {strides = array<i32>} : memref<3072xi32, #tpu.memory_space<vmem>>, vector<16xi32>,
      %bitcast3A_842 = vector.bitcast %get3A_841 : vector<16xi32> to vector<32xbf16>
      %get3A_843 = arith.constant 2048 : index
      %get3A_844 = tpu.vector_load %arg17[%get3A_843] {strides = array<i32>} : memref<3072xi32, #tpu.memory_space<vmem>>, vector<16xi32>,
      %bitcast3A_845 = vector.bitcast %get3A_844 : vector<16xi32> to vector<32xbf16>
      %get3A_846 = arith.constant 2304 : index
      %get3A_847 = tpu.vector_load %arg17[%get3A_846] {strides = array<i32>} : memref<3072xi32, #tpu.memory_space<vmem>>, vector<16xi32>,
      %bitcast3A_848 = vector.bitcast %get3A_847 : vector<16xi32> to vector<32xbf16>
      %get3A_849 = arith.constant 2560 : index
      %get3A_850 = tpu.vector_load %arg17[%get3A_849] {strides = array<i32>} : memref<3072xi32, #tpu.memory_space<vmem>>, vector<16xi32>,
      %bitcast3A_851 = vector.bitcast %get3A_850 : vector<16xi32> to vector<32xbf16>
      %get3A_852 = arith.constant 2816 : index
      %get3A_853 = tpu.vector_load %arg17[%get3A_852] {strides = array<i32>} : memref<3072xi32, #tpu.memory_space<vmem>>, vector<16xi32>,
      %bitcast3A_854 = vector.bitcast %get3A_853 : vector<16xi32> to vector<32xbf16>
      %get3A_855 = arith.constant 1040 : index
      %get3A_856 = tpu.vector_load %arg17[%get3A_855] {strides = array<i32>} : memref<3072xi32, #tpu.memory_space<vmem>>, vector<16xi32>,
      %bitcast3A_857 = vector.bitcast %get3A_856 : vector<16xi32> to vector<32xbf16>
      %get3A_858 = arith.constant 1296 : index
      %get3A_859 = tpu.vector_load %arg17[%get3A_858] {strides = array<i32>} : memref<3072xi32, #tpu.memory_space<vmem>>, vector<16xi32>,
      %bitcast3A_860 = vector.bitcast %get3A_859 : vector<16xi32> to vector<32xbf16>
      %get3A_861 = arith.constant 1552 : index
      %get3A_862 = tpu.vector_load %arg17[%get3A_861] {strides = array<i32>} : memref<3072xi32, #tpu.memory_space<vmem>>, vector<16xi32>,
      %bitcast3A_863 = vector.bitcast %get3A_862 : vector<16xi32> to vector<32xbf16>
      %get3A_864 = arith.constant 1808 : index
      %get3A_865 = tpu.vector_load %arg17[%get3A_864] {strides = array<i32>} : memref<3072xi32, #tpu.memory_space<vmem>>, vector<16xi32>,
      %bitcast3A_866 = vector.bitcast %get3A_865 : vector<16xi32> to vector<32xbf16>
      %get3A_867 = arith.constant 2064 : index
      %get3A_868 = tpu.vector_load %arg17[%get3A_867] {strides = array<i32>} : memref<3072xi32, #tpu.memory_space<vmem>>, vector<16xi32>,
      %bitcast3A_869 = vector.bitcast %get3A_868 : vector<16xi32> to vector<32xbf16>
      %get3A_870 = arith.constant 2320 : index
      %get3A_871 = tpu.vector_load %arg17[%get3A_870] {strides = array<i32>} : memref<3072xi32, #tpu.memory_space<vmem>>, vector<16xi32>,
      %bitcast3A_872 = vector.bitcast %get3A_871 : vector<16xi32> to vector<32xbf16>
      %get3A_873 = arith.constant 2576 : index
      %get3A_874 = tpu.vector_load %arg17[%get3A_873] {strides = array<i32>} : memref<3072xi32, #tpu.memory_space<vmem>>, vector<16xi32>,
      %bitcast3A_875 = vector.bitcast %get3A_874 : vector<16xi32> to vector<32xbf16>
      %get3A_876 = arith.constant 2832 : index
      %get3A_877 = tpu.vector_load %arg17[%get3A_876] {strides = array<i32>} : memref<3072xi32, #tpu.memory_space<vmem>>, vector<16xi32>,
      %bitcast3A_878 = vector.bitcast %get3A_877 : vector<16xi32> to vector<32xbf16>
      %get3A_879 = arith.constant 1056 : index
      %get3A_880 = tpu.vector_load %arg17[%get3A_879] {strides = array<i32>} : memref<3072xi32, #tpu.memory_space<vmem>>, vector<16xi32>,
      %bitcast3A_881 = vector.bitcast %get3A_880 : vector<16xi32> to vector<32xbf16>
      %get3A_882 = arith.constant 1312 : index
      %get3A_883 = tpu.vector_load %arg17[%get3A_882] {strides = array<i32>} : memref<3072xi32, #tpu.memory_space<vmem>>, vector<16xi32>,
      %bitcast3A_884 = vector.bitcast %get3A_883 : vector<16xi32> to vector<32xbf16>
      %get3A_885 = arith.constant 1568 : index
      %get3A_886 = tpu.vector_load %arg17[%get3A_885] {strides = array<i32>} : memref<3072xi32, #tpu.memory_space<vmem>>, vector<16xi32>,
      %bitcast3A_887 = vector.bitcast %get3A_886 : vector<16xi32> to vector<32xbf16>
      %get3A_888 = arith.constant 1824 : index
      %get3A_889 = tpu.vector_load %arg17[%get3A_888] {strides = array<i32>} : memref<3072xi32, #tpu.memory_space<vmem>>, vector<16xi32>,
      %bitcast3A_890 = vector.bitcast %get3A_889 : vector<16xi32> to vector<32xbf16>
      %get3A_891 = arith.constant 2080 : index
      %get3A_892 = tpu.vector_load %arg17[%get3A_891] {strides = array<i32>} : memref<3072xi32, #tpu.memory_space<vmem>>, vector<16xi32>,
      %bitcast3A_893 = vector.bitcast %get3A_892 : vector<16xi32> to vector<32xbf16>
      %get3A_894 = arith.constant 2336 : index
      %get3A_895 = tpu.vector_load %arg17[%get3A_894] {strides = array<i32>} : memref<3072xi32, #tpu.memory_space<vmem>>, vector<16xi32>,
      %bitcast3A_896 = vector.bitcast %get3A_895 : vector<16xi32> to vector<32xbf16>
      %get3A_897 = arith.constant 2592 : index
      %get3A_898 = tpu.vector_load %arg17[%get3A_897] {strides = array<i32>} : memref<3072xi32, #tpu.memory_space<vmem>>, vector<16xi32>,
      %bitcast3A_899 = vector.bitcast %get3A_898 : vector<16xi32> to vector<32xbf16>
      %get3A_900 = arith.constant 2848 : index
      %get3A_901 = tpu.vector_load %arg17[%get3A_900] {strides = array<i32>} : memref<3072xi32, #tpu.memory_space<vmem>>, vector<16xi32>,
      %bitcast3A_902 = vector.bitcast %get3A_901 : vector<16xi32> to vector<32xbf16>
      %get3A_903 = arith.constant 1072 : index
      %get3A_904 = tpu.vector_load %arg17[%get3A_903] {strides = array<i32>} : memref<3072xi32, #tpu.memory_space<vmem>>, vector<16xi32>,
      %bitcast3A_905 = vector.bitcast %get3A_904 : vector<16xi32> to vector<32xbf16>
      %get3A_906 = arith.constant 1328 : index
      %get3A_907 = tpu.vector_load %arg17[%get3A_906] {strides = array<i32>} : memref<3072xi32, #tpu.memory_space<vmem>>, vector<16xi32>,
      %bitcast3A_908 = vector.bitcast %get3A_907 : vector<16xi32> to vector<32xbf16>
      %get3A_909 = arith.constant 1584 : index
      %get3A_910 = tpu.vector_load %arg17[%get3A_909] {strides = array<i32>} : memref<3072xi32, #tpu.memory_space<vmem>>, vector<16xi32>,
      %bitcast3A_911 = vector.bitcast %get3A_910 : vector<16xi32> to vector<32xbf16>
      %get3A_912 = arith.constant 1840 : index
      %get3A_913 = tpu.vector_load %arg17[%get3A_912] {strides = array<i32>} : memref<3072xi32, #tpu.memory_space<vmem>>, vector<16xi32>,
      %bitcast3A_914 = vector.bitcast %get3A_913 : vector<16xi32> to vector<32xbf16>
      %get3A_915 = arith.constant 2096 : index
      %get3A_916 = tpu.vector_load %arg17[%get3A_915] {strides = array<i32>} : memref<3072xi32, #tpu.memory_space<vmem>>, vector<16xi32>,
      %bitcast3A_917 = vector.bitcast %get3A_916 : vector<16xi32> to vector<32xbf16>
      %get3A_918 = arith.constant 2352 : index
      %get3A_919 = tpu.vector_load %arg17[%get3A_918] {strides = array<i32>} : memref<3072xi32, #tpu.memory_space<vmem>>, vector<16xi32>,
      %bitcast3A_920 = vector.bitcast %get3A_919 : vector<16xi32> to vector<32xbf16>
      %get3A_921 = arith.constant 2608 : index
      %get3A_922 = tpu.vector_load %arg17[%get3A_921] {strides = array<i32>} : memref<3072xi32, #tpu.memory_space<vmem>>, vector<16xi32>,
      %bitcast3A_923 = vector.bitcast %get3A_922 : vector<16xi32> to vector<32xbf16>
      %get3A_924 = arith.constant 2864 : index
      %get3A_925 = tpu.vector_load %arg17[%get3A_924] {strides = array<i32>} : memref<3072xi32, #tpu.memory_space<vmem>>, vector<16xi32>,
      %bitcast3A_926 = vector.bitcast %get3A_925 : vector<16xi32> to vector<32xbf16>
      %scan3A_927 = arith.constant 0 : i32
      %scan3A_928 = arith.constant 16 : i32
      %scan3A_929 = arith.addi %scan3A_927, %scan3A_928 : i32
      %scan3A_930 = arith.constant 1 : i32
      %scan3A_931:4 = scf.for %scan3A_1514 = %scan3A_927 to %scan3A_929 step %scan3A_930 iter_args(%scan3A_1515 = %broadcast_in_dim3A_606, %scan3A_1516 = %broadcast_in_dim3A_606, %scan3A_1517 = %broadcast_in_dim3A_606, %scan3A_1518 = %broadcast_in_dim3A_606) -> (vector<32xbf16>, vector<32xbf16>, vector<32xbf16>, vector<32xbf16>)  : i32 {
        %mul3A_1519 = arith.constant 128 : i32
        %mul3A_1520 = arith.muli %scan3A_1514, %mul3A_1519 : i32
        %multiple_of3A_1521 = tpu.assume_multiple %mul3A_1520, 128 : i32
        %add3A_1522 = arith.constant 0 : i32
        %add3A_1523 = arith.addi %multiple_of3A_1521, %add3A_1522 : i32
        %get3A_1524 = arith.index_cast %add3A_1523 : i32 to index
        %get3A_1525 = tpu.vector_load %arg16[%get3A_1524] {strides = array<i32>} : memref<2048xi32, #tpu.memory_space<vmem>>, vector<16xi32>,
        %bitcast3A_1526 = vector.bitcast %get3A_1525 : vector<16xi32> to vector<32xbf16>
        %add3A_1527 = arith.constant 16 : i32
        %add3A_1528 = arith.addi %multiple_of3A_1521, %add3A_1527 : i32
        %get3A_1529 = arith.index_cast %add3A_1528 : i32 to index
        %get3A_1530 = tpu.vector_load %arg16[%get3A_1529] {strides = array<i32>} : memref<2048xi32, #tpu.memory_space<vmem>>, vector<16xi32>,
        %bitcast3A_1531 = vector.bitcast %get3A_1530 : vector<16xi32> to vector<32xbf16>
        %add3A_1532 = arith.constant 32 : i32
        %add3A_1533 = arith.addi %multiple_of3A_1521, %add3A_1532 : i32
        %get3A_1534 = arith.index_cast %add3A_1533 : i32 to index
        %get3A_1535 = tpu.vector_load %arg16[%get3A_1534] {strides = array<i32>} : memref<2048xi32, #tpu.memory_space<vmem>>, vector<16xi32>,
        %bitcast3A_1536 = vector.bitcast %get3A_1535 : vector<16xi32> to vector<32xbf16>
        %add3A_1537 = arith.constant 48 : i32
        %add3A_1538 = arith.addi %multiple_of3A_1521, %add3A_1537 : i32
        %get3A_1539 = arith.index_cast %add3A_1538 : i32 to index
        %get3A_1540 = tpu.vector_load %arg16[%get3A_1539] {strides = array<i32>} : memref<2048xi32, #tpu.memory_space<vmem>>, vector<16xi32>,
        %bitcast3A_1541 = vector.bitcast %get3A_1540 : vector<16xi32> to vector<32xbf16>
        %add3A_1542 = arith.constant 64 : i32
        %add3A_1543 = arith.addi %multiple_of3A_1521, %add3A_1542 : i32
        %get3A_1544 = arith.index_cast %add3A_1543 : i32 to index
        %get3A_1545 = tpu.vector_load %arg16[%get3A_1544] {strides = array<i32>} : memref<2048xi32, #tpu.memory_space<vmem>>, vector<16xi32>,
        %bitcast3A_1546 = vector.bitcast %get3A_1545 : vector<16xi32> to vector<32xbf16>
        %add3A_1547 = arith.constant 80 : i32
        %add3A_1548 = arith.addi %multiple_of3A_1521, %add3A_1547 : i32
        %get3A_1549 = arith.index_cast %add3A_1548 : i32 to index
        %get3A_1550 = tpu.vector_load %arg16[%get3A_1549] {strides = array<i32>} : memref<2048xi32, #tpu.memory_space<vmem>>, vector<16xi32>,
        %bitcast3A_1551 = vector.bitcast %get3A_1550 : vector<16xi32> to vector<32xbf16>
        %add3A_1552 = arith.constant 96 : i32
        %add3A_1553 = arith.addi %multiple_of3A_1521, %add3A_1552 : i32
        %get3A_1554 = arith.index_cast %add3A_1553 : i32 to index
        %get3A_1555 = tpu.vector_load %arg16[%get3A_1554] {strides = array<i32>} : memref<2048xi32, #tpu.memory_space<vmem>>, vector<16xi32>,
        %bitcast3A_1556 = vector.bitcast %get3A_1555 : vector<16xi32> to vector<32xbf16>
        %add3A_1557 = arith.constant 112 : i32
        %add3A_1558 = arith.addi %multiple_of3A_1521, %add3A_1557 : i32
        %get3A_1559 = arith.index_cast %add3A_1558 : i32 to index
        %get3A_1560 = tpu.vector_load %arg16[%get3A_1559] {strides = array<i32>} : memref<2048xi32, #tpu.memory_space<vmem>>, vector<16xi32>,
        %bitcast3A_1561 = vector.bitcast %get3A_1560 : vector<16xi32> to vector<32xbf16>
        %mul3A_1562 = arith.mulf %bitcast3A_1526, %bitcast3A_833 : vector<32xbf16>
        %mul3A_1563 = arith.mulf %bitcast3A_1531, %bitcast3A_836 : vector<32xbf16>
        %add3A_1564 = arith.addf %mul3A_1562, %mul3A_1563 : vector<32xbf16>
        %mul3A_1565 = arith.mulf %bitcast3A_1536, %bitcast3A_839 : vector<32xbf16>
        %add3A_1566 = arith.addf %add3A_1564, %mul3A_1565 : vector<32xbf16>
        %mul3A_1567 = arith.mulf %bitcast3A_1541, %bitcast3A_842 : vector<32xbf16>
        %add3A_1568 = arith.addf %add3A_1566, %mul3A_1567 : vector<32xbf16>
        %mul3A_1569 = arith.mulf %bitcast3A_1546, %bitcast3A_845 : vector<32xbf16>
        %add3A_1570 = arith.addf %add3A_1568, %mul3A_1569 : vector<32xbf16>
        %mul3A_1571 = arith.mulf %bitcast3A_1551, %bitcast3A_848 : vector<32xbf16>
        %add3A_1572 = arith.addf %add3A_1570, %mul3A_1571 : vector<32xbf16>
        %mul3A_1573 = arith.mulf %bitcast3A_1556, %bitcast3A_851 : vector<32xbf16>
        %add3A_1574 = arith.addf %add3A_1572, %mul3A_1573 : vector<32xbf16>
        %mul3A_1575 = arith.mulf %bitcast3A_1561, %bitcast3A_854 : vector<32xbf16>
        %add3A_1576 = arith.addf %add3A_1574, %mul3A_1575 : vector<32xbf16>
        %max3A_1577 = arith.maximumf %scan3A_1515, %add3A_1576 : vector<32xbf16>
        %mul3A_1578 = arith.mulf %bitcast3A_1526, %bitcast3A_857 : vector<32xbf16>
        %mul3A_1579 = arith.mulf %bitcast3A_1531, %bitcast3A_860 : vector<32xbf16>
        %add3A_1580 = arith.addf %mul3A_1578, %mul3A_1579 : vector<32xbf16>
        %mul3A_1581 = arith.mulf %bitcast3A_1536, %bitcast3A_863 : vector<32xbf16>
        %add3A_1582 = arith.addf %add3A_1580, %mul3A_1581 : vector<32xbf16>
        %mul3A_1583 = arith.mulf %bitcast3A_1541, %bitcast3A_866 : vector<32xbf16>
        %add3A_1584 = arith.addf %add3A_1582, %mul3A_1583 : vector<32xbf16>
        %mul3A_1585 = arith.mulf %bitcast3A_1546, %bitcast3A_869 : vector<32xbf16>
        %add3A_1586 = arith.addf %add3A_1584, %mul3A_1585 : vector<32xbf16>
        %mul3A_1587 = arith.mulf %bitcast3A_1551, %bitcast3A_872 : vector<32xbf16>
        %add3A_1588 = arith.addf %add3A_1586, %mul3A_1587 : vector<32xbf16>
        %mul3A_1589 = arith.mulf %bitcast3A_1556, %bitcast3A_875 : vector<32xbf16>
        %add3A_1590 = arith.addf %add3A_1588, %mul3A_1589 : vector<32xbf16>
        %mul3A_1591 = arith.mulf %bitcast3A_1561, %bitcast3A_878 : vector<32xbf16>
        %add3A_1592 = arith.addf %add3A_1590, %mul3A_1591 : vector<32xbf16>
        %max3A_1593 = arith.maximumf %scan3A_1516, %add3A_1592 : vector<32xbf16>
        %mul3A_1594 = arith.mulf %bitcast3A_1526, %bitcast3A_881 : vector<32xbf16>
        %mul3A_1595 = arith.mulf %bitcast3A_1531, %bitcast3A_884 : vector<32xbf16>
        %add3A_1596 = arith.addf %mul3A_1594, %mul3A_1595 : vector<32xbf16>
        %mul3A_1597 = arith.mulf %bitcast3A_1536, %bitcast3A_887 : vector<32xbf16>
        %add3A_1598 = arith.addf %add3A_1596, %mul3A_1597 : vector<32xbf16>
        %mul3A_1599 = arith.mulf %bitcast3A_1541, %bitcast3A_890 : vector<32xbf16>
        %add3A_1600 = arith.addf %add3A_1598, %mul3A_1599 : vector<32xbf16>
        %mul3A_1601 = arith.mulf %bitcast3A_1546, %bitcast3A_893 : vector<32xbf16>
        %add3A_1602 = arith.addf %add3A_1600, %mul3A_1601 : vector<32xbf16>
        %mul3A_1603 = arith.mulf %bitcast3A_1551, %bitcast3A_896 : vector<32xbf16>
        %add3A_1604 = arith.addf %add3A_1602, %mul3A_1603 : vector<32xbf16>
        %mul3A_1605 = arith.mulf %bitcast3A_1556, %bitcast3A_899 : vector<32xbf16>
        %add3A_1606 = arith.addf %add3A_1604, %mul3A_1605 : vector<32xbf16>
        %mul3A_1607 = arith.mulf %bitcast3A_1561, %bitcast3A_902 : vector<32xbf16>
        %add3A_1608 = arith.addf %add3A_1606, %mul3A_1607 : vector<32xbf16>
        %max3A_1609 = arith.maximumf %scan3A_1517, %add3A_1608 : vector<32xbf16>
        %mul3A_1610 = arith.mulf %bitcast3A_1526, %bitcast3A_905 : vector<32xbf16>
        %mul3A_1611 = arith.mulf %bitcast3A_1531, %bitcast3A_908 : vector<32xbf16>
        %add3A_1612 = arith.addf %mul3A_1610, %mul3A_1611 : vector<32xbf16>
        %mul3A_1613 = arith.mulf %bitcast3A_1536, %bitcast3A_911 : vector<32xbf16>
        %add3A_1614 = arith.addf %add3A_1612, %mul3A_1613 : vector<32xbf16>
        %mul3A_1615 = arith.mulf %bitcast3A_1541, %bitcast3A_914 : vector<32xbf16>
        %add3A_1616 = arith.addf %add3A_1614, %mul3A_1615 : vector<32xbf16>
        %mul3A_1617 = arith.mulf %bitcast3A_1546, %bitcast3A_917 : vector<32xbf16>
        %add3A_1618 = arith.addf %add3A_1616, %mul3A_1617 : vector<32xbf16>
        %mul3A_1619 = arith.mulf %bitcast3A_1551, %bitcast3A_920 : vector<32xbf16>
        %add3A_1620 = arith.addf %add3A_1618, %mul3A_1619 : vector<32xbf16>
        %mul3A_1621 = arith.mulf %bitcast3A_1556, %bitcast3A_923 : vector<32xbf16>
        %add3A_1622 = arith.addf %add3A_1620, %mul3A_1621 : vector<32xbf16>
        %mul3A_1623 = arith.mulf %bitcast3A_1561, %bitcast3A_926 : vector<32xbf16>
        %add3A_1624 = arith.addf %add3A_1622, %mul3A_1623 : vector<32xbf16>
        %max3A_1625 = arith.maximumf %scan3A_1518, %add3A_1624 : vector<32xbf16>
        scf.yield %max3A_1577, %max3A_1593, %max3A_1609, %max3A_1625 : vector<32xbf16>, vector<32xbf16>, vector<32xbf16>, vector<32xbf16>
      }
      %scan3A_932 = arith.constant 16 : i32
      %unpack3A = tpu.unpack_subelements %scan3A_931#0, 0 {pack_format = #tpu.pack_format<interleaved>} : vector<32xbf16> -> vector<16xf32>
      %unpack3A_933 = tpu.unpack_subelements %scan3A_931#0, 1 {pack_format = #tpu.pack_format<interleaved>} : vector<32xbf16> -> vector<16xf32>
      %max3A = arith.maximumf %unpack3A, %unpack3A_933 : vector<16xf32>
      %mul3A_934 = vector.broadcast %squeeze3A_481 : f32 to vector<16xf32>
      %mul3A_935 = arith.mulf %max3A, %mul3A_934 : vector<16xf32>
      %add3A_936 = arith.addf %broadcast_in_dim3A_604, %mul3A_935 : vector<16xf32>
      %mul3A_937 = vector.broadcast %squeeze3A_483 : f32 to vector<16xf32>
      %mul3A_938 = arith.mulf %max3A, %mul3A_937 : vector<16xf32>
      %add3A_939 = arith.addf %broadcast_in_dim3A_604, %mul3A_938 : vector<16xf32>
      %mul3A_940 = vector.broadcast %squeeze3A_485 : f32 to vector<16xf32>
      %mul3A_941 = arith.mulf %max3A, %mul3A_940 : vector<16xf32>
      %add3A_942 = arith.addf %broadcast_in_dim3A_604, %mul3A_941 : vector<16xf32>
      %unpack3A_943 = tpu.unpack_subelements %scan3A_931#1, 0 {pack_format = #tpu.pack_format<interleaved>} : vector<32xbf16> -> vector<16xf32>
      %unpack3A_944 = tpu.unpack_subelements %scan3A_931#1, 1 {pack_format = #tpu.pack_format<interleaved>} : vector<32xbf16> -> vector<16xf32>
      %max3A_945 = arith.maximumf %unpack3A_943, %unpack3A_944 : vector<16xf32>
      %mul3A_946 = vector.broadcast %squeeze3A_487 : f32 to vector<16xf32>
      %mul3A_947 = arith.mulf %max3A_945, %mul3A_946 : vector<16xf32>
      %add3A_948 = arith.addf %add3A_936, %mul3A_947 : vector<16xf32>
      %mul3A_949 = vector.broadcast %squeeze3A_489 : f32 to vector<16xf32>
      %mul3A_950 = arith.mulf %max3A_945, %mul3A_949 : vector<16xf32>
      %add3A_951 = arith.addf %add3A_939, %mul3A_950 : vector<16xf32>
      %mul3A_952 = vector.broadcast %squeeze3A_491 : f32 to vector<16xf32>
      %mul3A_953 = arith.mulf %max3A_945, %mul3A_952 : vector<16xf32>
      %add3A_954 = arith.addf %add3A_942, %mul3A_953 : vector<16xf32>
      %unpack3A_955 = tpu.unpack_subelements %scan3A_931#2, 0 {pack_format = #tpu.pack_format<interleaved>} : vector<32xbf16> -> vector<16xf32>
      %unpack3A_956 = tpu.unpack_subelements %scan3A_931#2, 1 {pack_format = #tpu.pack_format<interleaved>} : vector<32xbf16> -> vector<16xf32>
      %max3A_957 = arith.maximumf %unpack3A_955, %unpack3A_956 : vector<16xf32>
      %mul3A_958 = vector.broadcast %squeeze3A_493 : f32 to vector<16xf32>
      %mul3A_959 = arith.mulf %max3A_957, %mul3A_958 : vector<16xf32>
      %add3A_960 = arith.addf %add3A_948, %mul3A_959 : vector<16xf32>
      %mul3A_961 = vector.broadcast %squeeze3A_495 : f32 to vector<16xf32>
      %mul3A_962 = arith.mulf %max3A_957, %mul3A_961 : vector<16xf32>
      %add3A_963 = arith.addf %add3A_951, %mul3A_962 : vector<16xf32>
      %mul3A_964 = vector.broadcast %squeeze3A_497 : f32 to vector<16xf32>
      %mul3A_965 = arith.mulf %max3A_957, %mul3A_964 : vector<16xf32>
      %add3A_966 = arith.addf %add3A_954, %mul3A_965 : vector<16xf32>
      %unpack3A_967 = tpu.unpack_subelements %scan3A_931#3, 0 {pack_format = #tpu.pack_format<interleaved>} : vector<32xbf16> -> vector<16xf32>
      %unpack3A_968 = tpu.unpack_subelements %scan3A_931#3, 1 {pack_format = #tpu.pack_format<interleaved>} : vector<32xbf16> -> vector<16xf32>
      %max3A_969 = arith.maximumf %unpack3A_967, %unpack3A_968 : vector<16xf32>
      %mul3A_970 = vector.broadcast %squeeze3A_499 : f32 to vector<16xf32>
      %mul3A_971 = arith.mulf %max3A_969, %mul3A_970 : vector<16xf32>
      %add3A_972 = arith.addf %add3A_960, %mul3A_971 : vector<16xf32>
      %mul3A_973 = vector.broadcast %squeeze3A_501 : f32 to vector<16xf32>
      %mul3A_974 = arith.mulf %max3A_969, %mul3A_973 : vector<16xf32>
      %add3A_975 = arith.addf %add3A_963, %mul3A_974 : vector<16xf32>
      %mul3A_976 = vector.broadcast %squeeze3A_503 : f32 to vector<16xf32>
      %mul3A_977 = arith.mulf %max3A_969, %mul3A_976 : vector<16xf32>
      %add3A_978 = arith.addf %add3A_966, %mul3A_977 : vector<16xf32>
      %get3A_979 = arith.constant 1088 : index
      %get3A_980 = tpu.vector_load %arg17[%get3A_979] {strides = array<i32>} : memref<3072xi32, #tpu.memory_space<vmem>>, vector<16xi32>,
      %bitcast3A_981 = vector.bitcast %get3A_980 : vector<16xi32> to vector<32xbf16>
      %get3A_982 = arith.constant 1344 : index
      %get3A_983 = tpu.vector_load %arg17[%get3A_982] {strides = array<i32>} : memref<3072xi32, #tpu.memory_space<vmem>>, vector<16xi32>,
      %bitcast3A_984 = vector.bitcast %get3A_983 : vector<16xi32> to vector<32xbf16>
      %get3A_985 = arith.constant 1600 : index
      %get3A_986 = tpu.vector_load %arg17[%get3A_985] {strides = array<i32>} : memref<3072xi32, #tpu.memory_space<vmem>>, vector<16xi32>,
      %bitcast3A_987 = vector.bitcast %get3A_986 : vector<16xi32> to vector<32xbf16>
      %get3A_988 = arith.constant 1856 : index
      %get3A_989 = tpu.vector_load %arg17[%get3A_988] {strides = array<i32>} : memref<3072xi32, #tpu.memory_space<vmem>>, vector<16xi32>,
      %bitcast3A_990 = vector.bitcast %get3A_989 : vector<16xi32> to vector<32xbf16>
      %get3A_991 = arith.constant 2112 : index
      %get3A_992 = tpu.vector_load %arg17[%get3A_991] {strides = array<i32>} : memref<3072xi32, #tpu.memory_space<vmem>>, vector<16xi32>,
      %bitcast3A_993 = vector.bitcast %get3A_992 : vector<16xi32> to vector<32xbf16>
      %get3A_994 = arith.constant 2368 : index
      %get3A_995 = tpu.vector_load %arg17[%get3A_994] {strides = array<i32>} : memref<3072xi32, #tpu.memory_space<vmem>>, vector<16xi32>,
      %bitcast3A_996 = vector.bitcast %get3A_995 : vector<16xi32> to vector<32xbf16>
      %get3A_997 = arith.constant 2624 : index
      %get3A_998 = tpu.vector_load %arg17[%get3A_997] {strides = array<i32>} : memref<3072xi32, #tpu.memory_space<vmem>>, vector<16xi32>,
      %bitcast3A_999 = vector.bitcast %get3A_998 : vector<16xi32> to vector<32xbf16>
      %get3A_1000 = arith.constant 2880 : index
      %get3A_1001 = tpu.vector_load %arg17[%get3A_1000] {strides = array<i32>} : memref<3072xi32, #tpu.memory_space<vmem>>, vector<16xi32>,
      %bitcast3A_1002 = vector.bitcast %get3A_1001 : vector<16xi32> to vector<32xbf16>
      %get3A_1003 = arith.constant 1104 : index
      %get3A_1004 = tpu.vector_load %arg17[%get3A_1003] {strides = array<i32>} : memref<3072xi32, #tpu.memory_space<vmem>>, vector<16xi32>,
      %bitcast3A_1005 = vector.bitcast %get3A_1004 : vector<16xi32> to vector<32xbf16>
      %get3A_1006 = arith.constant 1360 : index
      %get3A_1007 = tpu.vector_load %arg17[%get3A_1006] {strides = array<i32>} : memref<3072xi32, #tpu.memory_space<vmem>>, vector<16xi32>,
      %bitcast3A_1008 = vector.bitcast %get3A_1007 : vector<16xi32> to vector<32xbf16>
      %get3A_1009 = arith.constant 1616 : index
      %get3A_1010 = tpu.vector_load %arg17[%get3A_1009] {strides = array<i32>} : memref<3072xi32, #tpu.memory_space<vmem>>, vector<16xi32>,
      %bitcast3A_1011 = vector.bitcast %get3A_1010 : vector<16xi32> to vector<32xbf16>
      %get3A_1012 = arith.constant 1872 : index
      %get3A_1013 = tpu.vector_load %arg17[%get3A_1012] {strides = array<i32>} : memref<3072xi32, #tpu.memory_space<vmem>>, vector<16xi32>,
      %bitcast3A_1014 = vector.bitcast %get3A_1013 : vector<16xi32> to vector<32xbf16>
      %get3A_1015 = arith.constant 2128 : index
      %get3A_1016 = tpu.vector_load %arg17[%get3A_1015] {strides = array<i32>} : memref<3072xi32, #tpu.memory_space<vmem>>, vector<16xi32>,
      %bitcast3A_1017 = vector.bitcast %get3A_1016 : vector<16xi32> to vector<32xbf16>
      %get3A_1018 = arith.constant 2384 : index
      %get3A_1019 = tpu.vector_load %arg17[%get3A_1018] {strides = array<i32>} : memref<3072xi32, #tpu.memory_space<vmem>>, vector<16xi32>,
      %bitcast3A_1020 = vector.bitcast %get3A_1019 : vector<16xi32> to vector<32xbf16>
      %get3A_1021 = arith.constant 2640 : index
      %get3A_1022 = tpu.vector_load %arg17[%get3A_1021] {strides = array<i32>} : memref<3072xi32, #tpu.memory_space<vmem>>, vector<16xi32>,
      %bitcast3A_1023 = vector.bitcast %get3A_1022 : vector<16xi32> to vector<32xbf16>
      %get3A_1024 = arith.constant 2896 : index
      %get3A_1025 = tpu.vector_load %arg17[%get3A_1024] {strides = array<i32>} : memref<3072xi32, #tpu.memory_space<vmem>>, vector<16xi32>,
      %bitcast3A_1026 = vector.bitcast %get3A_1025 : vector<16xi32> to vector<32xbf16>
      %get3A_1027 = arith.constant 1120 : index
      %get3A_1028 = tpu.vector_load %arg17[%get3A_1027] {strides = array<i32>} : memref<3072xi32, #tpu.memory_space<vmem>>, vector<16xi32>,
      %bitcast3A_1029 = vector.bitcast %get3A_1028 : vector<16xi32> to vector<32xbf16>
      %get3A_1030 = arith.constant 1376 : index
      %get3A_1031 = tpu.vector_load %arg17[%get3A_1030] {strides = array<i32>} : memref<3072xi32, #tpu.memory_space<vmem>>, vector<16xi32>,
      %bitcast3A_1032 = vector.bitcast %get3A_1031 : vector<16xi32> to vector<32xbf16>
      %get3A_1033 = arith.constant 1632 : index
      %get3A_1034 = tpu.vector_load %arg17[%get3A_1033] {strides = array<i32>} : memref<3072xi32, #tpu.memory_space<vmem>>, vector<16xi32>,
      %bitcast3A_1035 = vector.bitcast %get3A_1034 : vector<16xi32> to vector<32xbf16>
      %get3A_1036 = arith.constant 1888 : index
      %get3A_1037 = tpu.vector_load %arg17[%get3A_1036] {strides = array<i32>} : memref<3072xi32, #tpu.memory_space<vmem>>, vector<16xi32>,
      %bitcast3A_1038 = vector.bitcast %get3A_1037 : vector<16xi32> to vector<32xbf16>
      %get3A_1039 = arith.constant 2144 : index
      %get3A_1040 = tpu.vector_load %arg17[%get3A_1039] {strides = array<i32>} : memref<3072xi32, #tpu.memory_space<vmem>>, vector<16xi32>,
      %bitcast3A_1041 = vector.bitcast %get3A_1040 : vector<16xi32> to vector<32xbf16>
      %get3A_1042 = arith.constant 2400 : index
      %get3A_1043 = tpu.vector_load %arg17[%get3A_1042] {strides = array<i32>} : memref<3072xi32, #tpu.memory_space<vmem>>, vector<16xi32>,
      %bitcast3A_1044 = vector.bitcast %get3A_1043 : vector<16xi32> to vector<32xbf16>
      %get3A_1045 = arith.constant 2656 : index
      %get3A_1046 = tpu.vector_load %arg17[%get3A_1045] {strides = array<i32>} : memref<3072xi32, #tpu.memory_space<vmem>>, vector<16xi32>,
      %bitcast3A_1047 = vector.bitcast %get3A_1046 : vector<16xi32> to vector<32xbf16>
      %get3A_1048 = arith.constant 2912 : index
      %get3A_1049 = tpu.vector_load %arg17[%get3A_1048] {strides = array<i32>} : memref<3072xi32, #tpu.memory_space<vmem>>, vector<16xi32>,
      %bitcast3A_1050 = vector.bitcast %get3A_1049 : vector<16xi32> to vector<32xbf16>
      %get3A_1051 = arith.constant 1136 : index
      %get3A_1052 = tpu.vector_load %arg17[%get3A_1051] {strides = array<i32>} : memref<3072xi32, #tpu.memory_space<vmem>>, vector<16xi32>,
      %bitcast3A_1053 = vector.bitcast %get3A_1052 : vector<16xi32> to vector<32xbf16>
      %get3A_1054 = arith.constant 1392 : index
      %get3A_1055 = tpu.vector_load %arg17[%get3A_1054] {strides = array<i32>} : memref<3072xi32, #tpu.memory_space<vmem>>, vector<16xi32>,
      %bitcast3A_1056 = vector.bitcast %get3A_1055 : vector<16xi32> to vector<32xbf16>
      %get3A_1057 = arith.constant 1648 : index
      %get3A_1058 = tpu.vector_load %arg17[%get3A_1057] {strides = array<i32>} : memref<3072xi32, #tpu.memory_space<vmem>>, vector<16xi32>,
      %bitcast3A_1059 = vector.bitcast %get3A_1058 : vector<16xi32> to vector<32xbf16>
      %get3A_1060 = arith.constant 1904 : index
      %get3A_1061 = tpu.vector_load %arg17[%get3A_1060] {strides = array<i32>} : memref<3072xi32, #tpu.memory_space<vmem>>, vector<16xi32>,
      %bitcast3A_1062 = vector.bitcast %get3A_1061 : vector<16xi32> to vector<32xbf16>
      %get3A_1063 = arith.constant 2160 : index
      %get3A_1064 = tpu.vector_load %arg17[%get3A_1063] {strides = array<i32>} : memref<3072xi32, #tpu.memory_space<vmem>>, vector<16xi32>,
      %bitcast3A_1065 = vector.bitcast %get3A_1064 : vector<16xi32> to vector<32xbf16>
      %get3A_1066 = arith.constant 2416 : index
      %get3A_1067 = tpu.vector_load %arg17[%get3A_1066] {strides = array<i32>} : memref<3072xi32, #tpu.memory_space<vmem>>, vector<16xi32>,
      %bitcast3A_1068 = vector.bitcast %get3A_1067 : vector<16xi32> to vector<32xbf16>
      %get3A_1069 = arith.constant 2672 : index
      %get3A_1070 = tpu.vector_load %arg17[%get3A_1069] {strides = array<i32>} : memref<3072xi32, #tpu.memory_space<vmem>>, vector<16xi32>,
      %bitcast3A_1071 = vector.bitcast %get3A_1070 : vector<16xi32> to vector<32xbf16>
      %get3A_1072 = arith.constant 2928 : index
      %get3A_1073 = tpu.vector_load %arg17[%get3A_1072] {strides = array<i32>} : memref<3072xi32, #tpu.memory_space<vmem>>, vector<16xi32>,
      %bitcast3A_1074 = vector.bitcast %get3A_1073 : vector<16xi32> to vector<32xbf16>
      %scan3A_1075 = arith.constant 0 : i32
      %scan3A_1076 = arith.constant 16 : i32
      %scan3A_1077 = arith.addi %scan3A_1075, %scan3A_1076 : i32
      %scan3A_1078 = arith.constant 1 : i32
      %scan3A_1079:4 = scf.for %scan3A_1514 = %scan3A_1075 to %scan3A_1077 step %scan3A_1078 iter_args(%scan3A_1515 = %broadcast_in_dim3A_606, %scan3A_1516 = %broadcast_in_dim3A_606, %scan3A_1517 = %broadcast_in_dim3A_606, %scan3A_1518 = %broadcast_in_dim3A_606) -> (vector<32xbf16>, vector<32xbf16>, vector<32xbf16>, vector<32xbf16>)  : i32 {
        %mul3A_1519 = arith.constant 128 : i32
        %mul3A_1520 = arith.muli %scan3A_1514, %mul3A_1519 : i32
        %multiple_of3A_1521 = tpu.assume_multiple %mul3A_1520, 128 : i32
        %add3A_1522 = arith.constant 0 : i32
        %add3A_1523 = arith.addi %multiple_of3A_1521, %add3A_1522 : i32
        %get3A_1524 = arith.index_cast %add3A_1523 : i32 to index
        %get3A_1525 = tpu.vector_load %arg16[%get3A_1524] {strides = array<i32>} : memref<2048xi32, #tpu.memory_space<vmem>>, vector<16xi32>,
        %bitcast3A_1526 = vector.bitcast %get3A_1525 : vector<16xi32> to vector<32xbf16>
        %add3A_1527 = arith.constant 16 : i32
        %add3A_1528 = arith.addi %multiple_of3A_1521, %add3A_1527 : i32
        %get3A_1529 = arith.index_cast %add3A_1528 : i32 to index
        %get3A_1530 = tpu.vector_load %arg16[%get3A_1529] {strides = array<i32>} : memref<2048xi32, #tpu.memory_space<vmem>>, vector<16xi32>,
        %bitcast3A_1531 = vector.bitcast %get3A_1530 : vector<16xi32> to vector<32xbf16>
        %add3A_1532 = arith.constant 32 : i32
        %add3A_1533 = arith.addi %multiple_of3A_1521, %add3A_1532 : i32
        %get3A_1534 = arith.index_cast %add3A_1533 : i32 to index
        %get3A_1535 = tpu.vector_load %arg16[%get3A_1534] {strides = array<i32>} : memref<2048xi32, #tpu.memory_space<vmem>>, vector<16xi32>,
        %bitcast3A_1536 = vector.bitcast %get3A_1535 : vector<16xi32> to vector<32xbf16>
        %add3A_1537 = arith.constant 48 : i32
        %add3A_1538 = arith.addi %multiple_of3A_1521, %add3A_1537 : i32
        %get3A_1539 = arith.index_cast %add3A_1538 : i32 to index
        %get3A_1540 = tpu.vector_load %arg16[%get3A_1539] {strides = array<i32>} : memref<2048xi32, #tpu.memory_space<vmem>>, vector<16xi32>,
        %bitcast3A_1541 = vector.bitcast %get3A_1540 : vector<16xi32> to vector<32xbf16>
        %add3A_1542 = arith.constant 64 : i32
        %add3A_1543 = arith.addi %multiple_of3A_1521, %add3A_1542 : i32
        %get3A_1544 = arith.index_cast %add3A_1543 : i32 to index
        %get3A_1545 = tpu.vector_load %arg16[%get3A_1544] {strides = array<i32>} : memref<2048xi32, #tpu.memory_space<vmem>>, vector<16xi32>,
        %bitcast3A_1546 = vector.bitcast %get3A_1545 : vector<16xi32> to vector<32xbf16>
        %add3A_1547 = arith.constant 80 : i32
        %add3A_1548 = arith.addi %multiple_of3A_1521, %add3A_1547 : i32
        %get3A_1549 = arith.index_cast %add3A_1548 : i32 to index
        %get3A_1550 = tpu.vector_load %arg16[%get3A_1549] {strides = array<i32>} : memref<2048xi32, #tpu.memory_space<vmem>>, vector<16xi32>,
        %bitcast3A_1551 = vector.bitcast %get3A_1550 : vector<16xi32> to vector<32xbf16>
        %add3A_1552 = arith.constant 96 : i32
        %add3A_1553 = arith.addi %multiple_of3A_1521, %add3A_1552 : i32
        %get3A_1554 = arith.index_cast %add3A_1553 : i32 to index
        %get3A_1555 = tpu.vector_load %arg16[%get3A_1554] {strides = array<i32>} : memref<2048xi32, #tpu.memory_space<vmem>>, vector<16xi32>,
        %bitcast3A_1556 = vector.bitcast %get3A_1555 : vector<16xi32> to vector<32xbf16>
        %add3A_1557 = arith.constant 112 : i32
        %add3A_1558 = arith.addi %multiple_of3A_1521, %add3A_1557 : i32
        %get3A_1559 = arith.index_cast %add3A_1558 : i32 to index
        %get3A_1560 = tpu.vector_load %arg16[%get3A_1559] {strides = array<i32>} : memref<2048xi32, #tpu.memory_space<vmem>>, vector<16xi32>,
        %bitcast3A_1561 = vector.bitcast %get3A_1560 : vector<16xi32> to vector<32xbf16>
        %mul3A_1562 = arith.mulf %bitcast3A_1526, %bitcast3A_981 : vector<32xbf16>
        %mul3A_1563 = arith.mulf %bitcast3A_1531, %bitcast3A_984 : vector<32xbf16>
        %add3A_1564 = arith.addf %mul3A_1562, %mul3A_1563 : vector<32xbf16>
        %mul3A_1565 = arith.mulf %bitcast3A_1536, %bitcast3A_987 : vector<32xbf16>
        %add3A_1566 = arith.addf %add3A_1564, %mul3A_1565 : vector<32xbf16>
        %mul3A_1567 = arith.mulf %bitcast3A_1541, %bitcast3A_990 : vector<32xbf16>
        %add3A_1568 = arith.addf %add3A_1566, %mul3A_1567 : vector<32xbf16>
        %mul3A_1569 = arith.mulf %bitcast3A_1546, %bitcast3A_993 : vector<32xbf16>
        %add3A_1570 = arith.addf %add3A_1568, %mul3A_1569 : vector<32xbf16>
        %mul3A_1571 = arith.mulf %bitcast3A_1551, %bitcast3A_996 : vector<32xbf16>
        %add3A_1572 = arith.addf %add3A_1570, %mul3A_1571 : vector<32xbf16>
        %mul3A_1573 = arith.mulf %bitcast3A_1556, %bitcast3A_999 : vector<32xbf16>
        %add3A_1574 = arith.addf %add3A_1572, %mul3A_1573 : vector<32xbf16>
        %mul3A_1575 = arith.mulf %bitcast3A_1561, %bitcast3A_1002 : vector<32xbf16>
        %add3A_1576 = arith.addf %add3A_1574, %mul3A_1575 : vector<32xbf16>
        %max3A_1577 = arith.maximumf %scan3A_1515, %add3A_1576 : vector<32xbf16>
        %mul3A_1578 = arith.mulf %bitcast3A_1526, %bitcast3A_1005 : vector<32xbf16>
        %mul3A_1579 = arith.mulf %bitcast3A_1531, %bitcast3A_1008 : vector<32xbf16>
        %add3A_1580 = arith.addf %mul3A_1578, %mul3A_1579 : vector<32xbf16>
        %mul3A_1581 = arith.mulf %bitcast3A_1536, %bitcast3A_1011 : vector<32xbf16>
        %add3A_1582 = arith.addf %add3A_1580, %mul3A_1581 : vector<32xbf16>
        %mul3A_1583 = arith.mulf %bitcast3A_1541, %bitcast3A_1014 : vector<32xbf16>
        %add3A_1584 = arith.addf %add3A_1582, %mul3A_1583 : vector<32xbf16>
        %mul3A_1585 = arith.mulf %bitcast3A_1546, %bitcast3A_1017 : vector<32xbf16>
        %add3A_1586 = arith.addf %add3A_1584, %mul3A_1585 : vector<32xbf16>
        %mul3A_1587 = arith.mulf %bitcast3A_1551, %bitcast3A_1020 : vector<32xbf16>
        %add3A_1588 = arith.addf %add3A_1586, %mul3A_1587 : vector<32xbf16>
        %mul3A_1589 = arith.mulf %bitcast3A_1556, %bitcast3A_1023 : vector<32xbf16>
        %add3A_1590 = arith.addf %add3A_1588, %mul3A_1589 : vector<32xbf16>
        %mul3A_1591 = arith.mulf %bitcast3A_1561, %bitcast3A_1026 : vector<32xbf16>
        %add3A_1592 = arith.addf %add3A_1590, %mul3A_1591 : vector<32xbf16>
        %max3A_1593 = arith.maximumf %scan3A_1516, %add3A_1592 : vector<32xbf16>
        %mul3A_1594 = arith.mulf %bitcast3A_1526, %bitcast3A_1029 : vector<32xbf16>
        %mul3A_1595 = arith.mulf %bitcast3A_1531, %bitcast3A_1032 : vector<32xbf16>
        %add3A_1596 = arith.addf %mul3A_1594, %mul3A_1595 : vector<32xbf16>
        %mul3A_1597 = arith.mulf %bitcast3A_1536, %bitcast3A_1035 : vector<32xbf16>
        %add3A_1598 = arith.addf %add3A_1596, %mul3A_1597 : vector<32xbf16>
        %mul3A_1599 = arith.mulf %bitcast3A_1541, %bitcast3A_1038 : vector<32xbf16>
        %add3A_1600 = arith.addf %add3A_1598, %mul3A_1599 : vector<32xbf16>
        %mul3A_1601 = arith.mulf %bitcast3A_1546, %bitcast3A_1041 : vector<32xbf16>
        %add3A_1602 = arith.addf %add3A_1600, %mul3A_1601 : vector<32xbf16>
        %mul3A_1603 = arith.mulf %bitcast3A_1551, %bitcast3A_1044 : vector<32xbf16>
        %add3A_1604 = arith.addf %add3A_1602, %mul3A_1603 : vector<32xbf16>
        %mul3A_1605 = arith.mulf %bitcast3A_1556, %bitcast3A_1047 : vector<32xbf16>
        %add3A_1606 = arith.addf %add3A_1604, %mul3A_1605 : vector<32xbf16>
        %mul3A_1607 = arith.mulf %bitcast3A_1561, %bitcast3A_1050 : vector<32xbf16>
        %add3A_1608 = arith.addf %add3A_1606, %mul3A_1607 : vector<32xbf16>
        %max3A_1609 = arith.maximumf %scan3A_1517, %add3A_1608 : vector<32xbf16>
        %mul3A_1610 = arith.mulf %bitcast3A_1526, %bitcast3A_1053 : vector<32xbf16>
        %mul3A_1611 = arith.mulf %bitcast3A_1531, %bitcast3A_1056 : vector<32xbf16>
        %add3A_1612 = arith.addf %mul3A_1610, %mul3A_1611 : vector<32xbf16>
        %mul3A_1613 = arith.mulf %bitcast3A_1536, %bitcast3A_1059 : vector<32xbf16>
        %add3A_1614 = arith.addf %add3A_1612, %mul3A_1613 : vector<32xbf16>
        %mul3A_1615 = arith.mulf %bitcast3A_1541, %bitcast3A_1062 : vector<32xbf16>
        %add3A_1616 = arith.addf %add3A_1614, %mul3A_1615 : vector<32xbf16>
        %mul3A_1617 = arith.mulf %bitcast3A_1546, %bitcast3A_1065 : vector<32xbf16>
        %add3A_1618 = arith.addf %add3A_1616, %mul3A_1617 : vector<32xbf16>
        %mul3A_1619 = arith.mulf %bitcast3A_1551, %bitcast3A_1068 : vector<32xbf16>
        %add3A_1620 = arith.addf %add3A_1618, %mul3A_1619 : vector<32xbf16>
        %mul3A_1621 = arith.mulf %bitcast3A_1556, %bitcast3A_1071 : vector<32xbf16>
        %add3A_1622 = arith.addf %add3A_1620, %mul3A_1621 : vector<32xbf16>
        %mul3A_1623 = arith.mulf %bitcast3A_1561, %bitcast3A_1074 : vector<32xbf16>
        %add3A_1624 = arith.addf %add3A_1622, %mul3A_1623 : vector<32xbf16>
        %max3A_1625 = arith.maximumf %scan3A_1518, %add3A_1624 : vector<32xbf16>
        scf.yield %max3A_1577, %max3A_1593, %max3A_1609, %max3A_1625 : vector<32xbf16>, vector<32xbf16>, vector<32xbf16>, vector<32xbf16>
      }
      %scan3A_1080 = arith.constant 16 : i32
      %unpack3A_1081 = tpu.unpack_subelements %scan3A_1079#0, 0 {pack_format = #tpu.pack_format<interleaved>} : vector<32xbf16> -> vector<16xf32>
      %unpack3A_1082 = tpu.unpack_subelements %scan3A_1079#0, 1 {pack_format = #tpu.pack_format<interleaved>} : vector<32xbf16> -> vector<16xf32>
      %max3A_1083 = arith.maximumf %unpack3A_1081, %unpack3A_1082 : vector<16xf32>
      %mul3A_1084 = vector.broadcast %squeeze3A_505 : f32 to vector<16xf32>
      %mul3A_1085 = arith.mulf %max3A_1083, %mul3A_1084 : vector<16xf32>
      %add3A_1086 = arith.addf %add3A_972, %mul3A_1085 : vector<16xf32>
      %mul3A_1087 = vector.broadcast %squeeze3A_507 : f32 to vector<16xf32>
      %mul3A_1088 = arith.mulf %max3A_1083, %mul3A_1087 : vector<16xf32>
      %add3A_1089 = arith.addf %add3A_975, %mul3A_1088 : vector<16xf32>
      %mul3A_1090 = vector.broadcast %squeeze3A_509 : f32 to vector<16xf32>
      %mul3A_1091 = arith.mulf %max3A_1083, %mul3A_1090 : vector<16xf32>
      %add3A_1092 = arith.addf %add3A_978, %mul3A_1091 : vector<16xf32>
      %unpack3A_1093 = tpu.unpack_subelements %scan3A_1079#1, 0 {pack_format = #tpu.pack_format<interleaved>} : vector<32xbf16> -> vector<16xf32>
      %unpack3A_1094 = tpu.unpack_subelements %scan3A_1079#1, 1 {pack_format = #tpu.pack_format<interleaved>} : vector<32xbf16> -> vector<16xf32>
      %max3A_1095 = arith.maximumf %unpack3A_1093, %unpack3A_1094 : vector<16xf32>
      %mul3A_1096 = vector.broadcast %squeeze3A_511 : f32 to vector<16xf32>
      %mul3A_1097 = arith.mulf %max3A_1095, %mul3A_1096 : vector<16xf32>
      %add3A_1098 = arith.addf %add3A_1086, %mul3A_1097 : vector<16xf32>
      %mul3A_1099 = vector.broadcast %squeeze3A_513 : f32 to vector<16xf32>
      %mul3A_1100 = arith.mulf %max3A_1095, %mul3A_1099 : vector<16xf32>
      %add3A_1101 = arith.addf %add3A_1089, %mul3A_1100 : vector<16xf32>
      %mul3A_1102 = vector.broadcast %squeeze3A_515 : f32 to vector<16xf32>
      %mul3A_1103 = arith.mulf %max3A_1095, %mul3A_1102 : vector<16xf32>
      %add3A_1104 = arith.addf %add3A_1092, %mul3A_1103 : vector<16xf32>
      %unpack3A_1105 = tpu.unpack_subelements %scan3A_1079#2, 0 {pack_format = #tpu.pack_format<interleaved>} : vector<32xbf16> -> vector<16xf32>
      %unpack3A_1106 = tpu.unpack_subelements %scan3A_1079#2, 1 {pack_format = #tpu.pack_format<interleaved>} : vector<32xbf16> -> vector<16xf32>
      %max3A_1107 = arith.maximumf %unpack3A_1105, %unpack3A_1106 : vector<16xf32>
      %mul3A_1108 = vector.broadcast %squeeze3A_517 : f32 to vector<16xf32>
      %mul3A_1109 = arith.mulf %max3A_1107, %mul3A_1108 : vector<16xf32>
      %add3A_1110 = arith.addf %add3A_1098, %mul3A_1109 : vector<16xf32>
      %mul3A_1111 = vector.broadcast %squeeze3A_519 : f32 to vector<16xf32>
      %mul3A_1112 = arith.mulf %max3A_1107, %mul3A_1111 : vector<16xf32>
      %add3A_1113 = arith.addf %add3A_1101, %mul3A_1112 : vector<16xf32>
      %mul3A_1114 = vector.broadcast %squeeze3A_521 : f32 to vector<16xf32>
      %mul3A_1115 = arith.mulf %max3A_1107, %mul3A_1114 : vector<16xf32>
      %add3A_1116 = arith.addf %add3A_1104, %mul3A_1115 : vector<16xf32>
      %unpack3A_1117 = tpu.unpack_subelements %scan3A_1079#3, 0 {pack_format = #tpu.pack_format<interleaved>} : vector<32xbf16> -> vector<16xf32>
      %unpack3A_1118 = tpu.unpack_subelements %scan3A_1079#3, 1 {pack_format = #tpu.pack_format<interleaved>} : vector<32xbf16> -> vector<16xf32>
      %max3A_1119 = arith.maximumf %unpack3A_1117, %unpack3A_1118 : vector<16xf32>
      %mul3A_1120 = vector.broadcast %squeeze3A_523 : f32 to vector<16xf32>
      %mul3A_1121 = arith.mulf %max3A_1119, %mul3A_1120 : vector<16xf32>
      %add3A_1122 = arith.addf %add3A_1110, %mul3A_1121 : vector<16xf32>
      %mul3A_1123 = vector.broadcast %squeeze3A_525 : f32 to vector<16xf32>
      %mul3A_1124 = arith.mulf %max3A_1119, %mul3A_1123 : vector<16xf32>
      %add3A_1125 = arith.addf %add3A_1113, %mul3A_1124 : vector<16xf32>
      %mul3A_1126 = vector.broadcast %squeeze3A_527 : f32 to vector<16xf32>
      %mul3A_1127 = arith.mulf %max3A_1119, %mul3A_1126 : vector<16xf32>
      %add3A_1128 = arith.addf %add3A_1116, %mul3A_1127 : vector<16xf32>
      %get3A_1129 = arith.constant 1152 : index
      %get3A_1130 = tpu.vector_load %arg17[%get3A_1129] {strides = array<i32>} : memref<3072xi32, #tpu.memory_space<vmem>>, vector<16xi32>,
      %bitcast3A_1131 = vector.bitcast %get3A_1130 : vector<16xi32> to vector<32xbf16>
      %get3A_1132 = arith.constant 1408 : index
      %get3A_1133 = tpu.vector_load %arg17[%get3A_1132] {strides = array<i32>} : memref<3072xi32, #tpu.memory_space<vmem>>, vector<16xi32>,
      %bitcast3A_1134 = vector.bitcast %get3A_1133 : vector<16xi32> to vector<32xbf16>
      %get3A_1135 = arith.constant 1664 : index
      %get3A_1136 = tpu.vector_load %arg17[%get3A_1135] {strides = array<i32>} : memref<3072xi32, #tpu.memory_space<vmem>>, vector<16xi32>,
      %bitcast3A_1137 = vector.bitcast %get3A_1136 : vector<16xi32> to vector<32xbf16>
      %get3A_1138 = arith.constant 1920 : index
      %get3A_1139 = tpu.vector_load %arg17[%get3A_1138] {strides = array<i32>} : memref<3072xi32, #tpu.memory_space<vmem>>, vector<16xi32>,
      %bitcast3A_1140 = vector.bitcast %get3A_1139 : vector<16xi32> to vector<32xbf16>
      %get3A_1141 = arith.constant 2176 : index
      %get3A_1142 = tpu.vector_load %arg17[%get3A_1141] {strides = array<i32>} : memref<3072xi32, #tpu.memory_space<vmem>>, vector<16xi32>,
      %bitcast3A_1143 = vector.bitcast %get3A_1142 : vector<16xi32> to vector<32xbf16>
      %get3A_1144 = arith.constant 2432 : index
      %get3A_1145 = tpu.vector_load %arg17[%get3A_1144] {strides = array<i32>} : memref<3072xi32, #tpu.memory_space<vmem>>, vector<16xi32>,
      %bitcast3A_1146 = vector.bitcast %get3A_1145 : vector<16xi32> to vector<32xbf16>
      %get3A_1147 = arith.constant 2688 : index
      %get3A_1148 = tpu.vector_load %arg17[%get3A_1147] {strides = array<i32>} : memref<3072xi32, #tpu.memory_space<vmem>>, vector<16xi32>,
      %bitcast3A_1149 = vector.bitcast %get3A_1148 : vector<16xi32> to vector<32xbf16>
      %get3A_1150 = arith.constant 2944 : index
      %get3A_1151 = tpu.vector_load %arg17[%get3A_1150] {strides = array<i32>} : memref<3072xi32, #tpu.memory_space<vmem>>, vector<16xi32>,
      %bitcast3A_1152 = vector.bitcast %get3A_1151 : vector<16xi32> to vector<32xbf16>
      %get3A_1153 = arith.constant 1168 : index
      %get3A_1154 = tpu.vector_load %arg17[%get3A_1153] {strides = array<i32>} : memref<3072xi32, #tpu.memory_space<vmem>>, vector<16xi32>,
      %bitcast3A_1155 = vector.bitcast %get3A_1154 : vector<16xi32> to vector<32xbf16>
      %get3A_1156 = arith.constant 1424 : index
      %get3A_1157 = tpu.vector_load %arg17[%get3A_1156] {strides = array<i32>} : memref<3072xi32, #tpu.memory_space<vmem>>, vector<16xi32>,
      %bitcast3A_1158 = vector.bitcast %get3A_1157 : vector<16xi32> to vector<32xbf16>
      %get3A_1159 = arith.constant 1680 : index
      %get3A_1160 = tpu.vector_load %arg17[%get3A_1159] {strides = array<i32>} : memref<3072xi32, #tpu.memory_space<vmem>>, vector<16xi32>,
      %bitcast3A_1161 = vector.bitcast %get3A_1160 : vector<16xi32> to vector<32xbf16>
      %get3A_1162 = arith.constant 1936 : index
      %get3A_1163 = tpu.vector_load %arg17[%get3A_1162] {strides = array<i32>} : memref<3072xi32, #tpu.memory_space<vmem>>, vector<16xi32>,
      %bitcast3A_1164 = vector.bitcast %get3A_1163 : vector<16xi32> to vector<32xbf16>
      %get3A_1165 = arith.constant 2192 : index
      %get3A_1166 = tpu.vector_load %arg17[%get3A_1165] {strides = array<i32>} : memref<3072xi32, #tpu.memory_space<vmem>>, vector<16xi32>,
      %bitcast3A_1167 = vector.bitcast %get3A_1166 : vector<16xi32> to vector<32xbf16>
      %get3A_1168 = arith.constant 2448 : index
      %get3A_1169 = tpu.vector_load %arg17[%get3A_1168] {strides = array<i32>} : memref<3072xi32, #tpu.memory_space<vmem>>, vector<16xi32>,
      %bitcast3A_1170 = vector.bitcast %get3A_1169 : vector<16xi32> to vector<32xbf16>
      %get3A_1171 = arith.constant 2704 : index
      %get3A_1172 = tpu.vector_load %arg17[%get3A_1171] {strides = array<i32>} : memref<3072xi32, #tpu.memory_space<vmem>>, vector<16xi32>,
      %bitcast3A_1173 = vector.bitcast %get3A_1172 : vector<16xi32> to vector<32xbf16>
      %get3A_1174 = arith.constant 2960 : index
      %get3A_1175 = tpu.vector_load %arg17[%get3A_1174] {strides = array<i32>} : memref<3072xi32, #tpu.memory_space<vmem>>, vector<16xi32>,
      %bitcast3A_1176 = vector.bitcast %get3A_1175 : vector<16xi32> to vector<32xbf16>
      %get3A_1177 = arith.constant 1184 : index
      %get3A_1178 = tpu.vector_load %arg17[%get3A_1177] {strides = array<i32>} : memref<3072xi32, #tpu.memory_space<vmem>>, vector<16xi32>,
      %bitcast3A_1179 = vector.bitcast %get3A_1178 : vector<16xi32> to vector<32xbf16>
      %get3A_1180 = arith.constant 1440 : index
      %get3A_1181 = tpu.vector_load %arg17[%get3A_1180] {strides = array<i32>} : memref<3072xi32, #tpu.memory_space<vmem>>, vector<16xi32>,
      %bitcast3A_1182 = vector.bitcast %get3A_1181 : vector<16xi32> to vector<32xbf16>
      %get3A_1183 = arith.constant 1696 : index
      %get3A_1184 = tpu.vector_load %arg17[%get3A_1183] {strides = array<i32>} : memref<3072xi32, #tpu.memory_space<vmem>>, vector<16xi32>,
      %bitcast3A_1185 = vector.bitcast %get3A_1184 : vector<16xi32> to vector<32xbf16>
      %get3A_1186 = arith.constant 1952 : index
      %get3A_1187 = tpu.vector_load %arg17[%get3A_1186] {strides = array<i32>} : memref<3072xi32, #tpu.memory_space<vmem>>, vector<16xi32>,
      %bitcast3A_1188 = vector.bitcast %get3A_1187 : vector<16xi32> to vector<32xbf16>
      %get3A_1189 = arith.constant 2208 : index
      %get3A_1190 = tpu.vector_load %arg17[%get3A_1189] {strides = array<i32>} : memref<3072xi32, #tpu.memory_space<vmem>>, vector<16xi32>,
      %bitcast3A_1191 = vector.bitcast %get3A_1190 : vector<16xi32> to vector<32xbf16>
      %get3A_1192 = arith.constant 2464 : index
      %get3A_1193 = tpu.vector_load %arg17[%get3A_1192] {strides = array<i32>} : memref<3072xi32, #tpu.memory_space<vmem>>, vector<16xi32>,
      %bitcast3A_1194 = vector.bitcast %get3A_1193 : vector<16xi32> to vector<32xbf16>
      %get3A_1195 = arith.constant 2720 : index
      %get3A_1196 = tpu.vector_load %arg17[%get3A_1195] {strides = array<i32>} : memref<3072xi32, #tpu.memory_space<vmem>>, vector<16xi32>,
      %bitcast3A_1197 = vector.bitcast %get3A_1196 : vector<16xi32> to vector<32xbf16>
      %get3A_1198 = arith.constant 2976 : index
      %get3A_1199 = tpu.vector_load %arg17[%get3A_1198] {strides = array<i32>} : memref<3072xi32, #tpu.memory_space<vmem>>, vector<16xi32>,
      %bitcast3A_1200 = vector.bitcast %get3A_1199 : vector<16xi32> to vector<32xbf16>
      %get3A_1201 = arith.constant 1200 : index
      %get3A_1202 = tpu.vector_load %arg17[%get3A_1201] {strides = array<i32>} : memref<3072xi32, #tpu.memory_space<vmem>>, vector<16xi32>,
      %bitcast3A_1203 = vector.bitcast %get3A_1202 : vector<16xi32> to vector<32xbf16>
      %get3A_1204 = arith.constant 1456 : index
      %get3A_1205 = tpu.vector_load %arg17[%get3A_1204] {strides = array<i32>} : memref<3072xi32, #tpu.memory_space<vmem>>, vector<16xi32>,
      %bitcast3A_1206 = vector.bitcast %get3A_1205 : vector<16xi32> to vector<32xbf16>
      %get3A_1207 = arith.constant 1712 : index
      %get3A_1208 = tpu.vector_load %arg17[%get3A_1207] {strides = array<i32>} : memref<3072xi32, #tpu.memory_space<vmem>>, vector<16xi32>,
      %bitcast3A_1209 = vector.bitcast %get3A_1208 : vector<16xi32> to vector<32xbf16>
      %get3A_1210 = arith.constant 1968 : index
      %get3A_1211 = tpu.vector_load %arg17[%get3A_1210] {strides = array<i32>} : memref<3072xi32, #tpu.memory_space<vmem>>, vector<16xi32>,
      %bitcast3A_1212 = vector.bitcast %get3A_1211 : vector<16xi32> to vector<32xbf16>
      %get3A_1213 = arith.constant 2224 : index
      %get3A_1214 = tpu.vector_load %arg17[%get3A_1213] {strides = array<i32>} : memref<3072xi32, #tpu.memory_space<vmem>>, vector<16xi32>,
      %bitcast3A_1215 = vector.bitcast %get3A_1214 : vector<16xi32> to vector<32xbf16>
      %get3A_1216 = arith.constant 2480 : index
      %get3A_1217 = tpu.vector_load %arg17[%get3A_1216] {strides = array<i32>} : memref<3072xi32, #tpu.memory_space<vmem>>, vector<16xi32>,
      %bitcast3A_1218 = vector.bitcast %get3A_1217 : vector<16xi32> to vector<32xbf16>
      %get3A_1219 = arith.constant 2736 : index
      %get3A_1220 = tpu.vector_load %arg17[%get3A_1219] {strides = array<i32>} : memref<3072xi32, #tpu.memory_space<vmem>>, vector<16xi32>,
      %bitcast3A_1221 = vector.bitcast %get3A_1220 : vector<16xi32> to vector<32xbf16>
      %get3A_1222 = arith.constant 2992 : index
      %get3A_1223 = tpu.vector_load %arg17[%get3A_1222] {strides = array<i32>} : memref<3072xi32, #tpu.memory_space<vmem>>, vector<16xi32>,
      %bitcast3A_1224 = vector.bitcast %get3A_1223 : vector<16xi32> to vector<32xbf16>
      %scan3A_1225 = arith.constant 0 : i32
      %scan3A_1226 = arith.constant 16 : i32
      %scan3A_1227 = arith.addi %scan3A_1225, %scan3A_1226 : i32
      %scan3A_1228 = arith.constant 1 : i32
      %scan3A_1229:4 = scf.for %scan3A_1514 = %scan3A_1225 to %scan3A_1227 step %scan3A_1228 iter_args(%scan3A_1515 = %broadcast_in_dim3A_606, %scan3A_1516 = %broadcast_in_dim3A_606, %scan3A_1517 = %broadcast_in_dim3A_606, %scan3A_1518 = %broadcast_in_dim3A_606) -> (vector<32xbf16>, vector<32xbf16>, vector<32xbf16>, vector<32xbf16>)  : i32 {
        %mul3A_1519 = arith.constant 128 : i32
        %mul3A_1520 = arith.muli %scan3A_1514, %mul3A_1519 : i32
        %multiple_of3A_1521 = tpu.assume_multiple %mul3A_1520, 128 : i32
        %add3A_1522 = arith.constant 0 : i32
        %add3A_1523 = arith.addi %multiple_of3A_1521, %add3A_1522 : i32
        %get3A_1524 = arith.index_cast %add3A_1523 : i32 to index
        %get3A_1525 = tpu.vector_load %arg16[%get3A_1524] {strides = array<i32>} : memref<2048xi32, #tpu.memory_space<vmem>>, vector<16xi32>,
        %bitcast3A_1526 = vector.bitcast %get3A_1525 : vector<16xi32> to vector<32xbf16>
        %add3A_1527 = arith.constant 16 : i32
        %add3A_1528 = arith.addi %multiple_of3A_1521, %add3A_1527 : i32
        %get3A_1529 = arith.index_cast %add3A_1528 : i32 to index
        %get3A_1530 = tpu.vector_load %arg16[%get3A_1529] {strides = array<i32>} : memref<2048xi32, #tpu.memory_space<vmem>>, vector<16xi32>,
        %bitcast3A_1531 = vector.bitcast %get3A_1530 : vector<16xi32> to vector<32xbf16>
        %add3A_1532 = arith.constant 32 : i32
        %add3A_1533 = arith.addi %multiple_of3A_1521, %add3A_1532 : i32
        %get3A_1534 = arith.index_cast %add3A_1533 : i32 to index
        %get3A_1535 = tpu.vector_load %arg16[%get3A_1534] {strides = array<i32>} : memref<2048xi32, #tpu.memory_space<vmem>>, vector<16xi32>,
        %bitcast3A_1536 = vector.bitcast %get3A_1535 : vector<16xi32> to vector<32xbf16>
        %add3A_1537 = arith.constant 48 : i32
        %add3A_1538 = arith.addi %multiple_of3A_1521, %add3A_1537 : i32
        %get3A_1539 = arith.index_cast %add3A_1538 : i32 to index
        %get3A_1540 = tpu.vector_load %arg16[%get3A_1539] {strides = array<i32>} : memref<2048xi32, #tpu.memory_space<vmem>>, vector<16xi32>,
        %bitcast3A_1541 = vector.bitcast %get3A_1540 : vector<16xi32> to vector<32xbf16>
        %add3A_1542 = arith.constant 64 : i32
        %add3A_1543 = arith.addi %multiple_of3A_1521, %add3A_1542 : i32
        %get3A_1544 = arith.index_cast %add3A_1543 : i32 to index
        %get3A_1545 = tpu.vector_load %arg16[%get3A_1544] {strides = array<i32>} : memref<2048xi32, #tpu.memory_space<vmem>>, vector<16xi32>,
        %bitcast3A_1546 = vector.bitcast %get3A_1545 : vector<16xi32> to vector<32xbf16>
        %add3A_1547 = arith.constant 80 : i32
        %add3A_1548 = arith.addi %multiple_of3A_1521, %add3A_1547 : i32
        %get3A_1549 = arith.index_cast %add3A_1548 : i32 to index
        %get3A_1550 = tpu.vector_load %arg16[%get3A_1549] {strides = array<i32>} : memref<2048xi32, #tpu.memory_space<vmem>>, vector<16xi32>,
        %bitcast3A_1551 = vector.bitcast %get3A_1550 : vector<16xi32> to vector<32xbf16>
        %add3A_1552 = arith.constant 96 : i32
        %add3A_1553 = arith.addi %multiple_of3A_1521, %add3A_1552 : i32
        %get3A_1554 = arith.index_cast %add3A_1553 : i32 to index
        %get3A_1555 = tpu.vector_load %arg16[%get3A_1554] {strides = array<i32>} : memref<2048xi32, #tpu.memory_space<vmem>>, vector<16xi32>,
        %bitcast3A_1556 = vector.bitcast %get3A_1555 : vector<16xi32> to vector<32xbf16>
        %add3A_1557 = arith.constant 112 : i32
        %add3A_1558 = arith.addi %multiple_of3A_1521, %add3A_1557 : i32
        %get3A_1559 = arith.index_cast %add3A_1558 : i32 to index
        %get3A_1560 = tpu.vector_load %arg16[%get3A_1559] {strides = array<i32>} : memref<2048xi32, #tpu.memory_space<vmem>>, vector<16xi32>,
        %bitcast3A_1561 = vector.bitcast %get3A_1560 : vector<16xi32> to vector<32xbf16>
        %mul3A_1562 = arith.mulf %bitcast3A_1526, %bitcast3A_1131 : vector<32xbf16>
        %mul3A_1563 = arith.mulf %bitcast3A_1531, %bitcast3A_1134 : vector<32xbf16>
        %add3A_1564 = arith.addf %mul3A_1562, %mul3A_1563 : vector<32xbf16>
        %mul3A_1565 = arith.mulf %bitcast3A_1536, %bitcast3A_1137 : vector<32xbf16>
        %add3A_1566 = arith.addf %add3A_1564, %mul3A_1565 : vector<32xbf16>
        %mul3A_1567 = arith.mulf %bitcast3A_1541, %bitcast3A_1140 : vector<32xbf16>
        %add3A_1568 = arith.addf %add3A_1566, %mul3A_1567 : vector<32xbf16>
        %mul3A_1569 = arith.mulf %bitcast3A_1546, %bitcast3A_1143 : vector<32xbf16>
        %add3A_1570 = arith.addf %add3A_1568, %mul3A_1569 : vector<32xbf16>
        %mul3A_1571 = arith.mulf %bitcast3A_1551, %bitcast3A_1146 : vector<32xbf16>
        %add3A_1572 = arith.addf %add3A_1570, %mul3A_1571 : vector<32xbf16>
        %mul3A_1573 = arith.mulf %bitcast3A_1556, %bitcast3A_1149 : vector<32xbf16>
        %add3A_1574 = arith.addf %add3A_1572, %mul3A_1573 : vector<32xbf16>
        %mul3A_1575 = arith.mulf %bitcast3A_1561, %bitcast3A_1152 : vector<32xbf16>
        %add3A_1576 = arith.addf %add3A_1574, %mul3A_1575 : vector<32xbf16>
        %max3A_1577 = arith.maximumf %scan3A_1515, %add3A_1576 : vector<32xbf16>
        %mul3A_1578 = arith.mulf %bitcast3A_1526, %bitcast3A_1155 : vector<32xbf16>
        %mul3A_1579 = arith.mulf %bitcast3A_1531, %bitcast3A_1158 : vector<32xbf16>
        %add3A_1580 = arith.addf %mul3A_1578, %mul3A_1579 : vector<32xbf16>
        %mul3A_1581 = arith.mulf %bitcast3A_1536, %bitcast3A_1161 : vector<32xbf16>
        %add3A_1582 = arith.addf %add3A_1580, %mul3A_1581 : vector<32xbf16>
        %mul3A_1583 = arith.mulf %bitcast3A_1541, %bitcast3A_1164 : vector<32xbf16>
        %add3A_1584 = arith.addf %add3A_1582, %mul3A_1583 : vector<32xbf16>
        %mul3A_1585 = arith.mulf %bitcast3A_1546, %bitcast3A_1167 : vector<32xbf16>
        %add3A_1586 = arith.addf %add3A_1584, %mul3A_1585 : vector<32xbf16>
        %mul3A_1587 = arith.mulf %bitcast3A_1551, %bitcast3A_1170 : vector<32xbf16>
        %add3A_1588 = arith.addf %add3A_1586, %mul3A_1587 : vector<32xbf16>
        %mul3A_1589 = arith.mulf %bitcast3A_1556, %bitcast3A_1173 : vector<32xbf16>
        %add3A_1590 = arith.addf %add3A_1588, %mul3A_1589 : vector<32xbf16>
        %mul3A_1591 = arith.mulf %bitcast3A_1561, %bitcast3A_1176 : vector<32xbf16>
        %add3A_1592 = arith.addf %add3A_1590, %mul3A_1591 : vector<32xbf16>
        %max3A_1593 = arith.maximumf %scan3A_1516, %add3A_1592 : vector<32xbf16>
        %mul3A_1594 = arith.mulf %bitcast3A_1526, %bitcast3A_1179 : vector<32xbf16>
        %mul3A_1595 = arith.mulf %bitcast3A_1531, %bitcast3A_1182 : vector<32xbf16>
        %add3A_1596 = arith.addf %mul3A_1594, %mul3A_1595 : vector<32xbf16>
        %mul3A_1597 = arith.mulf %bitcast3A_1536, %bitcast3A_1185 : vector<32xbf16>
        %add3A_1598 = arith.addf %add3A_1596, %mul3A_1597 : vector<32xbf16>
        %mul3A_1599 = arith.mulf %bitcast3A_1541, %bitcast3A_1188 : vector<32xbf16>
        %add3A_1600 = arith.addf %add3A_1598, %mul3A_1599 : vector<32xbf16>
        %mul3A_1601 = arith.mulf %bitcast3A_1546, %bitcast3A_1191 : vector<32xbf16>
        %add3A_1602 = arith.addf %add3A_1600, %mul3A_1601 : vector<32xbf16>
        %mul3A_1603 = arith.mulf %bitcast3A_1551, %bitcast3A_1194 : vector<32xbf16>
        %add3A_1604 = arith.addf %add3A_1602, %mul3A_1603 : vector<32xbf16>
        %mul3A_1605 = arith.mulf %bitcast3A_1556, %bitcast3A_1197 : vector<32xbf16>
        %add3A_1606 = arith.addf %add3A_1604, %mul3A_1605 : vector<32xbf16>
        %mul3A_1607 = arith.mulf %bitcast3A_1561, %bitcast3A_1200 : vector<32xbf16>
        %add3A_1608 = arith.addf %add3A_1606, %mul3A_1607 : vector<32xbf16>
        %max3A_1609 = arith.maximumf %scan3A_1517, %add3A_1608 : vector<32xbf16>
        %mul3A_1610 = arith.mulf %bitcast3A_1526, %bitcast3A_1203 : vector<32xbf16>
        %mul3A_1611 = arith.mulf %bitcast3A_1531, %bitcast3A_1206 : vector<32xbf16>
        %add3A_1612 = arith.addf %mul3A_1610, %mul3A_1611 : vector<32xbf16>
        %mul3A_1613 = arith.mulf %bitcast3A_1536, %bitcast3A_1209 : vector<32xbf16>
        %add3A_1614 = arith.addf %add3A_1612, %mul3A_1613 : vector<32xbf16>
        %mul3A_1615 = arith.mulf %bitcast3A_1541, %bitcast3A_1212 : vector<32xbf16>
        %add3A_1616 = arith.addf %add3A_1614, %mul3A_1615 : vector<32xbf16>
        %mul3A_1617 = arith.mulf %bitcast3A_1546, %bitcast3A_1215 : vector<32xbf16>
        %add3A_1618 = arith.addf %add3A_1616, %mul3A_1617 : vector<32xbf16>
        %mul3A_1619 = arith.mulf %bitcast3A_1551, %bitcast3A_1218 : vector<32xbf16>
        %add3A_1620 = arith.addf %add3A_1618, %mul3A_1619 : vector<32xbf16>
        %mul3A_1621 = arith.mulf %bitcast3A_1556, %bitcast3A_1221 : vector<32xbf16>
        %add3A_1622 = arith.addf %add3A_1620, %mul3A_1621 : vector<32xbf16>
        %mul3A_1623 = arith.mulf %bitcast3A_1561, %bitcast3A_1224 : vector<32xbf16>
        %add3A_1624 = arith.addf %add3A_1622, %mul3A_1623 : vector<32xbf16>
        %max3A_1625 = arith.maximumf %scan3A_1518, %add3A_1624 : vector<32xbf16>
        scf.yield %max3A_1577, %max3A_1593, %max3A_1609, %max3A_1625 : vector<32xbf16>, vector<32xbf16>, vector<32xbf16>, vector<32xbf16>
      }
      %scan3A_1230 = arith.constant 16 : i32
      %unpack3A_1231 = tpu.unpack_subelements %scan3A_1229#0, 0 {pack_format = #tpu.pack_format<interleaved>} : vector<32xbf16> -> vector<16xf32>
      %unpack3A_1232 = tpu.unpack_subelements %scan3A_1229#0, 1 {pack_format = #tpu.pack_format<interleaved>} : vector<32xbf16> -> vector<16xf32>
      %max3A_1233 = arith.maximumf %unpack3A_1231, %unpack3A_1232 : vector<16xf32>
      %mul3A_1234 = vector.broadcast %squeeze3A_529 : f32 to vector<16xf32>
      %mul3A_1235 = arith.mulf %max3A_1233, %mul3A_1234 : vector<16xf32>
      %add3A_1236 = arith.addf %add3A_1122, %mul3A_1235 : vector<16xf32>
      %mul3A_1237 = vector.broadcast %squeeze3A_531 : f32 to vector<16xf32>
      %mul3A_1238 = arith.mulf %max3A_1233, %mul3A_1237 : vector<16xf32>
      %add3A_1239 = arith.addf %add3A_1125, %mul3A_1238 : vector<16xf32>
      %mul3A_1240 = vector.broadcast %squeeze3A_533 : f32 to vector<16xf32>
      %mul3A_1241 = arith.mulf %max3A_1233, %mul3A_1240 : vector<16xf32>
      %add3A_1242 = arith.addf %add3A_1128, %mul3A_1241 : vector<16xf32>
      %unpack3A_1243 = tpu.unpack_subelements %scan3A_1229#1, 0 {pack_format = #tpu.pack_format<interleaved>} : vector<32xbf16> -> vector<16xf32>
      %unpack3A_1244 = tpu.unpack_subelements %scan3A_1229#1, 1 {pack_format = #tpu.pack_format<interleaved>} : vector<32xbf16> -> vector<16xf32>
      %max3A_1245 = arith.maximumf %unpack3A_1243, %unpack3A_1244 : vector<16xf32>
      %mul3A_1246 = vector.broadcast %squeeze3A_535 : f32 to vector<16xf32>
      %mul3A_1247 = arith.mulf %max3A_1245, %mul3A_1246 : vector<16xf32>
      %add3A_1248 = arith.addf %add3A_1236, %mul3A_1247 : vector<16xf32>
      %mul3A_1249 = vector.broadcast %squeeze3A_537 : f32 to vector<16xf32>
      %mul3A_1250 = arith.mulf %max3A_1245, %mul3A_1249 : vector<16xf32>
      %add3A_1251 = arith.addf %add3A_1239, %mul3A_1250 : vector<16xf32>
      %mul3A_1252 = vector.broadcast %squeeze3A_539 : f32 to vector<16xf32>
      %mul3A_1253 = arith.mulf %max3A_1245, %mul3A_1252 : vector<16xf32>
      %add3A_1254 = arith.addf %add3A_1242, %mul3A_1253 : vector<16xf32>
      %unpack3A_1255 = tpu.unpack_subelements %scan3A_1229#2, 0 {pack_format = #tpu.pack_format<interleaved>} : vector<32xbf16> -> vector<16xf32>
      %unpack3A_1256 = tpu.unpack_subelements %scan3A_1229#2, 1 {pack_format = #tpu.pack_format<interleaved>} : vector<32xbf16> -> vector<16xf32>
      %max3A_1257 = arith.maximumf %unpack3A_1255, %unpack3A_1256 : vector<16xf32>
      %mul3A_1258 = vector.broadcast %squeeze3A_541 : f32 to vector<16xf32>
      %mul3A_1259 = arith.mulf %max3A_1257, %mul3A_1258 : vector<16xf32>
      %add3A_1260 = arith.addf %add3A_1248, %mul3A_1259 : vector<16xf32>
      %mul3A_1261 = vector.broadcast %squeeze3A_543 : f32 to vector<16xf32>
      %mul3A_1262 = arith.mulf %max3A_1257, %mul3A_1261 : vector<16xf32>
      %add3A_1263 = arith.addf %add3A_1251, %mul3A_1262 : vector<16xf32>
      %mul3A_1264 = vector.broadcast %squeeze3A_545 : f32 to vector<16xf32>
      %mul3A_1265 = arith.mulf %max3A_1257, %mul3A_1264 : vector<16xf32>
      %add3A_1266 = arith.addf %add3A_1254, %mul3A_1265 : vector<16xf32>
      %unpack3A_1267 = tpu.unpack_subelements %scan3A_1229#3, 0 {pack_format = #tpu.pack_format<interleaved>} : vector<32xbf16> -> vector<16xf32>
      %unpack3A_1268 = tpu.unpack_subelements %scan3A_1229#3, 1 {pack_format = #tpu.pack_format<interleaved>} : vector<32xbf16> -> vector<16xf32>
      %max3A_1269 = arith.maximumf %unpack3A_1267, %unpack3A_1268 : vector<16xf32>
      %mul3A_1270 = vector.broadcast %squeeze3A_547 : f32 to vector<16xf32>
      %mul3A_1271 = arith.mulf %max3A_1269, %mul3A_1270 : vector<16xf32>
      %add3A_1272 = arith.addf %add3A_1260, %mul3A_1271 : vector<16xf32>
      %mul3A_1273 = vector.broadcast %squeeze3A_549 : f32 to vector<16xf32>
      %mul3A_1274 = arith.mulf %max3A_1269, %mul3A_1273 : vector<16xf32>
      %add3A_1275 = arith.addf %add3A_1263, %mul3A_1274 : vector<16xf32>
      %mul3A_1276 = vector.broadcast %squeeze3A_551 : f32 to vector<16xf32>
      %mul3A_1277 = arith.mulf %max3A_1269, %mul3A_1276 : vector<16xf32>
      %add3A_1278 = arith.addf %add3A_1266, %mul3A_1277 : vector<16xf32>
      %get3A_1279 = arith.constant 1216 : index
      %get3A_1280 = tpu.vector_load %arg17[%get3A_1279] {strides = array<i32>} : memref<3072xi32, #tpu.memory_space<vmem>>, vector<16xi32>,
      %bitcast3A_1281 = vector.bitcast %get3A_1280 : vector<16xi32> to vector<32xbf16>
      %get3A_1282 = arith.constant 1472 : index
      %get3A_1283 = tpu.vector_load %arg17[%get3A_1282] {strides = array<i32>} : memref<3072xi32, #tpu.memory_space<vmem>>, vector<16xi32>,
      %bitcast3A_1284 = vector.bitcast %get3A_1283 : vector<16xi32> to vector<32xbf16>
      %get3A_1285 = arith.constant 1728 : index
      %get3A_1286 = tpu.vector_load %arg17[%get3A_1285] {strides = array<i32>} : memref<3072xi32, #tpu.memory_space<vmem>>, vector<16xi32>,
      %bitcast3A_1287 = vector.bitcast %get3A_1286 : vector<16xi32> to vector<32xbf16>
      %get3A_1288 = arith.constant 1984 : index
      %get3A_1289 = tpu.vector_load %arg17[%get3A_1288] {strides = array<i32>} : memref<3072xi32, #tpu.memory_space<vmem>>, vector<16xi32>,
      %bitcast3A_1290 = vector.bitcast %get3A_1289 : vector<16xi32> to vector<32xbf16>
      %get3A_1291 = arith.constant 2240 : index
      %get3A_1292 = tpu.vector_load %arg17[%get3A_1291] {strides = array<i32>} : memref<3072xi32, #tpu.memory_space<vmem>>, vector<16xi32>,
      %bitcast3A_1293 = vector.bitcast %get3A_1292 : vector<16xi32> to vector<32xbf16>
      %get3A_1294 = arith.constant 2496 : index
      %get3A_1295 = tpu.vector_load %arg17[%get3A_1294] {strides = array<i32>} : memref<3072xi32, #tpu.memory_space<vmem>>, vector<16xi32>,
      %bitcast3A_1296 = vector.bitcast %get3A_1295 : vector<16xi32> to vector<32xbf16>
      %get3A_1297 = arith.constant 2752 : index
      %get3A_1298 = tpu.vector_load %arg17[%get3A_1297] {strides = array<i32>} : memref<3072xi32, #tpu.memory_space<vmem>>, vector<16xi32>,
      %bitcast3A_1299 = vector.bitcast %get3A_1298 : vector<16xi32> to vector<32xbf16>
      %get3A_1300 = arith.constant 3008 : index
      %get3A_1301 = tpu.vector_load %arg17[%get3A_1300] {strides = array<i32>} : memref<3072xi32, #tpu.memory_space<vmem>>, vector<16xi32>,
      %bitcast3A_1302 = vector.bitcast %get3A_1301 : vector<16xi32> to vector<32xbf16>
      %get3A_1303 = arith.constant 1232 : index
      %get3A_1304 = tpu.vector_load %arg17[%get3A_1303] {strides = array<i32>} : memref<3072xi32, #tpu.memory_space<vmem>>, vector<16xi32>,
      %bitcast3A_1305 = vector.bitcast %get3A_1304 : vector<16xi32> to vector<32xbf16>
      %get3A_1306 = arith.constant 1488 : index
      %get3A_1307 = tpu.vector_load %arg17[%get3A_1306] {strides = array<i32>} : memref<3072xi32, #tpu.memory_space<vmem>>, vector<16xi32>,
      %bitcast3A_1308 = vector.bitcast %get3A_1307 : vector<16xi32> to vector<32xbf16>
      %get3A_1309 = arith.constant 1744 : index
      %get3A_1310 = tpu.vector_load %arg17[%get3A_1309] {strides = array<i32>} : memref<3072xi32, #tpu.memory_space<vmem>>, vector<16xi32>,
      %bitcast3A_1311 = vector.bitcast %get3A_1310 : vector<16xi32> to vector<32xbf16>
      %get3A_1312 = arith.constant 2000 : index
      %get3A_1313 = tpu.vector_load %arg17[%get3A_1312] {strides = array<i32>} : memref<3072xi32, #tpu.memory_space<vmem>>, vector<16xi32>,
      %bitcast3A_1314 = vector.bitcast %get3A_1313 : vector<16xi32> to vector<32xbf16>
      %get3A_1315 = arith.constant 2256 : index
      %get3A_1316 = tpu.vector_load %arg17[%get3A_1315] {strides = array<i32>} : memref<3072xi32, #tpu.memory_space<vmem>>, vector<16xi32>,
      %bitcast3A_1317 = vector.bitcast %get3A_1316 : vector<16xi32> to vector<32xbf16>
      %get3A_1318 = arith.constant 2512 : index
      %get3A_1319 = tpu.vector_load %arg17[%get3A_1318] {strides = array<i32>} : memref<3072xi32, #tpu.memory_space<vmem>>, vector<16xi32>,
      %bitcast3A_1320 = vector.bitcast %get3A_1319 : vector<16xi32> to vector<32xbf16>
      %get3A_1321 = arith.constant 2768 : index
      %get3A_1322 = tpu.vector_load %arg17[%get3A_1321] {strides = array<i32>} : memref<3072xi32, #tpu.memory_space<vmem>>, vector<16xi32>,
      %bitcast3A_1323 = vector.bitcast %get3A_1322 : vector<16xi32> to vector<32xbf16>
      %get3A_1324 = arith.constant 3024 : index
      %get3A_1325 = tpu.vector_load %arg17[%get3A_1324] {strides = array<i32>} : memref<3072xi32, #tpu.memory_space<vmem>>, vector<16xi32>,
      %bitcast3A_1326 = vector.bitcast %get3A_1325 : vector<16xi32> to vector<32xbf16>
      %get3A_1327 = arith.constant 1248 : index
      %get3A_1328 = tpu.vector_load %arg17[%get3A_1327] {strides = array<i32>} : memref<3072xi32, #tpu.memory_space<vmem>>, vector<16xi32>,
      %bitcast3A_1329 = vector.bitcast %get3A_1328 : vector<16xi32> to vector<32xbf16>
      %get3A_1330 = arith.constant 1504 : index
      %get3A_1331 = tpu.vector_load %arg17[%get3A_1330] {strides = array<i32>} : memref<3072xi32, #tpu.memory_space<vmem>>, vector<16xi32>,
      %bitcast3A_1332 = vector.bitcast %get3A_1331 : vector<16xi32> to vector<32xbf16>
      %get3A_1333 = arith.constant 1760 : index
      %get3A_1334 = tpu.vector_load %arg17[%get3A_1333] {strides = array<i32>} : memref<3072xi32, #tpu.memory_space<vmem>>, vector<16xi32>,
      %bitcast3A_1335 = vector.bitcast %get3A_1334 : vector<16xi32> to vector<32xbf16>
      %get3A_1336 = arith.constant 2016 : index
      %get3A_1337 = tpu.vector_load %arg17[%get3A_1336] {strides = array<i32>} : memref<3072xi32, #tpu.memory_space<vmem>>, vector<16xi32>,
      %bitcast3A_1338 = vector.bitcast %get3A_1337 : vector<16xi32> to vector<32xbf16>
      %get3A_1339 = arith.constant 2272 : index
      %get3A_1340 = tpu.vector_load %arg17[%get3A_1339] {strides = array<i32>} : memref<3072xi32, #tpu.memory_space<vmem>>, vector<16xi32>,
      %bitcast3A_1341 = vector.bitcast %get3A_1340 : vector<16xi32> to vector<32xbf16>
      %get3A_1342 = arith.constant 2528 : index
      %get3A_1343 = tpu.vector_load %arg17[%get3A_1342] {strides = array<i32>} : memref<3072xi32, #tpu.memory_space<vmem>>, vector<16xi32>,
      %bitcast3A_1344 = vector.bitcast %get3A_1343 : vector<16xi32> to vector<32xbf16>
      %get3A_1345 = arith.constant 2784 : index
      %get3A_1346 = tpu.vector_load %arg17[%get3A_1345] {strides = array<i32>} : memref<3072xi32, #tpu.memory_space<vmem>>, vector<16xi32>,
      %bitcast3A_1347 = vector.bitcast %get3A_1346 : vector<16xi32> to vector<32xbf16>
      %get3A_1348 = arith.constant 3040 : index
      %get3A_1349 = tpu.vector_load %arg17[%get3A_1348] {strides = array<i32>} : memref<3072xi32, #tpu.memory_space<vmem>>, vector<16xi32>,
      %bitcast3A_1350 = vector.bitcast %get3A_1349 : vector<16xi32> to vector<32xbf16>
      %get3A_1351 = arith.constant 1264 : index
      %get3A_1352 = tpu.vector_load %arg17[%get3A_1351] {strides = array<i32>} : memref<3072xi32, #tpu.memory_space<vmem>>, vector<16xi32>,
      %bitcast3A_1353 = vector.bitcast %get3A_1352 : vector<16xi32> to vector<32xbf16>
      %get3A_1354 = arith.constant 1520 : index
      %get3A_1355 = tpu.vector_load %arg17[%get3A_1354] {strides = array<i32>} : memref<3072xi32, #tpu.memory_space<vmem>>, vector<16xi32>,
      %bitcast3A_1356 = vector.bitcast %get3A_1355 : vector<16xi32> to vector<32xbf16>
      %get3A_1357 = arith.constant 1776 : index
      %get3A_1358 = tpu.vector_load %arg17[%get3A_1357] {strides = array<i32>} : memref<3072xi32, #tpu.memory_space<vmem>>, vector<16xi32>,
      %bitcast3A_1359 = vector.bitcast %get3A_1358 : vector<16xi32> to vector<32xbf16>
      %get3A_1360 = arith.constant 2032 : index
      %get3A_1361 = tpu.vector_load %arg17[%get3A_1360] {strides = array<i32>} : memref<3072xi32, #tpu.memory_space<vmem>>, vector<16xi32>,
      %bitcast3A_1362 = vector.bitcast %get3A_1361 : vector<16xi32> to vector<32xbf16>
      %get3A_1363 = arith.constant 2288 : index
      %get3A_1364 = tpu.vector_load %arg17[%get3A_1363] {strides = array<i32>} : memref<3072xi32, #tpu.memory_space<vmem>>, vector<16xi32>,
      %bitcast3A_1365 = vector.bitcast %get3A_1364 : vector<16xi32> to vector<32xbf16>
      %get3A_1366 = arith.constant 2544 : index
      %get3A_1367 = tpu.vector_load %arg17[%get3A_1366] {strides = array<i32>} : memref<3072xi32, #tpu.memory_space<vmem>>, vector<16xi32>,
      %bitcast3A_1368 = vector.bitcast %get3A_1367 : vector<16xi32> to vector<32xbf16>
      %get3A_1369 = arith.constant 2800 : index
      %get3A_1370 = tpu.vector_load %arg17[%get3A_1369] {strides = array<i32>} : memref<3072xi32, #tpu.memory_space<vmem>>, vector<16xi32>,
      %bitcast3A_1371 = vector.bitcast %get3A_1370 : vector<16xi32> to vector<32xbf16>
      %get3A_1372 = arith.constant 3056 : index
      %get3A_1373 = tpu.vector_load %arg17[%get3A_1372] {strides = array<i32>} : memref<3072xi32, #tpu.memory_space<vmem>>, vector<16xi32>,
      %bitcast3A_1374 = vector.bitcast %get3A_1373 : vector<16xi32> to vector<32xbf16>
      %scan3A_1375 = arith.constant 0 : i32
      %scan3A_1376 = arith.constant 16 : i32
      %scan3A_1377 = arith.addi %scan3A_1375, %scan3A_1376 : i32
      %scan3A_1378 = arith.constant 1 : i32
      %scan3A_1379:4 = scf.for %scan3A_1514 = %scan3A_1375 to %scan3A_1377 step %scan3A_1378 iter_args(%scan3A_1515 = %broadcast_in_dim3A_606, %scan3A_1516 = %broadcast_in_dim3A_606, %scan3A_1517 = %broadcast_in_dim3A_606, %scan3A_1518 = %broadcast_in_dim3A_606) -> (vector<32xbf16>, vector<32xbf16>, vector<32xbf16>, vector<32xbf16>)  : i32 {
        %mul3A_1519 = arith.constant 128 : i32
        %mul3A_1520 = arith.muli %scan3A_1514, %mul3A_1519 : i32
        %multiple_of3A_1521 = tpu.assume_multiple %mul3A_1520, 128 : i32
        %add3A_1522 = arith.constant 0 : i32
        %add3A_1523 = arith.addi %multiple_of3A_1521, %add3A_1522 : i32
        %get3A_1524 = arith.index_cast %add3A_1523 : i32 to index
        %get3A_1525 = tpu.vector_load %arg16[%get3A_1524] {strides = array<i32>} : memref<2048xi32, #tpu.memory_space<vmem>>, vector<16xi32>,
        %bitcast3A_1526 = vector.bitcast %get3A_1525 : vector<16xi32> to vector<32xbf16>
        %add3A_1527 = arith.constant 16 : i32
        %add3A_1528 = arith.addi %multiple_of3A_1521, %add3A_1527 : i32
        %get3A_1529 = arith.index_cast %add3A_1528 : i32 to index
        %get3A_1530 = tpu.vector_load %arg16[%get3A_1529] {strides = array<i32>} : memref<2048xi32, #tpu.memory_space<vmem>>, vector<16xi32>,
        %bitcast3A_1531 = vector.bitcast %get3A_1530 : vector<16xi32> to vector<32xbf16>
        %add3A_1532 = arith.constant 32 : i32
        %add3A_1533 = arith.addi %multiple_of3A_1521, %add3A_1532 : i32
        %get3A_1534 = arith.index_cast %add3A_1533 : i32 to index
        %get3A_1535 = tpu.vector_load %arg16[%get3A_1534] {strides = array<i32>} : memref<2048xi32, #tpu.memory_space<vmem>>, vector<16xi32>,
        %bitcast3A_1536 = vector.bitcast %get3A_1535 : vector<16xi32> to vector<32xbf16>
        %add3A_1537 = arith.constant 48 : i32
        %add3A_1538 = arith.addi %multiple_of3A_1521, %add3A_1537 : i32
        %get3A_1539 = arith.index_cast %add3A_1538 : i32 to index
        %get3A_1540 = tpu.vector_load %arg16[%get3A_1539] {strides = array<i32>} : memref<2048xi32, #tpu.memory_space<vmem>>, vector<16xi32>,
        %bitcast3A_1541 = vector.bitcast %get3A_1540 : vector<16xi32> to vector<32xbf16>
        %add3A_1542 = arith.constant 64 : i32
        %add3A_1543 = arith.addi %multiple_of3A_1521, %add3A_1542 : i32
        %get3A_1544 = arith.index_cast %add3A_1543 : i32 to index
        %get3A_1545 = tpu.vector_load %arg16[%get3A_1544] {strides = array<i32>} : memref<2048xi32, #tpu.memory_space<vmem>>, vector<16xi32>,
        %bitcast3A_1546 = vector.bitcast %get3A_1545 : vector<16xi32> to vector<32xbf16>
        %add3A_1547 = arith.constant 80 : i32
        %add3A_1548 = arith.addi %multiple_of3A_1521, %add3A_1547 : i32
        %get3A_1549 = arith.index_cast %add3A_1548 : i32 to index
        %get3A_1550 = tpu.vector_load %arg16[%get3A_1549] {strides = array<i32>} : memref<2048xi32, #tpu.memory_space<vmem>>, vector<16xi32>,
        %bitcast3A_1551 = vector.bitcast %get3A_1550 : vector<16xi32> to vector<32xbf16>
        %add3A_1552 = arith.constant 96 : i32
        %add3A_1553 = arith.addi %multiple_of3A_1521, %add3A_1552 : i32
        %get3A_1554 = arith.index_cast %add3A_1553 : i32 to index
        %get3A_1555 = tpu.vector_load %arg16[%get3A_1554] {strides = array<i32>} : memref<2048xi32, #tpu.memory_space<vmem>>, vector<16xi32>,
        %bitcast3A_1556 = vector.bitcast %get3A_1555 : vector<16xi32> to vector<32xbf16>
        %add3A_1557 = arith.constant 112 : i32
        %add3A_1558 = arith.addi %multiple_of3A_1521, %add3A_1557 : i32
        %get3A_1559 = arith.index_cast %add3A_1558 : i32 to index
        %get3A_1560 = tpu.vector_load %arg16[%get3A_1559] {strides = array<i32>} : memref<2048xi32, #tpu.memory_space<vmem>>, vector<16xi32>,
        %bitcast3A_1561 = vector.bitcast %get3A_1560 : vector<16xi32> to vector<32xbf16>
        %mul3A_1562 = arith.mulf %bitcast3A_1526, %bitcast3A_1281 : vector<32xbf16>
        %mul3A_1563 = arith.mulf %bitcast3A_1531, %bitcast3A_1284 : vector<32xbf16>
        %add3A_1564 = arith.addf %mul3A_1562, %mul3A_1563 : vector<32xbf16>
        %mul3A_1565 = arith.mulf %bitcast3A_1536, %bitcast3A_1287 : vector<32xbf16>
        %add3A_1566 = arith.addf %add3A_1564, %mul3A_1565 : vector<32xbf16>
        %mul3A_1567 = arith.mulf %bitcast3A_1541, %bitcast3A_1290 : vector<32xbf16>
        %add3A_1568 = arith.addf %add3A_1566, %mul3A_1567 : vector<32xbf16>
        %mul3A_1569 = arith.mulf %bitcast3A_1546, %bitcast3A_1293 : vector<32xbf16>
        %add3A_1570 = arith.addf %add3A_1568, %mul3A_1569 : vector<32xbf16>
        %mul3A_1571 = arith.mulf %bitcast3A_1551, %bitcast3A_1296 : vector<32xbf16>
        %add3A_1572 = arith.addf %add3A_1570, %mul3A_1571 : vector<32xbf16>
        %mul3A_1573 = arith.mulf %bitcast3A_1556, %bitcast3A_1299 : vector<32xbf16>
        %add3A_1574 = arith.addf %add3A_1572, %mul3A_1573 : vector<32xbf16>
        %mul3A_1575 = arith.mulf %bitcast3A_1561, %bitcast3A_1302 : vector<32xbf16>
        %add3A_1576 = arith.addf %add3A_1574, %mul3A_1575 : vector<32xbf16>
        %max3A_1577 = arith.maximumf %scan3A_1515, %add3A_1576 : vector<32xbf16>
        %mul3A_1578 = arith.mulf %bitcast3A_1526, %bitcast3A_1305 : vector<32xbf16>
        %mul3A_1579 = arith.mulf %bitcast3A_1531, %bitcast3A_1308 : vector<32xbf16>
        %add3A_1580 = arith.addf %mul3A_1578, %mul3A_1579 : vector<32xbf16>
        %mul3A_1581 = arith.mulf %bitcast3A_1536, %bitcast3A_1311 : vector<32xbf16>
        %add3A_1582 = arith.addf %add3A_1580, %mul3A_1581 : vector<32xbf16>
        %mul3A_1583 = arith.mulf %bitcast3A_1541, %bitcast3A_1314 : vector<32xbf16>
        %add3A_1584 = arith.addf %add3A_1582, %mul3A_1583 : vector<32xbf16>
        %mul3A_1585 = arith.mulf %bitcast3A_1546, %bitcast3A_1317 : vector<32xbf16>
        %add3A_1586 = arith.addf %add3A_1584, %mul3A_1585 : vector<32xbf16>
        %mul3A_1587 = arith.mulf %bitcast3A_1551, %bitcast3A_1320 : vector<32xbf16>
        %add3A_1588 = arith.addf %add3A_1586, %mul3A_1587 : vector<32xbf16>
        %mul3A_1589 = arith.mulf %bitcast3A_1556, %bitcast3A_1323 : vector<32xbf16>
        %add3A_1590 = arith.addf %add3A_1588, %mul3A_1589 : vector<32xbf16>
        %mul3A_1591 = arith.mulf %bitcast3A_1561, %bitcast3A_1326 : vector<32xbf16>
        %add3A_1592 = arith.addf %add3A_1590, %mul3A_1591 : vector<32xbf16>
        %max3A_1593 = arith.maximumf %scan3A_1516, %add3A_1592 : vector<32xbf16>
        %mul3A_1594 = arith.mulf %bitcast3A_1526, %bitcast3A_1329 : vector<32xbf16>
        %mul3A_1595 = arith.mulf %bitcast3A_1531, %bitcast3A_1332 : vector<32xbf16>
        %add3A_1596 = arith.addf %mul3A_1594, %mul3A_1595 : vector<32xbf16>
        %mul3A_1597 = arith.mulf %bitcast3A_1536, %bitcast3A_1335 : vector<32xbf16>
        %add3A_1598 = arith.addf %add3A_1596, %mul3A_1597 : vector<32xbf16>
        %mul3A_1599 = arith.mulf %bitcast3A_1541, %bitcast3A_1338 : vector<32xbf16>
        %add3A_1600 = arith.addf %add3A_1598, %mul3A_1599 : vector<32xbf16>
        %mul3A_1601 = arith.mulf %bitcast3A_1546, %bitcast3A_1341 : vector<32xbf16>
        %add3A_1602 = arith.addf %add3A_1600, %mul3A_1601 : vector<32xbf16>
        %mul3A_1603 = arith.mulf %bitcast3A_1551, %bitcast3A_1344 : vector<32xbf16>
        %add3A_1604 = arith.addf %add3A_1602, %mul3A_1603 : vector<32xbf16>
        %mul3A_1605 = arith.mulf %bitcast3A_1556, %bitcast3A_1347 : vector<32xbf16>
        %add3A_1606 = arith.addf %add3A_1604, %mul3A_1605 : vector<32xbf16>
        %mul3A_1607 = arith.mulf %bitcast3A_1561, %bitcast3A_1350 : vector<32xbf16>
        %add3A_1608 = arith.addf %add3A_1606, %mul3A_1607 : vector<32xbf16>
        %max3A_1609 = arith.maximumf %scan3A_1517, %add3A_1608 : vector<32xbf16>
        %mul3A_1610 = arith.mulf %bitcast3A_1526, %bitcast3A_1353 : vector<32xbf16>
        %mul3A_1611 = arith.mulf %bitcast3A_1531, %bitcast3A_1356 : vector<32xbf16>
        %add3A_1612 = arith.addf %mul3A_1610, %mul3A_1611 : vector<32xbf16>
        %mul3A_1613 = arith.mulf %bitcast3A_1536, %bitcast3A_1359 : vector<32xbf16>
        %add3A_1614 = arith.addf %add3A_1612, %mul3A_1613 : vector<32xbf16>
        %mul3A_1615 = arith.mulf %bitcast3A_1541, %bitcast3A_1362 : vector<32xbf16>
        %add3A_1616 = arith.addf %add3A_1614, %mul3A_1615 : vector<32xbf16>
        %mul3A_1617 = arith.mulf %bitcast3A_1546, %bitcast3A_1365 : vector<32xbf16>
        %add3A_1618 = arith.addf %add3A_1616, %mul3A_1617 : vector<32xbf16>
        %mul3A_1619 = arith.mulf %bitcast3A_1551, %bitcast3A_1368 : vector<32xbf16>
        %add3A_1620 = arith.addf %add3A_1618, %mul3A_1619 : vector<32xbf16>
        %mul3A_1621 = arith.mulf %bitcast3A_1556, %bitcast3A_1371 : vector<32xbf16>
        %add3A_1622 = arith.addf %add3A_1620, %mul3A_1621 : vector<32xbf16>
        %mul3A_1623 = arith.mulf %bitcast3A_1561, %bitcast3A_1374 : vector<32xbf16>
        %add3A_1624 = arith.addf %add3A_1622, %mul3A_1623 : vector<32xbf16>
        %max3A_1625 = arith.maximumf %scan3A_1518, %add3A_1624 : vector<32xbf16>
        scf.yield %max3A_1577, %max3A_1593, %max3A_1609, %max3A_1625 : vector<32xbf16>, vector<32xbf16>, vector<32xbf16>, vector<32xbf16>
      }
      %scan3A_1380 = arith.constant 16 : i32
      %unpack3A_1381 = tpu.unpack_subelements %scan3A_1379#0, 0 {pack_format = #tpu.pack_format<interleaved>} : vector<32xbf16> -> vector<16xf32>
      %unpack3A_1382 = tpu.unpack_subelements %scan3A_1379#0, 1 {pack_format = #tpu.pack_format<interleaved>} : vector<32xbf16> -> vector<16xf32>
      %max3A_1383 = arith.maximumf %unpack3A_1381, %unpack3A_1382 : vector<16xf32>
      %mul3A_1384 = vector.broadcast %squeeze3A_553 : f32 to vector<16xf32>
      %mul3A_1385 = arith.mulf %max3A_1383, %mul3A_1384 : vector<16xf32>
      %add3A_1386 = arith.addf %add3A_1272, %mul3A_1385 : vector<16xf32>
      %mul3A_1387 = vector.broadcast %squeeze3A_555 : f32 to vector<16xf32>
      %mul3A_1388 = arith.mulf %max3A_1383, %mul3A_1387 : vector<16xf32>
      %add3A_1389 = arith.addf %add3A_1275, %mul3A_1388 : vector<16xf32>
      %mul3A_1390 = vector.broadcast %squeeze3A_557 : f32 to vector<16xf32>
      %mul3A_1391 = arith.mulf %max3A_1383, %mul3A_1390 : vector<16xf32>
      %add3A_1392 = arith.addf %add3A_1278, %mul3A_1391 : vector<16xf32>
      %unpack3A_1393 = tpu.unpack_subelements %scan3A_1379#1, 0 {pack_format = #tpu.pack_format<interleaved>} : vector<32xbf16> -> vector<16xf32>
      %unpack3A_1394 = tpu.unpack_subelements %scan3A_1379#1, 1 {pack_format = #tpu.pack_format<interleaved>} : vector<32xbf16> -> vector<16xf32>
      %max3A_1395 = arith.maximumf %unpack3A_1393, %unpack3A_1394 : vector<16xf32>
      %mul3A_1396 = vector.broadcast %squeeze3A_559 : f32 to vector<16xf32>
      %mul3A_1397 = arith.mulf %max3A_1395, %mul3A_1396 : vector<16xf32>
      %add3A_1398 = arith.addf %add3A_1386, %mul3A_1397 : vector<16xf32>
      %mul3A_1399 = vector.broadcast %squeeze3A_561 : f32 to vector<16xf32>
      %mul3A_1400 = arith.mulf %max3A_1395, %mul3A_1399 : vector<16xf32>
      %add3A_1401 = arith.addf %add3A_1389, %mul3A_1400 : vector<16xf32>
      %mul3A_1402 = vector.broadcast %squeeze3A_563 : f32 to vector<16xf32>
      %mul3A_1403 = arith.mulf %max3A_1395, %mul3A_1402 : vector<16xf32>
      %add3A_1404 = arith.addf %add3A_1392, %mul3A_1403 : vector<16xf32>
      %unpack3A_1405 = tpu.unpack_subelements %scan3A_1379#2, 0 {pack_format = #tpu.pack_format<interleaved>} : vector<32xbf16> -> vector<16xf32>
      %unpack3A_1406 = tpu.unpack_subelements %scan3A_1379#2, 1 {pack_format = #tpu.pack_format<interleaved>} : vector<32xbf16> -> vector<16xf32>
      %max3A_1407 = arith.maximumf %unpack3A_1405, %unpack3A_1406 : vector<16xf32>
      %mul3A_1408 = vector.broadcast %squeeze3A_565 : f32 to vector<16xf32>
      %mul3A_1409 = arith.mulf %max3A_1407, %mul3A_1408 : vector<16xf32>
      %add3A_1410 = arith.addf %add3A_1398, %mul3A_1409 : vector<16xf32>
      %mul3A_1411 = vector.broadcast %squeeze3A_567 : f32 to vector<16xf32>
      %mul3A_1412 = arith.mulf %max3A_1407, %mul3A_1411 : vector<16xf32>
      %add3A_1413 = arith.addf %add3A_1401, %mul3A_1412 : vector<16xf32>
      %mul3A_1414 = vector.broadcast %squeeze3A_569 : f32 to vector<16xf32>
      %mul3A_1415 = arith.mulf %max3A_1407, %mul3A_1414 : vector<16xf32>
      %add3A_1416 = arith.addf %add3A_1404, %mul3A_1415 : vector<16xf32>
      %unpack3A_1417 = tpu.unpack_subelements %scan3A_1379#3, 0 {pack_format = #tpu.pack_format<interleaved>} : vector<32xbf16> -> vector<16xf32>
      %unpack3A_1418 = tpu.unpack_subelements %scan3A_1379#3, 1 {pack_format = #tpu.pack_format<interleaved>} : vector<32xbf16> -> vector<16xf32>
      %max3A_1419 = arith.maximumf %unpack3A_1417, %unpack3A_1418 : vector<16xf32>
      %mul3A_1420 = vector.broadcast %squeeze3A_571 : f32 to vector<16xf32>
      %mul3A_1421 = arith.mulf %max3A_1419, %mul3A_1420 : vector<16xf32>
      %add3A_1422 = arith.addf %add3A_1410, %mul3A_1421 : vector<16xf32>
      %mul3A_1423 = vector.broadcast %squeeze3A_573 : f32 to vector<16xf32>
      %mul3A_1424 = arith.mulf %max3A_1419, %mul3A_1423 : vector<16xf32>
      %add3A_1425 = arith.addf %add3A_1413, %mul3A_1424 : vector<16xf32>
      %mul3A_1426 = vector.broadcast %squeeze3A_575 : f32 to vector<16xf32>
      %mul3A_1427 = arith.mulf %max3A_1419, %mul3A_1426 : vector<16xf32>
      %add3A_1428 = arith.addf %add3A_1416, %mul3A_1427 : vector<16xf32>
      %mul3A_1429 = vector.broadcast %squeeze3A_583 : f32 to vector<16xf32>
      %mul3A_1430 = arith.mulf %mul3A_1429, %gather3A : vector<16xf32>
      %mul3A_1431 = vector.broadcast %squeeze3A_585 : f32 to vector<16xf32>
      %mul3A_1432 = arith.mulf %mul3A_1431, %gather3A_620 : vector<16xf32>
      %add3A_1433 = arith.addf %mul3A_1430, %mul3A_1432 : vector<16xf32>
      %mul3A_1434 = vector.broadcast %squeeze3A_587 : f32 to vector<16xf32>
      %mul3A_1435 = arith.mulf %mul3A_1434, %gather3A_621 : vector<16xf32>
      %add3A_1436 = arith.addf %add3A_1433, %mul3A_1435 : vector<16xf32>
      %neg3A = arith.constant 0.000000e+00 : f32
      %neg3A_1437 = vector.broadcast %neg3A : f32 to vector<16xf32>
      %neg3A_1438 = arith.subf %neg3A_1437, %add3A_1436 : vector<16xf32>
      %mul3A_1439 = vector.broadcast %squeeze3A_581 : f32 to vector<16xf32>
      %mul3A_1440 = arith.mulf %mul3A_1439, %gather3A : vector<16xf32>
      %mul3A_1441 = vector.broadcast %squeeze3A_585 : f32 to vector<16xf32>
      %mul3A_1442 = arith.mulf %mul3A_1441, %gather3A_621 : vector<16xf32>
      %sub3A_1443 = arith.subf %mul3A_1440, %mul3A_1442 : vector<16xf32>
      %mul3A_1444 = vector.broadcast %squeeze3A_587 : f32 to vector<16xf32>
      %mul3A_1445 = arith.mulf %mul3A_1444, %gather3A_620 : vector<16xf32>
      %sub3A_1446 = arith.subf %sub3A_1443, %mul3A_1445 : vector<16xf32>
      %mul3A_1447 = vector.broadcast %squeeze3A_581 : f32 to vector<16xf32>
      %mul3A_1448 = arith.mulf %mul3A_1447, %gather3A_620 : vector<16xf32>
      %mul3A_1449 = vector.broadcast %squeeze3A_583 : f32 to vector<16xf32>
      %mul3A_1450 = arith.mulf %mul3A_1449, %gather3A_621 : vector<16xf32>
      %sub3A_1451 = arith.subf %mul3A_1448, %mul3A_1450 : vector<16xf32>
      %mul3A_1452 = vector.broadcast %squeeze3A_587 : f32 to vector<16xf32>
      %mul3A_1453 = arith.mulf %mul3A_1452, %gather3A : vector<16xf32>
      %sub3A_1454 = arith.subf %sub3A_1451, %mul3A_1453 : vector<16xf32>
      %mul3A_1455 = vector.broadcast %squeeze3A_581 : f32 to vector<16xf32>
      %mul3A_1456 = arith.mulf %mul3A_1455, %gather3A_621 : vector<16xf32>
      %mul3A_1457 = vector.broadcast %squeeze3A_583 : f32 to vector<16xf32>
      %mul3A_1458 = arith.mulf %mul3A_1457, %gather3A_620 : vector<16xf32>
      %sub3A_1459 = arith.subf %mul3A_1456, %mul3A_1458 : vector<16xf32>
      %mul3A_1460 = vector.broadcast %squeeze3A_585 : f32 to vector<16xf32>
      %mul3A_1461 = arith.mulf %mul3A_1460, %gather3A : vector<16xf32>
      %sub3A_1462 = arith.subf %sub3A_1459, %mul3A_1461 : vector<16xf32>
      %mul3A_1463 = vector.broadcast %squeeze3A_591 : f32 to vector<16xf32>
      %mul3A_1464 = arith.mulf %neg3A_1438, %mul3A_1463 : vector<16xf32>
      %mul3A_1465 = vector.broadcast %squeeze3A_589 : f32 to vector<16xf32>
      %mul3A_1466 = arith.mulf %sub3A_1446, %mul3A_1465 : vector<16xf32>
      %sub3A_1467 = arith.subf %mul3A_1464, %mul3A_1466 : vector<16xf32>
      %mul3A_1468 = vector.broadcast %squeeze3A_595 : f32 to vector<16xf32>
      %mul3A_1469 = arith.mulf %sub3A_1454, %mul3A_1468 : vector<16xf32>
      %sub3A_1470 = arith.subf %sub3A_1467, %mul3A_1469 : vector<16xf32>
      %mul3A_1471 = vector.broadcast %squeeze3A_593 : f32 to vector<16xf32>
      %mul3A_1472 = arith.mulf %sub3A_1462, %mul3A_1471 : vector<16xf32>
      %sub3A_1473 = arith.subf %sub3A_1470, %mul3A_1472 : vector<16xf32>
      %mul3A_1474 = vector.broadcast %squeeze3A_593 : f32 to vector<16xf32>
      %mul3A_1475 = arith.mulf %neg3A_1438, %mul3A_1474 : vector<16xf32>
      %mul3A_1476 = vector.broadcast %squeeze3A_595 : f32 to vector<16xf32>
      %mul3A_1477 = arith.mulf %sub3A_1446, %mul3A_1476 : vector<16xf32>
      %sub3A_1478 = arith.subf %mul3A_1475, %mul3A_1477 : vector<16xf32>
      %mul3A_1479 = vector.broadcast %squeeze3A_589 : f32 to vector<16xf32>
      %mul3A_1480 = arith.mulf %sub3A_1454, %mul3A_1479 : vector<16xf32>
      %sub3A_1481 = arith.subf %sub3A_1478, %mul3A_1480 : vector<16xf32>
      %mul3A_1482 = vector.broadcast %squeeze3A_591 : f32 to vector<16xf32>
      %mul3A_1483 = arith.mulf %sub3A_1462, %mul3A_1482 : vector<16xf32>
      %sub3A_1484 = arith.subf %sub3A_1481, %mul3A_1483 : vector<16xf32>
      %mul3A_1485 = vector.broadcast %squeeze3A_595 : f32 to vector<16xf32>
      %mul3A_1486 = arith.mulf %neg3A_1438, %mul3A_1485 : vector<16xf32>
      %mul3A_1487 = vector.broadcast %squeeze3A_593 : f32 to vector<16xf32>
      %mul3A_1488 = arith.mulf %sub3A_1446, %mul3A_1487 : vector<16xf32>
      %sub3A_1489 = arith.subf %mul3A_1486, %mul3A_1488 : vector<16xf32>
      %mul3A_1490 = vector.broadcast %squeeze3A_591 : f32 to vector<16xf32>
      %mul3A_1491 = arith.mulf %sub3A_1454, %mul3A_1490 : vector<16xf32>
      %sub3A_1492 = arith.subf %sub3A_1489, %mul3A_1491 : vector<16xf32>
      %mul3A_1493 = vector.broadcast %squeeze3A_589 : f32 to vector<16xf32>
      %mul3A_1494 = arith.mulf %sub3A_1462, %mul3A_1493 : vector<16xf32>
      %sub3A_1495 = arith.subf %sub3A_1492, %mul3A_1494 : vector<16xf32>
      %add3A_1496 = vector.broadcast %squeeze3A_597 : f32 to vector<16xf32>
      %add3A_1497 = arith.addf %sub3A_1473, %add3A_1496 : vector<16xf32>
      %add3A_1498 = arith.addf %add3A_1497, %add3A_1422 : vector<16xf32>
      %swap3A = arith.index_cast %multiple_of3A_615 : i32 to index
      %swap3A_1499 = tpu.vector_load %arg14[%swap3A] {strides = array<i32>} : memref<1536xf32, #tpu.memory_space<vmem>>, vector<16xf32>,
      tpu.vector_store %arg14[%swap3A], %add3A_1498 {strides = array<i32>} : memref<1536xf32, #tpu.memory_space<vmem>>, vector<16xf32>,
      %add3A_1500 = vector.broadcast %squeeze3A_599 : f32 to vector<16xf32>
      %add3A_1501 = arith.addf %sub3A_1484, %add3A_1500 : vector<16xf32>
      %add3A_1502 = arith.addf %add3A_1501, %add3A_1425 : vector<16xf32>
      %add3A_1503 = arith.constant 512 : i32
      %add3A_1504 = arith.addi %multiple_of3A_615, %add3A_1503 : i32
      %swap3A_1505 = arith.index_cast %add3A_1504 : i32 to index
      %swap3A_1506 = tpu.vector_load %arg14[%swap3A_1505] {strides = array<i32>} : memref<1536xf32, #tpu.memory_space<vmem>>, vector<16xf32>,
      tpu.vector_store %arg14[%swap3A_1505], %add3A_1502 {strides = array<i32>} : memref<1536xf32, #tpu.memory_space<vmem>>, vector<16xf32>,
      %add3A_1507 = vector.broadcast %squeeze3A_601 : f32 to vector<16xf32>
      %add3A_1508 = arith.addf %sub3A_1495, %add3A_1507 : vector<16xf32>
      %add3A_1509 = arith.addf %add3A_1508, %add3A_1428 : vector<16xf32>
      %add3A_1510 = arith.constant 1024 : i32
      %add3A_1511 = arith.addi %multiple_of3A_615, %add3A_1510 : i32
      %swap3A_1512 = arith.index_cast %add3A_1511 : i32 to index
      %swap3A_1513 = tpu.vector_load %arg14[%swap3A_1512] {strides = array<i32>} : memref<1536xf32, #tpu.memory_space<vmem>>, vector<16xf32>,
      tpu.vector_store %arg14[%swap3A_1512], %add3A_1509 {strides = array<i32>} : memref<1536xf32, #tpu.memory_space<vmem>>, vector<16xf32>,
    }
    %scan3A_611 = arith.constant 32 : i32
    "tpu.region"() ({
      %run_scoped3A = tpu.sem_alloc : memref<!tpu.dma_semaphore, #tpu.memory_space<semaphore_mem>>
      %dma_start3A = arith.constant 0 : i32
      %dma_start3A_612 = tpu.memref_slice %arg8[%add3A, %dma_start3A] : memref<32x1536xf32, #tpu.memory_space<hbm>> -> memref<1x1536xf32, #tpu.memory_space<hbm>>
      %dma_start3A_613 = tpu.memref_squeeze %dma_start3A_612 : memref<1x1536xf32, #tpu.memory_space<hbm>> -> memref<1536xf32, #tpu.memory_space<hbm>>
      %dma_start3A_614 = arith.constant 0 : i32
      %dma_start3A_615 = tpu.memref_slice %arg8[%add3A, %dma_start3A_614] : memref<32x1536xf32, #tpu.memory_space<hbm>> -> memref<1x1536xf32, #tpu.memory_space<hbm>>
      %dma_start3A_616 = tpu.memref_squeeze %dma_start3A_615 : memref<1x1536xf32, #tpu.memory_space<hbm>> -> memref<1536xf32, #tpu.memory_space<hbm>>
      tpu.enqueue_dma source(%arg14 : memref<1536xf32, #tpu.memory_space<vmem>>) target(%dma_start3A_616 : memref<1536xf32, #tpu.memory_space<hbm>>) target_semaphore(%run_scoped3A : memref<!tpu.dma_semaphore, #tpu.memory_space<semaphore_mem>>)
      %dma_wait3A = arith.constant 0 : i32
      %dma_wait3A_617 = tpu.memref_slice %arg8[%add3A, %dma_wait3A] : memref<32x1536xf32, #tpu.memory_space<hbm>> -> memref<1x1536xf32, #tpu.memory_space<hbm>>
      %dma_wait3A_618 = tpu.memref_squeeze %dma_wait3A_617 : memref<1x1536xf32, #tpu.memory_space<hbm>> -> memref<1536xf32, #tpu.memory_space<hbm>>
      %dma_wait3A_619 = arith.constant 0 : i32
      %dma_wait3A_620 = tpu.memref_slice %arg8[%add3A, %dma_wait3A_619] : memref<32x1536xf32, #tpu.memory_space<hbm>> -> memref<1x1536xf32, #tpu.memory_space<hbm>>
      %dma_wait3A_621 = tpu.memref_squeeze %dma_wait3A_620 : memref<1x1536xf32, #tpu.memory_space<hbm>> -> memref<1536xf32, #tpu.memory_space<hbm>>
      tpu.wait_dma2 semaphore(%run_scoped3A : memref<!tpu.dma_semaphore, #tpu.memory_space<semaphore_mem>>) src(%arg14 : memref<1536xf32, #tpu.memory_space<vmem>>) dst(%dma_wait3A_621 : memref<1536xf32, #tpu.memory_space<hbm>>)
      tpu.yield
    }) : () -> ()
    return
  }
}

</mosaic_0001>

<sc_bundles>
// kernel: kernel.3.cloned.1.call-start
scs
__scs_entry_jumppad:
0x0: {  	(pc) =	sbr.rel $0x88, $3  }
0x1: {  	(tag) =	ssettag $0x0;
	lr =	simm.s32 $0x1  }
0x2: {  	[smem:$0x3F98] =	sst lr;
	_ =	strace $0xD0000000  }
0x3: {  	_ = 	snop  }
0x4: {  	_ = 	snop  }
0x5: {  	_ = 	snop  }
0x6: {  	_ = 	snop  }
0x7: {  	_ = 	snop  }
__scs_overlays_trampoline_lowered:
0x8: {  	[smem:$0x3FA7] =	sst s0  }
0x9: {  	[smem:$0x3FA8] =	sst s1  }
0xa: {  	[smem:$0x3FA9] =	sst s2  }
0xb: {  	[smem:$0x3FAA] =	sst s3  }
0xc: {  	[smem:$0x3FAB] =	sst s4  }
0xd: {  	[smem:$0x3FAC] =	sst s5  }
0xe: {  	[smem:$0x3FAD] =	sst s6  }
0xf: {  	[smem:$0x3FAE] =	sst s7  }
0x10: {  	[smem:$0x3FAF] =	sst s8  }
0x11: {  	[smem:$0x3FB0] =	sst s9;
	s0 =	simm.s32 @!p0 $0x0  }
0x12: {  	s1 =	sld [smem:$0x3F96];
	s0 =	simm.s32 @p0 $0x1  }
0x13: {  	[smem:$0x3FB1] =	sst s0;
	s0 =	simm.s32 @!p1 $0x0  }
0x14: {  	s2 =	sld [smem:$0x3F95];
	s0 =	simm.s32 @p1 $0x1  }
0x15: {  	[smem:$0x3FB2] =	sst s0;
	s0 =	simm.s32 @!p2 $0x0  }
0x16: {  	s3 =	sld [smem:$0x3FDB];
	s0 =	simm.s32 @p2 $0x1  }
0x17: {  	s4 =	simm.s32 $0x1BF5;
	[smem:$0x3FB4] =	sst s0  }
0x18: {  	s0 =	sld [smem:$0x3F97];
	_ =	swait.ge [sflag:s4], $0x0  }
0x19: {  	s7 =	sld [smem:$0x3F98]  }
0x1a: {  	s8 =	sadd.s32 $0xFFFFE003, lr  }
0x1b: {  	s9 =	sadd.s32 $0xFFFFFEF7, lr;
	s5 =	simm.s32 $0xFFFFFFFF;
	p2 =	slt.u32 s8, $0xFFFFF086  }
0x1c: {  	p1 =	slt.u32 s9, $0xF7A;
	s5 =	simm.s32 @!p2 $0x0  }
0x1d: {  	s5 =	simm.s32 @p1 $0x1;
	p0 =	seq.s32 s7, s2  }
0x1e: {  	s7 =	smul.u32 @!p0 $0xF7A, s2;
	p2 =	seq.s32 @!p0 s5, $0x0  }
0x1f: {  	s9 =	smul.u32 $0xF7A, s1;
	s8 =	simm.s32 @!p0 $0x1BF5;
	p2 =	por !p2, p0  }
0x20: {  	[sflag:s8] =	ssyncset.s32 @!p0 $0xFFFFF086;
	s6 =	sadd.s32 @!p0 s3, s7;
	s7 =	simm.s32 @!p0 $0x108  }
0x21: {  	s3 =	sadd.s32 s3, s9;
	s6 =	sadd.s32 @!p0 $0x88, s6;
	s7 =	simm.s32 @p2 $0x1082  }
0x22: {  	[simem:s7], [sflag:s8] =	dma.local @!p0 [hbm:s6], $0xF7A  }
0x23: {  	s9 =	sor.u32 $0xD0000000, s2;
	s6 =	simm.s32 $0x108;
	_ =	swait.ge @!p0 [sflag:s8], $0x0  }
0x24: {  	s3 =	sadd.s32 $0x88, s3;
	s6 =	simm.s32 @!p1 $0x1082;
	[sflag:s4] =	ssyncset.s32 $0xFFFFF086  }
0x25: {  	[simem:s6], [sflag:s4] =	dma.local [hbm:s3], $0xF7A  }
0x26: {  	[smem:$0x3F98] =	sst s1;
	(tag) =	ssettag s2;
	_ =	strace s9  }
0x27: {  	s1 =	sld [smem:$0x3FA8]  }
0x28: {  	s2 =	sld [smem:$0x3FA9]  }
0x29: {  	s4 =	sld [smem:$0x3FAB]  }
0x2a: {  	p0 =	seq.s32 s5, $0x0;
	s5 =	sld [smem:$0x3FAC]  }
0x2b: {  	s6 =	sld [smem:$0x3FAD]  }
0x2c: {  	s7 =	sld [smem:$0x3FAE]  }
0x2d: {  	s3 =	simm.s32 $0x108;
	s8 =	sld [smem:$0x3FAF]  }
0x2e: {  	s3 =	simm.s32 @!p0 $0x1082;
	s9 =	sld [smem:$0x3FB0]  }
0x2f: {  	lr =	sadd.s32 s0, s3;
	s0 =	sld [smem:$0x3FA7]  }
0x30: {  	s3 =	sld [smem:$0x3FAA]  }
0x31: {  	[smem:$0x3FB3] =	sst s10  }
0x32: {  	s10 =	sld [smem:$0x3FB1];
	_ =	sdelay $0x3  }
0x33: {  	p0 =	seq.s32 s10, $0x1;
	s10 =	sld [smem:$0x3FB3];
	_ =	sdelay $0x3  }
0x34: {  	[smem:$0x3FB3] =	sst s10  }
0x35: {  	s10 =	sld [smem:$0x3FB2];
	_ =	sdelay $0x3  }
0x36: {  	p1 =	seq.s32 s10, $0x1;
	s10 =	sld [smem:$0x3FB3];
	_ =	sdelay $0x3  }
0x37: {  	[smem:$0x3FB3] =	sst s10  }
0x38: {  	s10 =	sld [smem:$0x3FB4]  }
0x39: {  	_ = 	snop;
	(pc) =	sbr.ind lr, $3  }
0x3a: {  	_ = 	snop  }
0x3b: {  	_ = 	snop  }
0x3c: {  	p2 =	seq.s32 s10, $0x1;
	s10 =	sld [smem:$0x3FB3]  }
0x3d: {  	_ =	shalt  }
0x3e: {  	_ =	shalt  }
0x3f: {  	_ =	shalt  }
0x40: {  	_ =	shalt  }
0x41: {  	_ =	shalt  }
0x42: {  	_ =	shalt  }
0x43: {  	_ =	shalt  }
0x44: {  	_ =	shalt  }
0x45: {  	_ =	shalt  }
0x46: {  	_ =	shalt  }
0x47: {  	_ =	shalt  }
0x48: {  	_ =	shalt  }
0x49: {  	_ =	shalt  }
0x4a: {  	_ =	shalt  }
0x4b: {  	_ =	shalt  }
0x4c: {  	_ =	shalt  }
0x4d: {  	_ =	shalt  }
0x4e: {  	_ =	shalt  }
0x4f: {  	_ =	shalt  }
0x50: {  	_ =	shalt  }
0x51: {  	_ =	shalt  }
0x52: {  	_ =	shalt  }
0x53: {  	_ =	shalt  }
0x54: {  	_ =	shalt  }
0x55: {  	_ =	shalt  }
0x56: {  	_ =	shalt  }
0x57: {  	_ =	shalt  }
0x58: {  	_ =	shalt  }
0x59: {  	_ =	shalt  }
0x5a: {  	_ =	shalt  }
0x5b: {  	_ =	shalt  }
0x5c: {  	_ =	shalt  }
0x5d: {  	_ =	shalt  }
0x5e: {  	_ =	shalt  }
0x5f: {  	_ =	shalt  }
0x60: {  	_ =	shalt  }
0x61: {  	_ =	shalt  }
0x62: {  	_ =	shalt  }
0x63: {  	_ =	shalt  }
0x64: {  	_ =	shalt  }
0x65: {  	_ =	shalt  }
0x66: {  	_ =	shalt  }
0x67: {  	_ =	shalt  }
0x68: {  	_ =	shalt  }
0x69: {  	_ =	shalt  }
0x6a: {  	_ =	shalt  }
0x6b: {  	_ =	shalt  }
0x6c: {  	_ =	shalt  }
0x6d: {  	_ =	shalt  }
0x6e: {  	_ =	shalt  }
0x6f: {  	_ =	shalt  }
0x70: {  	_ =	shalt  }
0x71: {  	_ =	shalt  }
0x72: {  	_ =	shalt  }
0x73: {  	_ =	shalt  }
0x74: {  	_ =	shalt  }
0x75: {  	_ =	shalt  }
0x76: {  	_ =	shalt  }
0x77: {  	_ =	shalt  }
0x78: {  	_ =	shalt  }
0x79: {  	_ =	shalt  }
0x7a: {  	_ =	shalt  }
0x7b: {  	_ =	shalt  }
0x7c: {  	_ =	shalt  }
0x7d: {  	_ =	shalt  }
0x7e: {  	_ =	shalt  }
0x7f: {  	_ =	shalt  }
0x80: {  	_ =	shalt  }
0x81: {  	_ =	shalt  }
0x82: {  	_ =	shalt  }
0x83: {  	_ =	shalt  }
0x84: {  	_ =	shalt  }
0x85: {  	_ =	shalt  }
0x86: {  	_ =	shalt  }
0x87: {  	_ =	shalt  }
.Lfunc_end0:
.L_simem_size_0:
called_computation_lowered:
.L_overlay_start_0:
0x88: {  	s2 =	sld [smem:$0x3FD9]  }
0x89: {  	s3 =	sld [smem:$0x3FFE];
	_ =	sdelay $0x1  }
0x8a: {  	s1 =	srdreg.scid  }
0x8b: {  	s0 =	sand.u32 $0x1, s1  }
0x8c: {  	s17 =	sshll.u32 s0, $0xA;
	s2 =	sadd.s32 s3, s2  }
0x8d: {  	s2 =	sadd.s32 s2, s17  }
0x8e: {  	[smem:$0x3FBF] =	sst s2  }
0x8f: {  	_ = 	snop  }
0x90: {  	s2 =	sld [smem:$0x3FC9]  }
0x91: {  	s18 =	sld [smem:$0x3FD0];
	(tm) =	ssettm $0x1  }
0x92: {  	s4 =	sld [smem:$0x3FFB];
	_ =	sdelay $0x3  }
0x93: {  	_ =	strace s4  }
0x94: {  	s4 =	sld [smem:$0x3FFC];
	_ =	sdelay $0x3  }
0x95: {  	_ =	strace s4  }
0x96: {  	s4 =	sld [smem:$0x3FFD];
	_ =	sdelay $0x3  }
0x97: {  	_ =	strace s4  }
0x98: {  	_ =	strace $0x8FFFFFFF  }
0x99: {  	s19 =	sld [smem:$0x3FDB];
	_ =	sdelay $0x1  }
0x9a: {  	s5 =	simm.s32 $_scs_section_size  }
0x9b: {  	s6 =	simm.s32 $_size__tile_overlayer_lowered;
	s7 =	simm.s32 $_tile_overlayer_lowered  }
0x9c: {  	s22 =	simm.s32 $0x1BFF;
	s21 =	sshll.u32 s7, $0x1;
	s4 =	sadd.s32 s5, s19  }
0x9d: {  	s8 =	simm.s32 $0x0;
	s20 =	sshll.u32 s6, $0x1;
	s6 =	sadd.s32 s21, s4  }
0x9e: {  	[timem:s8], [sflag:s22] =	dma.local [hbm:s6], s20  }
0x9f: {  	_ =	swait.ge [sflag:s22], s20  }
0xa0: {  	s5 =	ssub.s32 $0x0, s20;
	[sflag:s22] =	ssyncset.done $0x0  }
0xa1: {  	[sflag:s22] =	ssyncadd.s32 s5;
	_ =	sdelay $0x1  }
0xa2: {  	s23 =	simm.s32 $0x1B8B  }
0xa3: {  	_ =	swait.ge [sflag:s23], $0x1  }
0xa4: {  	[sflag:s23] =	ssyncset.done $0x0  }
0xa5: {  	s25 =	simm.s32 $0x1B8E;
	s24 =	sld [smem:$0x3FFE];
	[sflag:s23] =	ssyncadd.s32 $0xFFFFFFFF  }
0xa6: {  	s26 =	simm.s32 $execute0_lowered;
	[smem:$0x3FD2] =	sst s25  }
0xa7: {  	s6 =	sshll.u32 s26, $0x1;
	_ =	strace $0x80000046;
	[dreg:$0x1] =	wrdreg $0xFFFFFFFF  }
0xa8: {  	s28 =	simm.s32 $_size_execute0_lowered;
	s4 =	sadd.s32 s4, s6;
	[dreg:$0x0] =	wrdreg $0x0  }
0xa9: {  	s6 =	sshll.u32 s28, $0x1;
	[dreg:$0x2] =	wrdreg s4  }
0xaa: {  	[dreg:$0x3] =	wrdreg s6  }
0xab: {  	[dreg:$0x4] =	wrdreg $0xC0  }
0xac: {  	_ =	task [dreg:s8], $0x5FFFF  }
0xad: {  	[dreg:$0x1] =	wrdreg $0xFFFFFFFF  }
0xae: {  	[dreg:$0x0] =	wrdreg $0x60  }
0xaf: {  	[dreg:$0x2] =	wrdreg s2  }
0xb0: {  	[dreg:$0x3] =	wrdreg s24  }
0xb1: {  	[dreg:$0x4] =	wrdreg s18  }
0xb2: {  	[dreg:$0x5] =	wrdreg $0x9  }
0xb3: {  	_ =	task.clear_ibuf [dreg:s8], $0x6FFFF;
	_ =	strace $0x90000046  }
0xb4: {  	s29 =	simm.s32 $0x9;
	_ =	strace $0x80000048  }
0xb5: {  	_ =	swait.ge [sflag:s29], $0x1  }
0xb6: {  	[sflag:s29] =	ssyncadd.s32 $0xFFFFFFFF  }
0xb7: {  	_ =	strace $0x90000048  }
0xb8: {  	_ =	sfence  }
0xb9: {  	s30 =	sld [smem:$0x0];
	_ =	sdelay $0x2  }
0xba: {  	s31 =	sshll.u32 s1, $0xD;
	s1 =	sshrl.u32 s1, $0x2  }
0xbb: {  	s3 =	sand.u32 $0x4000, s31;
	s1 =	sadd.s32 s1, s30  }
0xbc: {  	s0 =	sor.u32 s3, s0;
	s1 =	sshll.u32 s1, $0x11  }
0xbd: {  	s0 =	sor.u32 s1, s0  }
0xbe: {  	s0 =	sadd.s32 $0x8F2B, s0  }
0xbf: {  	[sflag:s0] =	ssyncadd.remote.s32 $0x1  }
0xc0: {  	_ =	sfence.sel $0xFFFF  }
0xc1: {  	[dreg:$0x0] =	wrdreg $0xFFFFFFFF;
	(pc) =	sbr.abs _section_cstart, $3  }
0xc2: {  	[dreg:$0x1] =	wrdreg $0xFFFFFFFF  }
0xc3: {  	_ =	task.clear_ibuf [dreg:s8], $0x2FFFF;
	_ =	strace $0x9FFFFFFF  }
0xc4: {  	(tm) =	ssettm $0x7FFFFFFF  }
0xc5: {  	_ =	shalt  }
tec
execute0_lowered:
.L_overlay_start_1:
0x0: {  	(tag) =	ssettag $0x1  }
0x1: {  	s1 =	rddreg [dreg:$0x0];
	s2 =	srdreg.scid  }
0x2: {  	s0 =	stileid.u32;
	s7 =	rddreg [dreg:$0x1]  }
0x3: {  	s9 =	rddreg [dreg:$0x2];
	s16 =	simm.s32 $0xA200;
	s17 =	simm.s32 $0xA380  }
0x4: {  	s18 =	simm.s32 $0xBA00;
	s20 =	simm.s32 $0xA400;
	s21 =	simm.s32 $0x0  }
0x5: {  	s6 =	sand.u32 $0x1, s2;
	s26 =	sshll.u32 s0, $0x8;
	s8 =	sshrl.u32 s0, $0x2  }
0x6: {  	s4 =	sadd.s32 $0x10800, s7;
	s5 =	sadd.s32 $0x10A00, s7;
	s14 =	sshrl.u32 s0, $0x1  }
0x7: {  	s3 =	sshll.u32 s6, $0x7;
	s2 =	sand.u32 $0x300, s26;
	s28 =	sshll.u32 s8, $0xC  }
0x8: {  	s6 =	ssub.s32 $0x2, s6;
	s13 =	sshll.u32 s8, $0x11;
	s8 =	smul.u32 $0x3000, s8  }
0x9: {  	s30 =	sshll.u32 s14, $0x4;
	s19 =	sshll.u32 s14, $0x6;
	s14 =	simm.s32 $0x6000  }
0xa: {  	s10 =	sor.u32 s3, s2;
	s2 =	simm.s32 $0x0;
	s12 =	sshrl.u32 s6, $0x1  }
0xb: {  	s19 =	sshrl.u32 s19, $0x2;
	s3 =	sor.u32 s28, s10;
	[smem:$0x7FF] =	sst s2  }
0xc: {  	s12 =	ssub.s32 s6, s12;
	s29 =	sor.u32 s13, s10;
	s8 =	sor.u32 s8, s10  }
0xd: {  	s6 =	sadd.s32 s1, s30;
	s13 =	simm.s32 $0x1;
	s3 =	sshrl.u32 s3, $0x3  }
0xe: {  	_ =	strace $0x80000047;
	s15 =	sshrl.u32 s29, $0x3;
	s31 =	sshrl.u32 s8, $0x3  }
0xf: {  	s10 =	smax.u32 s12, $0x1;
	s12 =	simm.s32 $0x400;
	s11 =	sadd.s32 s3, s7  }
0x10: {  	s3 =	sadd.s32 $0x10C00, s7;
	s7 =	sadd.s32 s7, s15;
	s9 =	sadd.s32 s9, s31  }
0x11: {  	v0 =	vimm.bf16 $0.0e+00;
	s15 =	simm.s32 $0xA000;
	s8 =	sadd.s32 $0x10000, s11;
	s11 =	simm.s32 $0x80  }
.LBB2_1:
0x12: {  	[tilespmem:s2], [sflag:$0x1] =	stream.strided.gather [hbm4b:s6+s11], $0x6000, s12, s11, $0x38;
	[tilespmem:$0xC600] =	vst v63  }
0x13: {  	_ =	swait.ge [sflag:s13], $0x6000  }
0x14: {  	[sflag:s13] =	ssyncset.done $0x0  }
0x15: {  	[sflag:s13] =	ssyncadd.s32 $0xFFFFA000  }
0x16: {  	[tilespmem:s14], [sflag:$0x1] =	stream.strided.gather [hbm4b:s7+s11], $0x4000, s12, s11, $0x38;
	[tilespmem:$0xC600] =	vst v63  }
0x17: {  	_ =	swait.ge [sflag:s13], $0x4000  }
0x18: {  	[sflag:s13] =	ssyncset.done $0x0  }
0x19: {  	[sflag:s13] =	ssyncadd.s32 $0xFFFFC000  }
0x1a: {  	[tilespmem:s15], [sflag:$0x1] =	stream.strided.gather [hbm4b:s8+s11], $0x200, s12, s11, $0x38;
	[tilespmem:$0xC600] =	vst v63  }
0x1b: {  	_ =	swait.ge [sflag:s13], $0x200  }
0x1c: {  	[sflag:s13] =	ssyncset.done $0x0  }
0x1d: {  	[sflag:s13] =	ssyncadd.s32 $0xFFFFFE00  }
0x1e: {  	[tilespmem:s16], [sflag:$0x1] =	stream.linear.gather [hbm4b:s3+s2], $0x180, $0x38;
	[tilespmem:$0xC600] =	vst v63  }
0x1f: {  	_ =	swait.ge [sflag:s13], $0x180  }
0x20: {  	[sflag:s13] =	ssyncset.done $0x0  }
0x21: {  	[sflag:s13] =	ssyncadd.s32 $0xFFFFFE80  }
0x22: {  	[tilespmem:s17], [sflag:$0x1] =	stream.linear.gather [hbm4b:s4+s2], $0x80, $0x38;
	[tilespmem:$0xC600] =	vst v63  }
0x23: {  	_ =	swait.ge [sflag:s13], $0x80  }
0x24: {  	[sflag:s13] =	ssyncset.done $0x0  }
0x25: {  	[sflag:s13] =	ssyncadd.s32 $0xFFFFFF80  }
0x26: {  	[tilespmem:s18], [sflag:$0x1] =	stream.linear.gather [hbm4b:s5+s2], $0xC00, $0x38;
	[tilespmem:$0xC600] =	vst v63  }
0x27: {  	_ =	swait.ge [sflag:s13], $0xC00  }
0x28: {  	[sflag:s13] =	ssyncset.done $0x0  }
0x29: {  	[sflag:s13] =	ssyncadd.s32 $0xFFFFF400  }
0x2a: {  	v1 =	vld [tilespmem:$0xA200];
	_ =	sdelay $0x4  }
0x2b: {  	v10 =	vbroadcast v1, $0x0  }
0x2c: {  	v11 =	vbroadcast v1, $0x8;
	v13 =	vbroadcast v1, $0x1  }
0x2d: {  	v14 =	vbroadcast v1, $0x9;
	v16 =	vbroadcast v1, $0x2  }
0x2e: {  	v3 =	vld [tilespmem:$0xA2D0];
	v53 =	vbroadcast v1, $0xA;
	v55 =	vbroadcast v1, $0x3  }
0x2f: {  	v56 =	vbroadcast v1, $0xB;
	v58 =	vbroadcast v1, $0x4  }
0x30: {  	v59 =	vbroadcast v1, $0xC;
	v61 =	vbroadcast v1, $0x5  }
0x31: {  	v17 =	vbroadcast v1, $0xD;
	v19 =	vbroadcast v1, $0x6  }
0x32: {  	v2 =	vld [tilespmem:$0xA210];
	v20 =	vbroadcast v1, $0xE;
	v22 =	vbroadcast v1, $0x7  }
0x33: {  	v23 =	vbroadcast v1, $0xF;
	v1 =	vbroadcast v3, $0x8;
	_ =	sdelay $0x1  }
0x34: {  	[tilespmem:$0x1FB50] =	vst v1;
	v1 =	vbroadcast v3, $0x9;
	_ =	sdelay $0x1  }
0x35: {  	v4 =	vld [tilespmem:$0xA2E0];
	v12 =	vbroadcast v2, $0x0;
	[tilespmem:$0x1FB60] =	vst v1;
	v1 =	vbroadcast v3, $0xA  }
0x36: {  	v15 =	vbroadcast v2, $0x1;
	v54 =	vbroadcast v2, $0x2  }
0x37: {  	v57 =	vbroadcast v2, $0x3;
	[tilespmem:$0x1FB70] =	vst v1;
	v1 =	vbroadcast v3, $0xB  }
0x38: {  	v60 =	vbroadcast v2, $0x4;
	v18 =	vbroadcast v2, $0x5  }
0x39: {  	v21 =	vbroadcast v2, $0x6;
	[tilespmem:$0x1FB80] =	vst v1;
	v1 =	vbroadcast v3, $0xC  }
0x3a: {  	v24 =	vbroadcast v2, $0x7;
	v2 =	vbroadcast v4, $0x5  }
0x3b: {  	[tilespmem:$0x1FB90] =	vst v1;
	v1 =	vbroadcast v3, $0xD  }
0x3c: {  	[tilespmem:$0x1FC20] =	vst v2;
	v2 =	vbroadcast v4, $0x6  }
0x3d: {  	[tilespmem:$0x1FBA0] =	vst v1;
	v1 =	vbroadcast v3, $0xE  }
0x3e: {  	[tilespmem:$0x1FC30] =	vst v2;
	v2 =	vbroadcast v4, $0x7  }
0x3f: {  	[tilespmem:$0x1FBB0] =	vst v1;
	v1 =	vbroadcast v3, $0xF  }
0x40: {  	[tilespmem:$0x1FC40] =	vst v2;
	v2 =	vbroadcast v4, $0x8  }
0x41: {  	[tilespmem:$0x1FBC0] =	vst v1;
	v1 =	vbroadcast v4, $0x0  }
0x42: {  	[tilespmem:$0x1FC50] =	vst v2;
	v2 =	vbroadcast v4, $0x9  }
0x43: {  	[tilespmem:$0x1FBD0] =	vst v1;
	v1 =	vbroadcast v4, $0x1  }
0x44: {  	[tilespmem:$0x1FC60] =	vst v2;
	v2 =	vbroadcast v4, $0xA  }
0x45: {  	[tilespmem:$0x1FBE0] =	vst v1;
	v1 =	vbroadcast v4, $0x2  }
0x46: {  	[tilespmem:$0x1FC70] =	vst v2;
	v2 =	vbroadcast v4, $0xB  }
0x47: {  	[tilespmem:$0x1FBF0] =	vst v1;
	v1 =	vbroadcast v4, $0x3  }
0x48: {  	[tilespmem:$0x1FC80] =	vst v2;
	v2 =	vbroadcast v4, $0xC  }
0x49: {  	[tilespmem:$0x1FC00] =	vst v1;
	v1 =	vbroadcast v4, $0x4  }
0x4a: {  	[tilespmem:$0x1FC90] =	vst v2  }
0x4b: {  	v2 =	vbroadcast v4, $0xD;
	[tilespmem:$0x1FC10] =	vst v1;
	v1 =	vld [tilespmem:$0xA2F0];
	_ =	sdelay $0x1  }
0x4c: {  	[tilespmem:$0x1FCA0] =	vst v2;
	v2 =	vbroadcast v4, $0xE;
	_ =	sdelay $0x1  }
0x4d: {  	[tilespmem:$0x1FCB0] =	vst v2;
	v2 =	vbroadcast v4, $0xF  }
0x4e: {  	v3 =	vbroadcast v1, $0x5  }
0x4f: {  	[tilespmem:$0x1FCC0] =	vst v2;
	v2 =	vbroadcast v1, $0x0  }
0x50: {  	[tilespmem:$0x1FD20] =	vst v3;
	v3 =	vbroadcast v1, $0x6  }
0x51: {  	[tilespmem:$0x1FCD0] =	vst v2;
	v2 =	vbroadcast v1, $0x1  }
0x52: {  	[tilespmem:$0x1FD30] =	vst v3;
	v3 =	vbroadcast v1, $0x7  }
0x53: {  	[tilespmem:$0x1FCE0] =	vst v2;
	v2 =	vbroadcast v1, $0x2  }
0x54: {  	[tilespmem:$0x1FD40] =	vst v3;
	v3 =	vbroadcast v1, $0x8  }
0x55: {  	[tilespmem:$0x1FCF0] =	vst v2;
	v2 =	vbroadcast v1, $0x3  }
0x56: {  	[tilespmem:$0x1FD50] =	vst v3;
	v3 =	vbroadcast v1, $0x9  }
0x57: {  	[tilespmem:$0x1FD00] =	vst v2;
	v2 =	vbroadcast v1, $0x4  }
0x58: {  	[tilespmem:$0x1FD60] =	vst v3;
	v3 =	vbroadcast v1, $0xA  }
0x59: {  	[tilespmem:$0x1FD10] =	vst v2;
	v2 =	vld [tilespmem:$0xA300]  }
0x5a: {  	[tilespmem:$0x1FD70] =	vst v3;
	v3 =	vbroadcast v1, $0xB  }
0x5b: {  	v62 =	vbroadcast v1, $0xD;
	v63 =	vbroadcast v1, $0xE  }
0x5c: {  	[tilespmem:$0x1FD80] =	vst v3;
	v3 =	vbroadcast v1, $0xC;
	v1 =	vbroadcast v1, $0xF;
	_ =	sdelay $0x1  }
0x5d: {  	[tilespmem:$0x1FDC0] =	vst v1;
	v1 =	vbroadcast v2, $0x0  }
0x5e: {  	[tilespmem:$0x1FF00] =	vst v10  }
0x5f: {  	[tilespmem:$0x1FDD0] =	vst v1;
	v1 =	vbroadcast v2, $0x1  }
0x60: {  	[tilespmem:$0x1FF10] =	vst v11  }
0x61: {  	[tilespmem:$0x1FDE0] =	vst v1;
	v1 =	vbroadcast v2, $0x2  }
0x62: {  	[tilespmem:$0x1FF20] =	vst v12  }
0x63: {  	[tilespmem:$0x1FDF0] =	vst v1;
	v1 =	vbroadcast v2, $0x3  }
0x64: {  	[tilespmem:$0x1FF30] =	vst v13  }
0x65: {  	[tilespmem:$0x1FE00] =	vst v1;
	v1 =	vbroadcast v2, $0x4  }
0x66: {  	[tilespmem:$0x1FF40] =	vst v14  }
0x67: {  	[tilespmem:$0x1FE10] =	vst v1;
	v1 =	vbroadcast v2, $0x5  }
0x68: {  	[tilespmem:$0x1FD90] =	vst v3;
	v3 =	vld [tilespmem:s19+$0xA380]  }
0x69: {  	[tilespmem:$0x1FE20] =	vst v1;
	v1 =	vbroadcast v2, $0x6  }
0x6a: {  	[tilespmem:$0x1FF50] =	vst v15  }
0x6b: {  	[tilespmem:$0x1FE30] =	vst v1;
	v1 =	vbroadcast v2, $0x7  }
0x6c: {  	[tilespmem:$0x1FF60] =	vst v16  }
0x6d: {  	[tilespmem:$0x1FE40] =	vst v1;
	v1 =	vbroadcast v3, $0x1  }
0x6e: {  	[tilespmem:$0x1FF70] =	vst v53  }
0x6f: {  	[tilespmem:$0x1FE50] =	vst v1;
	v1 =	vbroadcast v3, $0x2  }
0x70: {  	[tilespmem:$0x1FF80] =	vst v54  }
0x71: {  	[tilespmem:$0x1FE60] =	vst v1;
	v1 =	vbroadcast v3, $0x3  }
0x72: {  	[tilespmem:$0x1FF90] =	vst v55  }
0x73: {  	[tilespmem:$0x1FE70] =	vst v1;
	v1 =	vbroadcast v3, $0x0  }
0x74: {  	[tilespmem:$0x1FFA0] =	vst v56  }
0x75: {  	[tilespmem:$0x1FE80] =	vst v1;
	v1 =	vbroadcast v3, $0x5  }
0x76: {  	[tilespmem:$0x1FFB0] =	vst v57  }
0x77: {  	[tilespmem:$0x1FE90] =	vst v1;
	v1 =	vbroadcast v3, $0x4  }
0x78: {  	[tilespmem:$0x1FFC0] =	vst v58  }
0x79: {  	[tilespmem:$0x1FEA0] =	vst v1;
	v1 =	vbroadcast v3, $0x7  }
0x7a: {  	[tilespmem:$0x1FFD0] =	vst v59  }
0x7b: {  	[tilespmem:$0x1FEB0] =	vst v1;
	v1 =	vbroadcast v3, $0x6  }
0x7c: {  	[tilespmem:$0x1FFE0] =	vst v60  }
0x7d: {  	[tilespmem:$0x1FEC0] =	vst v1;
	v1 =	vbroadcast v3, $0x8  }
0x7e: {  	[tilespmem:$0x1FFF0] =	vst v61  }
0x7f: {  	[tilespmem:$0x1FED0] =	vst v1;
	v1 =	vbroadcast v3, $0x9  }
0x80: {  	[tilespmem:$0x1FDA0] =	vst v62  }
0x81: {  	[tilespmem:$0x1FEE0] =	vst v1;
	v1 =	vbroadcast v3, $0xA  }
0x82: {  	[tilespmem:$0x1FDB0] =	vst v63  }
0x83: {  	s22 =	simm.s32 $0x0;
	s23 =	simm.s32 $0x0;
	s24 =	simm.s32 $0x0;
	[tilespmem:$0x1FEF0] =	vst v1  }
.LBB2_2:
0x84: {  	s25 =	sshll.u32 s24, $0x4  }
0x85: {  	v1 =	vld [tilespmem:s25+$0xA000];
	_ =	sdelay $0x2  }
0x86: {  	s1 =	sshll.u32 s23, $0x2;
	s26 =	sand.u32 $0x7, s22  }
0x87: {  	s1 =	sand.u32 $0xFFFFFE00, s1;
	s26 =	sshll.u32 s26, $0x6  }
0x88: {  	s1 =	sor.u32 s26, s1;
	v2 =	vadd.s32 $0x2000, v1  }
0x89: {  	s1 =	sshrl.u32 s1, $0x2;
	v3 =	vadd.s32 $0x4000, v1  }
0x8a: {  	s1 =	sadd.s32 $0x6400, s1  }
0x8b: {  	s29 =	simm.s32 $0x0;
	v25 =	vmov s1  }
0x8c: {  	v45 =	vld.idx.msk [tilespmem:v1+s29+$0x0], $0xffff  }
0x8d: {  	v46 =	vld.idx.msk [tilespmem:v2+s29+$0x0], $0xffff  }
0x8e: {  	s30 =	simm.s32 $0xAA80;
	s28 =	sand.u32 $0x70, s25;
	s26 =	sand.u32 $0x180, s25;
	v47 =	vld.idx.msk [tilespmem:v3+s29+$0x0], $0xffff  }
.LBB2_3:
0x8f: {  	s1 =	sshra.s32 s29, $0x2  }
0x90: {  	v1 =	vld.idx.msk [tilespmem:v25+s1+$0xFFFFFC00 ss:$0x1], $0xffff  }
0x91: {  	v2 =	vld.idx.msk [tilespmem:v25+s1+$0xFFFFFE00 ss:$0x1], $0xffff  }
0x92: {  	v5 =	vld.idx.msk [tilespmem:v25+s1+$0x0 ss:$0x1], $0xffff;
	_ =	sdelay $0x3  }
0x93: {  	v3 =	vadd.s32 $0x2000, v1  }
0x94: {  	v8 =	vld.idx.msk [tilespmem:v25+s1+$0x200 ss:$0x1], $0xffff;
	v4 =	vadd.s32 $0x4000, v1  }
0x95: {  	v6 =	vadd.s32 $0x2000, v2;
	v1 =	vld.idx.msk [tilespmem:v1+s2+$0x0], $0xffff  }
0x96: {  	v7 =	vadd.s32 $0x4000, v2;
	v2 =	vld.idx.msk [tilespmem:v2+s2+$0x0], $0xffff  }
0x97: {  	v9 =	vadd.s32 $0x2000, v5;
	v26 =	vadd.s32 $0x4000, v5;
	v5 =	vld.idx.msk [tilespmem:v5+s2+$0x0], $0xffff  }
0x98: {  	v3 =	vld.idx.msk [tilespmem:v3+s2+$0x0], $0xffff  }
0x99: {  	v4 =	vld.idx.msk [tilespmem:v4+s2+$0x0], $0xffff  }
0x9a: {  	v28 =	vadd.s32 $0x4000, v8;
	v6 =	vld.idx.msk [tilespmem:v6+s2+$0x0], $0xffff  }
0x9b: {  	v7 =	vld.idx.msk [tilespmem:v7+s2+$0x0], $0xffff  }
0x9c: {  	v9 =	vld.idx.msk [tilespmem:v9+s2+$0x0], $0xffff  }
0x9d: {  	v27 =	vadd.s32 $0x2000, v8;
	v29 =	vld.idx.msk [tilespmem:v26+s2+$0x0], $0xffff;
	v32 =	vsub.f32 v1, v45  }
0x9e: {  	v8 =	vld.idx.msk [tilespmem:v8+s2+$0x0], $0xffff;
	v34 =	vsub.f32 v2, v45;
	v2 =	vsub.f32 v5, v45  }
0x9f: {  	v42 =	vld.idx.msk [tilespmem:v28+s2+$0x0], $0xffff;
	v33 =	vsub.f32 v3, v46;
	v1 =	vsub.f32 v4, v47  }
0xa0: {  	v35 =	vsub.f32 v6, v46;
	v26 =	vsub.f32 v7, v47  }
0xa1: {  	v28 =	vsub.f32 v9, v46;
	v43 =	vmul.f32 v32, v10;
	v49 =	vmul.f32 v2, v10  }
0xa2: {  	v3 =	vld.idx.msk [tilespmem:v27+s2+$0x0], $0xffff;
	v27 =	vsub.f32 v29, v47;
	v63 =	vmul.f32 v34, v13;
	v38 =	vmul.f32 v2, v13  }
0xa3: {  	v29 =	vsub.f32 v8, v45;
	v44 =	vmul.f32 v33, v11;
	v48 =	vmul.f32 v1, v12  }
0xa4: {  	v30 =	vsub.f32 v42, v47;
	v8 =	vmul.f32 v35, v11;
	v9 =	vmul.f32 v28, v11  }
0xa5: {  	v50 =	vmul.f32 v26, v12;
	v51 =	vmul.f32 v27, v12  }
0xa6: {  	v52 =	vmul.f32 v29, v10;
	v62 =	vmul.f32 v30, v12  }
0xa7: {  	v36 =	vmul.f32 v35, v14;
	v37 =	vmul.f32 v26, v15  }
0xa8: {  	v39 =	vmul.f32 v28, v14;
	v42 =	vmul.f32 v29, v13  }
0xa9: {  	v5 =	vadd.f32 v44, v43;
	v6 =	vadd.f32 v9, v49;
	v9 =	vmul.f32 v33, v14  }
0xaa: {  	v7 =	vadd.f32 v36, v63;
	v41 =	vadd.f32 v39, v38;
	v44 =	vmul.f32 v30, v15  }
0xab: {  	v49 =	vmul.f32 v34, v16;
	v31 =	vsub.f32 v3, v46;
	v3 =	vmul.f32 v34, v10  }
0xac: {  	v63 =	vmul.f32 v30, v54;
	v5 =	vadd.f32 v48, v5;
	v6 =	vadd.f32 v51, v6  }
0xad: {  	v48 =	vmul.f32 v1, v54;
	v3 =	vadd.f32 v8, v3;
	v8 =	vmul.f32 v31, v11  }
0xae: {  	v40 =	vadd.f32 v37, v7;
	v51 =	vmul.f32 v29, v16;
	v43 =	vmul.f32 v31, v14  }
0xaf: {  	v5 =	vmax.f32 v5, $0.0e+00;
	v3 =	vadd.f32 v50, v3;
	v4 =	vadd.f32 v8, v52  }
0xb0: {  	v6 =	vmax.f32 v6, $0.0e+00;
	v8 =	vmul.f32 v32, v13;
	v50 =	vmul.f32 v35, v53  }
0xb1: {  	v52 =	vmul.f32 v27, v54;
	v3 =	vmax.f32 v3, $0.0e+00;
	v4 =	vadd.f32 v62, v4  }
0xb2: {  	v8 =	vadd.f32 v9, v8;
	v9 =	vmul.f32 v1, v15;
	v36 =	vpack.i.f32.bf16 v3, v5  }
0xb3: {  	v5 =	vmax.f32 v40, $0.0e+00;
	v40 =	vmul.f32 v28, v53;
	v4 =	vmax.f32 v4, $0.0e+00  }
0xb4: {  	v3 =	vadd.f32 v9, v8;
	v8 =	vmul.f32 v27, v15;
	v9 =	vmul.f32 v33, v53  }
0xb5: {  	v37 =	vpack.i.f32.bf16 v4, v6;
	v4 =	vadd.f32 v43, v42;
	v42 =	vmul.f32 v26, v54  }
0xb6: {  	v6 =	vadd.f32 v50, v49;
	v43 =	vmul.f32 v33, v56;
	v49 =	vmul.f32 v1, v57  }
0xb7: {  	v50 =	vmul.f32 v26, v57;
	v7 =	vadd.f32 v8, v41;
	v8 =	vmul.f32 v32, v16  }
0xb8: {  	v3 =	vmax.f32 v3, $0.0e+00;
	v41 =	vmul.f32 v31, v53;
	[tilespmem:s30+$0x0] =	vst v37;
	v37 =	vmul.f32 v27, v21  }
0xb9: {  	v4 =	vadd.f32 v44, v4;
	v6 =	vadd.f32 v42, v6;
	v3 =	vpack.i.f32.bf16 v5, v3  }
0xba: {  	v44 =	vmul.f32 v34, v55;
	v8 =	vadd.f32 v9, v8;
	v9 =	vmul.f32 v2, v16  }
0xbb: {  	v7 =	vmax.f32 v7, $0.0e+00;
	v62 =	vadd.f32 v41, v51;
	v51 =	vmul.f32 v2, v55  }
0xbc: {  	v4 =	vmax.f32 v4, $0.0e+00;
	v6 =	vmax.f32 v6, $0.0e+00;
	v9 =	vadd.f32 v40, v9  }
0xbd: {  	v8 =	vadd.f32 v48, v8;
	v41 =	vadd.f32 v63, v62;
	v48 =	vmul.f32 v35, v56  }
0xbe: {  	v4 =	vpack.i.f32.bf16 v4, v7;
	v62 =	vmul.f32 v29, v55;
	v63 =	vmul.f32 v31, v56  }
0xbf: {  	v9 =	vadd.f32 v52, v9;
	v42 =	vmax.f32 v8, $0.0e+00;
	v5 =	vmax.f32 v41, $0.0e+00  }
0xc0: {  	v7 =	vadd.f32 v48, v44;
	v52 =	vmul.f32 v28, v56;
	v48 =	vmul.f32 v27, v57  }
0xc1: {  	v41 =	vmul.f32 v1, v60;
	v44 =	vmul.f32 v26, v60;
	v6 =	vpack.i.f32.bf16 v6, v42  }
0xc2: {  	v8 =	vmax.f32 v9, $0.0e+00;
	v9 =	vmul.f32 v32, v55;
	v7 =	vadd.f32 v50, v7  }
0xc3: {  	v39 =	vadd.f32 v52, v51;
	v50 =	vmul.f32 v32, v58;
	v51 =	vmul.f32 v33, v59  }
0xc4: {  	v52 =	vmul.f32 v34, v58;
	v5 =	vpack.i.f32.bf16 v5, v8;
	v8 =	vadd.f32 v63, v62  }
0xc5: {  	v62 =	vmul.f32 v2, v58;
	v63 =	vmul.f32 v29, v58;
	v9 =	vadd.f32 v43, v9  }
0xc6: {  	v7 =	vmax.f32 v7, $0.0e+00;
	v39 =	vadd.f32 v48, v39;
	v43 =	vmul.f32 v35, v59  }
0xc7: {  	v38 =	vadd.f32 v51, v50;
	v48 =	vmul.f32 v28, v59;
	v50 =	vmul.f32 v27, v60  }
0xc8: {  	v51 =	vmul.f32 v30, v60;
	v9 =	vadd.f32 v49, v9;
	v49 =	vmul.f32 v30, v57  }
0xc9: {  	v39 =	vmax.f32 v39, $0.0e+00;
	v42 =	vadd.f32 v43, v52;
	v38 =	vadd.f32 v41, v38  }
0xca: {  	v40 =	vadd.f32 v48, v62;
	v48 =	vmul.f32 v33, v17;
	v9 =	vmax.f32 v9, $0.0e+00  }
0xcb: {  	v8 =	vadd.f32 v49, v8;
	v49 =	vmul.f32 v31, v59;
	v42 =	vadd.f32 v44, v42  }
0xcc: {  	v38 =	vmax.f32 v38, $0.0e+00;
	v7 =	vpack.i.f32.bf16 v7, v9;
	v9 =	vadd.f32 v50, v40  }
0xcd: {  	v50 =	vmul.f32 v35, v17;
	v8 =	vmax.f32 v8, $0.0e+00;
	v43 =	vadd.f32 v49, v63  }
0xce: {  	v52 =	vmax.f32 v42, $0.0e+00;
	v63 =	vmul.f32 v32, v61;
	v49 =	vmul.f32 v34, v61  }
0xcf: {  	v8 =	vpack.i.f32.bf16 v8, v39;
	v38 =	vpack.i.f32.bf16 v52, v38;
	v52 =	vmul.f32 v1, v18  }
0xd0: {  	v62 =	vadd.f32 v51, v43;
	v51 =	vadd.f32 v48, v63;
	v63 =	vmul.f32 v26, v18  }
0xd1: {  	v9 =	vmax.f32 v9, $0.0e+00;
	v48 =	vmul.f32 v2, v61;
	v43 =	vmul.f32 v32, v19  }
0xd2: {  	v32 =	vmul.f32 v32, v22;
	[tilespmem:s30+$0x30] =	vst v8;
	v8 =	vmul.f32 v29, v22;
	v40 =	vmax.f32 v62, $0.0e+00  }
0xd3: {  	v62 =	vadd.f32 v50, v49;
	v49 =	vmul.f32 v28, v17;
	v50 =	vmul.f32 v29, v61  }
0xd4: {  	v39 =	vadd.f32 v52, v51;
	v51 =	vmul.f32 v31, v17;
	v52 =	vmul.f32 v27, v18  }
0xd5: {  	v9 =	vpack.i.f32.bf16 v40, v9;
	v40 =	vadd.f32 v63, v62;
	v62 =	vmul.f32 v30, v18  }
0xd6: {  	v42 =	vadd.f32 v51, v50;
	v63 =	vmul.f32 v33, v20;
	v50 =	vmul.f32 v26, v21  }
0xd7: {  	v41 =	vadd.f32 v49, v48;
	v51 =	vmul.f32 v28, v20;
	v33 =	vmul.f32 v33, v23  }
0xd8: {  	v39 =	vmax.f32 v39, $0.0e+00;
	v28 =	vmul.f32 v28, v23;
	v26 =	vmul.f32 v26, v24  }
0xd9: {  	[tilespmem:s30+$0x40] =	vst v9;
	v9 =	vmul.f32 v27, v24;
	v27 =	vmul.f32 v30, v24;
	v41 =	vadd.f32 v52, v41  }
0xda: {  	v42 =	vadd.f32 v62, v42;
	v52 =	vmul.f32 v34, v19;
	v62 =	vmul.f32 v35, v20  }
0xdb: {  	v43 =	vadd.f32 v63, v43;
	v63 =	vmul.f32 v1, v21;
	v34 =	vmul.f32 v34, v22  }
0xdc: {  	v40 =	vmax.f32 v40, $0.0e+00;
	v35 =	vmul.f32 v35, v23;
	v1 =	vmul.f32 v1, v24  }
0xdd: {  	[tilespmem:s30+$0xFFFFFF80] =	vst v36;
	v36 =	vpack.i.f32.bf16 v40, v39;
	v44 =	vadd.f32 v62, v52;
	v62 =	vmul.f32 v2, v19  }
0xde: {  	v43 =	vadd.f32 v63, v43;
	v63 =	vmul.f32 v29, v19;
	v52 =	vmul.f32 v31, v20  }
0xdf: {  	[tilespmem:s30+$0xFFFFFF90] =	vst v3;
	v3 =	vmax.f32 v41, $0.0e+00;
	v48 =	vadd.f32 v35, v34;
	v39 =	vadd.f32 v50, v44  }
0xe0: {  	[tilespmem:s30+$0x10] =	vst v4;
	v2 =	vmul.f32 v2, v22;
	v40 =	vadd.f32 v51, v62;
	v52 =	vadd.f32 v52, v63  }
0xe1: {  	[tilespmem:s30+$0xFFFFFFA0] =	vst v6;
	v62 =	vmul.f32 v30, v21;
	v63 =	vmax.f32 v42, $0.0e+00;
	v44 =	vadd.f32 v33, v32  }
0xe2: {  	[tilespmem:s30+$0x20] =	vst v5;
	v49 =	vmax.f32 v43, $0.0e+00;
	v51 =	vmul.f32 v31, v23;
	v2 =	vadd.f32 v28, v2  }
0xe3: {  	[tilespmem:s30+$0xFFFFFFB0] =	vst v7;
	v3 =	vpack.i.f32.bf16 v63, v3;
	v41 =	vadd.f32 v37, v40;
	v42 =	vadd.f32 v62, v52  }
0xe4: {  	[tilespmem:s30+$0xFFFFFFC0] =	vst v38;
	v50 =	vmax.f32 v39, $0.0e+00;
	v8 =	vadd.f32 v51, v8;
	v1 =	vadd.f32 v1, v44  }
0xe5: {  	p0 =	sne.s32 s29, $0xE000;
	v52 =	vadd.f32 v26, v48;
	[tilespmem:s30+$0x50] =	vst v3;
	v2 =	vadd.f32 v9, v2;
	v3 =	vpack.i.f32.bf16 v50, v49  }
.Ltmp0:
0xe6: {  	[tilespmem:s30+$0xFFFFFFD0] =	vst v36;
	v4 =	vmax.f32 v41, $0.0e+00;
	v6 =	vmax.f32 v42, $0.0e+00;
	v62 =	vadd.f32 v27, v8;
	(pc) =	sbr.rel @p0 .LBB2_3-.Ltmp0, $4  }
0xe7: {  	[tilespmem:s30+$0xFFFFFFE0] =	vst v3;
	v1 =	vmax.f32 v1, $0.0e+00;
	v63 =	vmax.f32 v52, $0.0e+00;
	v3 =	vpack.i.f32.bf16 v6, v4  }
0xe8: {  	v2 =	vmax.f32 v2, $0.0e+00;
	v1 =	vpack.i.f32.bf16 v63, v1;
	[tilespmem:s30+$0x60] =	vst v3;
	v3 =	vmax.f32 v62, $0.0e+00  }
0xe9: {  	[tilespmem:s30+$0xFFFFFFF0] =	vst v1;
	v1 =	vpack.i.f32.bf16 v3, v2  }
0xea: {  	s29 =	sadd.s32 $0x2000, s29;
	[tilespmem:s30+$0x70] =	vst v1;
	s30 =	sadd.s32 $0x100, s30  }
0xeb: {  	v41 =	vld [tilespmem:$0xBA00]  }
0xec: {  	v36 =	vld [tilespmem:$0xBA80]  }
0xed: {  	v33 =	vld [tilespmem:$0xBB00]  }
0xee: {  	v30 =	vld [tilespmem:$0xBB80]  }
0xef: {  	v28 =	vld [tilespmem:$0xBC00]  }
0xf0: {  	v26 =	vld [tilespmem:$0xBC80]  }
0xf1: {  	v25 =	vld [tilespmem:$0xBD00]  }
0xf2: {  	v50 =	vld [tilespmem:$0xBA10]  }
0xf3: {  	v38 =	vld [tilespmem:$0xBA90]  }
0xf4: {  	v34 =	vld [tilespmem:$0xBB10]  }
0xf5: {  	v31 =	vld [tilespmem:$0xBB90]  }
0xf6: {  	v29 =	vld [tilespmem:$0xBC10]  }
0xf7: {  	v27 =	vld [tilespmem:$0xBC90]  }
0xf8: {  	v39 =	vld [tilespmem:$0xBA20]  }
0xf9: {  	v37 =	vld [tilespmem:$0xBAA0]  }
0xfa: {  	v35 =	vld [tilespmem:$0xBB20]  }
0xfb: {  	v32 =	vld [tilespmem:$0xBBA0]  }
0xfc: {  	v57 =	vld [tilespmem:$0xBA30]  }
0xfd: {  	v58 =	vld [tilespmem:$0xBAB0];
	s30 =	simm.s32 $0x0  }
0xfe: {  	v1 =	vld [tilespmem:s30+$0xAA00]  }
0xff: {  	v2 =	vld [tilespmem:s30+$0xAA10]  }
0x100: {  	v53 =	vld [tilespmem:$0xBB30]  }
0x101: {  	v3 =	vld [tilespmem:s30+$0xAA20]  }
0x102: {  	v44 =	vld [tilespmem:$0xBBB0]  }
0x103: {  	v4 =	vld [tilespmem:s30+$0xAA30];
	v5 =	vmul.bf16 v1, v41  }
0x104: {  	v42 =	vld [tilespmem:$0xBC30];
	v6 =	vmul.bf16 v1, v57;
	v7 =	vmul.bf16 v2, v58  }
0x105: {  	v9 =	vld [tilespmem:s30+$0xAA40];
	v8 =	vmul.bf16 v1, v50;
	v43 =	vmul.bf16 v2, v36  }
0x106: {  	v40 =	vld [tilespmem:$0xBCB0];
	v48 =	vmul.bf16 v2, v38;
	v6 =	vadd.bf16 v7, v6;
	v7 =	vmul.bf16 v3, v53  }
0x107: {  	v60 =	vld [tilespmem:s30+$0xAA50];
	v1 =	vmul.bf16 v1, v39;
	v2 =	vmul.bf16 v2, v37  }
0x108: {  	v49 =	vld [tilespmem:$0xBC20];
	v59 =	vmul.bf16 v3, v33;
	v6 =	vadd.bf16 v7, v6;
	v7 =	vmul.bf16 v4, v44  }
0x109: {  	v61 =	vld [tilespmem:s30+$0xAA60];
	v52 =	vmul.bf16 v3, v34;
	v5 =	vadd.bf16 v43, v5;
	v1 =	vadd.bf16 v2, v1  }
0x10a: {  	v43 =	vld [tilespmem:$0xBD30];
	v2 =	vmul.bf16 v3, v35;
	v3 =	vadd.bf16 v7, v6;
	v6 =	vmul.bf16 v9, v42  }
0x10b: {  	v51 =	vld [tilespmem:$0xBDB0];
	v8 =	vadd.bf16 v48, v8;
	v5 =	vadd.bf16 v59, v5;
	v7 =	vmul.bf16 v4, v30  }
0x10c: {  	v62 =	vld [tilespmem:s30+$0xAA70];
	v1 =	vadd.bf16 v2, v1;
	v2 =	vadd.bf16 v6, v3;
	v3 =	vmul.bf16 v60, v40  }
0x10d: {  	v55 =	vld [tilespmem:$0xBD10];
	v8 =	vadd.bf16 v52, v8;
	v6 =	vmul.bf16 v4, v31;
	v5 =	vadd.bf16 v7, v5  }
0x10e: {  	v52 =	vld [tilespmem:$0xBCA0];
	v4 =	vmul.bf16 v4, v32;
	v7 =	vmul.bf16 v9, v28;
	v2 =	vadd.bf16 v3, v2  }
0x10f: {  	v54 =	vld [tilespmem:$0xBD20];
	v3 =	vmul.bf16 v61, v43;
	v6 =	vadd.bf16 v6, v8;
	v8 =	vmul.bf16 v9, v29  }
0x110: {  	v56 =	vld [tilespmem:$0xBD90];
	v1 =	vadd.bf16 v4, v1;
	v4 =	vmul.bf16 v9, v49;
	v5 =	vadd.bf16 v7, v5  }
0x111: {  	v48 =	vld [tilespmem:$0xBD80];
	v7 =	vmul.bf16 v60, v26;
	v2 =	vadd.bf16 v3, v2;
	v3 =	vmul.bf16 v62, v51  }
0x112: {  	s29 =	simm.s32 $0x80;
	v59 =	vld [tilespmem:$0xBDA0];
	v6 =	vadd.bf16 v8, v6;
	v1 =	vadd.bf16 v4, v1;
	v4 =	vmul.bf16 v60, v27  }
0x113: {  	v9 =	vld [tilespmem:s29+$0xAA00];
	v8 =	vmul.bf16 v60, v52;
	v2 =	vadd.bf16 v3, v2  }
0x114: {  	v3 =	vadd.bf16 v7, v5;
	v5 =	vmul.bf16 v61, v25;
	v4 =	vadd.bf16 v4, v6;
	v6 =	vld [tilespmem:s29+$0xAA10]  }
0x115: {  	v7 =	vmul.bf16 v61, v55;
	v1 =	vadd.bf16 v8, v1;
	v2 =	vmax.bf16 v2, v0  }
0x116: {  	v8 =	vmul.bf16 v62, v48;
	v3 =	vadd.bf16 v5, v3;
	v5 =	vmul.bf16 v61, v54;
	[tilespmem:s30+$0xB230] =	vst v2  }
0x117: {  	v2 =	vadd.bf16 v7, v4;
	v4 =	vmul.bf16 v62, v56;
	v7 =	vmul.bf16 v62, v59;
	v60 =	vld [tilespmem:s29+$0xAA20]  }
0x118: {  	v1 =	vadd.bf16 v5, v1;
	v3 =	vadd.bf16 v8, v3;
	v5 =	vmul.bf16 v9, v41  }
0x119: {  	v8 =	vmul.bf16 v9, v50;
	v2 =	vadd.bf16 v4, v2;
	v4 =	vld [tilespmem:s29+$0xAA30];
	v12 =	vmul.bf16 v6, v58  }
0x11a: {  	v1 =	vadd.bf16 v7, v1;
	v7 =	vmul.bf16 v9, v57;
	v3 =	vmax.bf16 v3, v0  }
0x11b: {  	v13 =	vld [tilespmem:s29+$0xAA40];
	v63 =	vmul.bf16 v6, v36;
	v10 =	vmul.bf16 v6, v38;
	[tilespmem:s30+$0xB200] =	vst v3;
	v2 =	vmax.bf16 v2, v0  }
0x11c: {  	v3 =	vmul.bf16 v9, v39;
	v7 =	vadd.bf16 v12, v7;
	[tilespmem:s30+$0xB210] =	vst v2;
	v9 =	vmul.bf16 v60, v53  }
0x11d: {  	v6 =	vmul.bf16 v6, v37;
	v5 =	vadd.bf16 v63, v5;
	v8 =	vadd.bf16 v10, v8;
	v14 =	vld [tilespmem:s29+$0xAA50]  }
0x11e: {  	v10 =	vmul.bf16 v60, v33;
	v7 =	vadd.bf16 v9, v7;
	v9 =	vmul.bf16 v4, v44  }
0x11f: {  	v2 =	vld [tilespmem:s29+$0xAA60];
	v12 =	vmul.bf16 v60, v34;
	v3 =	vadd.bf16 v6, v3;
	v6 =	vmul.bf16 v60, v35  }
0x120: {  	v5 =	vadd.bf16 v10, v5;
	v7 =	vadd.bf16 v9, v7;
	v9 =	vmul.bf16 v13, v42  }
0x121: {  	v60 =	vld [tilespmem:s29+$0xAA70];
	v10 =	vmul.bf16 v4, v30;
	v8 =	vadd.bf16 v12, v8;
	v3 =	vadd.bf16 v6, v3  }
0x122: {  	v6 =	vmul.bf16 v4, v31;
	v7 =	vadd.bf16 v9, v7;
	v9 =	vmul.bf16 v14, v40  }
0x123: {  	v4 =	vmul.bf16 v4, v32;
	v5 =	vadd.bf16 v10, v5;
	v10 =	vmul.bf16 v13, v28  }
0x124: {  	v6 =	vadd.bf16 v6, v8;
	v8 =	vmul.bf16 v2, v43;
	v7 =	vadd.bf16 v9, v7  }
0x125: {  	v3 =	vadd.bf16 v4, v3;
	v4 =	vmul.bf16 v13, v49;
	v61 =	vmul.bf16 v14, v52  }
0x126: {  	v9 =	vmul.bf16 v13, v29;
	v7 =	vadd.bf16 v8, v7;
	v8 =	vmul.bf16 v60, v51  }
0x127: {  	v5 =	vadd.bf16 v10, v5;
	v10 =	vmul.bf16 v14, v26;
	v4 =	vadd.bf16 v4, v3  }
0x128: {  	v13 =	vmul.bf16 v14, v27;
	v9 =	vadd.bf16 v9, v6;
	v14 =	vadd.bf16 v8, v7  }
0x129: {  	s31 =	simm.s32 $0x100;
	v4 =	vadd.bf16 v61, v4;
	v6 =	vadd.bf16 v10, v5;
	v7 =	vmul.bf16 v2, v25  }
0x12a: {  	s1 =	simm.s32 $0x600;
	v3 =	vld [tilespmem:s31+$0xAA00];
	v5 =	vmul.bf16 v2, v55;
	v8 =	vadd.bf16 v13, v9;
	v9 =	vmax.bf16 v14, v0  }
.LBB2_5:
0x12b: {  	p0 =	sne.s32 s1, $0x1E00;
	v10 =	vld [tilespmem:s31+$0xAA10];
	v6 =	vadd.bf16 v7, v6;
	v7 =	vmul.bf16 v60, v48;
	v2 =	vmul.bf16 v2, v54;
	[tilespmem:s29+$0xB230] =	vst v9  }
0x12c: {  	v9 =	vmul.bf16 v60, v59;
	v5 =	vadd.bf16 v5, v8;
	v8 =	vmul.bf16 v60, v56  }
0x12d: {  	v1 =	vmax.bf16 v1, v0;
	v60 =	vld [tilespmem:s31+$0xAA20];
	v6 =	vadd.bf16 v7, v6;
	v2 =	vadd.bf16 v2, v4  }
0x12e: {  	v4 =	vadd.bf16 v8, v5;
	[tilespmem:s30+$0xB220] =	vst v1;
	s30 =	smov.u32 s29;
	s29 =	smov.u32 s31  }
0x12f: {  	v5 =	vld [tilespmem:s29+$0xAA30];
	v7 =	vmul.bf16 v3, v41;
	v8 =	vmul.bf16 v3, v50;
	v1 =	vadd.bf16 v9, v2  }
0x130: {  	v2 =	vmul.bf16 v3, v57;
	v6 =	vmax.bf16 v6, v0;
	v9 =	vmul.bf16 v10, v58  }
0x131: {  	v62 =	vmul.bf16 v10, v36;
	v63 =	vmul.bf16 v10, v38;
	v4 =	vmax.bf16 v4, v0;
	v61 =	vld [tilespmem:s29+$0xAA40];
	[tilespmem:s30+$0xB200] =	vst v6  }
0x132: {  	v3 =	vmul.bf16 v3, v39;
	v2 =	vadd.bf16 v9, v2;
	v6 =	vmul.bf16 v60, v53;
	[tilespmem:s30+$0xB210] =	vst v4  }
0x133: {  	v7 =	vadd.bf16 v62, v7;
	v8 =	vadd.bf16 v63, v8;
	v9 =	vmul.bf16 v10, v37;
	v4 =	vld [tilespmem:s29+$0xAA50]  }
0x134: {  	v10 =	vmul.bf16 v60, v33;
	v6 =	vadd.bf16 v6, v2;
	v62 =	vmul.bf16 v5, v44  }
0x135: {  	v63 =	vmul.bf16 v60, v34;
	v3 =	vadd.bf16 v9, v3;
	v9 =	vmul.bf16 v60, v35;
	v2 =	vld [tilespmem:s29+$0xAA60]  }
0x136: {  	v7 =	vadd.bf16 v10, v7;
	v6 =	vadd.bf16 v62, v6;
	v10 =	vmul.bf16 v61, v42  }
0x137: {  	v8 =	vadd.bf16 v63, v8;
	v62 =	vmul.bf16 v5, v30;
	v3 =	vadd.bf16 v9, v3;
	v60 =	vld [tilespmem:s29+$0xAA70]  }
0x138: {  	v9 =	vmul.bf16 v5, v31;
	v6 =	vadd.bf16 v10, v6;
	v10 =	vmul.bf16 v4, v40  }
0x139: {  	v5 =	vmul.bf16 v5, v32;
	v7 =	vadd.bf16 v62, v7;
	v62 =	vmul.bf16 v61, v28  }
0x13a: {  	v8 =	vadd.bf16 v9, v8;
	v6 =	vadd.bf16 v10, v6;
	v9 =	vmul.bf16 v2, v43  }
0x13b: {  	v3 =	vadd.bf16 v5, v3;
	v5 =	vmul.bf16 v61, v49;
	v10 =	vmul.bf16 v61, v29  }
.Ltmp1:
0x13c: {  	v7 =	vadd.bf16 v62, v7;
	v6 =	vadd.bf16 v9, v6;
	v9 =	vmul.bf16 v60, v51;
	(pc) =	sbr.rel @p0 .LBB2_5-.Ltmp1, $4  }
0x13d: {  	v61 =	vmul.bf16 v4, v26;
	v8 =	vadd.bf16 v10, v8;
	v10 =	vadd.bf16 v5, v3  }
0x13e: {  	v62 =	vmul.bf16 v4, v27;
	v4 =	vmul.bf16 v4, v52;
	v9 =	vadd.bf16 v9, v6  }
0x13f: {  	s31 =	sshra.s32 s1, $0x2;
	v5 =	vmul.bf16 v2, v55;
	v6 =	vadd.bf16 v61, v7;
	v7 =	vmul.bf16 v2, v25  }
0x140: {  	s1 =	sadd.s32 $0x200, s1;
	v8 =	vadd.bf16 v62, v8;
	v4 =	vadd.bf16 v4, v10;
	v3 =	vld [tilespmem:s31+$0xAA00];
	v9 =	vmax.bf16 v9, v0  }
0x141: {  	_ = 	snop  }
0x142: {  	v10 =	vld [tilespmem:s31+$0xAA10];
	v6 =	vadd.bf16 v7, v6  }
0x143: {  	v7 =	vmul.bf16 v60, v48;
	[tilespmem:s29+$0xB230] =	vst v9;
	v5 =	vadd.bf16 v5, v8;
	v8 =	vmul.bf16 v60, v56  }
0x144: {  	v2 =	vmul.bf16 v2, v54;
	v1 =	vmax.bf16 v1, v0;
	v14 =	vmul.bf16 v60, v59;
	v9 =	vld [tilespmem:s31+$0xAA20]  }
0x145: {  	[tilespmem:s30+$0xB220] =	vst v1;
	v6 =	vadd.bf16 v7, v6;
	v1 =	vadd.bf16 v8, v5;
	v5 =	vmul.bf16 v3, v41  }
0x146: {  	v2 =	vadd.bf16 v2, v4;
	v7 =	vmul.bf16 v3, v50;
	v8 =	vmul.bf16 v3, v57  }
0x147: {  	v4 =	vld [tilespmem:s31+$0xAA30];
	v6 =	vmax.bf16 v6, v0;
	v61 =	vmul.bf16 v10, v58;
	v36 =	vmul.bf16 v10, v36  }
0x148: {  	v62 =	vld [tilespmem:s31+$0xAA40];
	[tilespmem:s29+$0xB200] =	vst v6;
	v1 =	vmax.bf16 v1, v0;
	v6 =	vmul.bf16 v10, v38;
	v10 =	vmul.bf16 v10, v37  }
0x149: {  	v63 =	vmul.bf16 v9, v53;
	[tilespmem:s29+$0xB210] =	vst v1;
	v1 =	vmul.bf16 v3, v39  }
0x14a: {  	v33 =	vmul.bf16 v9, v33;
	v34 =	vmul.bf16 v9, v34;
	v8 =	vadd.bf16 v61, v8  }
0x14b: {  	v9 =	vmul.bf16 v9, v35;
	v5 =	vadd.bf16 v36, v5;
	v6 =	vadd.bf16 v6, v7  }
0x14c: {  	v3 =	vld [tilespmem:s31+$0xAA50];
	v1 =	vadd.bf16 v10, v1;
	v10 =	vmul.bf16 v4, v30;
	v7 =	vadd.bf16 v63, v8  }
0x14d: {  	v8 =	vmul.bf16 v4, v44;
	v5 =	vadd.bf16 v33, v5;
	v6 =	vadd.bf16 v34, v6  }
0x14e: {  	v12 =	vld [tilespmem:s31+$0xAA60];
	v1 =	vadd.bf16 v9, v1;
	v9 =	vmul.bf16 v4, v31;
	v4 =	vmul.bf16 v4, v32  }
0x14f: {  	v7 =	vadd.bf16 v8, v7;
	v8 =	vmul.bf16 v62, v42;
	v5 =	vadd.bf16 v10, v5  }
0x150: {  	v30 =	vld [tilespmem:s31+$0xAA70];
	v10 =	vmul.bf16 v62, v28;
	v6 =	vadd.bf16 v9, v6;
	v9 =	vmul.bf16 v62, v29  }
0x151: {  	v1 =	vadd.bf16 v4, v1;
	v7 =	vadd.bf16 v8, v7;
	v8 =	vmul.bf16 v3, v40  }
0x152: {  	v4 =	vmul.bf16 v62, v49;
	v5 =	vadd.bf16 v10, v5;
	v10 =	vmul.bf16 v3, v26  }
0x153: {  	v6 =	vadd.bf16 v9, v6;
	v7 =	vadd.bf16 v8, v7;
	v8 =	vmul.bf16 v12, v43  }
0x154: {  	v1 =	vadd.bf16 v4, v1;
	v4 =	vmul.bf16 v3, v27;
	v3 =	vmul.bf16 v3, v52  }
0x155: {  	v9 =	vmul.bf16 v12, v55;
	v7 =	vadd.bf16 v8, v7;
	v8 =	vmul.bf16 v30, v51  }
0x156: {  	v4 =	vadd.bf16 v4, v6;
	v1 =	vadd.bf16 v3, v1;
	v6 =	vmul.bf16 v12, v54  }
0x157: {  	v5 =	vadd.bf16 v10, v5;
	v7 =	vadd.bf16 v8, v7;
	v8 =	vmul.bf16 v12, v25  }
0x158: {  	v4 =	vadd.bf16 v9, v4;
	v9 =	vmul.bf16 v30, v59;
	v1 =	vadd.bf16 v6, v1  }
0x159: {  	v2 =	vadd.bf16 v14, v2;
	v3 =	vadd.bf16 v8, v5;
	v5 =	vmul.bf16 v30, v48  }
0x15a: {  	v1 =	vadd.bf16 v9, v1;
	v7 =	vmax.bf16 v7, v0;
	v8 =	vmul.bf16 v30, v56  }
0x15b: {  	v2 =	vmax.bf16 v2, v0;
	[tilespmem:s31+$0xB230] =	vst v7;
	v3 =	vadd.bf16 v5, v3  }
0x15c: {  	v1 =	vmax.bf16 v1, v0;
	v4 =	vadd.bf16 v8, v4;
	[tilespmem:s29+$0xB220] =	vst v2  }
0x15d: {  	[tilespmem:s31+$0xB220] =	vst v1;
	v2 =	vmax.bf16 v3, v0  }
0x15e: {  	[tilespmem:s31+$0xB200] =	vst v2;
	v2 =	vmax.bf16 v4, v0  }
0x15f: {  	[tilespmem:s31+$0xB210] =	vst v2  }
0x160: {  	v41 =	vld [tilespmem:$0xBA40]  }
0x161: {  	v36 =	vld [tilespmem:$0xBAC0]  }
0x162: {  	v33 =	vld [tilespmem:$0xBB40]  }
0x163: {  	v30 =	vld [tilespmem:$0xBBC0]  }
0x164: {  	v28 =	vld [tilespmem:$0xBC40]  }
0x165: {  	v26 =	vld [tilespmem:$0xBCC0]  }
0x166: {  	v25 =	vld [tilespmem:$0xBD40]  }
0x167: {  	v50 =	vld [tilespmem:$0xBA50]  }
0x168: {  	v38 =	vld [tilespmem:$0xBAD0]  }
0x169: {  	v34 =	vld [tilespmem:$0xBB50]  }
0x16a: {  	v31 =	vld [tilespmem:$0xBBD0]  }
0x16b: {  	v29 =	vld [tilespmem:$0xBC50]  }
0x16c: {  	v27 =	vld [tilespmem:$0xBCD0]  }
0x16d: {  	v39 =	vld [tilespmem:$0xBA60]  }
0x16e: {  	v37 =	vld [tilespmem:$0xBAE0]  }
0x16f: {  	v35 =	vld [tilespmem:$0xBB60]  }
0x170: {  	v32 =	vld [tilespmem:$0xBBE0]  }
0x171: {  	v57 =	vld [tilespmem:$0xBA70]  }
0x172: {  	s30 =	simm.s32 $0x0;
	v58 =	vld [tilespmem:$0xBAF0]  }
0x173: {  	v1 =	vld [tilespmem:s30+$0xAA00]  }
0x174: {  	v2 =	vld [tilespmem:s30+$0xAA10]  }
0x175: {  	v53 =	vld [tilespmem:$0xBB70]  }
0x176: {  	v3 =	vld [tilespmem:s30+$0xAA20]  }
0x177: {  	v44 =	vld [tilespmem:$0xBBF0]  }
0x178: {  	v4 =	vld [tilespmem:s30+$0xAA30];
	v5 =	vmul.bf16 v1, v41  }
0x179: {  	v42 =	vld [tilespmem:$0xBC70];
	v6 =	vmul.bf16 v1, v57;
	v7 =	vmul.bf16 v2, v58  }
0x17a: {  	v9 =	vld [tilespmem:s30+$0xAA40];
	v8 =	vmul.bf16 v1, v50;
	v10 =	vmul.bf16 v2, v36  }
0x17b: {  	v40 =	vld [tilespmem:$0xBCF0];
	v13 =	vmul.bf16 v2, v38;
	v6 =	vadd.bf16 v7, v6;
	v7 =	vmul.bf16 v3, v53  }
0x17c: {  	v14 =	vld [tilespmem:s30+$0xAA50];
	v1 =	vmul.bf16 v1, v39;
	v2 =	vmul.bf16 v2, v37  }
0x17d: {  	v43 =	vld [tilespmem:$0xBD70];
	v63 =	vmul.bf16 v3, v34;
	v6 =	vadd.bf16 v7, v6;
	v7 =	vmul.bf16 v4, v44  }
0x17e: {  	v61 =	vld [tilespmem:s30+$0xAA60];
	v5 =	vadd.bf16 v10, v5;
	v10 =	vmul.bf16 v3, v33;
	v1 =	vadd.bf16 v2, v1  }
0x17f: {  	v49 =	vld [tilespmem:$0xBC60];
	v2 =	vmul.bf16 v3, v35;
	v3 =	vadd.bf16 v7, v6;
	v6 =	vmul.bf16 v9, v42  }
0x180: {  	v51 =	vld [tilespmem:$0xBDF0];
	v8 =	vadd.bf16 v13, v8;
	v5 =	vadd.bf16 v10, v5;
	v7 =	vmul.bf16 v4, v30  }
0x181: {  	v10 =	vld [tilespmem:s30+$0xAA70];
	v1 =	vadd.bf16 v2, v1;
	v2 =	vadd.bf16 v6, v3;
	v3 =	vmul.bf16 v14, v40  }
0x182: {  	v52 =	vld [tilespmem:$0xBCE0];
	v8 =	vadd.bf16 v63, v8;
	v6 =	vmul.bf16 v4, v31;
	v5 =	vadd.bf16 v7, v5  }
0x183: {  	v48 =	vld [tilespmem:$0xBDC0];
	v4 =	vmul.bf16 v4, v32;
	v7 =	vmul.bf16 v9, v28;
	v2 =	vadd.bf16 v3, v2  }
0x184: {  	v55 =	vld [tilespmem:$0xBD50];
	v3 =	vmul.bf16 v61, v43;
	v6 =	vadd.bf16 v6, v8;
	v8 =	vmul.bf16 v9, v29  }
0x185: {  	v54 =	vld [tilespmem:$0xBD60];
	v1 =	vadd.bf16 v4, v1;
	v4 =	vmul.bf16 v9, v49;
	v5 =	vadd.bf16 v7, v5  }
0x186: {  	v56 =	vld [tilespmem:$0xBDD0];
	v7 =	vmul.bf16 v14, v26;
	v2 =	vadd.bf16 v3, v2;
	v3 =	vmul.bf16 v10, v51  }
0x187: {  	s29 =	simm.s32 $0x80;
	v59 =	vld [tilespmem:$0xBDE0];
	v6 =	vadd.bf16 v8, v6;
	v1 =	vadd.bf16 v4, v1;
	v4 =	vmul.bf16 v14, v27  }
0x188: {  	v9 =	vld [tilespmem:s29+$0xAA00];
	v8 =	vmul.bf16 v14, v52;
	v2 =	vadd.bf16 v3, v2  }
0x189: {  	v3 =	vadd.bf16 v7, v5;
	v5 =	vmul.bf16 v61, v25;
	v4 =	vadd.bf16 v4, v6;
	v6 =	vld [tilespmem:s29+$0xAA10]  }
0x18a: {  	v7 =	vmul.bf16 v61, v55;
	v1 =	vadd.bf16 v8, v1;
	v2 =	vmax.bf16 v2, v0  }
0x18b: {  	v8 =	vmul.bf16 v10, v48;
	v3 =	vadd.bf16 v5, v3;
	v5 =	vmul.bf16 v61, v54;
	[tilespmem:s30+$0xB270] =	vst v2  }
0x18c: {  	v2 =	vadd.bf16 v7, v4;
	v4 =	vmul.bf16 v10, v56;
	v7 =	vmul.bf16 v10, v59;
	v10 =	vld [tilespmem:s29+$0xAA20]  }
0x18d: {  	v1 =	vadd.bf16 v5, v1;
	v3 =	vadd.bf16 v8, v3;
	v5 =	vmul.bf16 v9, v41  }
0x18e: {  	v8 =	vmul.bf16 v9, v50;
	v2 =	vadd.bf16 v4, v2;
	v4 =	vld [tilespmem:s29+$0xAA30];
	v12 =	vmul.bf16 v6, v58  }
0x18f: {  	v1 =	vadd.bf16 v7, v1;
	v7 =	vmul.bf16 v9, v57;
	v3 =	vmax.bf16 v3, v0  }
0x190: {  	v13 =	vld [tilespmem:s29+$0xAA40];
	v62 =	vmul.bf16 v6, v36;
	v63 =	vmul.bf16 v6, v38;
	[tilespmem:s30+$0xB240] =	vst v3;
	v2 =	vmax.bf16 v2, v0  }
0x191: {  	v3 =	vmul.bf16 v9, v39;
	v7 =	vadd.bf16 v12, v7;
	[tilespmem:s30+$0xB250] =	vst v2;
	v9 =	vmul.bf16 v10, v53  }
0x192: {  	v6 =	vmul.bf16 v6, v37;
	v5 =	vadd.bf16 v62, v5;
	v8 =	vadd.bf16 v63, v8;
	v11 =	vld [tilespmem:s29+$0xAA50]  }
0x193: {  	v14 =	vmul.bf16 v10, v33;
	v7 =	vadd.bf16 v9, v7;
	v9 =	vmul.bf16 v4, v44  }
0x194: {  	v2 =	vld [tilespmem:s29+$0xAA60];
	v12 =	vmul.bf16 v10, v34;
	v3 =	vadd.bf16 v6, v3;
	v6 =	vmul.bf16 v10, v35  }
0x195: {  	v5 =	vadd.bf16 v14, v5;
	v7 =	vadd.bf16 v9, v7;
	v9 =	vmul.bf16 v13, v42  }
0x196: {  	v60 =	vld [tilespmem:s29+$0xAA70];
	v10 =	vmul.bf16 v4, v30;
	v8 =	vadd.bf16 v12, v8;
	v3 =	vadd.bf16 v6, v3  }
0x197: {  	v6 =	vmul.bf16 v4, v31;
	v7 =	vadd.bf16 v9, v7;
	v9 =	vmul.bf16 v11, v40  }
0x198: {  	v4 =	vmul.bf16 v4, v32;
	v5 =	vadd.bf16 v10, v5;
	v10 =	vmul.bf16 v13, v28  }
0x199: {  	v6 =	vadd.bf16 v6, v8;
	v8 =	vmul.bf16 v2, v43;
	v7 =	vadd.bf16 v9, v7  }
0x19a: {  	v3 =	vadd.bf16 v4, v3;
	v4 =	vmul.bf16 v13, v49;
	v5 =	vadd.bf16 v10, v5  }
0x19b: {  	v9 =	vmul.bf16 v13, v29;
	v7 =	vadd.bf16 v8, v7;
	v8 =	vmul.bf16 v60, v51  }
0x19c: {  	v10 =	vmul.bf16 v11, v26;
	v4 =	vadd.bf16 v4, v3;
	v13 =	vmul.bf16 v11, v27  }
0x19d: {  	v11 =	vmul.bf16 v11, v52;
	v9 =	vadd.bf16 v9, v6;
	v14 =	vadd.bf16 v8, v7  }
0x19e: {  	s31 =	simm.s32 $0x100;
	v6 =	vadd.bf16 v10, v5;
	v5 =	vmul.bf16 v2, v55;
	v7 =	vmul.bf16 v2, v25  }
0x19f: {  	s1 =	simm.s32 $0x600;
	v3 =	vld [tilespmem:s31+$0xAA00];
	v4 =	vadd.bf16 v11, v4;
	v8 =	vadd.bf16 v13, v9;
	v9 =	vmax.bf16 v14, v0  }
.LBB2_7:
0x1a0: {  	p0 =	sne.s32 s1, $0x1E00;
	v10 =	vld [tilespmem:s31+$0xAA10];
	v6 =	vadd.bf16 v7, v6;
	v7 =	vmul.bf16 v60, v48;
	v2 =	vmul.bf16 v2, v54;
	[tilespmem:s29+$0xB270] =	vst v9  }
0x1a1: {  	v9 =	vmul.bf16 v60, v59;
	v5 =	vadd.bf16 v5, v8;
	v8 =	vmul.bf16 v60, v56  }
0x1a2: {  	v1 =	vmax.bf16 v1, v0;
	v11 =	vld [tilespmem:s31+$0xAA20];
	v6 =	vadd.bf16 v7, v6;
	v2 =	vadd.bf16 v2, v4  }
0x1a3: {  	v4 =	vadd.bf16 v8, v5;
	[tilespmem:s30+$0xB260] =	vst v1;
	s30 =	smov.u32 s29;
	s29 =	smov.u32 s31  }
0x1a4: {  	v5 =	vld [tilespmem:s29+$0xAA30];
	v7 =	vmul.bf16 v3, v41;
	v8 =	vmul.bf16 v3, v50;
	v1 =	vadd.bf16 v9, v2  }
0x1a5: {  	v2 =	vmul.bf16 v3, v57;
	v6 =	vmax.bf16 v6, v0;
	v9 =	vmul.bf16 v10, v58  }
0x1a6: {  	v60 =	vmul.bf16 v10, v36;
	v62 =	vmul.bf16 v10, v38;
	v4 =	vmax.bf16 v4, v0;
	v61 =	vld [tilespmem:s29+$0xAA40];
	[tilespmem:s30+$0xB240] =	vst v6  }
0x1a7: {  	v3 =	vmul.bf16 v3, v39;
	v2 =	vadd.bf16 v9, v2;
	v6 =	vmul.bf16 v11, v53;
	[tilespmem:s30+$0xB250] =	vst v4  }
0x1a8: {  	v7 =	vadd.bf16 v60, v7;
	v8 =	vadd.bf16 v62, v8;
	v9 =	vmul.bf16 v10, v37;
	v4 =	vld [tilespmem:s29+$0xAA50]  }
0x1a9: {  	v10 =	vmul.bf16 v11, v33;
	v6 =	vadd.bf16 v6, v2;
	v60 =	vmul.bf16 v5, v44  }
0x1aa: {  	v62 =	vmul.bf16 v11, v34;
	v3 =	vadd.bf16 v9, v3;
	v9 =	vmul.bf16 v11, v35;
	v2 =	vld [tilespmem:s29+$0xAA60]  }
0x1ab: {  	v7 =	vadd.bf16 v10, v7;
	v6 =	vadd.bf16 v60, v6;
	v10 =	vmul.bf16 v61, v42  }
0x1ac: {  	v11 =	vmul.bf16 v5, v30;
	v8 =	vadd.bf16 v62, v8;
	v3 =	vadd.bf16 v9, v3;
	v60 =	vld [tilespmem:s29+$0xAA70]  }
0x1ad: {  	v9 =	vmul.bf16 v5, v31;
	v6 =	vadd.bf16 v10, v6;
	v10 =	vmul.bf16 v4, v40  }
0x1ae: {  	v7 =	vadd.bf16 v11, v7;
	v11 =	vmul.bf16 v61, v28;
	v5 =	vmul.bf16 v5, v32  }
0x1af: {  	v8 =	vadd.bf16 v9, v8;
	v6 =	vadd.bf16 v10, v6;
	v9 =	vmul.bf16 v2, v43  }
0x1b0: {  	v3 =	vadd.bf16 v5, v3;
	v5 =	vmul.bf16 v61, v49;
	v10 =	vmul.bf16 v61, v29  }
.Ltmp2:
0x1b1: {  	v7 =	vadd.bf16 v11, v7;
	v6 =	vadd.bf16 v9, v6;
	v9 =	vmul.bf16 v60, v51;
	(pc) =	sbr.rel @p0 .LBB2_7-.Ltmp2, $4  }
0x1b2: {  	v11 =	vmul.bf16 v4, v26;
	v8 =	vadd.bf16 v10, v8;
	v10 =	vadd.bf16 v5, v3  }
0x1b3: {  	v61 =	vmul.bf16 v4, v27;
	v4 =	vmul.bf16 v4, v52;
	v9 =	vadd.bf16 v9, v6  }
0x1b4: {  	s31 =	sshra.s32 s1, $0x2;
	v5 =	vmul.bf16 v2, v55;
	v6 =	vadd.bf16 v11, v7;
	v7 =	vmul.bf16 v2, v25  }
0x1b5: {  	s1 =	sadd.s32 $0x200, s1;
	v8 =	vadd.bf16 v61, v8;
	v4 =	vadd.bf16 v4, v10;
	v3 =	vld [tilespmem:s31+$0xAA00];
	v9 =	vmax.bf16 v9, v0  }
0x1b6: {  	_ = 	snop  }
0x1b7: {  	v10 =	vld [tilespmem:s31+$0xAA10];
	v6 =	vadd.bf16 v7, v6;
	v7 =	vmul.bf16 v60, v48  }
0x1b8: {  	v2 =	vmul.bf16 v2, v54;
	[tilespmem:s29+$0xB270] =	vst v9;
	v5 =	vadd.bf16 v5, v8;
	v8 =	vmul.bf16 v60, v56  }
0x1b9: {  	v1 =	vmax.bf16 v1, v0;
	v11 =	vmul.bf16 v60, v59;
	v9 =	vld [tilespmem:s31+$0xAA20];
	v6 =	vadd.bf16 v7, v6  }
0x1ba: {  	[tilespmem:s30+$0xB260] =	vst v1;
	v2 =	vadd.bf16 v2, v4;
	v1 =	vadd.bf16 v8, v5;
	v5 =	vmul.bf16 v3, v41  }
0x1bb: {  	v7 =	vmul.bf16 v3, v50;
	v8 =	vmul.bf16 v3, v57;
	v6 =	vmax.bf16 v6, v0  }
0x1bc: {  	v4 =	vld [tilespmem:s31+$0xAA30];
	v2 =	vadd.bf16 v11, v2;
	v61 =	vmul.bf16 v10, v58;
	v11 =	vmul.bf16 v10, v36  }
0x1bd: {  	v62 =	vld [tilespmem:s31+$0xAA40];
	[tilespmem:s29+$0xB240] =	vst v6;
	v1 =	vmax.bf16 v1, v0;
	v6 =	vmul.bf16 v10, v38;
	v10 =	vmul.bf16 v10, v37  }
0x1be: {  	v63 =	vmul.bf16 v9, v53;
	[tilespmem:s29+$0xB250] =	vst v1;
	v1 =	vmul.bf16 v3, v39  }
0x1bf: {  	v34 =	vmul.bf16 v9, v34;
	v8 =	vadd.bf16 v61, v8;
	v5 =	vadd.bf16 v11, v5  }
0x1c0: {  	v6 =	vadd.bf16 v6, v7;
	v11 =	vmul.bf16 v9, v33;
	v9 =	vmul.bf16 v9, v35  }
0x1c1: {  	v3 =	vld [tilespmem:s31+$0xAA50];
	v1 =	vadd.bf16 v10, v1;
	v10 =	vmul.bf16 v4, v30;
	v7 =	vadd.bf16 v63, v8  }
0x1c2: {  	v8 =	vmul.bf16 v4, v44;
	v5 =	vadd.bf16 v11, v5;
	v6 =	vadd.bf16 v34, v6  }
0x1c3: {  	v12 =	vld [tilespmem:s31+$0xAA60];
	v1 =	vadd.bf16 v9, v1;
	v9 =	vmul.bf16 v4, v31;
	v4 =	vmul.bf16 v4, v32  }
0x1c4: {  	v7 =	vadd.bf16 v8, v7;
	v8 =	vmul.bf16 v62, v42;
	v5 =	vadd.bf16 v10, v5  }
0x1c5: {  	v11 =	vld [tilespmem:s31+$0xAA70];
	v10 =	vmul.bf16 v62, v28;
	v6 =	vadd.bf16 v9, v6;
	v9 =	vmul.bf16 v62, v29  }
0x1c6: {  	v1 =	vadd.bf16 v4, v1;
	v7 =	vadd.bf16 v8, v7;
	v8 =	vmul.bf16 v3, v40  }
0x1c7: {  	v4 =	vmul.bf16 v62, v49;
	v5 =	vadd.bf16 v10, v5;
	v10 =	vmul.bf16 v3, v26  }
0x1c8: {  	v6 =	vadd.bf16 v9, v6;
	v7 =	vadd.bf16 v8, v7;
	v8 =	vmul.bf16 v12, v43  }
0x1c9: {  	v1 =	vadd.bf16 v4, v1;
	v4 =	vmul.bf16 v3, v27;
	v3 =	vmul.bf16 v3, v52  }
0x1ca: {  	v9 =	vmul.bf16 v12, v55;
	v7 =	vadd.bf16 v8, v7;
	v8 =	vmul.bf16 v11, v51  }
0x1cb: {  	v4 =	vadd.bf16 v4, v6;
	v1 =	vadd.bf16 v3, v1;
	v6 =	vmul.bf16 v12, v54  }
0x1cc: {  	v5 =	vadd.bf16 v10, v5;
	v7 =	vadd.bf16 v8, v7;
	v8 =	vmul.bf16 v12, v25  }
0x1cd: {  	v4 =	vadd.bf16 v9, v4;
	v9 =	vmul.bf16 v11, v59;
	v1 =	vadd.bf16 v6, v1  }
0x1ce: {  	v3 =	vadd.bf16 v8, v5;
	v5 =	vmul.bf16 v11, v48  }
0x1cf: {  	v1 =	vadd.bf16 v9, v1;
	v7 =	vmax.bf16 v7, v0;
	v8 =	vmul.bf16 v11, v56  }
0x1d0: {  	v2 =	vmax.bf16 v2, v0;
	[tilespmem:s31+$0xB270] =	vst v7;
	v3 =	vadd.bf16 v5, v3  }
0x1d1: {  	v1 =	vmax.bf16 v1, v0;
	v4 =	vadd.bf16 v8, v4;
	[tilespmem:s29+$0xB260] =	vst v2  }
0x1d2: {  	[tilespmem:s31+$0xB260] =	vst v1;
	v2 =	vmax.bf16 v3, v0  }
0x1d3: {  	[tilespmem:s31+$0xB240] =	vst v2;
	v2 =	vmax.bf16 v4, v0  }
0x1d4: {  	[tilespmem:s31+$0xB250] =	vst v2  }
0x1d5: {  	v29 =	vld [tilespmem:$0xBE00]  }
0x1d6: {  	v26 =	vld [tilespmem:$0xBF00]  }
0x1d7: {  	v28 =	vld [tilespmem:$0xC000]  }
0x1d8: {  	v25 =	vld [tilespmem:$0xC100]  }
0x1d9: {  	v36 =	vld [tilespmem:$0xC200]  }
0x1da: {  	v35 =	vld [tilespmem:$0xC300]  }
0x1db: {  	v33 =	vld [tilespmem:$0xC400]  }
0x1dc: {  	v32 =	vld [tilespmem:$0xC500]  }
0x1dd: {  	v49 =	vld [tilespmem:$0xBE10]  }
0x1de: {  	v27 =	vld [tilespmem:$0xBF10]  }
0x1df: {  	v41 =	vld [tilespmem:$0xC010]  }
0x1e0: {  	v34 =	vld [tilespmem:$0xC110]  }
0x1e1: {  	v37 =	vld [tilespmem:$0xC210]  }
0x1e2: {  	v44 =	vld [tilespmem:$0xBE20]  }
0x1e3: {  	v30 =	vld [tilespmem:$0xBF20]  }
0x1e4: {  	v42 =	vld [tilespmem:$0xC020]  }
0x1e5: {  	v38 =	vld [tilespmem:$0xC120]  }
0x1e6: {  	s1 =	simm.s32 $0x0;
	v31 =	vld [tilespmem:$0xBE30]  }
0x1e7: {  	v1 =	vld [tilespmem:s1+$0xB200]  }
0x1e8: {  	v59 =	vld [tilespmem:$0xBF30]  }
0x1e9: {  	v2 =	vld [tilespmem:s1+$0xB210]  }
0x1ea: {  	v58 =	vld [tilespmem:$0xC030]  }
0x1eb: {  	v3 =	vld [tilespmem:s1+$0xB220]  }
0x1ec: {  	v39 =	vld [tilespmem:$0xC220];
	v4 =	vmul.bf16 v1, v29  }
0x1ed: {  	v56 =	vld [tilespmem:$0xC130];
	v6 =	vmul.bf16 v1, v49;
	v7 =	vmul.bf16 v1, v31  }
0x1ee: {  	v5 =	vld [tilespmem:s1+$0xB230];
	v8 =	vmul.bf16 v2, v59;
	v9 =	vmul.bf16 v2, v26  }
0x1ef: {  	v51 =	vld [tilespmem:$0xC230];
	v11 =	vmul.bf16 v2, v27;
	v1 =	vmul.bf16 v1, v44  }
0x1f0: {  	v10 =	vld [tilespmem:s1+$0xB240];
	v2 =	vmul.bf16 v2, v30;
	v7 =	vadd.bf16 v8, v7;
	v8 =	vmul.bf16 v3, v58  }
0x1f1: {  	v48 =	vld [tilespmem:$0xC330];
	v4 =	vadd.bf16 v9, v4;
	v6 =	vadd.bf16 v11, v6;
	v11 =	vmul.bf16 v3, v28  }
0x1f2: {  	v43 =	vld [tilespmem:$0xC430];
	v13 =	vmul.bf16 v3, v41;
	v1 =	vadd.bf16 v2, v1;
	v2 =	vmul.bf16 v3, v42  }
0x1f3: {  	v9 =	vld [tilespmem:s1+$0xB250];
	v7 =	vadd.bf16 v8, v7;
	v8 =	vmul.bf16 v5, v56;
	v3 =	vadd.bf16 v11, v4  }
0x1f4: {  	v14 =	vld [tilespmem:s1+$0xB260];
	v6 =	vadd.bf16 v13, v6;
	v1 =	vadd.bf16 v2, v1  }
0x1f5: {  	v40 =	vld [tilespmem:$0xC530];
	v2 =	vmul.bf16 v5, v34;
	v4 =	vadd.bf16 v8, v7;
	v7 =	vmul.bf16 v10, v51  }
0x1f6: {  	v60 =	vimm.bf16 $0.0e+00;
	v52 =	vld [tilespmem:$0xC310];
	v8 =	vmul.bf16 v5, v25  }
0x1f7: {  	v11 =	vld [tilespmem:s1+$0xB270];
	v5 =	vmul.bf16 v5, v38;
	v2 =	vadd.bf16 v2, v6;
	v4 =	vadd.bf16 v7, v4  }
0x1f8: {  	v55 =	vld [tilespmem:$0xC320];
	v7 =	vmul.bf16 v9, v48;
	v3 =	vadd.bf16 v8, v3;
	v8 =	vmul.bf16 v10, v36  }
0x1f9: {  	v54 =	vld [tilespmem:$0xC410];
	v6 =	vmul.bf16 v14, v43;
	v1 =	vadd.bf16 v5, v1;
	v5 =	vmul.bf16 v10, v39  }
0x1fa: {  	v53 =	vld [tilespmem:$0xC420];
	v4 =	vadd.bf16 v7, v4;
	v7 =	vmul.bf16 v10, v37;
	v3 =	vadd.bf16 v8, v3  }
0x1fb: {  	v50 =	vld [tilespmem:$0xC510];
	v8 =	vmul.bf16 v9, v35;
	v1 =	vadd.bf16 v5, v1;
	v5 =	vmul.bf16 v9, v52  }
0x1fc: {  	s31 =	simm.s32 $0x80;
	v57 =	vld [tilespmem:$0xC520];
	v4 =	vadd.bf16 v6, v4;
	v6 =	vmul.bf16 v11, v40;
	v2 =	vadd.bf16 v7, v2  }
0x1fd: {  	v7 =	vmul.bf16 v9, v55;
	v3 =	vadd.bf16 v8, v3;
	v8 =	vmul.bf16 v14, v33;
	v9 =	vld [tilespmem:s31+$0xB200]  }
0x1fe: {  	v4 =	vadd.bf16 v6, v4;
	v6 =	vmul.bf16 v14, v54;
	v2 =	vadd.bf16 v5, v2  }
0x1ff: {  	v1 =	vadd.bf16 v7, v1;
	v5 =	vld [tilespmem:s31+$0xB210];
	v3 =	vadd.bf16 v8, v3;
	v7 =	vmul.bf16 v14, v53  }
0x200: {  	v8 =	vmul.bf16 v11, v32;
	v2 =	vadd.bf16 v6, v2;
	v6 =	vmul.bf16 v11, v50  }
0x201: {  	v10 =	vmul.bf16 v11, v57;
	v11 =	vld [tilespmem:s31+$0xB220];
	v1 =	vadd.bf16 v7, v1;
	v14 =	vmax.bf16 v60, v4  }
0x202: {  	v3 =	vadd.bf16 v8, v3;
	v7 =	vmul.bf16 v9, v49;
	v2 =	vadd.bf16 v6, v2  }
0x203: {  	v4 =	vld [tilespmem:s31+$0xB230];
	v6 =	vmul.bf16 v9, v29;
	v63 =	vadd.bf16 v10, v1;
	v1 =	vmul.bf16 v9, v31  }
0x204: {  	v9 =	vmul.bf16 v9, v44;
	v8 =	vmul.bf16 v5, v59  }
0x205: {  	v61 =	vmax.bf16 v60, v3;
	v10 =	vld [tilespmem:s31+$0xB240];
	v3 =	vmul.bf16 v5, v26;
	v12 =	vmul.bf16 v5, v27  }
0x206: {  	v62 =	vmax.bf16 v60, v2;
	v1 =	vadd.bf16 v8, v1;
	v2 =	vmul.bf16 v11, v58  }
0x207: {  	v5 =	vmul.bf16 v5, v30;
	v8 =	vld [tilespmem:s31+$0xB250];
	v3 =	vadd.bf16 v3, v6;
	v6 =	vadd.bf16 v12, v7  }
0x208: {  	v7 =	vmul.bf16 v11, v28;
	v12 =	vmul.bf16 v4, v56;
	v1 =	vadd.bf16 v2, v1  }
0x209: {  	v13 =	vmul.bf16 v11, v41;
	v5 =	vadd.bf16 v5, v9;
	v9 =	vmul.bf16 v11, v42;
	v2 =	vld [tilespmem:s31+$0xB260]  }
0x20a: {  	v7 =	vadd.bf16 v7, v3;
	v11 =	vmul.bf16 v10, v51;
	v1 =	vadd.bf16 v12, v1  }
0x20b: {  	v3 =	vld [tilespmem:s31+$0xB270];
	v6 =	vadd.bf16 v13, v6;
	v5 =	vadd.bf16 v9, v5;
	v9 =	vmul.bf16 v4, v34  }
0x20c: {  	v12 =	vmul.bf16 v4, v25;
	v1 =	vadd.bf16 v11, v1;
	v11 =	vmul.bf16 v8, v48  }
0x20d: {  	v4 =	vmul.bf16 v4, v38;
	v6 =	vadd.bf16 v9, v6;
	v13 =	vmul.bf16 v8, v55  }
0x20e: {  	v7 =	vadd.bf16 v12, v7;
	v9 =	vmul.bf16 v2, v43;
	v1 =	vadd.bf16 v11, v1  }
0x20f: {  	v12 =	vmul.bf16 v10, v36;
	v4 =	vadd.bf16 v4, v5;
	v5 =	vmul.bf16 v10, v39  }
0x210: {  	v11 =	vmul.bf16 v10, v37;
	v1 =	vadd.bf16 v9, v1;
	v9 =	vmul.bf16 v3, v40  }
0x211: {  	v7 =	vadd.bf16 v12, v7;
	v10 =	vmul.bf16 v8, v35;
	v5 =	vadd.bf16 v5, v4  }
0x212: {  	v12 =	vmul.bf16 v8, v52;
	v11 =	vadd.bf16 v11, v6;
	v1 =	vadd.bf16 v9, v1  }
0x213: {  	s29 =	simm.s32 $0x100;
	v8 =	vmul.bf16 v2, v33;
	v7 =	vadd.bf16 v10, v7;
	v6 =	vmul.bf16 v2, v54  }
0x214: {  	s1 =	simm.s32 $0x600;
	v4 =	vld [tilespmem:s29+$0xB200];
	v5 =	vadd.bf16 v13, v5;
	v9 =	vadd.bf16 v12, v11;
	v1 =	vmax.bf16 v14, v1  }
.LBB2_9:
0x215: {  	p0 =	sne.s32 s1, $0x1E00;
	v10 =	vld [tilespmem:s29+$0xB210];
	v7 =	vadd.bf16 v8, v7;
	v8 =	vmul.bf16 v3, v32;
	v2 =	vmul.bf16 v2, v53  }
0x216: {  	v6 =	vadd.bf16 v6, v9;
	v9 =	vmul.bf16 v3, v50;
	v3 =	vmul.bf16 v3, v57  }
0x217: {  	v60 =	vmax.bf16 v60, v63;
	v11 =	vld [tilespmem:s29+$0xB220];
	v7 =	vadd.bf16 v8, v7;
	v2 =	vadd.bf16 v2, v5  }
0x218: {  	v5 =	vadd.bf16 v9, v6  }
0x219: {  	v6 =	vld [tilespmem:s29+$0xB230];
	v8 =	vmul.bf16 v4, v29;
	v9 =	vmul.bf16 v4, v49;
	v63 =	vadd.bf16 v3, v2  }
0x21a: {  	v2 =	vmul.bf16 v4, v31;
	v61 =	vmax.bf16 v61, v7;
	v3 =	vmul.bf16 v10, v59  }
0x21b: {  	v12 =	vmul.bf16 v10, v26;
	v13 =	vmul.bf16 v10, v27;
	v62 =	vmax.bf16 v62, v5;
	v7 =	vld [tilespmem:s29+$0xB240]  }
0x21c: {  	v4 =	vmul.bf16 v4, v44;
	v2 =	vadd.bf16 v3, v2;
	v3 =	vmul.bf16 v11, v58  }
0x21d: {  	v10 =	vmul.bf16 v10, v30;
	v8 =	vadd.bf16 v12, v8;
	v9 =	vadd.bf16 v13, v9;
	v5 =	vld [tilespmem:s29+$0xB250]  }
0x21e: {  	v12 =	vmul.bf16 v11, v28;
	v3 =	vadd.bf16 v3, v2;
	v13 =	vmul.bf16 v6, v56  }
0x21f: {  	v14 =	vmul.bf16 v11, v41;
	v4 =	vadd.bf16 v10, v4;
	v10 =	vmul.bf16 v11, v42;
	v2 =	vld [tilespmem:s29+$0xB260]  }
0x220: {  	v8 =	vadd.bf16 v12, v8;
	v11 =	vadd.bf16 v13, v3;
	v12 =	vmul.bf16 v7, v51  }
0x221: {  	v9 =	vadd.bf16 v14, v9;
	v4 =	vadd.bf16 v10, v4;
	v13 =	vmul.bf16 v6, v25;
	v3 =	vld [tilespmem:s29+$0xB270]  }
0x222: {  	v10 =	vmul.bf16 v6, v34;
	v11 =	vadd.bf16 v12, v11;
	v12 =	vmul.bf16 v5, v48  }
0x223: {  	v6 =	vmul.bf16 v6, v38;
	v8 =	vadd.bf16 v13, v8;
	v13 =	vmul.bf16 v7, v36  }
0x224: {  	v9 =	vadd.bf16 v10, v9;
	v10 =	vadd.bf16 v12, v11;
	v11 =	vmul.bf16 v2, v43  }
0x225: {  	v4 =	vadd.bf16 v6, v4;
	v6 =	vmul.bf16 v7, v39;
	v12 =	vmul.bf16 v7, v37  }
.Ltmp3:
0x226: {  	v7 =	vadd.bf16 v13, v8;
	v8 =	vadd.bf16 v11, v10;
	v10 =	vmul.bf16 v3, v40;
	(pc) =	sbr.rel @p0 .LBB2_9-.Ltmp3, $4  }
0x227: {  	v11 =	vmul.bf16 v5, v35;
	v9 =	vadd.bf16 v12, v9;
	v12 =	vadd.bf16 v6, v4  }
0x228: {  	v13 =	vmul.bf16 v5, v52;
	v5 =	vmul.bf16 v5, v55;
	v10 =	vadd.bf16 v10, v8  }
0x229: {  	s29 =	sshra.s32 s1, $0x2;
	v6 =	vmul.bf16 v2, v54;
	v7 =	vadd.bf16 v11, v7;
	v8 =	vmul.bf16 v2, v33  }
0x22a: {  	s1 =	sadd.s32 $0x200, s1;
	v9 =	vadd.bf16 v13, v9;
	v5 =	vadd.bf16 v5, v12;
	v4 =	vld [tilespmem:s29+$0xB200];
	v1 =	vmax.bf16 v1, v10  }
0x22b: {  	_ = 	snop  }
0x22c: {  	v10 =	vld [tilespmem:s29+$0xB210]  }
0x22d: {  	v11 =	vld [tilespmem:s29+$0xB220];
	v7 =	vadd.bf16 v8, v7;
	v8 =	vmul.bf16 v3, v32;
	v2 =	vmul.bf16 v2, v53  }
0x22e: {  	v12 =	vld [tilespmem:s29+$0xB230];
	v6 =	vadd.bf16 v6, v9;
	v9 =	vmul.bf16 v3, v50;
	v3 =	vmul.bf16 v3, v57  }
0x22f: {  	v13 =	vld [tilespmem:s29+$0xB240];
	v7 =	vadd.bf16 v8, v7;
	v2 =	vadd.bf16 v2, v5;
	v5 =	vmul.bf16 v4, v29  }
0x230: {  	v8 =	vld [tilespmem:s29+$0xB270];
	v16 =	vadd.bf16 v9, v6;
	v9 =	vmul.bf16 v4, v31;
	v49 =	vmul.bf16 v4, v49  }
0x231: {  	v14 =	vld [tilespmem:s29+$0xB250];
	v4 =	vmul.bf16 v4, v44;
	v59 =	vmul.bf16 v10, v59  }
0x232: {  	v15 =	vld [tilespmem:s29+$0xB260];
	v6 =	vadd.bf16 v3, v2;
	v3 =	vmul.bf16 v10, v26;
	v2 =	vmul.bf16 v10, v27  }
0x233: {  	v31 =	vld [tilespmem:$0xBE40];
	v58 =	vmul.bf16 v11, v58;
	v41 =	vmul.bf16 v11, v41;
	v9 =	vadd.bf16 v59, v9  }
0x234: {  	v29 =	vld [tilespmem:$0xBF40];
	v3 =	vadd.bf16 v3, v5;
	v5 =	vmul.bf16 v10, v30;
	v10 =	vmul.bf16 v12, v56  }
0x235: {  	v44 =	vld [tilespmem:$0xBF60];
	v2 =	vadd.bf16 v2, v49;
	v49 =	vmul.bf16 v11, v28;
	v59 =	vmul.bf16 v8, v50  }
0x236: {  	v27 =	vld [tilespmem:$0xC040];
	v9 =	vadd.bf16 v58, v9;
	v4 =	vadd.bf16 v5, v4;
	v5 =	vmul.bf16 v11, v42  }
0x237: {  	v26 =	vld [tilespmem:$0xC140];
	v3 =	vadd.bf16 v49, v3;
	v11 =	vmul.bf16 v12, v25;
	v2 =	vadd.bf16 v41, v2  }
0x238: {  	v30 =	vld [tilespmem:$0xC240];
	v49 =	vmul.bf16 v12, v34;
	v9 =	vadd.bf16 v10, v9;
	v10 =	vmul.bf16 v13, v51  }
0x239: {  	v28 =	vld [tilespmem:$0xC340];
	v4 =	vadd.bf16 v5, v4;
	v3 =	vadd.bf16 v11, v3;
	v5 =	vmul.bf16 v12, v38  }
0x23a: {  	v56 =	vld [tilespmem:$0xC440];
	v11 =	vmul.bf16 v13, v36;
	v2 =	vadd.bf16 v49, v2;
	v51 =	vmul.bf16 v13, v37  }
0x23b: {  	v50 =	vld [tilespmem:$0xC370];
	v9 =	vadd.bf16 v10, v9;
	v10 =	vmul.bf16 v14, v48;
	v4 =	vadd.bf16 v5, v4  }
0x23c: {  	v25 =	vld [tilespmem:$0xC540];
	v5 =	vmul.bf16 v13, v39;
	v3 =	vadd.bf16 v11, v3;
	v11 =	vmul.bf16 v14, v35  }
0x23d: {  	v34 =	vld [tilespmem:$0xBE50];
	v2 =	vadd.bf16 v51, v2;
	v9 =	vadd.bf16 v10, v9;
	v10 =	vmul.bf16 v15, v43  }
0x23e: {  	v42 =	vld [tilespmem:$0xBF50];
	v4 =	vadd.bf16 v5, v4;
	v5 =	vmul.bf16 v14, v55;
	v3 =	vadd.bf16 v11, v3  }
0x23f: {  	v41 =	vld [tilespmem:$0xC060];
	v11 =	vmul.bf16 v15, v33;
	v9 =	vadd.bf16 v10, v9;
	v10 =	vmul.bf16 v14, v52  }
0x240: {  	v58 =	vmul.bf16 v15, v54;
	v54 =	vld [tilespmem:$0xC070];
	v4 =	vadd.bf16 v5, v4;
	v5 =	vmul.bf16 v15, v53  }
0x241: {  	v38 =	vld [tilespmem:$0xC050];
	v3 =	vadd.bf16 v11, v3;
	v11 =	vmul.bf16 v8, v32;
	v2 =	vadd.bf16 v10, v2  }
0x242: {  	v37 =	vld [tilespmem:$0xC150];
	v10 =	vmul.bf16 v8, v40;
	v8 =	vmul.bf16 v8, v57;
	v4 =	vadd.bf16 v5, v4  }
0x243: {  	v7 =	vmax.bf16 v61, v7;
	v36 =	vld [tilespmem:$0xC250];
	v3 =	vadd.bf16 v11, v3  }
0x244: {  	v49 =	vld [tilespmem:$0xC470];
	v5 =	vmax.bf16 v60, v63;
	v2 =	vadd.bf16 v58, v2;
	v4 =	vadd.bf16 v8, v4  }
0x245: {  	s1 =	simm.s32 $0x0;
	v33 =	vld [tilespmem:$0xBF70];
	v5 =	vmax.bf16 v5, v6;
	v9 =	vadd.bf16 v10, v9;
	v3 =	vmax.bf16 v7, v3  }
0x246: {  	v6 =	vld [tilespmem:s1+$0xB210];
	v2 =	vadd.bf16 v59, v2;
	v4 =	vmax.bf16 v5, v4;
	v5 =	vunpack.i.u.bf16.f32 v3  }
0x247: {  	v10 =	vld [tilespmem:s1+$0xB200];
	v8 =	vmax.bf16 v62, v16;
	v1 =	vmax.bf16 v1, v9;
	v3 =	vunpack.i.l.bf16.f32 v3;
	[tilespmem:$0x1FAD0] =	vst v5  }
0x248: {  	v32 =	vld [tilespmem:$0xBE70];
	[tilespmem:$0x1FAE0] =	vst v3;
	v2 =	vmax.bf16 v8, v2;
	v8 =	vunpack.i.u.bf16.f32 v1  }
0x249: {  	v43 =	vld [tilespmem:$0xBE60];
	v3 =	vunpack.i.u.bf16.f32 v2;
	[tilespmem:$0x1FB30] =	vst v8  }
0x24a: {  	v2 =	vunpack.i.l.bf16.f32 v2;
	[tilespmem:$0x1FAF0] =	vst v3;
	v3 =	vld [tilespmem:s1+$0xB220]  }
0x24b: {  	v53 =	vld [tilespmem:$0xC170];
	v9 =	vmul.bf16 v6, v29;
	[tilespmem:$0x1FB00] =	vst v2;
	v2 =	vunpack.i.u.bf16.f32 v4;
	v4 =	vunpack.i.l.bf16.f32 v4  }
0x24c: {  	v1 =	vunpack.i.l.bf16.f32 v1;
	v11 =	vmul.bf16 v6, v42;
	v5 =	vmul.bf16 v10, v34;
	[tilespmem:$0x1FB20] =	vst v4;
	v4 =	vld [tilespmem:s1+$0xB230]  }
0x24d: {  	v51 =	vld [tilespmem:$0xC270];
	v7 =	vmul.bf16 v10, v32;
	v8 =	vmul.bf16 v6, v33;
	[tilespmem:$0x1FB40] =	vst v1  }
0x24e: {  	v1 =	vld [tilespmem:s1+$0xB240];
	v6 =	vmul.bf16 v6, v44;
	[tilespmem:$0x1FB10] =	vst v2;
	v2 =	vmul.bf16 v10, v31  }
0x24f: {  	v40 =	vld [tilespmem:$0xC160];
	v10 =	vmul.bf16 v10, v43;
	v7 =	vadd.bf16 v8, v7;
	v8 =	vmul.bf16 v3, v54  }
0x250: {  	v5 =	vadd.bf16 v11, v5;
	v2 =	vadd.bf16 v9, v2;
	v9 =	vld [tilespmem:s1+$0xB250];
	v11 =	vmul.bf16 v3, v27  }
0x251: {  	v39 =	vld [tilespmem:$0xC260];
	v63 =	vmul.bf16 v3, v38;
	v7 =	vadd.bf16 v8, v7;
	v8 =	vmul.bf16 v4, v53  }
0x252: {  	v35 =	vld [tilespmem:s1+$0xB260];
	v6 =	vadd.bf16 v6, v10;
	v3 =	vmul.bf16 v3, v41;
	v10 =	vmul.bf16 v4, v26  }
0x253: {  	v48 =	vld [tilespmem:$0xC570];
	v2 =	vadd.bf16 v11, v2;
	v7 =	vadd.bf16 v8, v7;
	v8 =	vmul.bf16 v1, v51  }
0x254: {  	v11 =	vld [tilespmem:s1+$0xB270];
	v5 =	vadd.bf16 v63, v5;
	v3 =	vadd.bf16 v3, v6;
	v6 =	vmul.bf16 v4, v37  }
0x255: {  	v55 =	vld [tilespmem:$0xC350];
	v4 =	vmul.bf16 v4, v40;
	v7 =	vadd.bf16 v8, v7;
	v8 =	vmul.bf16 v9, v50  }
0x256: {  	v59 =	vld [tilespmem:$0xC360];
	v2 =	vadd.bf16 v10, v2;
	v10 =	vmul.bf16 v1, v30;
	v5 =	vadd.bf16 v6, v5  }
0x257: {  	v58 =	vld [tilespmem:$0xC450];
	v3 =	vadd.bf16 v4, v3;
	v6 =	vadd.bf16 v8, v7;
	v7 =	vmul.bf16 v35, v49  }
0x258: {  	v52 =	vld [tilespmem:$0xC550];
	v2 =	vadd.bf16 v10, v2;
	v8 =	vmul.bf16 v1, v36;
	v1 =	vmul.bf16 v1, v39  }
0x259: {  	v57 =	vld [tilespmem:$0xC460];
	v4 =	vadd.bf16 v7, v6;
	v6 =	vmul.bf16 v11, v48;
	v7 =	vmul.bf16 v9, v28  }
0x25a: {  	s31 =	simm.s32 $0x80;
	v60 =	vld [tilespmem:$0xC560];
	v5 =	vadd.bf16 v8, v5;
	v1 =	vadd.bf16 v1, v3;
	v3 =	vmul.bf16 v9, v55  }
0x25b: {  	v8 =	vmul.bf16 v9, v59;
	v9 =	vld [tilespmem:s31+$0xB200];
	v2 =	vadd.bf16 v7, v2;
	v7 =	vmul.bf16 v35, v56  }
0x25c: {  	v4 =	vadd.bf16 v6, v4;
	v6 =	vmul.bf16 v35, v58;
	v3 =	vadd.bf16 v3, v5  }
0x25d: {  	v61 =	vimm.bf16 $0.0e+00;
	v1 =	vadd.bf16 v8, v1;
	v5 =	vld [tilespmem:s31+$0xB210];
	v2 =	vadd.bf16 v7, v2  }
0x25e: {  	v7 =	vmul.bf16 v35, v57;
	v3 =	vadd.bf16 v6, v3;
	v6 =	vmul.bf16 v11, v52  }
0x25f: {  	v10 =	vmul.bf16 v11, v60;
	v8 =	vmul.bf16 v11, v25;
	v11 =	vld [tilespmem:s31+$0xB220];
	v12 =	vmax.bf16 v61, v4  }
0x260: {  	v1 =	vadd.bf16 v7, v1;
	v3 =	vadd.bf16 v6, v3;
	v6 =	vmul.bf16 v9, v31  }
0x261: {  	v4 =	vld [tilespmem:s31+$0xB230];
	v2 =	vadd.bf16 v8, v2;
	v7 =	vmul.bf16 v9, v34;
	v8 =	vmul.bf16 v9, v32  }
0x262: {  	v13 =	vmul.bf16 v5, v29;
	v1 =	vadd.bf16 v10, v1;
	v10 =	vmul.bf16 v5, v33  }
0x263: {  	v35 =	vmul.bf16 v5, v42;
	v62 =	vmax.bf16 v61, v2;
	v2 =	vld [tilespmem:s31+$0xB240];
	v63 =	vmax.bf16 v61, v3  }
0x264: {  	v3 =	vmul.bf16 v9, v43;
	v9 =	vmul.bf16 v11, v54;
	v8 =	vadd.bf16 v10, v8  }
0x265: {  	v5 =	vmul.bf16 v5, v44;
	v6 =	vadd.bf16 v13, v6;
	v7 =	vadd.bf16 v35, v7;
	v10 =	vld [tilespmem:s31+$0xB250]  }
0x266: {  	v13 =	vmul.bf16 v11, v27;
	v8 =	vadd.bf16 v9, v8;
	v9 =	vmul.bf16 v4, v53  }
0x267: {  	v35 =	vld [tilespmem:s31+$0xB260];
	v14 =	vmul.bf16 v11, v38;
	v11 =	vmul.bf16 v11, v41;
	v5 =	vadd.bf16 v5, v3  }
0x268: {  	v6 =	vadd.bf16 v13, v6;
	v8 =	vadd.bf16 v9, v8;
	v9 =	vmul.bf16 v2, v51  }
0x269: {  	v3 =	vld [tilespmem:s31+$0xB270];
	v13 =	vmul.bf16 v4, v26;
	v7 =	vadd.bf16 v14, v7;
	v5 =	vadd.bf16 v11, v5  }
0x26a: {  	v11 =	vmul.bf16 v4, v37;
	v8 =	vadd.bf16 v9, v8;
	v9 =	vmul.bf16 v10, v50  }
0x26b: {  	v4 =	vmul.bf16 v4, v40;
	v6 =	vadd.bf16 v13, v6;
	v13 =	vmul.bf16 v2, v30  }
0x26c: {  	v7 =	vadd.bf16 v11, v7;
	v8 =	vadd.bf16 v9, v8;
	v9 =	vmul.bf16 v35, v49  }
0x26d: {  	v11 =	vmul.bf16 v2, v36;
	v4 =	vadd.bf16 v4, v5;
	v2 =	vmul.bf16 v2, v39  }
0x26e: {  	v5 =	vadd.bf16 v13, v6;
	v6 =	vadd.bf16 v9, v8;
	v8 =	vmul.bf16 v3, v48  }
0x26f: {  	v13 =	vmul.bf16 v10, v55;
	v11 =	vadd.bf16 v11, v7;
	v9 =	vmul.bf16 v10, v28  }
0x270: {  	v2 =	vadd.bf16 v2, v4;
	v10 =	vmul.bf16 v10, v59;
	v14 =	vadd.bf16 v8, v6  }
0x271: {  	s29 =	simm.s32 $0x100;
	v7 =	vadd.bf16 v9, v5;
	v8 =	vmul.bf16 v35, v56;
	v6 =	vmul.bf16 v35, v58  }
0x272: {  	s1 =	simm.s32 $0x600;
	v4 =	vld [tilespmem:s29+$0xB200];
	v9 =	vadd.bf16 v13, v11;
	v5 =	vadd.bf16 v10, v2;
	v2 =	vmax.bf16 v12, v14  }
.LBB2_11:
0x273: {  	p0 =	sne.s32 s1, $0x1E00;
	v10 =	vld [tilespmem:s29+$0xB210];
	v7 =	vadd.bf16 v8, v7;
	v8 =	vmul.bf16 v3, v25;
	v11 =	vmul.bf16 v35, v57  }
0x274: {  	v6 =	vadd.bf16 v6, v9;
	v9 =	vmul.bf16 v3, v52;
	v3 =	vmul.bf16 v3, v60  }
0x275: {  	v61 =	vmax.bf16 v61, v1;
	v12 =	vld [tilespmem:s29+$0xB220];
	v7 =	vadd.bf16 v8, v7;
	v5 =	vadd.bf16 v11, v5  }
0x276: {  	v6 =	vadd.bf16 v9, v6  }
0x277: {  	v8 =	vld [tilespmem:s29+$0xB230];
	v9 =	vmul.bf16 v4, v31;
	v11 =	vmul.bf16 v4, v34;
	v1 =	vadd.bf16 v3, v5  }
0x278: {  	v3 =	vmul.bf16 v4, v32;
	v62 =	vmax.bf16 v62, v7;
	v5 =	vmul.bf16 v10, v33  }
0x279: {  	v13 =	vmul.bf16 v10, v29;
	v14 =	vmul.bf16 v10, v42;
	v63 =	vmax.bf16 v63, v6;
	v7 =	vld [tilespmem:s29+$0xB240]  }
0x27a: {  	v4 =	vmul.bf16 v4, v43;
	v3 =	vadd.bf16 v5, v3;
	v5 =	vmul.bf16 v12, v54  }
0x27b: {  	v10 =	vmul.bf16 v10, v44;
	v9 =	vadd.bf16 v13, v9;
	v11 =	vadd.bf16 v14, v11;
	v6 =	vld [tilespmem:s29+$0xB250]  }
0x27c: {  	v13 =	vmul.bf16 v12, v27;
	v3 =	vadd.bf16 v5, v3;
	v5 =	vmul.bf16 v8, v53  }
0x27d: {  	v14 =	vmul.bf16 v12, v38;
	v4 =	vadd.bf16 v10, v4;
	v10 =	vmul.bf16 v12, v41;
	v35 =	vld [tilespmem:s29+$0xB260]  }
0x27e: {  	v9 =	vadd.bf16 v13, v9;
	v5 =	vadd.bf16 v5, v3;
	v12 =	vmul.bf16 v7, v51  }
0x27f: {  	v13 =	vmul.bf16 v8, v26;
	v11 =	vadd.bf16 v14, v11;
	v4 =	vadd.bf16 v10, v4;
	v3 =	vld [tilespmem:s29+$0xB270]  }
0x280: {  	v10 =	vmul.bf16 v8, v37;
	v5 =	vadd.bf16 v12, v5;
	v12 =	vmul.bf16 v6, v50  }
0x281: {  	v8 =	vmul.bf16 v8, v40;
	v9 =	vadd.bf16 v13, v9;
	v13 =	vmul.bf16 v7, v30  }
0x282: {  	v10 =	vadd.bf16 v10, v11;
	v5 =	vadd.bf16 v12, v5;
	v11 =	vmul.bf16 v35, v49  }
0x283: {  	v4 =	vadd.bf16 v8, v4;
	v12 =	vmul.bf16 v7, v36;
	v7 =	vmul.bf16 v7, v39  }
.Ltmp4:
0x284: {  	v8 =	vadd.bf16 v13, v9;
	v5 =	vadd.bf16 v11, v5;
	v9 =	vmul.bf16 v3, v48;
	(pc) =	sbr.rel @p0 .LBB2_11-.Ltmp4, $4  }
0x285: {  	v11 =	vmul.bf16 v6, v28;
	v10 =	vadd.bf16 v12, v10;
	v12 =	vadd.bf16 v7, v4  }
0x286: {  	v13 =	vmul.bf16 v6, v55;
	v14 =	vmul.bf16 v6, v59;
	v15 =	vadd.bf16 v9, v5  }
0x287: {  	s29 =	sshra.s32 s1, $0x2;
	v6 =	vmul.bf16 v35, v58;
	v7 =	vadd.bf16 v11, v8;
	v8 =	vmul.bf16 v35, v56  }
0x288: {  	s1 =	sadd.s32 $0x200, s1;
	v9 =	vadd.bf16 v13, v10;
	v5 =	vadd.bf16 v14, v12;
	v4 =	vld [tilespmem:s29+$0xB200];
	v2 =	vmax.bf16 v2, v15  }
0x289: {  	_ = 	snop  }
0x28a: {  	v10 =	vld [tilespmem:s29+$0xB210];
	v7 =	vadd.bf16 v8, v7;
	v8 =	vmul.bf16 v3, v25;
	v14 =	vmul.bf16 v35, v57  }
0x28b: {  	v11 =	vld [tilespmem:s29+$0xB220];
	v6 =	vadd.bf16 v6, v9;
	v9 =	vmul.bf16 v3, v52  }
0x28c: {  	v12 =	vld [tilespmem:s29+$0xB230];
	v3 =	vmul.bf16 v3, v60;
	v7 =	vadd.bf16 v8, v7;
	v5 =	vadd.bf16 v14, v5  }
0x28d: {  	v13 =	vld [tilespmem:s29+$0xB240];
	v6 =	vadd.bf16 v9, v6;
	v8 =	vmul.bf16 v4, v31;
	v9 =	vmul.bf16 v4, v32  }
0x28e: {  	v32 =	vmul.bf16 v4, v34;
	v4 =	vmul.bf16 v4, v43  }
0x28f: {  	v15 =	vld [tilespmem:s29+$0xB250];
	v3 =	vadd.bf16 v3, v5;
	v31 =	vmul.bf16 v10, v33;
	v5 =	vmul.bf16 v10, v29  }
0x290: {  	v16 =	vld [tilespmem:s29+$0xB260];
	v29 =	vmul.bf16 v10, v42;
	v54 =	vmul.bf16 v11, v54  }
0x291: {  	v35 =	vld [tilespmem:$0xBE80];
	v53 =	vmul.bf16 v12, v53;
	v38 =	vmul.bf16 v11, v38  }
0x292: {  	v1 =	vmax.bf16 v61, v1;
	v14 =	vld [tilespmem:s29+$0xB270];
	v37 =	vmul.bf16 v12, v37;
	v36 =	vmul.bf16 v13, v36  }
0x293: {  	v34 =	vld [tilespmem:$0xBF80];
	v9 =	vadd.bf16 v31, v9;
	v5 =	vadd.bf16 v5, v8;
	v8 =	vmul.bf16 v10, v44  }
0x294: {  	v43 =	vld [tilespmem:$0xBEA0];
	v6 =	vmax.bf16 v63, v6;
	v1 =	vmax.bf16 v1, v3;
	v10 =	vadd.bf16 v29, v32  }
0x295: {  	v33 =	vld [tilespmem:$0xC080];
	v9 =	vadd.bf16 v54, v9;
	v54 =	vmul.bf16 v11, v27;
	v4 =	vadd.bf16 v8, v4  }
0x296: {  	s1 =	simm.s32 $0x0;
	v42 =	vld [tilespmem:$0xBE90];
	v8 =	vmul.bf16 v11, v41;
	v11 =	vmul.bf16 v13, v51;
	v10 =	vadd.bf16 v38, v10  }
0x297: {  	v63 =	vld [tilespmem:s1+$0xB260];
	v51 =	vmul.bf16 v12, v26;
	v9 =	vadd.bf16 v53, v9;
	v5 =	vadd.bf16 v54, v5  }
0x298: {  	v3 =	vld [tilespmem:s1+$0xB210];
	v4 =	vadd.bf16 v8, v4;
	v8 =	vmul.bf16 v12, v40;
	v53 =	vmul.bf16 v13, v30  }
0x299: {  	v31 =	vld [tilespmem:$0xC180];
	v10 =	vadd.bf16 v37, v10;
	v9 =	vadd.bf16 v11, v9;
	v11 =	vmul.bf16 v15, v50  }
0x29a: {  	v32 =	vld [tilespmem:$0xC280];
	v5 =	vadd.bf16 v51, v5;
	v4 =	vadd.bf16 v8, v4;
	v8 =	vmul.bf16 v13, v39  }
0x29b: {  	v29 =	vld [tilespmem:$0xC380];
	v10 =	vadd.bf16 v36, v10;
	v9 =	vadd.bf16 v11, v9;
	v11 =	vmul.bf16 v16, v49  }
0x29c: {  	v44 =	vld [tilespmem:$0xBFA0];
	v54 =	vmul.bf16 v15, v28;
	v5 =	vadd.bf16 v53, v5;
	v4 =	vadd.bf16 v8, v4  }
0x29d: {  	v27 =	vld [tilespmem:$0xC480];
	v8 =	vmul.bf16 v15, v59;
	v59 =	vmul.bf16 v14, v52;
	v9 =	vadd.bf16 v11, v9  }
0x29e: {  	v26 =	vld [tilespmem:$0xC580];
	v11 =	vmul.bf16 v15, v55;
	v5 =	vadd.bf16 v54, v5;
	v55 =	vmul.bf16 v16, v56  }
0x29f: {  	v38 =	vld [tilespmem:$0xC090];
	v56 =	vmul.bf16 v16, v58;
	v4 =	vadd.bf16 v8, v4;
	v8 =	vmul.bf16 v16, v57  }
0x2a0: {  	v41 =	vld [tilespmem:$0xC0A0];
	v58 =	vmul.bf16 v14, v25;
	v10 =	vadd.bf16 v11, v10;
	v5 =	vadd.bf16 v55, v5  }
0x2a1: {  	v40 =	vld [tilespmem:$0xBF90];
	v11 =	vmul.bf16 v14, v48;
	v14 =	vmul.bf16 v14, v60;
	v4 =	vadd.bf16 v8, v4  }
0x2a2: {  	v30 =	vld [tilespmem:$0xC190];
	v10 =	vadd.bf16 v56, v10;
	v5 =	vadd.bf16 v58, v5  }
0x2a3: {  	v7 =	vmax.bf16 v62, v7;
	v28 =	vld [tilespmem:$0xC290];
	v8 =	vadd.bf16 v11, v9;
	v4 =	vadd.bf16 v14, v4  }
0x2a4: {  	v37 =	vld [tilespmem:$0xBFB0];
	v10 =	vadd.bf16 v59, v10;
	v5 =	vmax.bf16 v7, v5  }
0x2a5: {  	v39 =	vld [tilespmem:$0xC1A0];
	v2 =	vmax.bf16 v2, v8;
	v1 =	vmax.bf16 v1, v4;
	v4 =	vunpack.i.u.bf16.f32 v5  }
0x2a6: {  	v36 =	vld [tilespmem:$0xBEB0];
	v8 =	vunpack.i.u.bf16.f32 v2;
	[tilespmem:$0x1FA50] =	vst v4  }
0x2a7: {  	v9 =	vld [tilespmem:s1+$0xB200];
	v6 =	vmax.bf16 v6, v10;
	v4 =	vunpack.i.l.bf16.f32 v5;
	[tilespmem:$0x1FAB0] =	vst v8  }
0x2a8: {  	v53 =	vld [tilespmem:$0xC0B0];
	[tilespmem:$0x1FA60] =	vst v4;
	v4 =	vunpack.i.u.bf16.f32 v6  }
0x2a9: {  	v5 =	vunpack.i.l.bf16.f32 v6;
	[tilespmem:$0x1FA70] =	vst v4;
	v4 =	vld [tilespmem:s1+$0xB220]  }
0x2aa: {  	v52 =	vld [tilespmem:$0xC1B0];
	v11 =	vmul.bf16 v3, v40;
	[tilespmem:$0x1FA80] =	vst v5;
	v5 =	vunpack.i.u.bf16.f32 v1;
	v1 =	vunpack.i.l.bf16.f32 v1  }
0x2ab: {  	v2 =	vunpack.i.l.bf16.f32 v2;
	v8 =	vmul.bf16 v3, v37;
	v10 =	vmul.bf16 v3, v34;
	[tilespmem:$0x1FAA0] =	vst v1;
	v1 =	vld [tilespmem:s1+$0xB230]  }
0x2ac: {  	v50 =	vld [tilespmem:$0xC2B0];
	[tilespmem:$0x1FAC0] =	vst v2;
	v3 =	vmul.bf16 v3, v44;
	v7 =	vmul.bf16 v9, v36  }
0x2ad: {  	v2 =	vld [tilespmem:s1+$0xB240];
	v6 =	vmul.bf16 v9, v42;
	[tilespmem:$0x1FA90] =	vst v5;
	v5 =	vmul.bf16 v9, v35  }
0x2ae: {  	v48 =	vld [tilespmem:$0xC3B0];
	v9 =	vmul.bf16 v9, v43;
	v7 =	vadd.bf16 v8, v7;
	v8 =	vmul.bf16 v4, v53  }
0x2af: {  	v6 =	vadd.bf16 v11, v6;
	v5 =	vadd.bf16 v10, v5;
	v10 =	vld [tilespmem:s1+$0xB250];
	v11 =	vmul.bf16 v4, v33  }
0x2b0: {  	v51 =	vld [tilespmem:$0xC4B0];
	v62 =	vmul.bf16 v4, v38;
	v7 =	vadd.bf16 v8, v7;
	v8 =	vmul.bf16 v1, v52  }
0x2b1: {  	v49 =	vld [tilespmem:$0xC5B0];
	v3 =	vadd.bf16 v3, v9;
	v4 =	vmul.bf16 v4, v41;
	v9 =	vmul.bf16 v1, v31  }
0x2b2: {  	v25 =	vld [tilespmem:$0xC2A0];
	v5 =	vadd.bf16 v11, v5;
	v7 =	vadd.bf16 v8, v7;
	v8 =	vmul.bf16 v2, v50  }
0x2b3: {  	v11 =	vld [tilespmem:s1+$0xB270];
	v6 =	vadd.bf16 v62, v6;
	v3 =	vadd.bf16 v4, v3;
	v4 =	vmul.bf16 v1, v30  }
0x2b4: {  	v55 =	vld [tilespmem:$0xC390];
	v1 =	vmul.bf16 v1, v39;
	v7 =	vadd.bf16 v8, v7;
	v8 =	vmul.bf16 v10, v48  }
0x2b5: {  	v58 =	vld [tilespmem:$0xC3A0];
	v5 =	vadd.bf16 v9, v5;
	v9 =	vmul.bf16 v2, v32;
	v4 =	vadd.bf16 v4, v6  }
0x2b6: {  	v57 =	vld [tilespmem:$0xC490];
	v1 =	vadd.bf16 v1, v3;
	v6 =	vadd.bf16 v8, v7;
	v7 =	vmul.bf16 v63, v51  }
0x2b7: {  	v54 =	vld [tilespmem:$0xC590];
	v3 =	vadd.bf16 v9, v5;
	v8 =	vmul.bf16 v2, v28;
	v2 =	vmul.bf16 v2, v25  }
0x2b8: {  	v56 =	vld [tilespmem:$0xC4A0];
	v5 =	vadd.bf16 v7, v6;
	v6 =	vmul.bf16 v11, v49;
	v7 =	vmul.bf16 v10, v29  }
0x2b9: {  	s31 =	simm.s32 $0x80;
	v59 =	vld [tilespmem:$0xC5A0];
	v4 =	vadd.bf16 v8, v4;
	v1 =	vadd.bf16 v2, v1;
	v2 =	vmul.bf16 v10, v55  }
0x2ba: {  	v9 =	vld [tilespmem:s31+$0xB200];
	v8 =	vmul.bf16 v10, v58;
	v3 =	vadd.bf16 v7, v3;
	v7 =	vmul.bf16 v63, v27  }
0x2bb: {  	v5 =	vadd.bf16 v6, v5;
	v6 =	vmul.bf16 v63, v57;
	v2 =	vadd.bf16 v2, v4  }
0x2bc: {  	v60 =	vimm.bf16 $0.0e+00;
	v1 =	vadd.bf16 v8, v1;
	v4 =	vld [tilespmem:s31+$0xB210];
	v3 =	vadd.bf16 v7, v3  }
0x2bd: {  	v7 =	vmul.bf16 v63, v56;
	v2 =	vadd.bf16 v6, v2;
	v6 =	vmul.bf16 v11, v54  }
0x2be: {  	v10 =	vmul.bf16 v11, v59;
	v8 =	vmul.bf16 v11, v26;
	v11 =	vld [tilespmem:s31+$0xB220];
	v12 =	vmax.bf16 v60, v5  }
0x2bf: {  	v1 =	vadd.bf16 v7, v1;
	v2 =	vadd.bf16 v6, v2;
	v6 =	vmul.bf16 v9, v35  }
0x2c0: {  	v5 =	vld [tilespmem:s31+$0xB230];
	v3 =	vadd.bf16 v8, v3;
	v7 =	vmul.bf16 v9, v42;
	v8 =	vmul.bf16 v9, v36  }
0x2c1: {  	v14 =	vmul.bf16 v4, v40;
	v1 =	vadd.bf16 v10, v1;
	v10 =	vmul.bf16 v4, v37  }
0x2c2: {  	v13 =	vld [tilespmem:s31+$0xB240];
	v61 =	vmax.bf16 v60, v3;
	v3 =	vmul.bf16 v4, v34;
	v62 =	vmax.bf16 v60, v2  }
0x2c3: {  	v2 =	vmul.bf16 v9, v43;
	v9 =	vmul.bf16 v11, v53;
	v8 =	vadd.bf16 v10, v8  }
0x2c4: {  	v4 =	vmul.bf16 v4, v44;
	v10 =	vld [tilespmem:s31+$0xB250];
	v3 =	vadd.bf16 v3, v6;
	v6 =	vadd.bf16 v14, v7  }
0x2c5: {  	v7 =	vmul.bf16 v11, v33;
	v8 =	vadd.bf16 v9, v8;
	v9 =	vmul.bf16 v5, v52  }
0x2c6: {  	v63 =	vld [tilespmem:s31+$0xB260];
	v14 =	vmul.bf16 v11, v38;
	v2 =	vadd.bf16 v4, v2;
	v4 =	vmul.bf16 v11, v41  }
0x2c7: {  	v7 =	vadd.bf16 v7, v3;
	v8 =	vadd.bf16 v9, v8;
	v9 =	vmul.bf16 v13, v50  }
0x2c8: {  	v11 =	vmul.bf16 v5, v31;
	v3 =	vld [tilespmem:s31+$0xB270];
	v6 =	vadd.bf16 v14, v6;
	v2 =	vadd.bf16 v4, v2  }
0x2c9: {  	v4 =	vmul.bf16 v5, v30;
	v8 =	vadd.bf16 v9, v8;
	v9 =	vmul.bf16 v10, v48  }
0x2ca: {  	v5 =	vmul.bf16 v5, v39;
	v7 =	vadd.bf16 v11, v7;
	v11 =	vmul.bf16 v13, v32  }
0x2cb: {  	v4 =	vadd.bf16 v4, v6;
	v6 =	vadd.bf16 v9, v8;
	v8 =	vmul.bf16 v63, v51  }
0x2cc: {  	v2 =	vadd.bf16 v5, v2;
	v5 =	vmul.bf16 v13, v25;
	v7 =	vadd.bf16 v11, v7  }
0x2cd: {  	v9 =	vmul.bf16 v13, v28;
	v6 =	vadd.bf16 v8, v6;
	v8 =	vmul.bf16 v3, v49  }
0x2ce: {  	v11 =	vmul.bf16 v10, v29;
	v2 =	vadd.bf16 v5, v2;
	v5 =	vmul.bf16 v10, v55  }
0x2cf: {  	v10 =	vmul.bf16 v10, v58;
	v9 =	vadd.bf16 v9, v4;
	v13 =	vadd.bf16 v8, v6  }
0x2d0: {  	s29 =	simm.s32 $0x100;
	v7 =	vadd.bf16 v11, v7;
	v8 =	vmul.bf16 v63, v27;
	v6 =	vmul.bf16 v63, v57  }
0x2d1: {  	s1 =	simm.s32 $0x600;
	v4 =	vld [tilespmem:s29+$0xB200];
	v9 =	vadd.bf16 v5, v9;
	v5 =	vadd.bf16 v10, v2;
	v2 =	vmax.bf16 v12, v13  }
.LBB2_13:
0x2d2: {  	p0 =	sne.s32 s1, $0x1E00;
	v10 =	vld [tilespmem:s29+$0xB210];
	v7 =	vadd.bf16 v8, v7;
	v8 =	vmul.bf16 v3, v26;
	v11 =	vmul.bf16 v63, v56  }
0x2d3: {  	v6 =	vadd.bf16 v6, v9;
	v9 =	vmul.bf16 v3, v54;
	v3 =	vmul.bf16 v3, v59  }
0x2d4: {  	v60 =	vmax.bf16 v60, v1;
	v12 =	vld [tilespmem:s29+$0xB220];
	v7 =	vadd.bf16 v8, v7;
	v5 =	vadd.bf16 v11, v5  }
0x2d5: {  	v6 =	vadd.bf16 v9, v6  }
0x2d6: {  	v8 =	vld [tilespmem:s29+$0xB230];
	v9 =	vmul.bf16 v4, v35;
	v11 =	vmul.bf16 v4, v42;
	v1 =	vadd.bf16 v3, v5  }
0x2d7: {  	v3 =	vmul.bf16 v4, v36;
	v61 =	vmax.bf16 v61, v7;
	v5 =	vmul.bf16 v10, v37  }
0x2d8: {  	v13 =	vmul.bf16 v10, v34;
	v14 =	vmul.bf16 v10, v40;
	v62 =	vmax.bf16 v62, v6;
	v7 =	vld [tilespmem:s29+$0xB240]  }
0x2d9: {  	v4 =	vmul.bf16 v4, v43;
	v3 =	vadd.bf16 v5, v3;
	v5 =	vmul.bf16 v12, v53  }
0x2da: {  	v10 =	vmul.bf16 v10, v44;
	v9 =	vadd.bf16 v13, v9;
	v11 =	vadd.bf16 v14, v11;
	v6 =	vld [tilespmem:s29+$0xB250]  }
0x2db: {  	v13 =	vmul.bf16 v12, v33;
	v3 =	vadd.bf16 v5, v3;
	v5 =	vmul.bf16 v8, v52  }
0x2dc: {  	v14 =	vmul.bf16 v12, v38;
	v4 =	vadd.bf16 v10, v4;
	v10 =	vmul.bf16 v12, v41;
	v63 =	vld [tilespmem:s29+$0xB260]  }
0x2dd: {  	v9 =	vadd.bf16 v13, v9;
	v5 =	vadd.bf16 v5, v3;
	v12 =	vmul.bf16 v7, v50  }
0x2de: {  	v13 =	vmul.bf16 v8, v31;
	v11 =	vadd.bf16 v14, v11;
	v4 =	vadd.bf16 v10, v4;
	v3 =	vld [tilespmem:s29+$0xB270]  }
0x2df: {  	v10 =	vmul.bf16 v8, v30;
	v5 =	vadd.bf16 v12, v5;
	v12 =	vmul.bf16 v6, v48  }
0x2e0: {  	v8 =	vmul.bf16 v8, v39;
	v9 =	vadd.bf16 v13, v9;
	v13 =	vmul.bf16 v7, v32  }
0x2e1: {  	v10 =	vadd.bf16 v10, v11;
	v5 =	vadd.bf16 v12, v5;
	v11 =	vmul.bf16 v63, v51  }
0x2e2: {  	v4 =	vadd.bf16 v8, v4;
	v12 =	vmul.bf16 v7, v28;
	v7 =	vmul.bf16 v7, v25  }
.Ltmp5:
0x2e3: {  	v8 =	vadd.bf16 v13, v9;
	v5 =	vadd.bf16 v11, v5;
	v9 =	vmul.bf16 v3, v49;
	(pc) =	sbr.rel @p0 .LBB2_13-.Ltmp5, $4  }
0x2e4: {  	v11 =	vmul.bf16 v6, v29;
	v10 =	vadd.bf16 v12, v10;
	v12 =	vadd.bf16 v7, v4  }
0x2e5: {  	v13 =	vmul.bf16 v6, v55;
	v14 =	vmul.bf16 v6, v58;
	v15 =	vadd.bf16 v9, v5  }
0x2e6: {  	s29 =	sshra.s32 s1, $0x2;
	v6 =	vmul.bf16 v63, v57;
	v7 =	vadd.bf16 v11, v8;
	v8 =	vmul.bf16 v63, v27  }
0x2e7: {  	s1 =	sadd.s32 $0x200, s1;
	v9 =	vadd.bf16 v13, v10;
	v5 =	vadd.bf16 v14, v12;
	v4 =	vld [tilespmem:s29+$0xB200];
	v2 =	vmax.bf16 v2, v15  }
0x2e8: {  	_ = 	snop  }
0x2e9: {  	v10 =	vld [tilespmem:s29+$0xB210];
	v7 =	vadd.bf16 v8, v7;
	v8 =	vmul.bf16 v3, v26;
	v14 =	vmul.bf16 v63, v56  }
0x2ea: {  	v11 =	vld [tilespmem:s29+$0xB220];
	v6 =	vadd.bf16 v6, v9;
	v9 =	vmul.bf16 v3, v54  }
0x2eb: {  	v12 =	vld [tilespmem:s29+$0xB230];
	v3 =	vmul.bf16 v3, v59;
	v7 =	vadd.bf16 v8, v7;
	v5 =	vadd.bf16 v14, v5  }
0x2ec: {  	v13 =	vld [tilespmem:s29+$0xB240];
	v6 =	vadd.bf16 v9, v6;
	v8 =	vmul.bf16 v4, v35;
	v9 =	vmul.bf16 v4, v36  }
0x2ed: {  	v16 =	vld [tilespmem:s29+$0xB260];
	v42 =	vmul.bf16 v4, v42;
	v4 =	vmul.bf16 v4, v43  }
0x2ee: {  	v3 =	vadd.bf16 v3, v5;
	v63 =	vmul.bf16 v10, v37;
	v5 =	vmul.bf16 v10, v34  }
0x2ef: {  	v40 =	vmul.bf16 v10, v40;
	v53 =	vmul.bf16 v11, v53  }
0x2f0: {  	v15 =	vld [tilespmem:s29+$0xB250];
	v1 =	vmax.bf16 v60, v1;
	v33 =	vmul.bf16 v11, v33;
	v38 =	vmul.bf16 v11, v38  }
0x2f1: {  	v60 =	vld [tilespmem:$0xC2F0];
	v7 =	vmax.bf16 v61, v7;
	v30 =	vmul.bf16 v12, v30;
	v28 =	vmul.bf16 v13, v28  }
0x2f2: {  	v14 =	vld [tilespmem:s29+$0xB270];
	v57 =	vmul.bf16 v16, v57;
	v6 =	vmax.bf16 v62, v6;
	v9 =	vadd.bf16 v63, v9  }
0x2f3: {  	v36 =	vld [tilespmem:$0xBFC0];
	v1 =	vmax.bf16 v1, v3;
	v5 =	vadd.bf16 v5, v8;
	v8 =	vmul.bf16 v10, v44  }
0x2f4: {  	v35 =	vld [tilespmem:$0xC0C0];
	v10 =	vadd.bf16 v40, v42;
	v63 =	vmul.bf16 v12, v31;
	v9 =	vadd.bf16 v53, v9  }
0x2f5: {  	v43 =	vld [tilespmem:$0xC3C0];
	v53 =	vmul.bf16 v12, v52;
	v4 =	vadd.bf16 v8, v4;
	v8 =	vmul.bf16 v11, v41  }
0x2f6: {  	v61 =	vld [tilespmem:$0xC5F0];
	v11 =	vmul.bf16 v13, v50;
	v5 =	vadd.bf16 v33, v5;
	v10 =	vadd.bf16 v38, v10  }
0x2f7: {  	v37 =	vld [tilespmem:$0xBEC0];
	v33 =	vmul.bf16 v13, v32;
	v41 =	vmul.bf16 v15, v29;
	v9 =	vadd.bf16 v53, v9  }
0x2f8: {  	v34 =	vld [tilespmem:$0xC1C0];
	v4 =	vadd.bf16 v8, v4;
	v5 =	vadd.bf16 v63, v5;
	v8 =	vmul.bf16 v12, v39  }
0x2f9: {  	s1 =	simm.s32 $0x0;
	v62 =	vld [tilespmem:$0xC4F0];
	v10 =	vadd.bf16 v30, v10;
	v9 =	vadd.bf16 v11, v9;
	v11 =	vmul.bf16 v15, v48  }
0x2fa: {  	v3 =	vld [tilespmem:s1+$0xB210];
	v4 =	vadd.bf16 v8, v4;
	v8 =	vmul.bf16 v13, v25;
	v5 =	vadd.bf16 v33, v5  }
0x2fb: {  	v44 =	vld [tilespmem:$0xC2C0];
	v10 =	vadd.bf16 v28, v10;
	v9 =	vadd.bf16 v11, v9;
	v11 =	vmul.bf16 v16, v51  }
0x2fc: {  	v42 =	vld [tilespmem:$0xC4C0];
	v4 =	vadd.bf16 v8, v4;
	v8 =	vmul.bf16 v15, v58;
	v5 =	vadd.bf16 v41, v5  }
0x2fd: {  	v40 =	vld [tilespmem:$0xC0D0];
	v9 =	vadd.bf16 v11, v9;
	v11 =	vmul.bf16 v15, v55;
	v55 =	vmul.bf16 v16, v27  }
0x2fe: {  	v50 =	vld [tilespmem:$0xBED0];
	v63 =	vmul.bf16 v14, v54;
	v4 =	vadd.bf16 v8, v4;
	v8 =	vmul.bf16 v16, v56  }
0x2ff: {  	v38 =	vld [tilespmem:$0xC2D0];
	v58 =	vmul.bf16 v14, v26;
	v10 =	vadd.bf16 v11, v10;
	v5 =	vadd.bf16 v55, v5  }
0x300: {  	v52 =	vld [tilespmem:$0xBFE0];
	v11 =	vmul.bf16 v14, v49;
	v14 =	vmul.bf16 v14, v59;
	v4 =	vadd.bf16 v8, v4  }
0x301: {  	v39 =	vld [tilespmem:$0xC1D0];
	v10 =	vadd.bf16 v57, v10;
	v5 =	vadd.bf16 v58, v5  }
0x302: {  	v53 =	vld [tilespmem:$0xBEE0];
	v8 =	vadd.bf16 v11, v9;
	v4 =	vadd.bf16 v14, v4  }
0x303: {  	v48 =	vld [tilespmem:$0xBFD0];
	v10 =	vadd.bf16 v63, v10;
	v5 =	vmax.bf16 v7, v5  }
0x304: {  	v56 =	vld [tilespmem:$0xBFF0];
	v2 =	vmax.bf16 v2, v8;
	v1 =	vmax.bf16 v1, v4;
	v4 =	vunpack.i.u.bf16.f32 v5  }
0x305: {  	v55 =	vld [tilespmem:$0xBEF0];
	v8 =	vunpack.i.u.bf16.f32 v2;
	[tilespmem:$0x1F9D0] =	vst v4  }
0x306: {  	v9 =	vld [tilespmem:s1+$0xB200];
	v6 =	vmax.bf16 v6, v10;
	v4 =	vunpack.i.l.bf16.f32 v5;
	[tilespmem:$0x1FA30] =	vst v8  }
0x307: {  	v57 =	vld [tilespmem:$0xC0F0];
	[tilespmem:$0x1F9E0] =	vst v4;
	v4 =	vunpack.i.u.bf16.f32 v6  }
0x308: {  	v5 =	vunpack.i.l.bf16.f32 v6;
	[tilespmem:$0x1F9F0] =	vst v4;
	v4 =	vld [tilespmem:s1+$0xB220]  }
0x309: {  	v58 =	vld [tilespmem:$0xC1F0];
	[tilespmem:$0x1FA00] =	vst v5;
	v5 =	vunpack.i.u.bf16.f32 v1;
	v1 =	vunpack.i.l.bf16.f32 v1  }
0x30a: {  	v11 =	vmul.bf16 v3, v48;
	v2 =	vunpack.i.l.bf16.f32 v2;
	v8 =	vmul.bf16 v3, v56;
	[tilespmem:$0x1FA20] =	vst v1;
	v1 =	vld [tilespmem:s1+$0xB230]  }
0x30b: {  	v51 =	vld [tilespmem:$0xC0E0];
	v10 =	vmul.bf16 v3, v36;
	[tilespmem:$0x1FA40] =	vst v2;
	v7 =	vmul.bf16 v9, v55  }
0x30c: {  	v2 =	vld [tilespmem:s1+$0xB240];
	v6 =	vmul.bf16 v9, v50;
	[tilespmem:$0x1FA10] =	vst v5;
	v5 =	vmul.bf16 v9, v37  }
0x30d: {  	v59 =	vld [tilespmem:$0xC3F0];
	v3 =	vmul.bf16 v3, v52;
	v7 =	vadd.bf16 v8, v7;
	v8 =	vmul.bf16 v4, v57  }
0x30e: {  	v9 =	vmul.bf16 v9, v53;
	v6 =	vadd.bf16 v11, v6;
	v5 =	vadd.bf16 v10, v5;
	v10 =	vld [tilespmem:s1+$0xB250]  }
0x30f: {  	v49 =	vld [tilespmem:$0xC1E0];
	v11 =	vmul.bf16 v4, v35;
	v7 =	vadd.bf16 v8, v7;
	v8 =	vmul.bf16 v1, v58  }
0x310: {  	v33 =	vld [tilespmem:s1+$0xB260];
	v3 =	vadd.bf16 v3, v9;
	v32 =	vmul.bf16 v4, v40;
	v4 =	vmul.bf16 v4, v51  }
0x311: {  	v25 =	vld [tilespmem:$0xC3D0];
	v5 =	vadd.bf16 v11, v5;
	v7 =	vadd.bf16 v8, v7;
	v8 =	vmul.bf16 v2, v60  }
0x312: {  	v41 =	vld [tilespmem:$0xC2E0];
	v9 =	vmul.bf16 v1, v34;
	v6 =	vadd.bf16 v32, v6;
	v3 =	vadd.bf16 v4, v3  }
0x313: {  	v11 =	vld [tilespmem:s1+$0xB270];
	v4 =	vmul.bf16 v1, v39;
	v7 =	vadd.bf16 v8, v7;
	v8 =	vmul.bf16 v10, v59  }
0x314: {  	v28 =	vld [tilespmem:$0xC3E0];
	v1 =	vmul.bf16 v1, v49;
	v5 =	vadd.bf16 v9, v5;
	v9 =	vmul.bf16 v2, v44  }
0x315: {  	v26 =	vld [tilespmem:$0xC5D0];
	v4 =	vadd.bf16 v4, v6;
	v6 =	vadd.bf16 v8, v7;
	v7 =	vmul.bf16 v33, v62  }
0x316: {  	v63 =	vld [tilespmem:$0xC4D0];
	v1 =	vadd.bf16 v1, v3;
	v8 =	vmul.bf16 v2, v38  }
0x317: {  	v27 =	vld [tilespmem:$0xC4E0];
	v3 =	vadd.bf16 v9, v5;
	v2 =	vmul.bf16 v2, v41;
	v5 =	vadd.bf16 v7, v6  }
0x318: {  	v31 =	vld [tilespmem:$0xC5C0];
	v6 =	vmul.bf16 v11, v61;
	v7 =	vmul.bf16 v10, v43;
	v4 =	vadd.bf16 v8, v4  }
0x319: {  	s31 =	simm.s32 $0x80;
	v29 =	vld [tilespmem:$0xC5E0];
	v1 =	vadd.bf16 v2, v1;
	v2 =	vmul.bf16 v10, v25;
	v8 =	vmul.bf16 v10, v28  }
0x31a: {  	v9 =	vld [tilespmem:s31+$0xB200];
	v10 =	vmul.bf16 v11, v26;
	v3 =	vadd.bf16 v7, v3;
	v7 =	vmul.bf16 v33, v42  }
0x31b: {  	v5 =	vadd.bf16 v6, v5;
	v6 =	vmul.bf16 v33, v63;
	v2 =	vadd.bf16 v2, v4;
	v4 =	vld [tilespmem:s31+$0xB210]  }
0x31c: {  	v1 =	vadd.bf16 v8, v1;
	v3 =	vadd.bf16 v7, v3;
	v7 =	vmul.bf16 v33, v27  }
0x31d: {  	v8 =	vmul.bf16 v11, v31;
	v6 =	vadd.bf16 v6, v2;
	v2 =	vimm.bf16 $0.0e+00  }
0x31e: {  	v54 =	vld [tilespmem:s31+$0xB220];
	v11 =	vmul.bf16 v11, v29;
	v13 =	vmax.bf16 v2, v5;
	v1 =	vadd.bf16 v7, v1  }
0x31f: {  	v3 =	vadd.bf16 v8, v3;
	v7 =	vmul.bf16 v9, v37;
	v8 =	vmul.bf16 v9, v50  }
0x320: {  	v5 =	vadd.bf16 v10, v6;
	v6 =	vld [tilespmem:s31+$0xB230];
	v10 =	vmul.bf16 v9, v55;
	v15 =	vmul.bf16 v4, v48  }
0x321: {  	v32 =	vadd.bf16 v11, v1;
	v11 =	vmul.bf16 v4, v56;
	v30 =	vmax.bf16 v2, v3  }
0x322: {  	v14 =	vld [tilespmem:s31+$0xB240];
	v3 =	vmul.bf16 v4, v36;
	v1 =	vmax.bf16 v2, v5;
	v5 =	vmul.bf16 v9, v53  }
0x323: {  	v4 =	vmul.bf16 v4, v52;
	v9 =	vadd.bf16 v11, v10;
	v10 =	vmul.bf16 v54, v57  }
0x324: {  	v11 =	vld [tilespmem:s31+$0xB250];
	v3 =	vadd.bf16 v3, v7;
	v7 =	vadd.bf16 v15, v8;
	v8 =	vmul.bf16 v54, v35  }
0x325: {  	v15 =	vmul.bf16 v54, v40;
	v9 =	vadd.bf16 v10, v9;
	v10 =	vmul.bf16 v6, v58  }
0x326: {  	v33 =	vld [tilespmem:s31+$0xB260];
	v4 =	vadd.bf16 v4, v5;
	v5 =	vmul.bf16 v54, v51;
	v54 =	vmul.bf16 v6, v34  }
0x327: {  	v8 =	vadd.bf16 v8, v3;
	v9 =	vadd.bf16 v10, v9;
	v10 =	vmul.bf16 v14, v60  }
0x328: {  	v3 =	vld [tilespmem:s31+$0xB270];
	v7 =	vadd.bf16 v15, v7;
	v4 =	vadd.bf16 v5, v4;
	v5 =	vmul.bf16 v6, v39  }
0x329: {  	v6 =	vmul.bf16 v6, v49;
	v9 =	vadd.bf16 v10, v9;
	v10 =	vmul.bf16 v11, v59  }
0x32a: {  	v8 =	vadd.bf16 v54, v8;
	v54 =	vmul.bf16 v14, v44;
	v5 =	vadd.bf16 v5, v7  }
0x32b: {  	v4 =	vadd.bf16 v6, v4;
	v7 =	vadd.bf16 v10, v9;
	v9 =	vmul.bf16 v33, v62  }
0x32c: {  	v6 =	vmul.bf16 v14, v41;
	v12 =	vmul.bf16 v11, v43;
	v8 =	vadd.bf16 v54, v8  }
0x32d: {  	v10 =	vmul.bf16 v14, v38;
	v7 =	vadd.bf16 v9, v7;
	v9 =	vmul.bf16 v3, v61  }
0x32e: {  	v6 =	vadd.bf16 v6, v4;
	v54 =	vmul.bf16 v11, v25;
	v11 =	vmul.bf16 v11, v28  }
0x32f: {  	v10 =	vadd.bf16 v10, v5;
	v15 =	vadd.bf16 v9, v7  }
0x330: {  	s29 =	simm.s32 $0x100;
	v6 =	vadd.bf16 v11, v6;
	v7 =	vadd.bf16 v12, v8;
	v8 =	vmul.bf16 v33, v42  }
0x331: {  	s1 =	simm.s32 $0x600;
	v4 =	vld [tilespmem:s29+$0xB200];
	v5 =	vmul.bf16 v33, v63;
	v9 =	vadd.bf16 v54, v10;
	v54 =	vmax.bf16 v13, v15  }
.LBB2_15:
0x332: {  	p0 =	sne.s32 s1, $0x1E00;
	v10 =	vld [tilespmem:s29+$0xB210];
	v7 =	vadd.bf16 v8, v7;
	v8 =	vmul.bf16 v3, v31;
	v11 =	vmul.bf16 v33, v27  }
0x333: {  	v5 =	vadd.bf16 v5, v9;
	v9 =	vmul.bf16 v3, v26;
	v3 =	vmul.bf16 v3, v29  }
0x334: {  	v2 =	vmax.bf16 v2, v32;
	v12 =	vld [tilespmem:s29+$0xB220];
	v7 =	vadd.bf16 v8, v7;
	v6 =	vadd.bf16 v11, v6  }
0x335: {  	v5 =	vadd.bf16 v9, v5  }
0x336: {  	v8 =	vld [tilespmem:s29+$0xB230];
	v9 =	vmul.bf16 v4, v37;
	v11 =	vmul.bf16 v4, v50;
	v32 =	vadd.bf16 v3, v6  }
0x337: {  	v3 =	vmul.bf16 v4, v55;
	v30 =	vmax.bf16 v30, v7;
	v6 =	vmul.bf16 v10, v56  }
0x338: {  	v13 =	vmul.bf16 v10, v36;
	v14 =	vmul.bf16 v10, v48;
	v1 =	vmax.bf16 v1, v5;
	v7 =	vld [tilespmem:s29+$0xB240]  }
0x339: {  	v4 =	vmul.bf16 v4, v53;
	v3 =	vadd.bf16 v6, v3;
	v5 =	vmul.bf16 v12, v57  }
0x33a: {  	v10 =	vmul.bf16 v10, v52;
	v9 =	vadd.bf16 v13, v9;
	v11 =	vadd.bf16 v14, v11;
	v6 =	vld [tilespmem:s29+$0xB250]  }
0x33b: {  	v13 =	vmul.bf16 v12, v35;
	v3 =	vadd.bf16 v5, v3;
	v5 =	vmul.bf16 v8, v58  }
0x33c: {  	v14 =	vmul.bf16 v12, v40;
	v4 =	vadd.bf16 v10, v4;
	v10 =	vmul.bf16 v12, v51;
	v33 =	vld [tilespmem:s29+$0xB260]  }
0x33d: {  	v9 =	vadd.bf16 v13, v9;
	v5 =	vadd.bf16 v5, v3;
	v12 =	vmul.bf16 v7, v60  }
0x33e: {  	v13 =	vmul.bf16 v8, v34;
	v11 =	vadd.bf16 v14, v11;
	v4 =	vadd.bf16 v10, v4;
	v3 =	vld [tilespmem:s29+$0xB270]  }
0x33f: {  	v10 =	vmul.bf16 v8, v39;
	v5 =	vadd.bf16 v12, v5;
	v12 =	vmul.bf16 v6, v59  }
0x340: {  	v8 =	vmul.bf16 v8, v49;
	v9 =	vadd.bf16 v13, v9;
	v13 =	vmul.bf16 v7, v44  }
0x341: {  	v10 =	vadd.bf16 v10, v11;
	v5 =	vadd.bf16 v12, v5;
	v11 =	vmul.bf16 v33, v62  }
0x342: {  	v4 =	vadd.bf16 v8, v4;
	v12 =	vmul.bf16 v7, v38;
	v7 =	vmul.bf16 v7, v41  }
.Ltmp6:
0x343: {  	v8 =	vadd.bf16 v13, v9;
	v5 =	vadd.bf16 v11, v5;
	v9 =	vmul.bf16 v3, v61;
	(pc) =	sbr.rel @p0 .LBB2_15-.Ltmp6, $4  }
0x344: {  	v11 =	vmul.bf16 v6, v43;
	v10 =	vadd.bf16 v12, v10;
	v12 =	vadd.bf16 v7, v4  }
0x345: {  	v13 =	vmul.bf16 v6, v25;
	v6 =	vmul.bf16 v6, v28;
	v14 =	vadd.bf16 v9, v5  }
0x346: {  	s29 =	sshra.s32 s1, $0x2;
	v7 =	vadd.bf16 v11, v8;
	v8 =	vmul.bf16 v33, v42;
	v5 =	vmul.bf16 v33, v63  }
0x347: {  	s1 =	sadd.s32 $0x200, s1;
	v9 =	vadd.bf16 v13, v10;
	v6 =	vadd.bf16 v6, v12;
	v4 =	vld [tilespmem:s29+$0xB200];
	v54 =	vmax.bf16 v54, v14  }
0x348: {  	_ = 	snop  }
0x349: {  	v7 =	vadd.bf16 v8, v7;
	v8 =	vmul.bf16 v33, v27;
	v10 =	vld [tilespmem:s29+$0xB210];
	v11 =	vmul.bf16 v3, v31  }
0x34a: {  	v5 =	vadd.bf16 v5, v9  }
0x34b: {  	v9 =	vld [tilespmem:s29+$0xB220];
	v7 =	vadd.bf16 v11, v7;
	v6 =	vadd.bf16 v8, v6;
	v8 =	vmul.bf16 v3, v26  }
0x34c: {  	v11 =	vmax.bf16 v2, v32;
	v2 =	vmul.bf16 v3, v29;
	v3 =	vmul.bf16 v4, v37  }
0x34d: {  	v13 =	vld [tilespmem:s29+$0xB230];
	v5 =	vadd.bf16 v8, v5;
	v8 =	vmul.bf16 v4, v50;
	v12 =	vmul.bf16 v4, v55  }
0x34e: {  	v6 =	vadd.bf16 v2, v6;
	v32 =	vmul.bf16 v4, v53;
	v14 =	vmul.bf16 v10, v56  }
0x34f: {  	v16 =	vld [tilespmem:s29+$0xB240];
	v2 =	vmax.bf16 v30, v7;
	v33 =	vmul.bf16 v10, v36;
	v15 =	vmul.bf16 v10, v48  }
0x350: {  	v10 =	vmul.bf16 v10, v52;
	v12 =	vadd.bf16 v14, v12;
	v14 =	vmul.bf16 v9, v57  }
0x351: {  	v3 =	vadd.bf16 v33, v3;
	v36 =	vadd.bf16 v15, v8;
	v8 =	vmul.bf16 v9, v35;
	v15 =	vld [tilespmem:s29+$0xB250]  }
0x352: {  	v4 =	vadd.bf16 v10, v32;
	v10 =	vmul.bf16 v13, v58;
	v12 =	vadd.bf16 v14, v12  }
0x353: {  	v14 =	vmul.bf16 v9, v40;
	v9 =	vmul.bf16 v9, v51;
	v3 =	vadd.bf16 v8, v3;
	v8 =	vld [tilespmem:s29+$0xB260]  }
0x354: {  	v37 =	vmul.bf16 v13, v34;
	v10 =	vadd.bf16 v10, v12;
	v12 =	vmul.bf16 v16, v60  }
0x355: {  	v7 =	vadd.bf16 v14, v36;
	v4 =	vadd.bf16 v9, v4;
	v9 =	vmul.bf16 v13, v39  }
0x356: {  	v14 =	vmul.bf16 v15, v59;
	v10 =	vadd.bf16 v12, v10;
	v12 =	vld [tilespmem:s29+$0xB270]  }
0x357: {  	v3 =	vadd.bf16 v37, v3;
	v13 =	vmul.bf16 v13, v49;
	v7 =	vadd.bf16 v9, v7  }
0x358: {  	v9 =	vmul.bf16 v16, v44;
	v10 =	vadd.bf16 v14, v10;
	v14 =	vmul.bf16 v8, v62  }
0x359: {  	v4 =	vadd.bf16 v13, v4;
	v13 =	vmul.bf16 v16, v41  }
0x35a: {  	v3 =	vadd.bf16 v9, v3;
	v9 =	vadd.bf16 v14, v10;
	v10 =	vmul.bf16 v15, v43  }
0x35b: {  	v4 =	vadd.bf16 v13, v4;
	v13 =	vmul.bf16 v12, v61  }
0x35c: {  	v3 =	vadd.bf16 v10, v3;
	v10 =	vmul.bf16 v8, v42  }
0x35d: {  	v42 =	vadd.bf16 v13, v9;
	v13 =	vld [tilespmem:$0x1FAE0]  }
0x35e: {  	v3 =	vadd.bf16 v10, v3;
	v10 =	vld [tilespmem:$0x1FAD0]  }
0x35f: {  	v40 =	vmul.bf16 v16, v38;
	_ =	sdelay $0x1  }
0x360: {  	v7 =	vadd.bf16 v40, v7;
	v14 =	vmul.bf16 v15, v25  }
0x361: {  	v15 =	vmul.bf16 v15, v28  }
0x362: {  	v7 =	vadd.bf16 v14, v7;
	v14 =	vld [tilespmem:$0x1FB50];
	v10 =	vmax.f32 v13, v10;
	v13 =	vmul.bf16 v12, v31  }
0x363: {  	v4 =	vadd.bf16 v15, v4;
	v15 =	vld [tilespmem:$0x1FB70]  }
0x364: {  	v3 =	vadd.bf16 v13, v3;
	v13 =	vld [tilespmem:$0x1FB60];
	_ =	sdelay $0x3  }
0x365: {  	v16 =	vld [tilespmem:$0x1FB00];
	v14 =	vmul.f32 v10, v14  }
0x366: {  	v13 =	vmul.f32 v10, v13;
	v10 =	vmul.f32 v10, v15;
	v15 =	vld [tilespmem:$0x1FAF0];
	_ =	sdelay $0x1  }
0x367: {  	v9 =	vmul.bf16 v8, v63  }
0x368: {  	v8 =	vmul.bf16 v8, v27;
	v27 =	vld [tilespmem:$0x1FB20]  }
0x369: {  	v7 =	vadd.bf16 v9, v7;
	v9 =	vmul.bf16 v12, v26;
	v26 =	vld [tilespmem:$0x1FB10]  }
0x36a: {  	v15 =	vmax.f32 v16, v15;
	v16 =	vld [tilespmem:$0x1FB80];
	_ =	sdelay $0x3  }
0x36b: {  	v25 =	vld [tilespmem:$0x1FB90]  }
0x36c: {  	v26 =	vmax.f32 v27, v26;
	v27 =	vld [tilespmem:$0x1FBA0];
	v14 =	vadd.f32 $0.0e+00, v14;
	v16 =	vmul.f32 v15, v16;
	_ =	sdelay $0x1  }
0x36d: {  	v14 =	vadd.f32 v16, v14;
	v16 =	vld [tilespmem:$0x1FBB0];
	_ =	sdelay $0x1  }
0x36e: {  	v13 =	vadd.f32 $0.0e+00, v13;
	v25 =	vmul.f32 v15, v25  }
0x36f: {  	v10 =	vadd.f32 $0.0e+00, v10;
	v15 =	vmul.f32 v15, v27  }
0x370: {  	v13 =	vadd.f32 v25, v13;
	v25 =	vld [tilespmem:$0x1FBD0]  }
0x371: {  	v10 =	vadd.f32 v15, v10;
	v15 =	vld [tilespmem:$0x1FBC0];
	v16 =	vmul.f32 v26, v16;
	_ =	sdelay $0x1  }
0x372: {  	v4 =	vadd.bf16 v8, v4;
	v8 =	vadd.f32 v16, v14;
	v14 =	vld [tilespmem:$0x1FB30]  }
0x373: {  	v16 =	vld [tilespmem:$0x1FB40]  }
0x374: {  	v25 =	vmul.f32 v26, v25  }
0x375: {  	v15 =	vmul.f32 v26, v15  }
0x376: {  	v10 =	vadd.f32 v25, v10;
	v25 =	vld [tilespmem:$0x1FA60]  }
0x377: {  	v13 =	vadd.f32 v15, v13;
	v15 =	vld [tilespmem:$0x1FBE0]  }
0x378: {  	v14 =	vmax.f32 v16, v14;
	v16 =	vld [tilespmem:$0x1FA50];
	_ =	sdelay $0x1  }
0x379: {  	v6 =	vmax.bf16 v11, v6;
	v11 =	vld [tilespmem:$0x1FC10];
	_ =	sdelay $0x1  }
0x37a: {  	v26 =	vld [tilespmem:$0x1FC00]  }
0x37b: {  	v15 =	vmul.f32 v14, v15;
	v16 =	vmax.f32 v25, v16;
	v25 =	vld [tilespmem:$0x1FBF0];
	_ =	sdelay $0x1  }
0x37c: {  	v8 =	vadd.f32 v15, v8;
	v11 =	vmul.f32 v16, v11;
	_ =	sdelay $0x1  }
0x37d: {  	v8 =	vadd.f32 v11, v8;
	v11 =	vld [tilespmem:$0x1FC30]  }
0x37e: {  	v25 =	vmul.f32 v14, v25;
	v14 =	vmul.f32 v14, v26;
	_ =	sdelay $0x1  }
0x37f: {  	v10 =	vadd.f32 v14, v10;
	v14 =	vld [tilespmem:$0x1FC20];
	_ =	sdelay $0x1  }
0x380: {  	v15 =	vld [tilespmem:$0x1FA70];
	v11 =	vmul.f32 v16, v11  }
0x381: {  	v13 =	vadd.f32 v25, v13;
	v25 =	vld [tilespmem:$0x1FAA0]  }
0x382: {  	v10 =	vadd.f32 v11, v10;
	v11 =	vld [tilespmem:$0x1FA90]  }
0x383: {  	v14 =	vmul.f32 v16, v14;
	v16 =	vld [tilespmem:$0x1FA80];
	_ =	sdelay $0x2  }
0x384: {  	v13 =	vadd.f32 v14, v13;
	v14 =	vld [tilespmem:$0x1FC40]  }
0x385: {  	v11 =	vmax.f32 v25, v11;
	v25 =	vld [tilespmem:$0x1FC60]  }
0x386: {  	v15 =	vmax.f32 v16, v15;
	v16 =	vld [tilespmem:$0x1FC50];
	_ =	sdelay $0x3  }
0x387: {  	v14 =	vmul.f32 v15, v14  }
0x388: {  	v16 =	vmul.f32 v15, v16;
	v15 =	vmul.f32 v15, v25  }
0x389: {  	v8 =	vadd.f32 v14, v8;
	v14 =	vld [tilespmem:$0x1FC70]  }
0x38a: {  	v10 =	vadd.f32 v15, v10;
	v15 =	vld [tilespmem:$0x1FC80]  }
0x38b: {  	v13 =	vadd.f32 v16, v13;
	v16 =	vld [tilespmem:$0x1FC90];
	_ =	sdelay $0x2  }
0x38c: {  	v14 =	vmul.f32 v11, v14  }
0x38d: {  	v7 =	vadd.bf16 v9, v7;
	v9 =	vld [tilespmem:$0x1FAB0]  }
0x38e: {  	v8 =	vadd.f32 v14, v8;
	v14 =	vld [tilespmem:$0x1FAC0];
	v15 =	vmul.f32 v11, v15;
	v11 =	vmul.f32 v11, v16;
	_ =	sdelay $0x1  }
0x38f: {  	v10 =	vadd.f32 v11, v10;
	v11 =	vld [tilespmem:$0x1FCA0];
	_ =	sdelay $0x1  }
0x390: {  	v13 =	vadd.f32 v15, v13;
	v15 =	vld [tilespmem:$0x1F9E0]  }
0x391: {  	v9 =	vmax.f32 v14, v9;
	v14 =	vld [tilespmem:$0x1F9D0];
	_ =	sdelay $0x1  }
0x392: {  	v11 =	vmul.f32 v9, v11  }
0x393: {  	v16 =	vld [tilespmem:$0x1FCC0]  }
0x394: {  	v8 =	vadd.f32 v11, v8;
	v11 =	vld [tilespmem:$0x1FCD0]  }
0x395: {  	v14 =	vmax.f32 v15, v14;
	v15 =	vld [tilespmem:$0x1FCB0];
	_ =	sdelay $0x3  }
0x396: {  	v11 =	vmul.f32 v14, v11  }
0x397: {  	v15 =	vmul.f32 v9, v15;
	v9 =	vmul.f32 v9, v16  }
0x398: {  	v8 =	vadd.f32 v11, v8;
	v11 =	vld [tilespmem:$0x1FCF0]  }
0x399: {  	v9 =	vadd.f32 v9, v10;
	v10 =	vld [tilespmem:$0x1FCE0]  }
0x39a: {  	v12 =	vmul.bf16 v12, v29;
	_ =	sdelay $0x1  }
0x39b: {  	v4 =	vadd.bf16 v12, v4;
	v12 =	vadd.f32 v15, v13;
	v13 =	vld [tilespmem:$0x1F9F0]  }
0x39c: {  	v15 =	vld [tilespmem:$0x1FA20];
	v11 =	vmul.f32 v14, v11  }
0x39d: {  	v10 =	vmul.f32 v14, v10;
	v14 =	vld [tilespmem:$0x1FA00]  }
0x39e: {  	v9 =	vadd.f32 v11, v9;
	v11 =	vld [tilespmem:$0x1FA10];
	_ =	sdelay $0x2  }
0x39f: {  	v10 =	vadd.f32 v10, v12;
	v12 =	vld [tilespmem:$0x1FD00]  }
0x3a0: {  	v13 =	vmax.f32 v14, v13;
	v14 =	vld [tilespmem:$0x1FD10]  }
0x3a1: {  	v11 =	vmax.f32 v15, v11;
	v15 =	vld [tilespmem:$0x1FD20];
	_ =	sdelay $0x2  }
0x3a2: {  	v12 =	vmul.f32 v13, v12  }
0x3a3: {  	v14 =	vmul.f32 v13, v14  }
0x3a4: {  	v8 =	vadd.f32 v12, v8;
	v12 =	vld [tilespmem:$0x1FD30];
	v13 =	vmul.f32 v13, v15  }
0x3a5: {  	v10 =	vadd.f32 v14, v10;
	v14 =	vld [tilespmem:$0x1FD50]  }
0x3a6: {  	v9 =	vadd.f32 v13, v9;
	v13 =	vld [tilespmem:$0x1FD40];
	_ =	sdelay $0x3  }
0x3a7: {  	v12 =	vmul.f32 v11, v12  }
0x3a8: {  	v13 =	vmul.f32 v11, v13;
	v11 =	vmul.f32 v11, v14;
	_ =	sdelay $0x1  }
0x3a9: {  	v2 =	vmax.bf16 v2, v3;
	v3 =	vadd.f32 v12, v8;
	v8 =	vadd.f32 v11, v9;
	v9 =	vld [tilespmem:$0x1FA30]  }
0x3aa: {  	v43 =	vadd.f32 v13, v10;
	v10 =	vld [tilespmem:$0x1FA40];
	_ =	sdelay $0x2  }
0x3ab: {  	v12 =	vld [tilespmem:$0x1FD80];
	v11 =	vunpack.i.u.bf16.f32 v2;
	v2 =	vunpack.i.l.bf16.f32 v2  }
0x3ac: {  	v2 =	vmax.f32 v2, v11;
	v11 =	vld [tilespmem:$0x1FD70]  }
0x3ad: {  	v9 =	vmax.f32 v10, v9;
	v10 =	vld [tilespmem:$0x1FD60];
	_ =	sdelay $0x3  }
0x3ae: {  	v11 =	vmul.f32 v9, v11  }
0x3af: {  	v10 =	vmul.f32 v9, v10;
	v9 =	vmul.f32 v9, v12;
	_ =	sdelay $0x1  }
0x3b0: {  	v8 =	vadd.f32 v9, v8;
	v9 =	vld [tilespmem:$0x1FDA0];
	_ =	sdelay $0x3  }
0x3b1: {  	v1 =	vmax.bf16 v1, v5  }
0x3b2: {  	v1 =	vmax.bf16 v1, v7;
	v7 =	vadd.f32 v11, v43;
	v9 =	vmul.f32 v2, v9  }
0x3b3: {  	v44 =	vld [tilespmem:$0x1FD90]  }
0x3b4: {  	v7 =	vadd.f32 v9, v7;
	v9 =	vld [tilespmem:$0x1FDB0];
	_ =	sdelay $0x4  }
0x3b5: {  	v4 =	vmax.bf16 v6, v4;
	v6 =	vmul.f32 v2, v44;
	v2 =	vmul.f32 v2, v9;
	_ =	sdelay $0x1  }
0x3b6: {  	v2 =	vadd.f32 v2, v8;
	v8 =	vld [tilespmem:$0x1FDD0];
	_ =	sdelay $0x1  }
0x3b7: {  	v50 =	vld [tilespmem:$0x1FDE0]  }
0x3b8: {  	v51 =	vld [tilespmem:$0x1FDF0];
	v48 =	vunpack.i.u.bf16.f32 v1;
	v1 =	vunpack.i.l.bf16.f32 v1  }
0x3b9: {  	v49 =	vld [tilespmem:$0x1FDC0];
	v1 =	vmax.f32 v1, v48  }
0x3ba: {  	v14 =	vld [tilespmem:$0x1FE80];
	v8 =	vmul.f32 v1, v8  }
0x3bb: {  	v11 =	vld [tilespmem:$0x1FE50]  }
0x3bc: {  	v9 =	vunpack.i.u.bf16.f32 v4;
	v4 =	vunpack.i.l.bf16.f32 v4;
	v7 =	vadd.f32 v8, v7;
	v8 =	vld [tilespmem:$0x1FE00]  }
0x3bd: {  	v3 =	vadd.f32 v10, v3;
	v4 =	vmax.f32 v4, v9;
	v9 =	vld [tilespmem:$0x1FE10]  }
0x3be: {  	v12 =	vld [tilespmem:$0x1FE60]  }
0x3bf: {  	v13 =	vld [tilespmem:$0x1FE70];
	v3 =	vadd.f32 v6, v3;
	v6 =	vmul.f32 v1, v49  }
0x3c0: {  	v5 =	vmax.bf16 v54, v42;
	v55 =	vmul.f32 v46, v14;
	v1 =	vmul.f32 v1, v50  }
0x3c1: {  	v10 =	vmul.f32 v47, v11;
	v3 =	vadd.f32 v6, v3;
	v8 =	vmul.f32 v4, v8  }
0x3c2: {  	v6 =	vmul.f32 v4, v51;
	v1 =	vadd.f32 v1, v2;
	v4 =	vmul.f32 v4, v9  }
0x3c3: {  	v25 =	vld [tilespmem:$0x1FEC0];
	v2 =	vmul.f32 v45, v11;
	v9 =	vmul.f32 v46, v12;
	v52 =	vadd.f32 v8, v7  }
0x3c4: {  	v53 =	vmul.f32 v47, v13;
	v1 =	vadd.f32 v4, v1;
	v4 =	vsub.f32 v55, v10;
	v10 =	vld [tilespmem:$0x1FE20]  }
0x3c5: {  	v15 =	vld [tilespmem:$0x1FEA0];
	v2 =	vadd.f32 v9, v2;
	v8 =	vmul.f32 v45, v14;
	v9 =	vmul.f32 v47, v12  }
0x3c6: {  	v54 =	vunpack.i.u.bf16.f32 v5;
	v5 =	vunpack.i.l.bf16.f32 v5;
	v57 =	vmul.f32 v47, v14;
	v14 =	vld [tilespmem:$0x1FE90]  }
0x3c7: {  	v16 =	vld [tilespmem:$0x1FEB0];
	v2 =	vadd.f32 v53, v2;
	v8 =	vsub.f32 v8, v9;
	v9 =	vmul.f32 v46, v13  }
0x3c8: {  	v5 =	vmax.f32 v5, v54;
	v3 =	vadd.f32 v6, v3  }
0x3c9: {  	v2 =	vsub.f32 $0.0e+00, v2;
	v8 =	vsub.f32 v8, v9;
	v10 =	vmul.f32 v5, v10  }
0x3ca: {  	v56 =	vmul.f32 v45, v13;
	v9 =	vmul.f32 v46, v11  }
0x3cb: {  	v11 =	vmul.f32 v8, v15;
	v3 =	vadd.f32 v10, v3;
	v10 =	vmul.f32 v2, v14  }
0x3cc: {  	v13 =	vmul.f32 v8, v16;
	v8 =	vmul.f32 v8, v25  }
0x3cd: {  	v10 =	vsub.f32 v10, v11;
	v11 =	vmul.f32 v2, v25;
	v2 =	vmul.f32 v2, v16  }
0x3ce: {  	v60 =	vld [tilespmem:$0x1FED0]  }
0x3cf: {  	v2 =	vsub.f32 v2, v8;
	v8 =	vld [tilespmem:$0x1FE30]  }
0x3d0: {  	v62 =	vld [tilespmem:$0x1FEF0]  }
0x3d1: {  	v61 =	vld [tilespmem:$0x1FEE0]  }
0x3d2: {  	v54 =	vld [tilespmem:$0x1FF80]  }
0x3d3: {  	v55 =	vld [tilespmem:$0x1FF90];
	v4 =	vsub.f32 v4, v56  }
0x3d4: {  	v53 =	vld [tilespmem:$0x1FF70];
	v7 =	vsub.f32 v57, v9;
	v9 =	vmul.f32 v45, v12;
	v8 =	vmul.f32 v5, v8  }
0x3d5: {  	v56 =	vld [tilespmem:$0x1FFA0];
	v12 =	vmul.f32 v4, v16  }
0x3d6: {  	v7 =	vsub.f32 v7, v9;
	v6 =	vadd.f32 v8, v52;
	v8 =	vld [tilespmem:$0x1FE40]  }
0x3d7: {  	v57 =	vld [tilespmem:$0x1FFB0];
	v9 =	vsub.f32 v10, v12;
	v10 =	vsub.f32 v11, v13;
	v11 =	vmul.f32 v4, v15  }
0x3d8: {  	v16 =	vld [tilespmem:$0x1FF60];
	v12 =	vmul.f32 v7, v25;
	v4 =	vmul.f32 v4, v14  }
0x3d9: {  	v13 =	vld [tilespmem:$0x1FF30];
	v10 =	vsub.f32 v10, v11;
	v11 =	vmul.f32 v7, v14  }
0x3da: {  	v58 =	vmul.f32 v7, v15;
	v15 =	vld [tilespmem:$0x1FF50];
	v9 =	vsub.f32 v9, v12;
	v2 =	vsub.f32 v2, v4  }
0x3db: {  	v12 =	vld [tilespmem:$0x1FF20];
	v59 =	vsub.f32 v10, v11;
	v5 =	vmul.f32 v5, v8  }
0x3dc: {  	s24 =	sadd.s32 $0x1, s24;
	v14 =	vld [tilespmem:$0x1FF40];
	v2 =	vsub.f32 v2, v58;
	v4 =	vadd.f32 v9, v60  }
0x3dd: {  	p0 =	sne.s32 s24, $0x20;
	v10 =	vld [tilespmem:$0x1FF00];
	v1 =	vadd.f32 v5, v1;
	v5 =	vadd.f32 v59, v61  }
.Ltmp7:
0x3de: {  	v11 =	vld [tilespmem:$0x1FF10];
	v3 =	vadd.f32 v3, v4;
	v2 =	vadd.f32 v2, v62;
	(pc) =	sbr.rel @p0 .LBB2_2-.Ltmp7, $4  }
0x3df: {  	v58 =	vld [tilespmem:$0x1FFC0];
	v63 =	vadd.f32 v6, v5  }
0x3e0: {  	s1 =	sadd.s32 s28, s26;
	v60 =	vld [tilespmem:$0x1FFE0];
	[tilespmem:s25+$0xA400] =	vst v3;
	v1 =	vadd.f32 v1, v2  }
0x3e1: {  	v59 =	vld [tilespmem:$0x1FFD0];
	[tilespmem:s1+$0xA600] =	vst v63  }
0x3e2: {  	s23 =	sadd.s32 $0x10, s23;
	s22 =	sadd.s32 $0x1, s22;
	v61 =	vld [tilespmem:$0x1FFF0];
	[tilespmem:s1+$0xA800] =	vst v1  }
0x3e3: {  	s21 =	sadd.s32 $0x1, s21  }
0x3e4: {  	p0 =	sne.s32 s21, s10  }
.Ltmp8:
0x3e5: {  	_ = 	snop;
	(pc) =	sbr.rel @p0 .LBB2_1-.Ltmp8, $4  }
0x3e6: {  	[hbm4b:s9+s11] =	stream.strided.scatter [tilespmem:s20], [sflag:$0x1], $0x600, s12, s11, $0x38;
	[tilespmem:$0xC600] =	vst v63  }
0x3e7: {  	_ =	swait.ge [sflag:s13], $0x600  }
0x3e8: {  	[sflag:s13] =	ssyncset.done $0x0  }
0x3e9: {  	[sflag:s13] =	ssyncadd.s32 $0xFFFFFA00  }
0x3ea: {  	_ =	sfence.sel $0x180000  }
0x3eb: {  	[bflag:$0x0] =	sbarrier.arrive $0xFFFF  }
0x3ec: {  	_ =	strace $0x90000047  }
0x3ed: {  	[bflag:$0x2] =	sbarrier.arrive $0xFFFF  }
0x3ee: {  	p0 =	sne.s32 s0, $0x0;
	s0 =	rddreg [dreg:$0x3]  }
0x3ef: {  	s0 =	sadd.s32 @!p0 $0x100000, s0  }
0x3f0: {  	[sflag:s0] =	ssyncadd.tile.s32 @!p0 $0x1;
	_ =	shalt  }
.Lfunc_end2:
_tile_overlayer_lowered:
.L_overlay_start_2:
0x3f1: {  	(tag) =	ssettag $0x2  }
0x3f2: {  	s0 =	rddreg [dreg:$0x0];
	s2 =	stileid.u32  }
0x3f3: {  	s1 =	rddreg [dreg:$0x1];
	p0 =	sne.s32 s2, $0x0  }
0x3f4: {  	s3 =	rddreg [dreg:$0x2];
	[bflag:$0x3] =	sbarrier.arrive $0xFFFF;
	s2 =	simm.s32 @!p0 $0x1C01  }
0x3f5: {  	[timem:s3], [sflag:s2] =	dma.local @!p0 [hbm:s0], s1  }
0x3f6: {  	s0 =	simm.s32 @!p0 $0x1  }
0x3f7: {  	_ =	swait.ge @!p0 [sflag:s0], s1  }
0x3f8: {  	s1 =	ssub.s32 @!p0 $0x0, s1;
	[sflag:s0] =	ssyncset.done @!p0 $0x0  }
0x3f9: {  	[sflag:s0] =	ssyncadd.s32 @!p0 s1  }
0x3fa: {  	[bflag:$0x3] =	sbarrier.arrive $0xFFFF  }
0x3fb: {  	_ =	shalt  }

</sc_bundles>
